<compile_context>
chip_gen: v7x
topology: tpu7x:2x2x1
jax: 0.10.2.dev20260603
libtpu: 0.0.44.dev20260713+nightly
codegen_flags: <defaults>
</compile_context>

<pallas_src>
import functools

import jax
import jax.numpy as jnp
from jax import lax
from jax.experimental import pallas as pl
from jax.experimental.pallas import tpu as pltpu
from jax.experimental.pallas import tpu_sc as plsc

_F = 26
_E = 32
_V = 2600000
_B = 16384
_TOTAL = _B * _F
_W = 65536
_Q = _W // 4
_NBLK = (_V + _W - 1) // _W
_VP = _NBLK * _W
_CH = 128
_NCHUNK = _TOTAL // _CH
_CPF = _B // _CH

_SPLIT_F = 20
_SPLIT_BLK = (_SPLIT_F * (_V // _F) + _W - 1) // _W
_SEG2_BLK = _SPLIT_F * (_V // _F) // _W
_ROW_OFF = _SEG2_BLK * _W


def _untangle(tT, j0, nblk):
    def body(i0, i1, i2, i3, out_ref):
        stk = jnp.concatenate([i0[...], i1[...], i2[...], i3[...]], axis=0)
        out_ref[...] = jnp.transpose(stk)

    return pl.pallas_call(
        body,
        out_shape=jax.ShapeDtypeStruct((nblk * _Q, 128), jnp.float32),
        grid=(nblk,),
        in_specs=[
            pl.BlockSpec(
                (_E, _Q),
                (lambda j, u=u: (0, jnp.minimum(4 * (j0 + j) + u, _V // _Q))),
            )
            for u in range(4)
        ],
        out_specs=pl.BlockSpec((_Q, 128), lambda j: (j, 0)),
    )(tT, tT, tT, tT)


def _make_emb(nchunks_w, base_chunk, base_f, row_off, ngroups):
    mesh = plsc.VectorSubcoreMesh(core_axis_name="c", subcore_axis_name="s")
    K = 8
    NB = nchunks_w // K

    @functools.partial(
        pl.kernel,
        mesh=mesh,
        out_type=jax.ShapeDtypeStruct((ngroups * _B, 128), jnp.float32),
        compiler_params=pltpu.CompilerParams(use_tc_tiling_on_sc=False),
        scratch_types=[
            pltpu.VMEM((nchunks_w, _CH), jnp.int32),
            pltpu.VMEM((2, K * _CH, _E), jnp.float32),
            pltpu.SemaphoreType.DMA,
            pltpu.SemaphoreType.DMA,
        ],
    )
    def _emb(x_hbm, tab_hbm, out_hbm, idxv, rows2, semg, semw):
        info = plsc.get_sparse_core_info()
        NC = info.num_cores
        wid = lax.axis_index("s") * NC + lax.axis_index("c")
        gbase = base_chunk + wid * nchunks_w
        pltpu.sync_copy(x_hbm.at[pl.ds(gbase, nchunks_w)], idxv)

        def adjust(g, carry):
            off = lax.div(gbase + g, _CPF) * (_V // _F)
            for k in range(_CH // 16):
                sl = pl.ds(k * 16, 16)
                r = idxv[g, sl] + off
                hi = lax.bitwise_and(r, jnp.int32(~(_W - 1)))
                inb = lax.bitwise_and(r, jnp.int32(_W - 1))
                u = lax.shift_right_logical(inb, 14)
                q = lax.bitwise_and(inb, jnp.int32(_Q - 1))
                s = lax.bitwise_or(
                    lax.bitwise_or(hi, lax.shift_left(q, 2)), u)
                idxv[g, sl] = s - row_off
            return carry

        lax.fori_loop(0, nchunks_w, adjust, 0)

        def _wb_window(g):
            R = gbase + g
            fl = lax.div(R, _CPF) - base_f
            m = lax.div(fl, 4)
            v = lax.rem(fl, 4)
            b0 = lax.rem(R, _CPF) * _CH
            return out_hbm.at[pl.ds(m * _B + b0, _CH), pl.ds(32 * v, 32)]

        def batch(n, carry):
            buf = lax.rem(n, 2)

            @pl.when(n >= 2)
            def _drain_prev():
                for _ in range(K):
                    pltpu.make_async_copy(
                        rows2.at[0, pl.ds(0, _CH)], _wb_window(0), semw
                    ).wait()

            cps = [
                pltpu.async_copy(
                    tab_hbm.at[idxv.at[n * K + j]],
                    rows2.at[buf, pl.ds(j * _CH, _CH)],
                    semg,
                )
                for j in range(K)
            ]
            for c in cps:
                c.wait()
            for j in range(K):
                pltpu.async_copy(
                    rows2.at[buf, pl.ds(j * _CH, _CH)],
                    _wb_window(n * K + j),
                    semw,
                )
            return carry

        lax.fori_loop(0, NB, batch, 0)
        for _ in range(2 * K):
            pltpu.make_async_copy(
                rows2.at[0, pl.ds(0, _CH)], _wb_window(0), semw
            ).wait()

    return _emb


def _repack(gp1, gp2):
    def body(i1, i2, out_ref):
        m = pl.program_id(0)
        src = jnp.where(m <= 4, i1[...], i2[...])
        out_ref[...] = jnp.transpose(src).reshape(4, _E, _B // 2)

    return pl.pallas_call(
        body,
        out_shape=jax.ShapeDtypeStruct((_F, _E, _B), jnp.float32),
        grid=(7, 2),
        in_specs=[
            pl.BlockSpec(
                (_B // 2, 128),
                lambda m, h: (jnp.minimum(2 * m + h, 9), 0),
            ),
            pl.BlockSpec(
                (_B // 2, 128),
                lambda m, h: (jnp.clip(2 * (m - 5) + h, 0, 3), 0),
            ),
        ],
        out_specs=pl.BlockSpec((4, _E, _B // 2), lambda m, h: (m, 0, h)),
    )(gp1, gp2)


def kernel(x, table):
    NW = 32
    tT = table.T
    xf = x.T.reshape(_NCHUNK, _CH)

    L1 = _untangle(tT, 0, _SPLIT_BLK)
    L2 = _untangle(tT, _SEG2_BLK, _NBLK - _SEG2_BLK)
    L1r = L1.reshape(_SPLIT_BLK * _W, _E)
    L2r = L2.reshape(_VP - _ROW_OFF, _E)

    n1 = _SPLIT_F * _CPF
    emb1 = _make_emb(n1 // NW, 0, 0, 0, _SPLIT_F // 4)
    emb2 = _make_emb((_NCHUNK - n1) // NW, n1, _SPLIT_F, _ROW_OFF,
                     (_F - _SPLIT_F + 3) // 4)

    Gp1 = emb1(xf, L1r)
    Gp2 = emb2(xf, L2r)
    Y = _repack(Gp1, Gp2)
    return jnp.transpose(Y, (2, 0, 1))

# --- scband reference (transcript-rebuilt; emitter-appended) ---
"""Pipeline reference for scband-embedding-bag-54262616818050 (READ-ONLY COPY).

The authoritative reference and input builder live on the scoring server;
editing this copy changes nothing except your own understanding.
"""

import jax, jax.numpy as jnp
import numpy as np

NUM_EMB_PER_FEATURE = [100000] * 26
EMBED_DIM = 32
BATCH = 16384
TOT_FEATURES = sum(NUM_EMB_PER_FEATURE)  # world_size=1 -> no padding needed


def setup_inputs(seed: int = 0) -> dict:
    key = jax.random.key(seed)
    k1, k2 = jax.random.split(key)
    # per-feature indices in [0, 100000); offsets are added in reference()
    x = jax.random.randint(k1, (BATCH, len(NUM_EMB_PER_FEATURE)), 0, 100000, dtype=jnp.int32)
    table = jax.random.normal(k2, (TOT_FEATURES, EMBED_DIM), dtype=jnp.float32) * 0.02
    return {"x": x, "table": table}


def reference(x, table):
    # offsets: cumulative start row of each feature's sub-table
    offsets_np = np.concatenate([[0], np.cumsum(NUM_EMB_PER_FEATURE)[:-1]]).astype(np.int32)
    offsets = jnp.asarray(offsets_np)[None, :]  # [1, n_fields]
    idx = x + offsets  # [B, n_fields]
    out = jnp.take(table, idx, axis=0)  # [B, n_fields, embed_dim]
    return out

if __name__ == "__main__":
    import jax
    _d = setup_inputs()
    print(jax.jit(kernel)(*tuple(_d.values())))

</pallas_src>

<mosaic_0001>
#map = affine_map<(d0, d1) -> (0, 0)>
module attributes {stable_mosaic.version = 14 : i64} {
  func.func @_emb(%arg0: i32, %arg1: i32, %arg2: memref<3328x128xi32, #tpu.memory_space<hbm>>, %arg3: memref<655360x32xf32, #tpu.memory_space<hbm>>, %arg4: memref<32768x128xf32, #tpu.memory_space<hbm>>, %arg5: memref<24x128xi32, #tpu.memory_space<vmem>>, %arg6: memref<2x1024x32xf32, #tpu.memory_space<vmem>>, %arg7: memref<!tpu.dma_semaphore, #tpu.memory_space<semaphore_mem>>, %arg8: memref<!tpu.dma_semaphore, #tpu.memory_space<semaphore_mem>>) attributes {dimension_semantics = [#tpu.dimension_semantics<core_parallel>, #tpu.dimension_semantics<subcore_parallel>], iteration_bounds = array<i64: 2, 16>, scalar_prefetch = 0 : i64, scratch_operands = 4 : i64, tpu.core_type = #tpu.core_type<sc_vector_subcore>, window_params = [{transform_indices = #map}, {transform_indices = #map}, {transform_indices = #map}]} {
    %mul3A = arith.constant 2 : i32
    %mul3A_0 = arith.muli %arg1, %mul3A : i32
    %add3A = arith.addi %mul3A_0, %arg0 : i32
    %mul3A_1 = arith.constant 24 : i32
    %mul3A_2 = arith.muli %add3A, %mul3A_1 : i32
    %add3A_3 = arith.constant 2560 : i32
    %add3A_4 = arith.addi %add3A_3, %mul3A_2 : i32
    "tpu.region"() ({
      %run_scoped3A = tpu.sem_alloc : memref<!tpu.dma_semaphore, #tpu.memory_space<semaphore_mem>>
      %dma_start3A = arith.constant 0 : i32
      %dma_start3A_492 = tpu.memref_slice %arg2[%add3A_4, %dma_start3A] : memref<3328x128xi32, #tpu.memory_space<hbm>> -> memref<24x128xi32, #tpu.memory_space<hbm>>
      %dma_start3A_493 = arith.constant 0 : i32
      %dma_start3A_494 = tpu.memref_slice %arg2[%add3A_4, %dma_start3A_493] : memref<3328x128xi32, #tpu.memory_space<hbm>> -> memref<24x128xi32, #tpu.memory_space<hbm>>
      tpu.enqueue_dma source(%dma_start3A_494 : memref<24x128xi32, #tpu.memory_space<hbm>>) target(%arg5 : memref<24x128xi32, #tpu.memory_space<vmem>>) target_semaphore(%run_scoped3A : memref<!tpu.dma_semaphore, #tpu.memory_space<semaphore_mem>>)
      %dma_wait3A_495 = arith.constant 0 : i32
      %dma_wait3A_496 = tpu.memref_slice %arg2[%add3A_4, %dma_wait3A_495] : memref<3328x128xi32, #tpu.memory_space<hbm>> -> memref<24x128xi32, #tpu.memory_space<hbm>>
      %dma_wait3A_497 = arith.constant 0 : i32
      %dma_wait3A_498 = tpu.memref_slice %arg2[%add3A_4, %dma_wait3A_497] : memref<3328x128xi32, #tpu.memory_space<hbm>> -> memref<24x128xi32, #tpu.memory_space<hbm>>
      tpu.wait_dma2 semaphore(%run_scoped3A : memref<!tpu.dma_semaphore, #tpu.memory_space<semaphore_mem>>) src(%dma_wait3A_498 : memref<24x128xi32, #tpu.memory_space<hbm>>) dst(%arg5 : memref<24x128xi32, #tpu.memory_space<vmem>>)
      tpu.yield
    }) : () -> ()
    %scan3A = arith.constant 0 : i32
    %scan3A_5 = arith.constant 0 : i32
    %scan3A_6 = arith.constant 24 : i32
    %scan3A_7 = arith.addi %scan3A_5, %scan3A_6 : i32
    %scan3A_8 = arith.constant 1 : i32
    scf.for %scan3A_492 = %scan3A_5 to %scan3A_7 step %scan3A_8  : i32 {
      %add3A_493 = arith.addi %add3A_4, %scan3A_492 : i32
      %div3A_494 = arith.constant 128 : i32
      %div3A_495 = arith.divsi %add3A_493, %div3A_494 : i32
      %mul3A_496 = arith.constant 100000 : i32
      %mul3A_497 = arith.muli %div3A_495, %mul3A_496 : i32
      %get3A = arith.index_cast %scan3A_492 : i32 to index
      %get3A_498 = arith.constant 0 : index
      %get3A_499 = tpu.vector_load %arg5[%get3A, %get3A_498] {strides = array<i32>} : memref<24x128xi32, #tpu.memory_space<vmem>>, vector<1x16xi32>,
      %get3A_500 = vector.shape_cast %get3A_499 : vector<1x16xi32> to vector<16xi32>
      %add3A_501 = vector.broadcast %mul3A_497 : i32 to vector<16xi32>
      %add3A_502 = arith.addi %get3A_500, %add3A_501 : vector<16xi32>
      %and3A = arith.constant -65536 : i32
      %and3A_503 = vector.broadcast %and3A : i32 to vector<16xi32>
      %and3A_504 = arith.andi %add3A_502, %and3A_503 : vector<16xi32>
      %and3A_505 = arith.constant 65535 : i32
      %and3A_506 = vector.broadcast %and3A_505 : i32 to vector<16xi32>
      %and3A_507 = arith.andi %add3A_502, %and3A_506 : vector<16xi32>
      %shift_right_logical3A = arith.constant 14 : i32
      %shift_right_logical3A_508 = vector.broadcast %shift_right_logical3A : i32 to vector<16xi32>
      %shift_right_logical3A_509 = arith.shrui %and3A_507, %shift_right_logical3A_508 : vector<16xi32>
      %and3A_510 = arith.constant 16383 : i32
      %and3A_511 = vector.broadcast %and3A_510 : i32 to vector<16xi32>
      %and3A_512 = arith.andi %and3A_507, %and3A_511 : vector<16xi32>
      %shift_left3A = arith.constant 2 : i32
      %shift_left3A_513 = vector.broadcast %shift_left3A : i32 to vector<16xi32>
      %shift_left3A_514 = arith.shli %and3A_512, %shift_left3A_513 : vector<16xi32>
      %or3A = arith.ori %and3A_504, %shift_left3A_514 : vector<16xi32>
      %or3A_515 = arith.ori %or3A, %shift_right_logical3A_509 : vector<16xi32>
      %sub3A_516 = arith.constant 1966080 : i32
      %sub3A_517 = vector.broadcast %sub3A_516 : i32 to vector<16xi32>
      %sub3A_518 = arith.subi %or3A_515, %sub3A_517 : vector<16xi32>
      %swap3A = arith.index_cast %scan3A_492 : i32 to index
      %swap3A_519 = arith.constant 0 : index
      %swap3A_520 = tpu.vector_load %arg5[%swap3A, %swap3A_519] {strides = array<i32>} : memref<24x128xi32, #tpu.memory_space<vmem>>, vector<1x16xi32>,
      %swap3A_521 = vector.shape_cast %swap3A_520 : vector<1x16xi32> to vector<16xi32>
      %swap3A_522 = vector.shape_cast %sub3A_518 : vector<16xi32> to vector<1x16xi32>
      tpu.vector_store %arg5[%swap3A, %swap3A_519], %swap3A_522 {strides = array<i32>} : memref<24x128xi32, #tpu.memory_space<vmem>>, vector<1x16xi32>,
      %get3A_523 = arith.index_cast %scan3A_492 : i32 to index
      %get3A_524 = arith.constant 16 : index
      %get3A_525 = tpu.vector_load %arg5[%get3A_523, %get3A_524] {strides = array<i32>} : memref<24x128xi32, #tpu.memory_space<vmem>>, vector<1x16xi32>,
      %get3A_526 = vector.shape_cast %get3A_525 : vector<1x16xi32> to vector<16xi32>
      %add3A_527 = vector.broadcast %mul3A_497 : i32 to vector<16xi32>
      %add3A_528 = arith.addi %get3A_526, %add3A_527 : vector<16xi32>
      %and3A_529 = arith.constant -65536 : i32
      %and3A_530 = vector.broadcast %and3A_529 : i32 to vector<16xi32>
      %and3A_531 = arith.andi %add3A_528, %and3A_530 : vector<16xi32>
      %and3A_532 = arith.constant 65535 : i32
      %and3A_533 = vector.broadcast %and3A_532 : i32 to vector<16xi32>
      %and3A_534 = arith.andi %add3A_528, %and3A_533 : vector<16xi32>
      %shift_right_logical3A_535 = arith.constant 14 : i32
      %shift_right_logical3A_536 = vector.broadcast %shift_right_logical3A_535 : i32 to vector<16xi32>
      %shift_right_logical3A_537 = arith.shrui %and3A_534, %shift_right_logical3A_536 : vector<16xi32>
      %and3A_538 = arith.constant 16383 : i32
      %and3A_539 = vector.broadcast %and3A_538 : i32 to vector<16xi32>
      %and3A_540 = arith.andi %and3A_534, %and3A_539 : vector<16xi32>
      %shift_left3A_541 = arith.constant 2 : i32
      %shift_left3A_542 = vector.broadcast %shift_left3A_541 : i32 to vector<16xi32>
      %shift_left3A_543 = arith.shli %and3A_540, %shift_left3A_542 : vector<16xi32>
      %or3A_544 = arith.ori %and3A_531, %shift_left3A_543 : vector<16xi32>
      %or3A_545 = arith.ori %or3A_544, %shift_right_logical3A_537 : vector<16xi32>
      %sub3A_546 = arith.constant 1966080 : i32
      %sub3A_547 = vector.broadcast %sub3A_546 : i32 to vector<16xi32>
      %sub3A_548 = arith.subi %or3A_545, %sub3A_547 : vector<16xi32>
      %swap3A_549 = arith.index_cast %scan3A_492 : i32 to index
      %swap3A_550 = arith.constant 16 : index
      %swap3A_551 = tpu.vector_load %arg5[%swap3A_549, %swap3A_550] {strides = array<i32>} : memref<24x128xi32, #tpu.memory_space<vmem>>, vector<1x16xi32>,
      %swap3A_552 = vector.shape_cast %swap3A_551 : vector<1x16xi32> to vector<16xi32>
      %swap3A_553 = vector.shape_cast %sub3A_548 : vector<16xi32> to vector<1x16xi32>
      tpu.vector_store %arg5[%swap3A_549, %swap3A_550], %swap3A_553 {strides = array<i32>} : memref<24x128xi32, #tpu.memory_space<vmem>>, vector<1x16xi32>,
      %get3A_554 = arith.index_cast %scan3A_492 : i32 to index
      %get3A_555 = arith.constant 32 : index
      %get3A_556 = tpu.vector_load %arg5[%get3A_554, %get3A_555] {strides = array<i32>} : memref<24x128xi32, #tpu.memory_space<vmem>>, vector<1x16xi32>,
      %get3A_557 = vector.shape_cast %get3A_556 : vector<1x16xi32> to vector<16xi32>
      %add3A_558 = vector.broadcast %mul3A_497 : i32 to vector<16xi32>
      %add3A_559 = arith.addi %get3A_557, %add3A_558 : vector<16xi32>
      %and3A_560 = arith.constant -65536 : i32
      %and3A_561 = vector.broadcast %and3A_560 : i32 to vector<16xi32>
      %and3A_562 = arith.andi %add3A_559, %and3A_561 : vector<16xi32>
      %and3A_563 = arith.constant 65535 : i32
      %and3A_564 = vector.broadcast %and3A_563 : i32 to vector<16xi32>
      %and3A_565 = arith.andi %add3A_559, %and3A_564 : vector<16xi32>
      %shift_right_logical3A_566 = arith.constant 14 : i32
      %shift_right_logical3A_567 = vector.broadcast %shift_right_logical3A_566 : i32 to vector<16xi32>
      %shift_right_logical3A_568 = arith.shrui %and3A_565, %shift_right_logical3A_567 : vector<16xi32>
      %and3A_569 = arith.constant 16383 : i32
      %and3A_570 = vector.broadcast %and3A_569 : i32 to vector<16xi32>
      %and3A_571 = arith.andi %and3A_565, %and3A_570 : vector<16xi32>
      %shift_left3A_572 = arith.constant 2 : i32
      %shift_left3A_573 = vector.broadcast %shift_left3A_572 : i32 to vector<16xi32>
      %shift_left3A_574 = arith.shli %and3A_571, %shift_left3A_573 : vector<16xi32>
      %or3A_575 = arith.ori %and3A_562, %shift_left3A_574 : vector<16xi32>
      %or3A_576 = arith.ori %or3A_575, %shift_right_logical3A_568 : vector<16xi32>
      %sub3A_577 = arith.constant 1966080 : i32
      %sub3A_578 = vector.broadcast %sub3A_577 : i32 to vector<16xi32>
      %sub3A_579 = arith.subi %or3A_576, %sub3A_578 : vector<16xi32>
      %swap3A_580 = arith.index_cast %scan3A_492 : i32 to index
      %swap3A_581 = arith.constant 32 : index
      %swap3A_582 = tpu.vector_load %arg5[%swap3A_580, %swap3A_581] {strides = array<i32>} : memref<24x128xi32, #tpu.memory_space<vmem>>, vector<1x16xi32>,
      %swap3A_583 = vector.shape_cast %swap3A_582 : vector<1x16xi32> to vector<16xi32>
      %swap3A_584 = vector.shape_cast %sub3A_579 : vector<16xi32> to vector<1x16xi32>
      tpu.vector_store %arg5[%swap3A_580, %swap3A_581], %swap3A_584 {strides = array<i32>} : memref<24x128xi32, #tpu.memory_space<vmem>>, vector<1x16xi32>,
      %get3A_585 = arith.index_cast %scan3A_492 : i32 to index
      %get3A_586 = arith.constant 48 : index
      %get3A_587 = tpu.vector_load %arg5[%get3A_585, %get3A_586] {strides = array<i32>} : memref<24x128xi32, #tpu.memory_space<vmem>>, vector<1x16xi32>,
      %get3A_588 = vector.shape_cast %get3A_587 : vector<1x16xi32> to vector<16xi32>
      %add3A_589 = vector.broadcast %mul3A_497 : i32 to vector<16xi32>
      %add3A_590 = arith.addi %get3A_588, %add3A_589 : vector<16xi32>
      %and3A_591 = arith.constant -65536 : i32
      %and3A_592 = vector.broadcast %and3A_591 : i32 to vector<16xi32>
      %and3A_593 = arith.andi %add3A_590, %and3A_592 : vector<16xi32>
      %and3A_594 = arith.constant 65535 : i32
      %and3A_595 = vector.broadcast %and3A_594 : i32 to vector<16xi32>
      %and3A_596 = arith.andi %add3A_590, %and3A_595 : vector<16xi32>
      %shift_right_logical3A_597 = arith.constant 14 : i32
      %shift_right_logical3A_598 = vector.broadcast %shift_right_logical3A_597 : i32 to vector<16xi32>
      %shift_right_logical3A_599 = arith.shrui %and3A_596, %shift_right_logical3A_598 : vector<16xi32>
      %and3A_600 = arith.constant 16383 : i32
      %and3A_601 = vector.broadcast %and3A_600 : i32 to vector<16xi32>
      %and3A_602 = arith.andi %and3A_596, %and3A_601 : vector<16xi32>
      %shift_left3A_603 = arith.constant 2 : i32
      %shift_left3A_604 = vector.broadcast %shift_left3A_603 : i32 to vector<16xi32>
      %shift_left3A_605 = arith.shli %and3A_602, %shift_left3A_604 : vector<16xi32>
      %or3A_606 = arith.ori %and3A_593, %shift_left3A_605 : vector<16xi32>
      %or3A_607 = arith.ori %or3A_606, %shift_right_logical3A_599 : vector<16xi32>
      %sub3A_608 = arith.constant 1966080 : i32
      %sub3A_609 = vector.broadcast %sub3A_608 : i32 to vector<16xi32>
      %sub3A_610 = arith.subi %or3A_607, %sub3A_609 : vector<16xi32>
      %swap3A_611 = arith.index_cast %scan3A_492 : i32 to index
      %swap3A_612 = arith.constant 48 : index
      %swap3A_613 = tpu.vector_load %arg5[%swap3A_611, %swap3A_612] {strides = array<i32>} : memref<24x128xi32, #tpu.memory_space<vmem>>, vector<1x16xi32>,
      %swap3A_614 = vector.shape_cast %swap3A_613 : vector<1x16xi32> to vector<16xi32>
      %swap3A_615 = vector.shape_cast %sub3A_610 : vector<16xi32> to vector<1x16xi32>
      tpu.vector_store %arg5[%swap3A_611, %swap3A_612], %swap3A_615 {strides = array<i32>} : memref<24x128xi32, #tpu.memory_space<vmem>>, vector<1x16xi32>,
      %get3A_616 = arith.index_cast %scan3A_492 : i32 to index
      %get3A_617 = arith.constant 64 : index
      %get3A_618 = tpu.vector_load %arg5[%get3A_616, %get3A_617] {strides = array<i32>} : memref<24x128xi32, #tpu.memory_space<vmem>>, vector<1x16xi32>,
      %get3A_619 = vector.shape_cast %get3A_618 : vector<1x16xi32> to vector<16xi32>
      %add3A_620 = vector.broadcast %mul3A_497 : i32 to vector<16xi32>
      %add3A_621 = arith.addi %get3A_619, %add3A_620 : vector<16xi32>
      %and3A_622 = arith.constant -65536 : i32
      %and3A_623 = vector.broadcast %and3A_622 : i32 to vector<16xi32>
      %and3A_624 = arith.andi %add3A_621, %and3A_623 : vector<16xi32>
      %and3A_625 = arith.constant 65535 : i32
      %and3A_626 = vector.broadcast %and3A_625 : i32 to vector<16xi32>
      %and3A_627 = arith.andi %add3A_621, %and3A_626 : vector<16xi32>
      %shift_right_logical3A_628 = arith.constant 14 : i32
      %shift_right_logical3A_629 = vector.broadcast %shift_right_logical3A_628 : i32 to vector<16xi32>
      %shift_right_logical3A_630 = arith.shrui %and3A_627, %shift_right_logical3A_629 : vector<16xi32>
      %and3A_631 = arith.constant 16383 : i32
      %and3A_632 = vector.broadcast %and3A_631 : i32 to vector<16xi32>
      %and3A_633 = arith.andi %and3A_627, %and3A_632 : vector<16xi32>
      %shift_left3A_634 = arith.constant 2 : i32
      %shift_left3A_635 = vector.broadcast %shift_left3A_634 : i32 to vector<16xi32>
      %shift_left3A_636 = arith.shli %and3A_633, %shift_left3A_635 : vector<16xi32>
      %or3A_637 = arith.ori %and3A_624, %shift_left3A_636 : vector<16xi32>
      %or3A_638 = arith.ori %or3A_637, %shift_right_logical3A_630 : vector<16xi32>
      %sub3A_639 = arith.constant 1966080 : i32
      %sub3A_640 = vector.broadcast %sub3A_639 : i32 to vector<16xi32>
      %sub3A_641 = arith.subi %or3A_638, %sub3A_640 : vector<16xi32>
      %swap3A_642 = arith.index_cast %scan3A_492 : i32 to index
      %swap3A_643 = arith.constant 64 : index
      %swap3A_644 = tpu.vector_load %arg5[%swap3A_642, %swap3A_643] {strides = array<i32>} : memref<24x128xi32, #tpu.memory_space<vmem>>, vector<1x16xi32>,
      %swap3A_645 = vector.shape_cast %swap3A_644 : vector<1x16xi32> to vector<16xi32>
      %swap3A_646 = vector.shape_cast %sub3A_641 : vector<16xi32> to vector<1x16xi32>
      tpu.vector_store %arg5[%swap3A_642, %swap3A_643], %swap3A_646 {strides = array<i32>} : memref<24x128xi32, #tpu.memory_space<vmem>>, vector<1x16xi32>,
      %get3A_647 = arith.index_cast %scan3A_492 : i32 to index
      %get3A_648 = arith.constant 80 : index
      %get3A_649 = tpu.vector_load %arg5[%get3A_647, %get3A_648] {strides = array<i32>} : memref<24x128xi32, #tpu.memory_space<vmem>>, vector<1x16xi32>,
      %get3A_650 = vector.shape_cast %get3A_649 : vector<1x16xi32> to vector<16xi32>
      %add3A_651 = vector.broadcast %mul3A_497 : i32 to vector<16xi32>
      %add3A_652 = arith.addi %get3A_650, %add3A_651 : vector<16xi32>
      %and3A_653 = arith.constant -65536 : i32
      %and3A_654 = vector.broadcast %and3A_653 : i32 to vector<16xi32>
      %and3A_655 = arith.andi %add3A_652, %and3A_654 : vector<16xi32>
      %and3A_656 = arith.constant 65535 : i32
      %and3A_657 = vector.broadcast %and3A_656 : i32 to vector<16xi32>
      %and3A_658 = arith.andi %add3A_652, %and3A_657 : vector<16xi32>
      %shift_right_logical3A_659 = arith.constant 14 : i32
      %shift_right_logical3A_660 = vector.broadcast %shift_right_logical3A_659 : i32 to vector<16xi32>
      %shift_right_logical3A_661 = arith.shrui %and3A_658, %shift_right_logical3A_660 : vector<16xi32>
      %and3A_662 = arith.constant 16383 : i32
      %and3A_663 = vector.broadcast %and3A_662 : i32 to vector<16xi32>
      %and3A_664 = arith.andi %and3A_658, %and3A_663 : vector<16xi32>
      %shift_left3A_665 = arith.constant 2 : i32
      %shift_left3A_666 = vector.broadcast %shift_left3A_665 : i32 to vector<16xi32>
      %shift_left3A_667 = arith.shli %and3A_664, %shift_left3A_666 : vector<16xi32>
      %or3A_668 = arith.ori %and3A_655, %shift_left3A_667 : vector<16xi32>
      %or3A_669 = arith.ori %or3A_668, %shift_right_logical3A_661 : vector<16xi32>
      %sub3A_670 = arith.constant 1966080 : i32
      %sub3A_671 = vector.broadcast %sub3A_670 : i32 to vector<16xi32>
      %sub3A_672 = arith.subi %or3A_669, %sub3A_671 : vector<16xi32>
      %swap3A_673 = arith.index_cast %scan3A_492 : i32 to index
      %swap3A_674 = arith.constant 80 : index
      %swap3A_675 = tpu.vector_load %arg5[%swap3A_673, %swap3A_674] {strides = array<i32>} : memref<24x128xi32, #tpu.memory_space<vmem>>, vector<1x16xi32>,
      %swap3A_676 = vector.shape_cast %swap3A_675 : vector<1x16xi32> to vector<16xi32>
      %swap3A_677 = vector.shape_cast %sub3A_672 : vector<16xi32> to vector<1x16xi32>
      tpu.vector_store %arg5[%swap3A_673, %swap3A_674], %swap3A_677 {strides = array<i32>} : memref<24x128xi32, #tpu.memory_space<vmem>>, vector<1x16xi32>,
      %get3A_678 = arith.index_cast %scan3A_492 : i32 to index
      %get3A_679 = arith.constant 96 : index
      %get3A_680 = tpu.vector_load %arg5[%get3A_678, %get3A_679] {strides = array<i32>} : memref<24x128xi32, #tpu.memory_space<vmem>>, vector<1x16xi32>,
      %get3A_681 = vector.shape_cast %get3A_680 : vector<1x16xi32> to vector<16xi32>
      %add3A_682 = vector.broadcast %mul3A_497 : i32 to vector<16xi32>
      %add3A_683 = arith.addi %get3A_681, %add3A_682 : vector<16xi32>
      %and3A_684 = arith.constant -65536 : i32
      %and3A_685 = vector.broadcast %and3A_684 : i32 to vector<16xi32>
      %and3A_686 = arith.andi %add3A_683, %and3A_685 : vector<16xi32>
      %and3A_687 = arith.constant 65535 : i32
      %and3A_688 = vector.broadcast %and3A_687 : i32 to vector<16xi32>
      %and3A_689 = arith.andi %add3A_683, %and3A_688 : vector<16xi32>
      %shift_right_logical3A_690 = arith.constant 14 : i32
      %shift_right_logical3A_691 = vector.broadcast %shift_right_logical3A_690 : i32 to vector<16xi32>
      %shift_right_logical3A_692 = arith.shrui %and3A_689, %shift_right_logical3A_691 : vector<16xi32>
      %and3A_693 = arith.constant 16383 : i32
      %and3A_694 = vector.broadcast %and3A_693 : i32 to vector<16xi32>
      %and3A_695 = arith.andi %and3A_689, %and3A_694 : vector<16xi32>
      %shift_left3A_696 = arith.constant 2 : i32
      %shift_left3A_697 = vector.broadcast %shift_left3A_696 : i32 to vector<16xi32>
      %shift_left3A_698 = arith.shli %and3A_695, %shift_left3A_697 : vector<16xi32>
      %or3A_699 = arith.ori %and3A_686, %shift_left3A_698 : vector<16xi32>
      %or3A_700 = arith.ori %or3A_699, %shift_right_logical3A_692 : vector<16xi32>
      %sub3A_701 = arith.constant 1966080 : i32
      %sub3A_702 = vector.broadcast %sub3A_701 : i32 to vector<16xi32>
      %sub3A_703 = arith.subi %or3A_700, %sub3A_702 : vector<16xi32>
      %swap3A_704 = arith.index_cast %scan3A_492 : i32 to index
      %swap3A_705 = arith.constant 96 : index
      %swap3A_706 = tpu.vector_load %arg5[%swap3A_704, %swap3A_705] {strides = array<i32>} : memref<24x128xi32, #tpu.memory_space<vmem>>, vector<1x16xi32>,
      %swap3A_707 = vector.shape_cast %swap3A_706 : vector<1x16xi32> to vector<16xi32>
      %swap3A_708 = vector.shape_cast %sub3A_703 : vector<16xi32> to vector<1x16xi32>
      tpu.vector_store %arg5[%swap3A_704, %swap3A_705], %swap3A_708 {strides = array<i32>} : memref<24x128xi32, #tpu.memory_space<vmem>>, vector<1x16xi32>,
      %get3A_709 = arith.index_cast %scan3A_492 : i32 to index
      %get3A_710 = arith.constant 112 : index
      %get3A_711 = tpu.vector_load %arg5[%get3A_709, %get3A_710] {strides = array<i32>} : memref<24x128xi32, #tpu.memory_space<vmem>>, vector<1x16xi32>,
      %get3A_712 = vector.shape_cast %get3A_711 : vector<1x16xi32> to vector<16xi32>
      %add3A_713 = vector.broadcast %mul3A_497 : i32 to vector<16xi32>
      %add3A_714 = arith.addi %get3A_712, %add3A_713 : vector<16xi32>
      %and3A_715 = arith.constant -65536 : i32
      %and3A_716 = vector.broadcast %and3A_715 : i32 to vector<16xi32>
      %and3A_717 = arith.andi %add3A_714, %and3A_716 : vector<16xi32>
      %and3A_718 = arith.constant 65535 : i32
      %and3A_719 = vector.broadcast %and3A_718 : i32 to vector<16xi32>
      %and3A_720 = arith.andi %add3A_714, %and3A_719 : vector<16xi32>
      %shift_right_logical3A_721 = arith.constant 14 : i32
      %shift_right_logical3A_722 = vector.broadcast %shift_right_logical3A_721 : i32 to vector<16xi32>
      %shift_right_logical3A_723 = arith.shrui %and3A_720, %shift_right_logical3A_722 : vector<16xi32>
      %and3A_724 = arith.constant 16383 : i32
      %and3A_725 = vector.broadcast %and3A_724 : i32 to vector<16xi32>
      %and3A_726 = arith.andi %and3A_720, %and3A_725 : vector<16xi32>
      %shift_left3A_727 = arith.constant 2 : i32
      %shift_left3A_728 = vector.broadcast %shift_left3A_727 : i32 to vector<16xi32>
      %shift_left3A_729 = arith.shli %and3A_726, %shift_left3A_728 : vector<16xi32>
      %or3A_730 = arith.ori %and3A_717, %shift_left3A_729 : vector<16xi32>
      %or3A_731 = arith.ori %or3A_730, %shift_right_logical3A_723 : vector<16xi32>
      %sub3A_732 = arith.constant 1966080 : i32
      %sub3A_733 = vector.broadcast %sub3A_732 : i32 to vector<16xi32>
      %sub3A_734 = arith.subi %or3A_731, %sub3A_733 : vector<16xi32>
      %swap3A_735 = arith.index_cast %scan3A_492 : i32 to index
      %swap3A_736 = arith.constant 112 : index
      %swap3A_737 = tpu.vector_load %arg5[%swap3A_735, %swap3A_736] {strides = array<i32>} : memref<24x128xi32, #tpu.memory_space<vmem>>, vector<1x16xi32>,
      %swap3A_738 = vector.shape_cast %swap3A_737 : vector<1x16xi32> to vector<16xi32>
      %swap3A_739 = vector.shape_cast %sub3A_734 : vector<16xi32> to vector<1x16xi32>
      tpu.vector_store %arg5[%swap3A_735, %swap3A_736], %swap3A_739 {strides = array<i32>} : memref<24x128xi32, #tpu.memory_space<vmem>>, vector<1x16xi32>,
    }
    %scan3A_9 = arith.constant 24 : i32
    %scan3A_10 = arith.constant 0 : i32
    %scan3A_11 = arith.constant 0 : i32
    %scan3A_12 = arith.constant 3 : i32
    %scan3A_13 = arith.addi %scan3A_11, %scan3A_12 : i32
    %scan3A_14 = arith.constant 1 : i32
    scf.for %scan3A_492 = %scan3A_11 to %scan3A_13 step %scan3A_14  : i32 {
      %rem3A_493 = arith.constant 2 : i32
      %rem3A_494 = arith.remsi %scan3A_492, %rem3A_493 : i32
      %ge3A = arith.constant 2 : i32
      %ge3A_495 = arith.cmpi sge, %scan3A_492, %ge3A : i32
      %convert_element_type3A = arith.extui %ge3A_495 : i1 to i32
      %cond3A = arith.constant 0 : i32
      %cond3A_496 = arith.cmpi ne, %convert_element_type3A, %cond3A : i32
      scf.if %cond3A_496 {
        %add3A_944 = arith.constant 0 : i32
        %add3A_945 = arith.addi %add3A_4, %add3A_944 : i32
        %div3A_946 = arith.constant 128 : i32
        %div3A_947 = arith.divsi %add3A_945, %div3A_946 : i32
        %sub3A_948 = arith.constant 20 : i32
        %sub3A_949 = arith.subi %div3A_947, %sub3A_948 : i32
        %div3A_950 = arith.constant 4 : i32
        %div3A_951 = arith.divsi %sub3A_949, %div3A_950 : i32
        %rem3A_952 = arith.constant 4 : i32
        %rem3A_953 = arith.remsi %sub3A_949, %rem3A_952 : i32
        %rem3A_954 = arith.constant 128 : i32
        %rem3A_955 = arith.remsi %add3A_945, %rem3A_954 : i32
        %mul3A_956 = arith.constant 128 : i32
        %mul3A_957 = arith.muli %rem3A_955, %mul3A_956 : i32
        %mul3A_958 = arith.constant 16384 : i32
        %mul3A_959 = arith.muli %div3A_951, %mul3A_958 : i32
        %add3A_960 = arith.addi %mul3A_959, %mul3A_957 : i32
        %mul3A_961 = arith.constant 32 : i32
        %mul3A_962 = arith.muli %mul3A_961, %rem3A_953 : i32
        %dma_wait3A_963 = arith.constant 0 : i32
        %dma_wait3A_964 = arith.constant 0 : i32
        %dma_wait3A_965 = arith.constant 0 : i32
        %dma_wait3A_966 = tpu.memref_slice %arg6[%dma_wait3A_963, %dma_wait3A_964, %dma_wait3A_965] : memref<2x1024x32xf32, #tpu.memory_space<vmem>> -> memref<1x128x32xf32, #tpu.memory_space<vmem>>
        %dma_wait3A_967 = tpu.memref_squeeze %dma_wait3A_966 : memref<1x128x32xf32, #tpu.memory_space<vmem>> -> memref<128x32xf32, #tpu.memory_space<vmem>>
        %dma_wait3A_968 = tpu.memref_slice %arg4[%add3A_960, %mul3A_962] : memref<32768x128xf32, #tpu.memory_space<hbm>> -> memref<128x32xf32, #tpu.memory_space<hbm>>
        %dma_wait3A_969 = tpu.memref_slice %arg4[%add3A_960, %mul3A_962] : memref<32768x128xf32, #tpu.memory_space<hbm>> -> memref<128x32xf32, #tpu.memory_space<hbm>>
        %dma_wait3A_970 = arith.constant 0 : i32
        %dma_wait3A_971 = arith.constant 0 : i32
        %dma_wait3A_972 = tpu.memref_slice %arg6[%dma_wait3A_963, %dma_wait3A_970, %dma_wait3A_971] : memref<2x1024x32xf32, #tpu.memory_space<vmem>> -> memref<1x128x32xf32, #tpu.memory_space<vmem>>
        %dma_wait3A_973 = tpu.memref_squeeze %dma_wait3A_972 : memref<1x128x32xf32, #tpu.memory_space<vmem>> -> memref<128x32xf32, #tpu.memory_space<vmem>>
        tpu.wait_dma2 semaphore(%arg8 : memref<!tpu.dma_semaphore, #tpu.memory_space<semaphore_mem>>) src(%dma_wait3A_973 : memref<128x32xf32, #tpu.memory_space<vmem>>) dst(%dma_wait3A_969 : memref<128x32xf32, #tpu.memory_space<hbm>>)
        %add3A_974 = arith.constant 0 : i32
        %add3A_975 = arith.addi %add3A_4, %add3A_974 : i32
        %div3A_976 = arith.constant 128 : i32
        %div3A_977 = arith.divsi %add3A_975, %div3A_976 : i32
        %sub3A_978 = arith.constant 20 : i32
        %sub3A_979 = arith.subi %div3A_977, %sub3A_978 : i32
        %div3A_980 = arith.constant 4 : i32
        %div3A_981 = arith.divsi %sub3A_979, %div3A_980 : i32
        %rem3A_982 = arith.constant 4 : i32
        %rem3A_983 = arith.remsi %sub3A_979, %rem3A_982 : i32
        %rem3A_984 = arith.constant 128 : i32
        %rem3A_985 = arith.remsi %add3A_975, %rem3A_984 : i32
        %mul3A_986 = arith.constant 128 : i32
        %mul3A_987 = arith.muli %rem3A_985, %mul3A_986 : i32
        %mul3A_988 = arith.constant 16384 : i32
        %mul3A_989 = arith.muli %div3A_981, %mul3A_988 : i32
        %add3A_990 = arith.addi %mul3A_989, %mul3A_987 : i32
        %mul3A_991 = arith.constant 32 : i32
        %mul3A_992 = arith.muli %mul3A_991, %rem3A_983 : i32
        %dma_wait3A_993 = arith.constant 0 : i32
        %dma_wait3A_994 = arith.constant 0 : i32
        %dma_wait3A_995 = arith.constant 0 : i32
        %dma_wait3A_996 = tpu.memref_slice %arg6[%dma_wait3A_993, %dma_wait3A_994, %dma_wait3A_995] : memref<2x1024x32xf32, #tpu.memory_space<vmem>> -> memref<1x128x32xf32, #tpu.memory_space<vmem>>
        %dma_wait3A_997 = tpu.memref_squeeze %dma_wait3A_996 : memref<1x128x32xf32, #tpu.memory_space<vmem>> -> memref<128x32xf32, #tpu.memory_space<vmem>>
        %dma_wait3A_998 = tpu.memref_slice %arg4[%add3A_990, %mul3A_992] : memref<32768x128xf32, #tpu.memory_space<hbm>> -> memref<128x32xf32, #tpu.memory_space<hbm>>
        %dma_wait3A_999 = tpu.memref_slice %arg4[%add3A_990, %mul3A_992] : memref<32768x128xf32, #tpu.memory_space<hbm>> -> memref<128x32xf32, #tpu.memory_space<hbm>>
        %dma_wait3A_1000 = arith.constant 0 : i32
        %dma_wait3A_1001 = arith.constant 0 : i32
        %dma_wait3A_1002 = tpu.memref_slice %arg6[%dma_wait3A_993, %dma_wait3A_1000, %dma_wait3A_1001] : memref<2x1024x32xf32, #tpu.memory_space<vmem>> -> memref<1x128x32xf32, #tpu.memory_space<vmem>>
        %dma_wait3A_1003 = tpu.memref_squeeze %dma_wait3A_1002 : memref<1x128x32xf32, #tpu.memory_space<vmem>> -> memref<128x32xf32, #tpu.memory_space<vmem>>
        tpu.wait_dma2 semaphore(%arg8 : memref<!tpu.dma_semaphore, #tpu.memory_space<semaphore_mem>>) src(%dma_wait3A_1003 : memref<128x32xf32, #tpu.memory_space<vmem>>) dst(%dma_wait3A_999 : memref<128x32xf32, #tpu.memory_space<hbm>>)
        %add3A_1004 = arith.constant 0 : i32
        %add3A_1005 = arith.addi %add3A_4, %add3A_1004 : i32
        %div3A_1006 = arith.constant 128 : i32
        %div3A_1007 = arith.divsi %add3A_1005, %div3A_1006 : i32
        %sub3A_1008 = arith.constant 20 : i32
        %sub3A_1009 = arith.subi %div3A_1007, %sub3A_1008 : i32
        %div3A_1010 = arith.constant 4 : i32
        %div3A_1011 = arith.divsi %sub3A_1009, %div3A_1010 : i32
        %rem3A_1012 = arith.constant 4 : i32
        %rem3A_1013 = arith.remsi %sub3A_1009, %rem3A_1012 : i32
        %rem3A_1014 = arith.constant 128 : i32
        %rem3A_1015 = arith.remsi %add3A_1005, %rem3A_1014 : i32
        %mul3A_1016 = arith.constant 128 : i32
        %mul3A_1017 = arith.muli %rem3A_1015, %mul3A_1016 : i32
        %mul3A_1018 = arith.constant 16384 : i32
        %mul3A_1019 = arith.muli %div3A_1011, %mul3A_1018 : i32
        %add3A_1020 = arith.addi %mul3A_1019, %mul3A_1017 : i32
        %mul3A_1021 = arith.constant 32 : i32
        %mul3A_1022 = arith.muli %mul3A_1021, %rem3A_1013 : i32
        %dma_wait3A_1023 = arith.constant 0 : i32
        %dma_wait3A_1024 = arith.constant 0 : i32
        %dma_wait3A_1025 = arith.constant 0 : i32
        %dma_wait3A_1026 = tpu.memref_slice %arg6[%dma_wait3A_1023, %dma_wait3A_1024, %dma_wait3A_1025] : memref<2x1024x32xf32, #tpu.memory_space<vmem>> -> memref<1x128x32xf32, #tpu.memory_space<vmem>>
        %dma_wait3A_1027 = tpu.memref_squeeze %dma_wait3A_1026 : memref<1x128x32xf32, #tpu.memory_space<vmem>> -> memref<128x32xf32, #tpu.memory_space<vmem>>
        %dma_wait3A_1028 = tpu.memref_slice %arg4[%add3A_1020, %mul3A_1022] : memref<32768x128xf32, #tpu.memory_space<hbm>> -> memref<128x32xf32, #tpu.memory_space<hbm>>
        %dma_wait3A_1029 = tpu.memref_slice %arg4[%add3A_1020, %mul3A_1022] : memref<32768x128xf32, #tpu.memory_space<hbm>> -> memref<128x32xf32, #tpu.memory_space<hbm>>
        %dma_wait3A_1030 = arith.constant 0 : i32
        %dma_wait3A_1031 = arith.constant 0 : i32
        %dma_wait3A_1032 = tpu.memref_slice %arg6[%dma_wait3A_1023, %dma_wait3A_1030, %dma_wait3A_1031] : memref<2x1024x32xf32, #tpu.memory_space<vmem>> -> memref<1x128x32xf32, #tpu.memory_space<vmem>>
        %dma_wait3A_1033 = tpu.memref_squeeze %dma_wait3A_1032 : memref<1x128x32xf32, #tpu.memory_space<vmem>> -> memref<128x32xf32, #tpu.memory_space<vmem>>
        tpu.wait_dma2 semaphore(%arg8 : memref<!tpu.dma_semaphore, #tpu.memory_space<semaphore_mem>>) src(%dma_wait3A_1033 : memref<128x32xf32, #tpu.memory_space<vmem>>) dst(%dma_wait3A_1029 : memref<128x32xf32, #tpu.memory_space<hbm>>)
        %add3A_1034 = arith.constant 0 : i32
        %add3A_1035 = arith.addi %add3A_4, %add3A_1034 : i32
        %div3A_1036 = arith.constant 128 : i32
        %div3A_1037 = arith.divsi %add3A_1035, %div3A_1036 : i32
        %sub3A_1038 = arith.constant 20 : i32
        %sub3A_1039 = arith.subi %div3A_1037, %sub3A_1038 : i32
        %div3A_1040 = arith.constant 4 : i32
        %div3A_1041 = arith.divsi %sub3A_1039, %div3A_1040 : i32
        %rem3A_1042 = arith.constant 4 : i32
        %rem3A_1043 = arith.remsi %sub3A_1039, %rem3A_1042 : i32
        %rem3A_1044 = arith.constant 128 : i32
        %rem3A_1045 = arith.remsi %add3A_1035, %rem3A_1044 : i32
        %mul3A_1046 = arith.constant 128 : i32
        %mul3A_1047 = arith.muli %rem3A_1045, %mul3A_1046 : i32
        %mul3A_1048 = arith.constant 16384 : i32
        %mul3A_1049 = arith.muli %div3A_1041, %mul3A_1048 : i32
        %add3A_1050 = arith.addi %mul3A_1049, %mul3A_1047 : i32
        %mul3A_1051 = arith.constant 32 : i32
        %mul3A_1052 = arith.muli %mul3A_1051, %rem3A_1043 : i32
        %dma_wait3A_1053 = arith.constant 0 : i32
        %dma_wait3A_1054 = arith.constant 0 : i32
        %dma_wait3A_1055 = arith.constant 0 : i32
        %dma_wait3A_1056 = tpu.memref_slice %arg6[%dma_wait3A_1053, %dma_wait3A_1054, %dma_wait3A_1055] : memref<2x1024x32xf32, #tpu.memory_space<vmem>> -> memref<1x128x32xf32, #tpu.memory_space<vmem>>
        %dma_wait3A_1057 = tpu.memref_squeeze %dma_wait3A_1056 : memref<1x128x32xf32, #tpu.memory_space<vmem>> -> memref<128x32xf32, #tpu.memory_space<vmem>>
        %dma_wait3A_1058 = tpu.memref_slice %arg4[%add3A_1050, %mul3A_1052] : memref<32768x128xf32, #tpu.memory_space<hbm>> -> memref<128x32xf32, #tpu.memory_space<hbm>>
        %dma_wait3A_1059 = tpu.memref_slice %arg4[%add3A_1050, %mul3A_1052] : memref<32768x128xf32, #tpu.memory_space<hbm>> -> memref<128x32xf32, #tpu.memory_space<hbm>>
        %dma_wait3A_1060 = arith.constant 0 : i32
        %dma_wait3A_1061 = arith.constant 0 : i32
        %dma_wait3A_1062 = tpu.memref_slice %arg6[%dma_wait3A_1053, %dma_wait3A_1060, %dma_wait3A_1061] : memref<2x1024x32xf32, #tpu.memory_space<vmem>> -> memref<1x128x32xf32, #tpu.memory_space<vmem>>
        %dma_wait3A_1063 = tpu.memref_squeeze %dma_wait3A_1062 : memref<1x128x32xf32, #tpu.memory_space<vmem>> -> memref<128x32xf32, #tpu.memory_space<vmem>>
        tpu.wait_dma2 semaphore(%arg8 : memref<!tpu.dma_semaphore, #tpu.memory_space<semaphore_mem>>) src(%dma_wait3A_1063 : memref<128x32xf32, #tpu.memory_space<vmem>>) dst(%dma_wait3A_1059 : memref<128x32xf32, #tpu.memory_space<hbm>>)
        %add3A_1064 = arith.constant 0 : i32
        %add3A_1065 = arith.addi %add3A_4, %add3A_1064 : i32
        %div3A_1066 = arith.constant 128 : i32
        %div3A_1067 = arith.divsi %add3A_1065, %div3A_1066 : i32
        %sub3A_1068 = arith.constant 20 : i32
        %sub3A_1069 = arith.subi %div3A_1067, %sub3A_1068 : i32
        %div3A_1070 = arith.constant 4 : i32
        %div3A_1071 = arith.divsi %sub3A_1069, %div3A_1070 : i32
        %rem3A_1072 = arith.constant 4 : i32
        %rem3A_1073 = arith.remsi %sub3A_1069, %rem3A_1072 : i32
        %rem3A_1074 = arith.constant 128 : i32
        %rem3A_1075 = arith.remsi %add3A_1065, %rem3A_1074 : i32
        %mul3A_1076 = arith.constant 128 : i32
        %mul3A_1077 = arith.muli %rem3A_1075, %mul3A_1076 : i32
        %mul3A_1078 = arith.constant 16384 : i32
        %mul3A_1079 = arith.muli %div3A_1071, %mul3A_1078 : i32
        %add3A_1080 = arith.addi %mul3A_1079, %mul3A_1077 : i32
        %mul3A_1081 = arith.constant 32 : i32
        %mul3A_1082 = arith.muli %mul3A_1081, %rem3A_1073 : i32
        %dma_wait3A_1083 = arith.constant 0 : i32
        %dma_wait3A_1084 = arith.constant 0 : i32
        %dma_wait3A_1085 = arith.constant 0 : i32
        %dma_wait3A_1086 = tpu.memref_slice %arg6[%dma_wait3A_1083, %dma_wait3A_1084, %dma_wait3A_1085] : memref<2x1024x32xf32, #tpu.memory_space<vmem>> -> memref<1x128x32xf32, #tpu.memory_space<vmem>>
        %dma_wait3A_1087 = tpu.memref_squeeze %dma_wait3A_1086 : memref<1x128x32xf32, #tpu.memory_space<vmem>> -> memref<128x32xf32, #tpu.memory_space<vmem>>
        %dma_wait3A_1088 = tpu.memref_slice %arg4[%add3A_1080, %mul3A_1082] : memref<32768x128xf32, #tpu.memory_space<hbm>> -> memref<128x32xf32, #tpu.memory_space<hbm>>
        %dma_wait3A_1089 = tpu.memref_slice %arg4[%add3A_1080, %mul3A_1082] : memref<32768x128xf32, #tpu.memory_space<hbm>> -> memref<128x32xf32, #tpu.memory_space<hbm>>
        %dma_wait3A_1090 = arith.constant 0 : i32
        %dma_wait3A_1091 = arith.constant 0 : i32
        %dma_wait3A_1092 = tpu.memref_slice %arg6[%dma_wait3A_1083, %dma_wait3A_1090, %dma_wait3A_1091] : memref<2x1024x32xf32, #tpu.memory_space<vmem>> -> memref<1x128x32xf32, #tpu.memory_space<vmem>>
        %dma_wait3A_1093 = tpu.memref_squeeze %dma_wait3A_1092 : memref<1x128x32xf32, #tpu.memory_space<vmem>> -> memref<128x32xf32, #tpu.memory_space<vmem>>
        tpu.wait_dma2 semaphore(%arg8 : memref<!tpu.dma_semaphore, #tpu.memory_space<semaphore_mem>>) src(%dma_wait3A_1093 : memref<128x32xf32, #tpu.memory_space<vmem>>) dst(%dma_wait3A_1089 : memref<128x32xf32, #tpu.memory_space<hbm>>)
        %add3A_1094 = arith.constant 0 : i32
        %add3A_1095 = arith.addi %add3A_4, %add3A_1094 : i32
        %div3A_1096 = arith.constant 128 : i32
        %div3A_1097 = arith.divsi %add3A_1095, %div3A_1096 : i32
        %sub3A_1098 = arith.constant 20 : i32
        %sub3A_1099 = arith.subi %div3A_1097, %sub3A_1098 : i32
        %div3A_1100 = arith.constant 4 : i32
        %div3A_1101 = arith.divsi %sub3A_1099, %div3A_1100 : i32
        %rem3A_1102 = arith.constant 4 : i32
        %rem3A_1103 = arith.remsi %sub3A_1099, %rem3A_1102 : i32
        %rem3A_1104 = arith.constant 128 : i32
        %rem3A_1105 = arith.remsi %add3A_1095, %rem3A_1104 : i32
        %mul3A_1106 = arith.constant 128 : i32
        %mul3A_1107 = arith.muli %rem3A_1105, %mul3A_1106 : i32
        %mul3A_1108 = arith.constant 16384 : i32
        %mul3A_1109 = arith.muli %div3A_1101, %mul3A_1108 : i32
        %add3A_1110 = arith.addi %mul3A_1109, %mul3A_1107 : i32
        %mul3A_1111 = arith.constant 32 : i32
        %mul3A_1112 = arith.muli %mul3A_1111, %rem3A_1103 : i32
        %dma_wait3A_1113 = arith.constant 0 : i32
        %dma_wait3A_1114 = arith.constant 0 : i32
        %dma_wait3A_1115 = arith.constant 0 : i32
        %dma_wait3A_1116 = tpu.memref_slice %arg6[%dma_wait3A_1113, %dma_wait3A_1114, %dma_wait3A_1115] : memref<2x1024x32xf32, #tpu.memory_space<vmem>> -> memref<1x128x32xf32, #tpu.memory_space<vmem>>
        %dma_wait3A_1117 = tpu.memref_squeeze %dma_wait3A_1116 : memref<1x128x32xf32, #tpu.memory_space<vmem>> -> memref<128x32xf32, #tpu.memory_space<vmem>>
        %dma_wait3A_1118 = tpu.memref_slice %arg4[%add3A_1110, %mul3A_1112] : memref<32768x128xf32, #tpu.memory_space<hbm>> -> memref<128x32xf32, #tpu.memory_space<hbm>>
        %dma_wait3A_1119 = tpu.memref_slice %arg4[%add3A_1110, %mul3A_1112] : memref<32768x128xf32, #tpu.memory_space<hbm>> -> memref<128x32xf32, #tpu.memory_space<hbm>>
        %dma_wait3A_1120 = arith.constant 0 : i32
        %dma_wait3A_1121 = arith.constant 0 : i32
        %dma_wait3A_1122 = tpu.memref_slice %arg6[%dma_wait3A_1113, %dma_wait3A_1120, %dma_wait3A_1121] : memref<2x1024x32xf32, #tpu.memory_space<vmem>> -> memref<1x128x32xf32, #tpu.memory_space<vmem>>
        %dma_wait3A_1123 = tpu.memref_squeeze %dma_wait3A_1122 : memref<1x128x32xf32, #tpu.memory_space<vmem>> -> memref<128x32xf32, #tpu.memory_space<vmem>>
        tpu.wait_dma2 semaphore(%arg8 : memref<!tpu.dma_semaphore, #tpu.memory_space<semaphore_mem>>) src(%dma_wait3A_1123 : memref<128x32xf32, #tpu.memory_space<vmem>>) dst(%dma_wait3A_1119 : memref<128x32xf32, #tpu.memory_space<hbm>>)
        %add3A_1124 = arith.constant 0 : i32
        %add3A_1125 = arith.addi %add3A_4, %add3A_1124 : i32
        %div3A_1126 = arith.constant 128 : i32
        %div3A_1127 = arith.divsi %add3A_1125, %div3A_1126 : i32
        %sub3A_1128 = arith.constant 20 : i32
        %sub3A_1129 = arith.subi %div3A_1127, %sub3A_1128 : i32
        %div3A_1130 = arith.constant 4 : i32
        %div3A_1131 = arith.divsi %sub3A_1129, %div3A_1130 : i32
        %rem3A_1132 = arith.constant 4 : i32
        %rem3A_1133 = arith.remsi %sub3A_1129, %rem3A_1132 : i32
        %rem3A_1134 = arith.constant 128 : i32
        %rem3A_1135 = arith.remsi %add3A_1125, %rem3A_1134 : i32
        %mul3A_1136 = arith.constant 128 : i32
        %mul3A_1137 = arith.muli %rem3A_1135, %mul3A_1136 : i32
        %mul3A_1138 = arith.constant 16384 : i32
        %mul3A_1139 = arith.muli %div3A_1131, %mul3A_1138 : i32
        %add3A_1140 = arith.addi %mul3A_1139, %mul3A_1137 : i32
        %mul3A_1141 = arith.constant 32 : i32
        %mul3A_1142 = arith.muli %mul3A_1141, %rem3A_1133 : i32
        %dma_wait3A_1143 = arith.constant 0 : i32
        %dma_wait3A_1144 = arith.constant 0 : i32
        %dma_wait3A_1145 = arith.constant 0 : i32
        %dma_wait3A_1146 = tpu.memref_slice %arg6[%dma_wait3A_1143, %dma_wait3A_1144, %dma_wait3A_1145] : memref<2x1024x32xf32, #tpu.memory_space<vmem>> -> memref<1x128x32xf32, #tpu.memory_space<vmem>>
        %dma_wait3A_1147 = tpu.memref_squeeze %dma_wait3A_1146 : memref<1x128x32xf32, #tpu.memory_space<vmem>> -> memref<128x32xf32, #tpu.memory_space<vmem>>
        %dma_wait3A_1148 = tpu.memref_slice %arg4[%add3A_1140, %mul3A_1142] : memref<32768x128xf32, #tpu.memory_space<hbm>> -> memref<128x32xf32, #tpu.memory_space<hbm>>
        %dma_wait3A_1149 = tpu.memref_slice %arg4[%add3A_1140, %mul3A_1142] : memref<32768x128xf32, #tpu.memory_space<hbm>> -> memref<128x32xf32, #tpu.memory_space<hbm>>
        %dma_wait3A_1150 = arith.constant 0 : i32
        %dma_wait3A_1151 = arith.constant 0 : i32
        %dma_wait3A_1152 = tpu.memref_slice %arg6[%dma_wait3A_1143, %dma_wait3A_1150, %dma_wait3A_1151] : memref<2x1024x32xf32, #tpu.memory_space<vmem>> -> memref<1x128x32xf32, #tpu.memory_space<vmem>>
        %dma_wait3A_1153 = tpu.memref_squeeze %dma_wait3A_1152 : memref<1x128x32xf32, #tpu.memory_space<vmem>> -> memref<128x32xf32, #tpu.memory_space<vmem>>
        tpu.wait_dma2 semaphore(%arg8 : memref<!tpu.dma_semaphore, #tpu.memory_space<semaphore_mem>>) src(%dma_wait3A_1153 : memref<128x32xf32, #tpu.memory_space<vmem>>) dst(%dma_wait3A_1149 : memref<128x32xf32, #tpu.memory_space<hbm>>)
        %add3A_1154 = arith.constant 0 : i32
        %add3A_1155 = arith.addi %add3A_4, %add3A_1154 : i32
        %div3A_1156 = arith.constant 128 : i32
        %div3A_1157 = arith.divsi %add3A_1155, %div3A_1156 : i32
        %sub3A_1158 = arith.constant 20 : i32
        %sub3A_1159 = arith.subi %div3A_1157, %sub3A_1158 : i32
        %div3A_1160 = arith.constant 4 : i32
        %div3A_1161 = arith.divsi %sub3A_1159, %div3A_1160 : i32
        %rem3A_1162 = arith.constant 4 : i32
        %rem3A_1163 = arith.remsi %sub3A_1159, %rem3A_1162 : i32
        %rem3A_1164 = arith.constant 128 : i32
        %rem3A_1165 = arith.remsi %add3A_1155, %rem3A_1164 : i32
        %mul3A_1166 = arith.constant 128 : i32
        %mul3A_1167 = arith.muli %rem3A_1165, %mul3A_1166 : i32
        %mul3A_1168 = arith.constant 16384 : i32
        %mul3A_1169 = arith.muli %div3A_1161, %mul3A_1168 : i32
        %add3A_1170 = arith.addi %mul3A_1169, %mul3A_1167 : i32
        %mul3A_1171 = arith.constant 32 : i32
        %mul3A_1172 = arith.muli %mul3A_1171, %rem3A_1163 : i32
        %dma_wait3A_1173 = arith.constant 0 : i32
        %dma_wait3A_1174 = arith.constant 0 : i32
        %dma_wait3A_1175 = arith.constant 0 : i32
        %dma_wait3A_1176 = tpu.memref_slice %arg6[%dma_wait3A_1173, %dma_wait3A_1174, %dma_wait3A_1175] : memref<2x1024x32xf32, #tpu.memory_space<vmem>> -> memref<1x128x32xf32, #tpu.memory_space<vmem>>
        %dma_wait3A_1177 = tpu.memref_squeeze %dma_wait3A_1176 : memref<1x128x32xf32, #tpu.memory_space<vmem>> -> memref<128x32xf32, #tpu.memory_space<vmem>>
        %dma_wait3A_1178 = tpu.memref_slice %arg4[%add3A_1170, %mul3A_1172] : memref<32768x128xf32, #tpu.memory_space<hbm>> -> memref<128x32xf32, #tpu.memory_space<hbm>>
        %dma_wait3A_1179 = tpu.memref_slice %arg4[%add3A_1170, %mul3A_1172] : memref<32768x128xf32, #tpu.memory_space<hbm>> -> memref<128x32xf32, #tpu.memory_space<hbm>>
        %dma_wait3A_1180 = arith.constant 0 : i32
        %dma_wait3A_1181 = arith.constant 0 : i32
        %dma_wait3A_1182 = tpu.memref_slice %arg6[%dma_wait3A_1173, %dma_wait3A_1180, %dma_wait3A_1181] : memref<2x1024x32xf32, #tpu.memory_space<vmem>> -> memref<1x128x32xf32, #tpu.memory_space<vmem>>
        %dma_wait3A_1183 = tpu.memref_squeeze %dma_wait3A_1182 : memref<1x128x32xf32, #tpu.memory_space<vmem>> -> memref<128x32xf32, #tpu.memory_space<vmem>>
        tpu.wait_dma2 semaphore(%arg8 : memref<!tpu.dma_semaphore, #tpu.memory_space<semaphore_mem>>) src(%dma_wait3A_1183 : memref<128x32xf32, #tpu.memory_space<vmem>>) dst(%dma_wait3A_1179 : memref<128x32xf32, #tpu.memory_space<hbm>>)
      } else {
      }
      %mul3A_497 = arith.constant 8 : i32
      %mul3A_498 = arith.muli %scan3A_492, %mul3A_497 : i32
      %add3A_499 = arith.constant 0 : i32
      %add3A_500 = arith.addi %mul3A_498, %add3A_499 : i32
      %dma_start3A = arith.constant 0 : i32
      %dma_start3A_501 = arith.constant 0 : i32
      %dma_start3A_502 = tpu.memref_slice %arg6[%rem3A_494, %dma_start3A, %dma_start3A_501] : memref<2x1024x32xf32, #tpu.memory_space<vmem>> -> memref<1x128x32xf32, #tpu.memory_space<vmem>>
      %dma_start3A_503 = tpu.memref_squeeze %dma_start3A_502 : memref<1x128x32xf32, #tpu.memory_space<vmem>> -> memref<128x32xf32, #tpu.memory_space<vmem>>
      %dma_start3A_504 = arith.constant 0 : i32
      %dma_start3A_505 = tpu.memref_slice %arg5[%add3A_500, %dma_start3A_504] : memref<24x128xi32, #tpu.memory_space<vmem>> -> memref<1x128xi32, #tpu.memory_space<vmem>>
      %dma_start3A_506 = tpu.memref_squeeze %dma_start3A_505 : memref<1x128xi32, #tpu.memory_space<vmem>> -> memref<128xi32, #tpu.memory_space<vmem>>
      %dma_start3A_507 = arith.constant 0 : i32
      %dma_start3A_508 = arith.constant 0 : i32
      %dma_start3A_509 = tpu.memref_slice %arg3[%dma_start3A_507, %dma_start3A_508] : memref<655360x32xf32, #tpu.memory_space<hbm>> -> memref<655360x32xf32, #tpu.memory_space<hbm>>
      tpu.enqueue_indirect_dma source(%dma_start3A_509 : memref<655360x32xf32, #tpu.memory_space<hbm>>) target(%dma_start3A_503 : memref<128x32xf32, #tpu.memory_space<vmem>>) offsets(%dma_start3A_506 : memref<128xi32, #tpu.memory_space<vmem>>) semaphore(%arg7 : memref<!tpu.dma_semaphore, #tpu.memory_space<semaphore_mem>>)
      %mul3A_510 = arith.constant 8 : i32
      %mul3A_511 = arith.muli %scan3A_492, %mul3A_510 : i32
      %add3A_512 = arith.constant 1 : i32
      %add3A_513 = arith.addi %mul3A_511, %add3A_512 : i32
      %dma_start3A_514 = arith.constant 128 : i32
      %dma_start3A_515 = arith.constant 0 : i32
      %dma_start3A_516 = tpu.memref_slice %arg6[%rem3A_494, %dma_start3A_514, %dma_start3A_515] : memref<2x1024x32xf32, #tpu.memory_space<vmem>> -> memref<1x128x32xf32, #tpu.memory_space<vmem>>
      %dma_start3A_517 = tpu.memref_squeeze %dma_start3A_516 : memref<1x128x32xf32, #tpu.memory_space<vmem>> -> memref<128x32xf32, #tpu.memory_space<vmem>>
      %dma_start3A_518 = arith.constant 0 : i32
      %dma_start3A_519 = tpu.memref_slice %arg5[%add3A_513, %dma_start3A_518] : memref<24x128xi32, #tpu.memory_space<vmem>> -> memref<1x128xi32, #tpu.memory_space<vmem>>
      %dma_start3A_520 = tpu.memref_squeeze %dma_start3A_519 : memref<1x128xi32, #tpu.memory_space<vmem>> -> memref<128xi32, #tpu.memory_space<vmem>>
      %dma_start3A_521 = arith.constant 0 : i32
      %dma_start3A_522 = arith.constant 0 : i32
      %dma_start3A_523 = tpu.memref_slice %arg3[%dma_start3A_521, %dma_start3A_522] : memref<655360x32xf32, #tpu.memory_space<hbm>> -> memref<655360x32xf32, #tpu.memory_space<hbm>>
      tpu.enqueue_indirect_dma source(%dma_start3A_523 : memref<655360x32xf32, #tpu.memory_space<hbm>>) target(%dma_start3A_517 : memref<128x32xf32, #tpu.memory_space<vmem>>) offsets(%dma_start3A_520 : memref<128xi32, #tpu.memory_space<vmem>>) semaphore(%arg7 : memref<!tpu.dma_semaphore, #tpu.memory_space<semaphore_mem>>)
      %mul3A_524 = arith.constant 8 : i32
      %mul3A_525 = arith.muli %scan3A_492, %mul3A_524 : i32
      %add3A_526 = arith.constant 2 : i32
      %add3A_527 = arith.addi %mul3A_525, %add3A_526 : i32
      %dma_start3A_528 = arith.constant 256 : i32
      %dma_start3A_529 = arith.constant 0 : i32
      %dma_start3A_530 = tpu.memref_slice %arg6[%rem3A_494, %dma_start3A_528, %dma_start3A_529] : memref<2x1024x32xf32, #tpu.memory_space<vmem>> -> memref<1x128x32xf32, #tpu.memory_space<vmem>>
      %dma_start3A_531 = tpu.memref_squeeze %dma_start3A_530 : memref<1x128x32xf32, #tpu.memory_space<vmem>> -> memref<128x32xf32, #tpu.memory_space<vmem>>
      %dma_start3A_532 = arith.constant 0 : i32
      %dma_start3A_533 = tpu.memref_slice %arg5[%add3A_527, %dma_start3A_532] : memref<24x128xi32, #tpu.memory_space<vmem>> -> memref<1x128xi32, #tpu.memory_space<vmem>>
      %dma_start3A_534 = tpu.memref_squeeze %dma_start3A_533 : memref<1x128xi32, #tpu.memory_space<vmem>> -> memref<128xi32, #tpu.memory_space<vmem>>
      %dma_start3A_535 = arith.constant 0 : i32
      %dma_start3A_536 = arith.constant 0 : i32
      %dma_start3A_537 = tpu.memref_slice %arg3[%dma_start3A_535, %dma_start3A_536] : memref<655360x32xf32, #tpu.memory_space<hbm>> -> memref<655360x32xf32, #tpu.memory_space<hbm>>
      tpu.enqueue_indirect_dma source(%dma_start3A_537 : memref<655360x32xf32, #tpu.memory_space<hbm>>) target(%dma_start3A_531 : memref<128x32xf32, #tpu.memory_space<vmem>>) offsets(%dma_start3A_534 : memref<128xi32, #tpu.memory_space<vmem>>) semaphore(%arg7 : memref<!tpu.dma_semaphore, #tpu.memory_space<semaphore_mem>>)
      %mul3A_538 = arith.constant 8 : i32
      %mul3A_539 = arith.muli %scan3A_492, %mul3A_538 : i32
      %add3A_540 = arith.constant 3 : i32
      %add3A_541 = arith.addi %mul3A_539, %add3A_540 : i32
      %dma_start3A_542 = arith.constant 384 : i32
      %dma_start3A_543 = arith.constant 0 : i32
      %dma_start3A_544 = tpu.memref_slice %arg6[%rem3A_494, %dma_start3A_542, %dma_start3A_543] : memref<2x1024x32xf32, #tpu.memory_space<vmem>> -> memref<1x128x32xf32, #tpu.memory_space<vmem>>
      %dma_start3A_545 = tpu.memref_squeeze %dma_start3A_544 : memref<1x128x32xf32, #tpu.memory_space<vmem>> -> memref<128x32xf32, #tpu.memory_space<vmem>>
      %dma_start3A_546 = arith.constant 0 : i32
      %dma_start3A_547 = tpu.memref_slice %arg5[%add3A_541, %dma_start3A_546] : memref<24x128xi32, #tpu.memory_space<vmem>> -> memref<1x128xi32, #tpu.memory_space<vmem>>
      %dma_start3A_548 = tpu.memref_squeeze %dma_start3A_547 : memref<1x128xi32, #tpu.memory_space<vmem>> -> memref<128xi32, #tpu.memory_space<vmem>>
      %dma_start3A_549 = arith.constant 0 : i32
      %dma_start3A_550 = arith.constant 0 : i32
      %dma_start3A_551 = tpu.memref_slice %arg3[%dma_start3A_549, %dma_start3A_550] : memref<655360x32xf32, #tpu.memory_space<hbm>> -> memref<655360x32xf32, #tpu.memory_space<hbm>>
      tpu.enqueue_indirect_dma source(%dma_start3A_551 : memref<655360x32xf32, #tpu.memory_space<hbm>>) target(%dma_start3A_545 : memref<128x32xf32, #tpu.memory_space<vmem>>) offsets(%dma_start3A_548 : memref<128xi32, #tpu.memory_space<vmem>>) semaphore(%arg7 : memref<!tpu.dma_semaphore, #tpu.memory_space<semaphore_mem>>)
      %mul3A_552 = arith.constant 8 : i32
      %mul3A_553 = arith.muli %scan3A_492, %mul3A_552 : i32
      %add3A_554 = arith.constant 4 : i32
      %add3A_555 = arith.addi %mul3A_553, %add3A_554 : i32
      %dma_start3A_556 = arith.constant 512 : i32
      %dma_start3A_557 = arith.constant 0 : i32
      %dma_start3A_558 = tpu.memref_slice %arg6[%rem3A_494, %dma_start3A_556, %dma_start3A_557] : memref<2x1024x32xf32, #tpu.memory_space<vmem>> -> memref<1x128x32xf32, #tpu.memory_space<vmem>>
      %dma_start3A_559 = tpu.memref_squeeze %dma_start3A_558 : memref<1x128x32xf32, #tpu.memory_space<vmem>> -> memref<128x32xf32, #tpu.memory_space<vmem>>
      %dma_start3A_560 = arith.constant 0 : i32
      %dma_start3A_561 = tpu.memref_slice %arg5[%add3A_555, %dma_start3A_560] : memref<24x128xi32, #tpu.memory_space<vmem>> -> memref<1x128xi32, #tpu.memory_space<vmem>>
      %dma_start3A_562 = tpu.memref_squeeze %dma_start3A_561 : memref<1x128xi32, #tpu.memory_space<vmem>> -> memref<128xi32, #tpu.memory_space<vmem>>
      %dma_start3A_563 = arith.constant 0 : i32
      %dma_start3A_564 = arith.constant 0 : i32
      %dma_start3A_565 = tpu.memref_slice %arg3[%dma_start3A_563, %dma_start3A_564] : memref<655360x32xf32, #tpu.memory_space<hbm>> -> memref<655360x32xf32, #tpu.memory_space<hbm>>
      tpu.enqueue_indirect_dma source(%dma_start3A_565 : memref<655360x32xf32, #tpu.memory_space<hbm>>) target(%dma_start3A_559 : memref<128x32xf32, #tpu.memory_space<vmem>>) offsets(%dma_start3A_562 : memref<128xi32, #tpu.memory_space<vmem>>) semaphore(%arg7 : memref<!tpu.dma_semaphore, #tpu.memory_space<semaphore_mem>>)
      %mul3A_566 = arith.constant 8 : i32
      %mul3A_567 = arith.muli %scan3A_492, %mul3A_566 : i32
      %add3A_568 = arith.constant 5 : i32
      %add3A_569 = arith.addi %mul3A_567, %add3A_568 : i32
      %dma_start3A_570 = arith.constant 640 : i32
      %dma_start3A_571 = arith.constant 0 : i32
      %dma_start3A_572 = tpu.memref_slice %arg6[%rem3A_494, %dma_start3A_570, %dma_start3A_571] : memref<2x1024x32xf32, #tpu.memory_space<vmem>> -> memref<1x128x32xf32, #tpu.memory_space<vmem>>
      %dma_start3A_573 = tpu.memref_squeeze %dma_start3A_572 : memref<1x128x32xf32, #tpu.memory_space<vmem>> -> memref<128x32xf32, #tpu.memory_space<vmem>>
      %dma_start3A_574 = arith.constant 0 : i32
      %dma_start3A_575 = tpu.memref_slice %arg5[%add3A_569, %dma_start3A_574] : memref<24x128xi32, #tpu.memory_space<vmem>> -> memref<1x128xi32, #tpu.memory_space<vmem>>
      %dma_start3A_576 = tpu.memref_squeeze %dma_start3A_575 : memref<1x128xi32, #tpu.memory_space<vmem>> -> memref<128xi32, #tpu.memory_space<vmem>>
      %dma_start3A_577 = arith.constant 0 : i32
      %dma_start3A_578 = arith.constant 0 : i32
      %dma_start3A_579 = tpu.memref_slice %arg3[%dma_start3A_577, %dma_start3A_578] : memref<655360x32xf32, #tpu.memory_space<hbm>> -> memref<655360x32xf32, #tpu.memory_space<hbm>>
      tpu.enqueue_indirect_dma source(%dma_start3A_579 : memref<655360x32xf32, #tpu.memory_space<hbm>>) target(%dma_start3A_573 : memref<128x32xf32, #tpu.memory_space<vmem>>) offsets(%dma_start3A_576 : memref<128xi32, #tpu.memory_space<vmem>>) semaphore(%arg7 : memref<!tpu.dma_semaphore, #tpu.memory_space<semaphore_mem>>)
      %mul3A_580 = arith.constant 8 : i32
      %mul3A_581 = arith.muli %scan3A_492, %mul3A_580 : i32
      %add3A_582 = arith.constant 6 : i32
      %add3A_583 = arith.addi %mul3A_581, %add3A_582 : i32
      %dma_start3A_584 = arith.constant 768 : i32
      %dma_start3A_585 = arith.constant 0 : i32
      %dma_start3A_586 = tpu.memref_slice %arg6[%rem3A_494, %dma_start3A_584, %dma_start3A_585] : memref<2x1024x32xf32, #tpu.memory_space<vmem>> -> memref<1x128x32xf32, #tpu.memory_space<vmem>>
      %dma_start3A_587 = tpu.memref_squeeze %dma_start3A_586 : memref<1x128x32xf32, #tpu.memory_space<vmem>> -> memref<128x32xf32, #tpu.memory_space<vmem>>
      %dma_start3A_588 = arith.constant 0 : i32
      %dma_start3A_589 = tpu.memref_slice %arg5[%add3A_583, %dma_start3A_588] : memref<24x128xi32, #tpu.memory_space<vmem>> -> memref<1x128xi32, #tpu.memory_space<vmem>>
      %dma_start3A_590 = tpu.memref_squeeze %dma_start3A_589 : memref<1x128xi32, #tpu.memory_space<vmem>> -> memref<128xi32, #tpu.memory_space<vmem>>
      %dma_start3A_591 = arith.constant 0 : i32
      %dma_start3A_592 = arith.constant 0 : i32
      %dma_start3A_593 = tpu.memref_slice %arg3[%dma_start3A_591, %dma_start3A_592] : memref<655360x32xf32, #tpu.memory_space<hbm>> -> memref<655360x32xf32, #tpu.memory_space<hbm>>
      tpu.enqueue_indirect_dma source(%dma_start3A_593 : memref<655360x32xf32, #tpu.memory_space<hbm>>) target(%dma_start3A_587 : memref<128x32xf32, #tpu.memory_space<vmem>>) offsets(%dma_start3A_590 : memref<128xi32, #tpu.memory_space<vmem>>) semaphore(%arg7 : memref<!tpu.dma_semaphore, #tpu.memory_space<semaphore_mem>>)
      %mul3A_594 = arith.constant 8 : i32
      %mul3A_595 = arith.muli %scan3A_492, %mul3A_594 : i32
      %add3A_596 = arith.constant 7 : i32
      %add3A_597 = arith.addi %mul3A_595, %add3A_596 : i32
      %dma_start3A_598 = arith.constant 896 : i32
      %dma_start3A_599 = arith.constant 0 : i32
      %dma_start3A_600 = tpu.memref_slice %arg6[%rem3A_494, %dma_start3A_598, %dma_start3A_599] : memref<2x1024x32xf32, #tpu.memory_space<vmem>> -> memref<1x128x32xf32, #tpu.memory_space<vmem>>
      %dma_start3A_601 = tpu.memref_squeeze %dma_start3A_600 : memref<1x128x32xf32, #tpu.memory_space<vmem>> -> memref<128x32xf32, #tpu.memory_space<vmem>>
      %dma_start3A_602 = arith.constant 0 : i32
      %dma_start3A_603 = tpu.memref_slice %arg5[%add3A_597, %dma_start3A_602] : memref<24x128xi32, #tpu.memory_space<vmem>> -> memref<1x128xi32, #tpu.memory_space<vmem>>
      %dma_start3A_604 = tpu.memref_squeeze %dma_start3A_603 : memref<1x128xi32, #tpu.memory_space<vmem>> -> memref<128xi32, #tpu.memory_space<vmem>>
      %dma_start3A_605 = arith.constant 0 : i32
      %dma_start3A_606 = arith.constant 0 : i32
      %dma_start3A_607 = tpu.memref_slice %arg3[%dma_start3A_605, %dma_start3A_606] : memref<655360x32xf32, #tpu.memory_space<hbm>> -> memref<655360x32xf32, #tpu.memory_space<hbm>>
      tpu.enqueue_indirect_dma source(%dma_start3A_607 : memref<655360x32xf32, #tpu.memory_space<hbm>>) target(%dma_start3A_601 : memref<128x32xf32, #tpu.memory_space<vmem>>) offsets(%dma_start3A_604 : memref<128xi32, #tpu.memory_space<vmem>>) semaphore(%arg7 : memref<!tpu.dma_semaphore, #tpu.memory_space<semaphore_mem>>)
      %dma_wait3A_608 = arith.constant 0 : i32
      %dma_wait3A_609 = arith.constant 0 : i32
      %dma_wait3A_610 = tpu.memref_slice %arg6[%rem3A_494, %dma_wait3A_608, %dma_wait3A_609] : memref<2x1024x32xf32, #tpu.memory_space<vmem>> -> memref<1x128x32xf32, #tpu.memory_space<vmem>>
      %dma_wait3A_611 = tpu.memref_squeeze %dma_wait3A_610 : memref<1x128x32xf32, #tpu.memory_space<vmem>> -> memref<128x32xf32, #tpu.memory_space<vmem>>
      %dma_wait3A_612 = arith.constant 0 : i32
      %dma_wait3A_613 = tpu.memref_slice %arg5[%add3A_500, %dma_wait3A_612] : memref<24x128xi32, #tpu.memory_space<vmem>> -> memref<1x128xi32, #tpu.memory_space<vmem>>
      %dma_wait3A_614 = tpu.memref_squeeze %dma_wait3A_613 : memref<1x128xi32, #tpu.memory_space<vmem>> -> memref<128xi32, #tpu.memory_space<vmem>>
      %dma_wait3A_615 = arith.constant 0 : i32
      %dma_wait3A_616 = arith.constant 0 : i32
      %dma_wait3A_617 = tpu.memref_slice %arg3[%dma_wait3A_615, %dma_wait3A_616] : memref<655360x32xf32, #tpu.memory_space<hbm>> -> memref<655360x32xf32, #tpu.memory_space<hbm>>
      tpu.wait_indirect_dma semaphore(%arg7 : memref<!tpu.dma_semaphore, #tpu.memory_space<semaphore_mem>>) src(%dma_wait3A_617 : memref<655360x32xf32, #tpu.memory_space<hbm>>) dst(%dma_wait3A_611 : memref<128x32xf32, #tpu.memory_space<vmem>>)
      %dma_wait3A_618 = arith.constant 128 : i32
      %dma_wait3A_619 = arith.constant 0 : i32
      %dma_wait3A_620 = tpu.memref_slice %arg6[%rem3A_494, %dma_wait3A_618, %dma_wait3A_619] : memref<2x1024x32xf32, #tpu.memory_space<vmem>> -> memref<1x128x32xf32, #tpu.memory_space<vmem>>
      %dma_wait3A_621 = tpu.memref_squeeze %dma_wait3A_620 : memref<1x128x32xf32, #tpu.memory_space<vmem>> -> memref<128x32xf32, #tpu.memory_space<vmem>>
      %dma_wait3A_622 = arith.constant 0 : i32
      %dma_wait3A_623 = tpu.memref_slice %arg5[%add3A_513, %dma_wait3A_622] : memref<24x128xi32, #tpu.memory_space<vmem>> -> memref<1x128xi32, #tpu.memory_space<vmem>>
      %dma_wait3A_624 = tpu.memref_squeeze %dma_wait3A_623 : memref<1x128xi32, #tpu.memory_space<vmem>> -> memref<128xi32, #tpu.memory_space<vmem>>
      %dma_wait3A_625 = arith.constant 0 : i32
      %dma_wait3A_626 = arith.constant 0 : i32
      %dma_wait3A_627 = tpu.memref_slice %arg3[%dma_wait3A_625, %dma_wait3A_626] : memref<655360x32xf32, #tpu.memory_space<hbm>> -> memref<655360x32xf32, #tpu.memory_space<hbm>>
      tpu.wait_indirect_dma semaphore(%arg7 : memref<!tpu.dma_semaphore, #tpu.memory_space<semaphore_mem>>) src(%dma_wait3A_627 : memref<655360x32xf32, #tpu.memory_space<hbm>>) dst(%dma_wait3A_621 : memref<128x32xf32, #tpu.memory_space<vmem>>)
      %dma_wait3A_628 = arith.constant 256 : i32
      %dma_wait3A_629 = arith.constant 0 : i32
      %dma_wait3A_630 = tpu.memref_slice %arg6[%rem3A_494, %dma_wait3A_628, %dma_wait3A_629] : memref<2x1024x32xf32, #tpu.memory_space<vmem>> -> memref<1x128x32xf32, #tpu.memory_space<vmem>>
      %dma_wait3A_631 = tpu.memref_squeeze %dma_wait3A_630 : memref<1x128x32xf32, #tpu.memory_space<vmem>> -> memref<128x32xf32, #tpu.memory_space<vmem>>
      %dma_wait3A_632 = arith.constant 0 : i32
      %dma_wait3A_633 = tpu.memref_slice %arg5[%add3A_527, %dma_wait3A_632] : memref<24x128xi32, #tpu.memory_space<vmem>> -> memref<1x128xi32, #tpu.memory_space<vmem>>
      %dma_wait3A_634 = tpu.memref_squeeze %dma_wait3A_633 : memref<1x128xi32, #tpu.memory_space<vmem>> -> memref<128xi32, #tpu.memory_space<vmem>>
      %dma_wait3A_635 = arith.constant 0 : i32
      %dma_wait3A_636 = arith.constant 0 : i32
      %dma_wait3A_637 = tpu.memref_slice %arg3[%dma_wait3A_635, %dma_wait3A_636] : memref<655360x32xf32, #tpu.memory_space<hbm>> -> memref<655360x32xf32, #tpu.memory_space<hbm>>
      tpu.wait_indirect_dma semaphore(%arg7 : memref<!tpu.dma_semaphore, #tpu.memory_space<semaphore_mem>>) src(%dma_wait3A_637 : memref<655360x32xf32, #tpu.memory_space<hbm>>) dst(%dma_wait3A_631 : memref<128x32xf32, #tpu.memory_space<vmem>>)
      %dma_wait3A_638 = arith.constant 384 : i32
      %dma_wait3A_639 = arith.constant 0 : i32
      %dma_wait3A_640 = tpu.memref_slice %arg6[%rem3A_494, %dma_wait3A_638, %dma_wait3A_639] : memref<2x1024x32xf32, #tpu.memory_space<vmem>> -> memref<1x128x32xf32, #tpu.memory_space<vmem>>
      %dma_wait3A_641 = tpu.memref_squeeze %dma_wait3A_640 : memref<1x128x32xf32, #tpu.memory_space<vmem>> -> memref<128x32xf32, #tpu.memory_space<vmem>>
      %dma_wait3A_642 = arith.constant 0 : i32
      %dma_wait3A_643 = tpu.memref_slice %arg5[%add3A_541, %dma_wait3A_642] : memref<24x128xi32, #tpu.memory_space<vmem>> -> memref<1x128xi32, #tpu.memory_space<vmem>>
      %dma_wait3A_644 = tpu.memref_squeeze %dma_wait3A_643 : memref<1x128xi32, #tpu.memory_space<vmem>> -> memref<128xi32, #tpu.memory_space<vmem>>
      %dma_wait3A_645 = arith.constant 0 : i32
      %dma_wait3A_646 = arith.constant 0 : i32
      %dma_wait3A_647 = tpu.memref_slice %arg3[%dma_wait3A_645, %dma_wait3A_646] : memref<655360x32xf32, #tpu.memory_space<hbm>> -> memref<655360x32xf32, #tpu.memory_space<hbm>>
      tpu.wait_indirect_dma semaphore(%arg7 : memref<!tpu.dma_semaphore, #tpu.memory_space<semaphore_mem>>) src(%dma_wait3A_647 : memref<655360x32xf32, #tpu.memory_space<hbm>>) dst(%dma_wait3A_641 : memref<128x32xf32, #tpu.memory_space<vmem>>)
      %dma_wait3A_648 = arith.constant 512 : i32
      %dma_wait3A_649 = arith.constant 0 : i32
      %dma_wait3A_650 = tpu.memref_slice %arg6[%rem3A_494, %dma_wait3A_648, %dma_wait3A_649] : memref<2x1024x32xf32, #tpu.memory_space<vmem>> -> memref<1x128x32xf32, #tpu.memory_space<vmem>>
      %dma_wait3A_651 = tpu.memref_squeeze %dma_wait3A_650 : memref<1x128x32xf32, #tpu.memory_space<vmem>> -> memref<128x32xf32, #tpu.memory_space<vmem>>
      %dma_wait3A_652 = arith.constant 0 : i32
      %dma_wait3A_653 = tpu.memref_slice %arg5[%add3A_555, %dma_wait3A_652] : memref<24x128xi32, #tpu.memory_space<vmem>> -> memref<1x128xi32, #tpu.memory_space<vmem>>
      %dma_wait3A_654 = tpu.memref_squeeze %dma_wait3A_653 : memref<1x128xi32, #tpu.memory_space<vmem>> -> memref<128xi32, #tpu.memory_space<vmem>>
      %dma_wait3A_655 = arith.constant 0 : i32
      %dma_wait3A_656 = arith.constant 0 : i32
      %dma_wait3A_657 = tpu.memref_slice %arg3[%dma_wait3A_655, %dma_wait3A_656] : memref<655360x32xf32, #tpu.memory_space<hbm>> -> memref<655360x32xf32, #tpu.memory_space<hbm>>
      tpu.wait_indirect_dma semaphore(%arg7 : memref<!tpu.dma_semaphore, #tpu.memory_space<semaphore_mem>>) src(%dma_wait3A_657 : memref<655360x32xf32, #tpu.memory_space<hbm>>) dst(%dma_wait3A_651 : memref<128x32xf32, #tpu.memory_space<vmem>>)
      %dma_wait3A_658 = arith.constant 640 : i32
      %dma_wait3A_659 = arith.constant 0 : i32
      %dma_wait3A_660 = tpu.memref_slice %arg6[%rem3A_494, %dma_wait3A_658, %dma_wait3A_659] : memref<2x1024x32xf32, #tpu.memory_space<vmem>> -> memref<1x128x32xf32, #tpu.memory_space<vmem>>
      %dma_wait3A_661 = tpu.memref_squeeze %dma_wait3A_660 : memref<1x128x32xf32, #tpu.memory_space<vmem>> -> memref<128x32xf32, #tpu.memory_space<vmem>>
      %dma_wait3A_662 = arith.constant 0 : i32
      %dma_wait3A_663 = tpu.memref_slice %arg5[%add3A_569, %dma_wait3A_662] : memref<24x128xi32, #tpu.memory_space<vmem>> -> memref<1x128xi32, #tpu.memory_space<vmem>>
      %dma_wait3A_664 = tpu.memref_squeeze %dma_wait3A_663 : memref<1x128xi32, #tpu.memory_space<vmem>> -> memref<128xi32, #tpu.memory_space<vmem>>
      %dma_wait3A_665 = arith.constant 0 : i32
      %dma_wait3A_666 = arith.constant 0 : i32
      %dma_wait3A_667 = tpu.memref_slice %arg3[%dma_wait3A_665, %dma_wait3A_666] : memref<655360x32xf32, #tpu.memory_space<hbm>> -> memref<655360x32xf32, #tpu.memory_space<hbm>>
      tpu.wait_indirect_dma semaphore(%arg7 : memref<!tpu.dma_semaphore, #tpu.memory_space<semaphore_mem>>) src(%dma_wait3A_667 : memref<655360x32xf32, #tpu.memory_space<hbm>>) dst(%dma_wait3A_661 : memref<128x32xf32, #tpu.memory_space<vmem>>)
      %dma_wait3A_668 = arith.constant 768 : i32
      %dma_wait3A_669 = arith.constant 0 : i32
      %dma_wait3A_670 = tpu.memref_slice %arg6[%rem3A_494, %dma_wait3A_668, %dma_wait3A_669] : memref<2x1024x32xf32, #tpu.memory_space<vmem>> -> memref<1x128x32xf32, #tpu.memory_space<vmem>>
      %dma_wait3A_671 = tpu.memref_squeeze %dma_wait3A_670 : memref<1x128x32xf32, #tpu.memory_space<vmem>> -> memref<128x32xf32, #tpu.memory_space<vmem>>
      %dma_wait3A_672 = arith.constant 0 : i32
      %dma_wait3A_673 = tpu.memref_slice %arg5[%add3A_583, %dma_wait3A_672] : memref<24x128xi32, #tpu.memory_space<vmem>> -> memref<1x128xi32, #tpu.memory_space<vmem>>
      %dma_wait3A_674 = tpu.memref_squeeze %dma_wait3A_673 : memref<1x128xi32, #tpu.memory_space<vmem>> -> memref<128xi32, #tpu.memory_space<vmem>>
      %dma_wait3A_675 = arith.constant 0 : i32
      %dma_wait3A_676 = arith.constant 0 : i32
      %dma_wait3A_677 = tpu.memref_slice %arg3[%dma_wait3A_675, %dma_wait3A_676] : memref<655360x32xf32, #tpu.memory_space<hbm>> -> memref<655360x32xf32, #tpu.memory_space<hbm>>
      tpu.wait_indirect_dma semaphore(%arg7 : memref<!tpu.dma_semaphore, #tpu.memory_space<semaphore_mem>>) src(%dma_wait3A_677 : memref<655360x32xf32, #tpu.memory_space<hbm>>) dst(%dma_wait3A_671 : memref<128x32xf32, #tpu.memory_space<vmem>>)
      %dma_wait3A_678 = arith.constant 896 : i32
      %dma_wait3A_679 = arith.constant 0 : i32
      %dma_wait3A_680 = tpu.memref_slice %arg6[%rem3A_494, %dma_wait3A_678, %dma_wait3A_679] : memref<2x1024x32xf32, #tpu.memory_space<vmem>> -> memref<1x128x32xf32, #tpu.memory_space<vmem>>
      %dma_wait3A_681 = tpu.memref_squeeze %dma_wait3A_680 : memref<1x128x32xf32, #tpu.memory_space<vmem>> -> memref<128x32xf32, #tpu.memory_space<vmem>>
      %dma_wait3A_682 = arith.constant 0 : i32
      %dma_wait3A_683 = tpu.memref_slice %arg5[%add3A_597, %dma_wait3A_682] : memref<24x128xi32, #tpu.memory_space<vmem>> -> memref<1x128xi32, #tpu.memory_space<vmem>>
      %dma_wait3A_684 = tpu.memref_squeeze %dma_wait3A_683 : memref<1x128xi32, #tpu.memory_space<vmem>> -> memref<128xi32, #tpu.memory_space<vmem>>
      %dma_wait3A_685 = arith.constant 0 : i32
      %dma_wait3A_686 = arith.constant 0 : i32
      %dma_wait3A_687 = tpu.memref_slice %arg3[%dma_wait3A_685, %dma_wait3A_686] : memref<655360x32xf32, #tpu.memory_space<hbm>> -> memref<655360x32xf32, #tpu.memory_space<hbm>>
      tpu.wait_indirect_dma semaphore(%arg7 : memref<!tpu.dma_semaphore, #tpu.memory_space<semaphore_mem>>) src(%dma_wait3A_687 : memref<655360x32xf32, #tpu.memory_space<hbm>>) dst(%dma_wait3A_681 : memref<128x32xf32, #tpu.memory_space<vmem>>)
      %mul3A_688 = arith.constant 8 : i32
      %mul3A_689 = arith.muli %scan3A_492, %mul3A_688 : i32
      %add3A_690 = arith.constant 0 : i32
      %add3A_691 = arith.addi %mul3A_689, %add3A_690 : i32
      %add3A_692 = arith.addi %add3A_4, %add3A_691 : i32
      %div3A_693 = arith.constant 128 : i32
      %div3A_694 = arith.divsi %add3A_692, %div3A_693 : i32
      %sub3A_695 = arith.constant 20 : i32
      %sub3A_696 = arith.subi %div3A_694, %sub3A_695 : i32
      %div3A_697 = arith.constant 4 : i32
      %div3A_698 = arith.divsi %sub3A_696, %div3A_697 : i32
      %rem3A_699 = arith.constant 4 : i32
      %rem3A_700 = arith.remsi %sub3A_696, %rem3A_699 : i32
      %rem3A_701 = arith.constant 128 : i32
      %rem3A_702 = arith.remsi %add3A_692, %rem3A_701 : i32
      %mul3A_703 = arith.constant 128 : i32
      %mul3A_704 = arith.muli %rem3A_702, %mul3A_703 : i32
      %mul3A_705 = arith.constant 16384 : i32
      %mul3A_706 = arith.muli %div3A_698, %mul3A_705 : i32
      %add3A_707 = arith.addi %mul3A_706, %mul3A_704 : i32
      %mul3A_708 = arith.constant 32 : i32
      %mul3A_709 = arith.muli %mul3A_708, %rem3A_700 : i32
      %dma_start3A_710 = arith.constant 0 : i32
      %dma_start3A_711 = arith.constant 0 : i32
      %dma_start3A_712 = tpu.memref_slice %arg6[%rem3A_494, %dma_start3A_710, %dma_start3A_711] : memref<2x1024x32xf32, #tpu.memory_space<vmem>> -> memref<1x128x32xf32, #tpu.memory_space<vmem>>
      %dma_start3A_713 = tpu.memref_squeeze %dma_start3A_712 : memref<1x128x32xf32, #tpu.memory_space<vmem>> -> memref<128x32xf32, #tpu.memory_space<vmem>>
      %dma_start3A_714 = tpu.memref_slice %arg4[%add3A_707, %mul3A_709] : memref<32768x128xf32, #tpu.memory_space<hbm>> -> memref<128x32xf32, #tpu.memory_space<hbm>>
      %dma_start3A_715 = tpu.memref_slice %arg4[%add3A_707, %mul3A_709] : memref<32768x128xf32, #tpu.memory_space<hbm>> -> memref<128x32xf32, #tpu.memory_space<hbm>>
      %dma_start3A_716 = arith.constant 0 : i32
      %dma_start3A_717 = arith.constant 0 : i32
      %dma_start3A_718 = tpu.memref_slice %arg6[%rem3A_494, %dma_start3A_716, %dma_start3A_717] : memref<2x1024x32xf32, #tpu.memory_space<vmem>> -> memref<1x128x32xf32, #tpu.memory_space<vmem>>
      %dma_start3A_719 = tpu.memref_squeeze %dma_start3A_718 : memref<1x128x32xf32, #tpu.memory_space<vmem>> -> memref<128x32xf32, #tpu.memory_space<vmem>>
      tpu.enqueue_dma source(%dma_start3A_719 : memref<128x32xf32, #tpu.memory_space<vmem>>) target(%dma_start3A_715 : memref<128x32xf32, #tpu.memory_space<hbm>>) target_semaphore(%arg8 : memref<!tpu.dma_semaphore, #tpu.memory_space<semaphore_mem>>)
      %mul3A_720 = arith.constant 8 : i32
      %mul3A_721 = arith.muli %scan3A_492, %mul3A_720 : i32
      %add3A_722 = arith.constant 1 : i32
      %add3A_723 = arith.addi %mul3A_721, %add3A_722 : i32
      %add3A_724 = arith.addi %add3A_4, %add3A_723 : i32
      %div3A_725 = arith.constant 128 : i32
      %div3A_726 = arith.divsi %add3A_724, %div3A_725 : i32
      %sub3A_727 = arith.constant 20 : i32
      %sub3A_728 = arith.subi %div3A_726, %sub3A_727 : i32
      %div3A_729 = arith.constant 4 : i32
      %div3A_730 = arith.divsi %sub3A_728, %div3A_729 : i32
      %rem3A_731 = arith.constant 4 : i32
      %rem3A_732 = arith.remsi %sub3A_728, %rem3A_731 : i32
      %rem3A_733 = arith.constant 128 : i32
      %rem3A_734 = arith.remsi %add3A_724, %rem3A_733 : i32
      %mul3A_735 = arith.constant 128 : i32
      %mul3A_736 = arith.muli %rem3A_734, %mul3A_735 : i32
      %mul3A_737 = arith.constant 16384 : i32
      %mul3A_738 = arith.muli %div3A_730, %mul3A_737 : i32
      %add3A_739 = arith.addi %mul3A_738, %mul3A_736 : i32
      %mul3A_740 = arith.constant 32 : i32
      %mul3A_741 = arith.muli %mul3A_740, %rem3A_732 : i32
      %dma_start3A_742 = arith.constant 128 : i32
      %dma_start3A_743 = arith.constant 0 : i32
      %dma_start3A_744 = tpu.memref_slice %arg6[%rem3A_494, %dma_start3A_742, %dma_start3A_743] : memref<2x1024x32xf32, #tpu.memory_space<vmem>> -> memref<1x128x32xf32, #tpu.memory_space<vmem>>
      %dma_start3A_745 = tpu.memref_squeeze %dma_start3A_744 : memref<1x128x32xf32, #tpu.memory_space<vmem>> -> memref<128x32xf32, #tpu.memory_space<vmem>>
      %dma_start3A_746 = tpu.memref_slice %arg4[%add3A_739, %mul3A_741] : memref<32768x128xf32, #tpu.memory_space<hbm>> -> memref<128x32xf32, #tpu.memory_space<hbm>>
      %dma_start3A_747 = tpu.memref_slice %arg4[%add3A_739, %mul3A_741] : memref<32768x128xf32, #tpu.memory_space<hbm>> -> memref<128x32xf32, #tpu.memory_space<hbm>>
      %dma_start3A_748 = arith.constant 128 : i32
      %dma_start3A_749 = arith.constant 0 : i32
      %dma_start3A_750 = tpu.memref_slice %arg6[%rem3A_494, %dma_start3A_748, %dma_start3A_749] : memref<2x1024x32xf32, #tpu.memory_space<vmem>> -> memref<1x128x32xf32, #tpu.memory_space<vmem>>
      %dma_start3A_751 = tpu.memref_squeeze %dma_start3A_750 : memref<1x128x32xf32, #tpu.memory_space<vmem>> -> memref<128x32xf32, #tpu.memory_space<vmem>>
      tpu.enqueue_dma source(%dma_start3A_751 : memref<128x32xf32, #tpu.memory_space<vmem>>) target(%dma_start3A_747 : memref<128x32xf32, #tpu.memory_space<hbm>>) target_semaphore(%arg8 : memref<!tpu.dma_semaphore, #tpu.memory_space<semaphore_mem>>)
      %mul3A_752 = arith.constant 8 : i32
      %mul3A_753 = arith.muli %scan3A_492, %mul3A_752 : i32
      %add3A_754 = arith.constant 2 : i32
      %add3A_755 = arith.addi %mul3A_753, %add3A_754 : i32
      %add3A_756 = arith.addi %add3A_4, %add3A_755 : i32
      %div3A_757 = arith.constant 128 : i32
      %div3A_758 = arith.divsi %add3A_756, %div3A_757 : i32
      %sub3A_759 = arith.constant 20 : i32
      %sub3A_760 = arith.subi %div3A_758, %sub3A_759 : i32
      %div3A_761 = arith.constant 4 : i32
      %div3A_762 = arith.divsi %sub3A_760, %div3A_761 : i32
      %rem3A_763 = arith.constant 4 : i32
      %rem3A_764 = arith.remsi %sub3A_760, %rem3A_763 : i32
      %rem3A_765 = arith.constant 128 : i32
      %rem3A_766 = arith.remsi %add3A_756, %rem3A_765 : i32
      %mul3A_767 = arith.constant 128 : i32
      %mul3A_768 = arith.muli %rem3A_766, %mul3A_767 : i32
      %mul3A_769 = arith.constant 16384 : i32
      %mul3A_770 = arith.muli %div3A_762, %mul3A_769 : i32
      %add3A_771 = arith.addi %mul3A_770, %mul3A_768 : i32
      %mul3A_772 = arith.constant 32 : i32
      %mul3A_773 = arith.muli %mul3A_772, %rem3A_764 : i32
      %dma_start3A_774 = arith.constant 256 : i32
      %dma_start3A_775 = arith.constant 0 : i32
      %dma_start3A_776 = tpu.memref_slice %arg6[%rem3A_494, %dma_start3A_774, %dma_start3A_775] : memref<2x1024x32xf32, #tpu.memory_space<vmem>> -> memref<1x128x32xf32, #tpu.memory_space<vmem>>
      %dma_start3A_777 = tpu.memref_squeeze %dma_start3A_776 : memref<1x128x32xf32, #tpu.memory_space<vmem>> -> memref<128x32xf32, #tpu.memory_space<vmem>>
      %dma_start3A_778 = tpu.memref_slice %arg4[%add3A_771, %mul3A_773] : memref<32768x128xf32, #tpu.memory_space<hbm>> -> memref<128x32xf32, #tpu.memory_space<hbm>>
      %dma_start3A_779 = tpu.memref_slice %arg4[%add3A_771, %mul3A_773] : memref<32768x128xf32, #tpu.memory_space<hbm>> -> memref<128x32xf32, #tpu.memory_space<hbm>>
      %dma_start3A_780 = arith.constant 256 : i32
      %dma_start3A_781 = arith.constant 0 : i32
      %dma_start3A_782 = tpu.memref_slice %arg6[%rem3A_494, %dma_start3A_780, %dma_start3A_781] : memref<2x1024x32xf32, #tpu.memory_space<vmem>> -> memref<1x128x32xf32, #tpu.memory_space<vmem>>
      %dma_start3A_783 = tpu.memref_squeeze %dma_start3A_782 : memref<1x128x32xf32, #tpu.memory_space<vmem>> -> memref<128x32xf32, #tpu.memory_space<vmem>>
      tpu.enqueue_dma source(%dma_start3A_783 : memref<128x32xf32, #tpu.memory_space<vmem>>) target(%dma_start3A_779 : memref<128x32xf32, #tpu.memory_space<hbm>>) target_semaphore(%arg8 : memref<!tpu.dma_semaphore, #tpu.memory_space<semaphore_mem>>)
      %mul3A_784 = arith.constant 8 : i32
      %mul3A_785 = arith.muli %scan3A_492, %mul3A_784 : i32
      %add3A_786 = arith.constant 3 : i32
      %add3A_787 = arith.addi %mul3A_785, %add3A_786 : i32
      %add3A_788 = arith.addi %add3A_4, %add3A_787 : i32
      %div3A_789 = arith.constant 128 : i32
      %div3A_790 = arith.divsi %add3A_788, %div3A_789 : i32
      %sub3A_791 = arith.constant 20 : i32
      %sub3A_792 = arith.subi %div3A_790, %sub3A_791 : i32
      %div3A_793 = arith.constant 4 : i32
      %div3A_794 = arith.divsi %sub3A_792, %div3A_793 : i32
      %rem3A_795 = arith.constant 4 : i32
      %rem3A_796 = arith.remsi %sub3A_792, %rem3A_795 : i32
      %rem3A_797 = arith.constant 128 : i32
      %rem3A_798 = arith.remsi %add3A_788, %rem3A_797 : i32
      %mul3A_799 = arith.constant 128 : i32
      %mul3A_800 = arith.muli %rem3A_798, %mul3A_799 : i32
      %mul3A_801 = arith.constant 16384 : i32
      %mul3A_802 = arith.muli %div3A_794, %mul3A_801 : i32
      %add3A_803 = arith.addi %mul3A_802, %mul3A_800 : i32
      %mul3A_804 = arith.constant 32 : i32
      %mul3A_805 = arith.muli %mul3A_804, %rem3A_796 : i32
      %dma_start3A_806 = arith.constant 384 : i32
      %dma_start3A_807 = arith.constant 0 : i32
      %dma_start3A_808 = tpu.memref_slice %arg6[%rem3A_494, %dma_start3A_806, %dma_start3A_807] : memref<2x1024x32xf32, #tpu.memory_space<vmem>> -> memref<1x128x32xf32, #tpu.memory_space<vmem>>
      %dma_start3A_809 = tpu.memref_squeeze %dma_start3A_808 : memref<1x128x32xf32, #tpu.memory_space<vmem>> -> memref<128x32xf32, #tpu.memory_space<vmem>>
      %dma_start3A_810 = tpu.memref_slice %arg4[%add3A_803, %mul3A_805] : memref<32768x128xf32, #tpu.memory_space<hbm>> -> memref<128x32xf32, #tpu.memory_space<hbm>>
      %dma_start3A_811 = tpu.memref_slice %arg4[%add3A_803, %mul3A_805] : memref<32768x128xf32, #tpu.memory_space<hbm>> -> memref<128x32xf32, #tpu.memory_space<hbm>>
      %dma_start3A_812 = arith.constant 384 : i32
      %dma_start3A_813 = arith.constant 0 : i32
      %dma_start3A_814 = tpu.memref_slice %arg6[%rem3A_494, %dma_start3A_812, %dma_start3A_813] : memref<2x1024x32xf32, #tpu.memory_space<vmem>> -> memref<1x128x32xf32, #tpu.memory_space<vmem>>
      %dma_start3A_815 = tpu.memref_squeeze %dma_start3A_814 : memref<1x128x32xf32, #tpu.memory_space<vmem>> -> memref<128x32xf32, #tpu.memory_space<vmem>>
      tpu.enqueue_dma source(%dma_start3A_815 : memref<128x32xf32, #tpu.memory_space<vmem>>) target(%dma_start3A_811 : memref<128x32xf32, #tpu.memory_space<hbm>>) target_semaphore(%arg8 : memref<!tpu.dma_semaphore, #tpu.memory_space<semaphore_mem>>)
      %mul3A_816 = arith.constant 8 : i32
      %mul3A_817 = arith.muli %scan3A_492, %mul3A_816 : i32
      %add3A_818 = arith.constant 4 : i32
      %add3A_819 = arith.addi %mul3A_817, %add3A_818 : i32
      %add3A_820 = arith.addi %add3A_4, %add3A_819 : i32
      %div3A_821 = arith.constant 128 : i32
      %div3A_822 = arith.divsi %add3A_820, %div3A_821 : i32
      %sub3A_823 = arith.constant 20 : i32
      %sub3A_824 = arith.subi %div3A_822, %sub3A_823 : i32
      %div3A_825 = arith.constant 4 : i32
      %div3A_826 = arith.divsi %sub3A_824, %div3A_825 : i32
      %rem3A_827 = arith.constant 4 : i32
      %rem3A_828 = arith.remsi %sub3A_824, %rem3A_827 : i32
      %rem3A_829 = arith.constant 128 : i32
      %rem3A_830 = arith.remsi %add3A_820, %rem3A_829 : i32
      %mul3A_831 = arith.constant 128 : i32
      %mul3A_832 = arith.muli %rem3A_830, %mul3A_831 : i32
      %mul3A_833 = arith.constant 16384 : i32
      %mul3A_834 = arith.muli %div3A_826, %mul3A_833 : i32
      %add3A_835 = arith.addi %mul3A_834, %mul3A_832 : i32
      %mul3A_836 = arith.constant 32 : i32
      %mul3A_837 = arith.muli %mul3A_836, %rem3A_828 : i32
      %dma_start3A_838 = arith.constant 512 : i32
      %dma_start3A_839 = arith.constant 0 : i32
      %dma_start3A_840 = tpu.memref_slice %arg6[%rem3A_494, %dma_start3A_838, %dma_start3A_839] : memref<2x1024x32xf32, #tpu.memory_space<vmem>> -> memref<1x128x32xf32, #tpu.memory_space<vmem>>
      %dma_start3A_841 = tpu.memref_squeeze %dma_start3A_840 : memref<1x128x32xf32, #tpu.memory_space<vmem>> -> memref<128x32xf32, #tpu.memory_space<vmem>>
      %dma_start3A_842 = tpu.memref_slice %arg4[%add3A_835, %mul3A_837] : memref<32768x128xf32, #tpu.memory_space<hbm>> -> memref<128x32xf32, #tpu.memory_space<hbm>>
      %dma_start3A_843 = tpu.memref_slice %arg4[%add3A_835, %mul3A_837] : memref<32768x128xf32, #tpu.memory_space<hbm>> -> memref<128x32xf32, #tpu.memory_space<hbm>>
      %dma_start3A_844 = arith.constant 512 : i32
      %dma_start3A_845 = arith.constant 0 : i32
      %dma_start3A_846 = tpu.memref_slice %arg6[%rem3A_494, %dma_start3A_844, %dma_start3A_845] : memref<2x1024x32xf32, #tpu.memory_space<vmem>> -> memref<1x128x32xf32, #tpu.memory_space<vmem>>
      %dma_start3A_847 = tpu.memref_squeeze %dma_start3A_846 : memref<1x128x32xf32, #tpu.memory_space<vmem>> -> memref<128x32xf32, #tpu.memory_space<vmem>>
      tpu.enqueue_dma source(%dma_start3A_847 : memref<128x32xf32, #tpu.memory_space<vmem>>) target(%dma_start3A_843 : memref<128x32xf32, #tpu.memory_space<hbm>>) target_semaphore(%arg8 : memref<!tpu.dma_semaphore, #tpu.memory_space<semaphore_mem>>)
      %mul3A_848 = arith.constant 8 : i32
      %mul3A_849 = arith.muli %scan3A_492, %mul3A_848 : i32
      %add3A_850 = arith.constant 5 : i32
      %add3A_851 = arith.addi %mul3A_849, %add3A_850 : i32
      %add3A_852 = arith.addi %add3A_4, %add3A_851 : i32
      %div3A_853 = arith.constant 128 : i32
      %div3A_854 = arith.divsi %add3A_852, %div3A_853 : i32
      %sub3A_855 = arith.constant 20 : i32
      %sub3A_856 = arith.subi %div3A_854, %sub3A_855 : i32
      %div3A_857 = arith.constant 4 : i32
      %div3A_858 = arith.divsi %sub3A_856, %div3A_857 : i32
      %rem3A_859 = arith.constant 4 : i32
      %rem3A_860 = arith.remsi %sub3A_856, %rem3A_859 : i32
      %rem3A_861 = arith.constant 128 : i32
      %rem3A_862 = arith.remsi %add3A_852, %rem3A_861 : i32
      %mul3A_863 = arith.constant 128 : i32
      %mul3A_864 = arith.muli %rem3A_862, %mul3A_863 : i32
      %mul3A_865 = arith.constant 16384 : i32
      %mul3A_866 = arith.muli %div3A_858, %mul3A_865 : i32
      %add3A_867 = arith.addi %mul3A_866, %mul3A_864 : i32
      %mul3A_868 = arith.constant 32 : i32
      %mul3A_869 = arith.muli %mul3A_868, %rem3A_860 : i32
      %dma_start3A_870 = arith.constant 640 : i32
      %dma_start3A_871 = arith.constant 0 : i32
      %dma_start3A_872 = tpu.memref_slice %arg6[%rem3A_494, %dma_start3A_870, %dma_start3A_871] : memref<2x1024x32xf32, #tpu.memory_space<vmem>> -> memref<1x128x32xf32, #tpu.memory_space<vmem>>
      %dma_start3A_873 = tpu.memref_squeeze %dma_start3A_872 : memref<1x128x32xf32, #tpu.memory_space<vmem>> -> memref<128x32xf32, #tpu.memory_space<vmem>>
      %dma_start3A_874 = tpu.memref_slice %arg4[%add3A_867, %mul3A_869] : memref<32768x128xf32, #tpu.memory_space<hbm>> -> memref<128x32xf32, #tpu.memory_space<hbm>>
      %dma_start3A_875 = tpu.memref_slice %arg4[%add3A_867, %mul3A_869] : memref<32768x128xf32, #tpu.memory_space<hbm>> -> memref<128x32xf32, #tpu.memory_space<hbm>>
      %dma_start3A_876 = arith.constant 640 : i32
      %dma_start3A_877 = arith.constant 0 : i32
      %dma_start3A_878 = tpu.memref_slice %arg6[%rem3A_494, %dma_start3A_876, %dma_start3A_877] : memref<2x1024x32xf32, #tpu.memory_space<vmem>> -> memref<1x128x32xf32, #tpu.memory_space<vmem>>
      %dma_start3A_879 = tpu.memref_squeeze %dma_start3A_878 : memref<1x128x32xf32, #tpu.memory_space<vmem>> -> memref<128x32xf32, #tpu.memory_space<vmem>>
      tpu.enqueue_dma source(%dma_start3A_879 : memref<128x32xf32, #tpu.memory_space<vmem>>) target(%dma_start3A_875 : memref<128x32xf32, #tpu.memory_space<hbm>>) target_semaphore(%arg8 : memref<!tpu.dma_semaphore, #tpu.memory_space<semaphore_mem>>)
      %mul3A_880 = arith.constant 8 : i32
      %mul3A_881 = arith.muli %scan3A_492, %mul3A_880 : i32
      %add3A_882 = arith.constant 6 : i32
      %add3A_883 = arith.addi %mul3A_881, %add3A_882 : i32
      %add3A_884 = arith.addi %add3A_4, %add3A_883 : i32
      %div3A_885 = arith.constant 128 : i32
      %div3A_886 = arith.divsi %add3A_884, %div3A_885 : i32
      %sub3A_887 = arith.constant 20 : i32
      %sub3A_888 = arith.subi %div3A_886, %sub3A_887 : i32
      %div3A_889 = arith.constant 4 : i32
      %div3A_890 = arith.divsi %sub3A_888, %div3A_889 : i32
      %rem3A_891 = arith.constant 4 : i32
      %rem3A_892 = arith.remsi %sub3A_888, %rem3A_891 : i32
      %rem3A_893 = arith.constant 128 : i32
      %rem3A_894 = arith.remsi %add3A_884, %rem3A_893 : i32
      %mul3A_895 = arith.constant 128 : i32
      %mul3A_896 = arith.muli %rem3A_894, %mul3A_895 : i32
      %mul3A_897 = arith.constant 16384 : i32
      %mul3A_898 = arith.muli %div3A_890, %mul3A_897 : i32
      %add3A_899 = arith.addi %mul3A_898, %mul3A_896 : i32
      %mul3A_900 = arith.constant 32 : i32
      %mul3A_901 = arith.muli %mul3A_900, %rem3A_892 : i32
      %dma_start3A_902 = arith.constant 768 : i32
      %dma_start3A_903 = arith.constant 0 : i32
      %dma_start3A_904 = tpu.memref_slice %arg6[%rem3A_494, %dma_start3A_902, %dma_start3A_903] : memref<2x1024x32xf32, #tpu.memory_space<vmem>> -> memref<1x128x32xf32, #tpu.memory_space<vmem>>
      %dma_start3A_905 = tpu.memref_squeeze %dma_start3A_904 : memref<1x128x32xf32, #tpu.memory_space<vmem>> -> memref<128x32xf32, #tpu.memory_space<vmem>>
      %dma_start3A_906 = tpu.memref_slice %arg4[%add3A_899, %mul3A_901] : memref<32768x128xf32, #tpu.memory_space<hbm>> -> memref<128x32xf32, #tpu.memory_space<hbm>>
      %dma_start3A_907 = tpu.memref_slice %arg4[%add3A_899, %mul3A_901] : memref<32768x128xf32, #tpu.memory_space<hbm>> -> memref<128x32xf32, #tpu.memory_space<hbm>>
      %dma_start3A_908 = arith.constant 768 : i32
      %dma_start3A_909 = arith.constant 0 : i32
      %dma_start3A_910 = tpu.memref_slice %arg6[%rem3A_494, %dma_start3A_908, %dma_start3A_909] : memref<2x1024x32xf32, #tpu.memory_space<vmem>> -> memref<1x128x32xf32, #tpu.memory_space<vmem>>
      %dma_start3A_911 = tpu.memref_squeeze %dma_start3A_910 : memref<1x128x32xf32, #tpu.memory_space<vmem>> -> memref<128x32xf32, #tpu.memory_space<vmem>>
      tpu.enqueue_dma source(%dma_start3A_911 : memref<128x32xf32, #tpu.memory_space<vmem>>) target(%dma_start3A_907 : memref<128x32xf32, #tpu.memory_space<hbm>>) target_semaphore(%arg8 : memref<!tpu.dma_semaphore, #tpu.memory_space<semaphore_mem>>)
      %mul3A_912 = arith.constant 8 : i32
      %mul3A_913 = arith.muli %scan3A_492, %mul3A_912 : i32
      %add3A_914 = arith.constant 7 : i32
      %add3A_915 = arith.addi %mul3A_913, %add3A_914 : i32
      %add3A_916 = arith.addi %add3A_4, %add3A_915 : i32
      %div3A_917 = arith.constant 128 : i32
      %div3A_918 = arith.divsi %add3A_916, %div3A_917 : i32
      %sub3A_919 = arith.constant 20 : i32
      %sub3A_920 = arith.subi %div3A_918, %sub3A_919 : i32
      %div3A_921 = arith.constant 4 : i32
      %div3A_922 = arith.divsi %sub3A_920, %div3A_921 : i32
      %rem3A_923 = arith.constant 4 : i32
      %rem3A_924 = arith.remsi %sub3A_920, %rem3A_923 : i32
      %rem3A_925 = arith.constant 128 : i32
      %rem3A_926 = arith.remsi %add3A_916, %rem3A_925 : i32
      %mul3A_927 = arith.constant 128 : i32
      %mul3A_928 = arith.muli %rem3A_926, %mul3A_927 : i32
      %mul3A_929 = arith.constant 16384 : i32
      %mul3A_930 = arith.muli %div3A_922, %mul3A_929 : i32
      %add3A_931 = arith.addi %mul3A_930, %mul3A_928 : i32
      %mul3A_932 = arith.constant 32 : i32
      %mul3A_933 = arith.muli %mul3A_932, %rem3A_924 : i32
      %dma_start3A_934 = arith.constant 896 : i32
      %dma_start3A_935 = arith.constant 0 : i32
      %dma_start3A_936 = tpu.memref_slice %arg6[%rem3A_494, %dma_start3A_934, %dma_start3A_935] : memref<2x1024x32xf32, #tpu.memory_space<vmem>> -> memref<1x128x32xf32, #tpu.memory_space<vmem>>
      %dma_start3A_937 = tpu.memref_squeeze %dma_start3A_936 : memref<1x128x32xf32, #tpu.memory_space<vmem>> -> memref<128x32xf32, #tpu.memory_space<vmem>>
      %dma_start3A_938 = tpu.memref_slice %arg4[%add3A_931, %mul3A_933] : memref<32768x128xf32, #tpu.memory_space<hbm>> -> memref<128x32xf32, #tpu.memory_space<hbm>>
      %dma_start3A_939 = tpu.memref_slice %arg4[%add3A_931, %mul3A_933] : memref<32768x128xf32, #tpu.memory_space<hbm>> -> memref<128x32xf32, #tpu.memory_space<hbm>>
      %dma_start3A_940 = arith.constant 896 : i32
      %dma_start3A_941 = arith.constant 0 : i32
      %dma_start3A_942 = tpu.memref_slice %arg6[%rem3A_494, %dma_start3A_940, %dma_start3A_941] : memref<2x1024x32xf32, #tpu.memory_space<vmem>> -> memref<1x128x32xf32, #tpu.memory_space<vmem>>
      %dma_start3A_943 = tpu.memref_squeeze %dma_start3A_942 : memref<1x128x32xf32, #tpu.memory_space<vmem>> -> memref<128x32xf32, #tpu.memory_space<vmem>>
      tpu.enqueue_dma source(%dma_start3A_943 : memref<128x32xf32, #tpu.memory_space<vmem>>) target(%dma_start3A_939 : memref<128x32xf32, #tpu.memory_space<hbm>>) target_semaphore(%arg8 : memref<!tpu.dma_semaphore, #tpu.memory_space<semaphore_mem>>)
    }
    %scan3A_15 = arith.constant 3 : i32
    %add3A_16 = arith.constant 0 : i32
    %add3A_17 = arith.addi %add3A_4, %add3A_16 : i32
    %div3A = arith.constant 128 : i32
    %div3A_18 = arith.divsi %add3A_17, %div3A : i32
    %sub3A = arith.constant 20 : i32
    %sub3A_19 = arith.subi %div3A_18, %sub3A : i32
    %div3A_20 = arith.constant 4 : i32
    %div3A_21 = arith.divsi %sub3A_19, %div3A_20 : i32
    %rem3A = arith.constant 4 : i32
    %rem3A_22 = arith.remsi %sub3A_19, %rem3A : i32
    %rem3A_23 = arith.constant 128 : i32
    %rem3A_24 = arith.remsi %add3A_17, %rem3A_23 : i32
    %mul3A_25 = arith.constant 128 : i32
    %mul3A_26 = arith.muli %rem3A_24, %mul3A_25 : i32
    %mul3A_27 = arith.constant 16384 : i32
    %mul3A_28 = arith.muli %div3A_21, %mul3A_27 : i32
    %add3A_29 = arith.addi %mul3A_28, %mul3A_26 : i32
    %mul3A_30 = arith.constant 32 : i32
    %mul3A_31 = arith.muli %mul3A_30, %rem3A_22 : i32
    %dma_wait3A = arith.constant 0 : i32
    %dma_wait3A_32 = arith.constant 0 : i32
    %dma_wait3A_33 = arith.constant 0 : i32
    %dma_wait3A_34 = tpu.memref_slice %arg6[%dma_wait3A, %dma_wait3A_32, %dma_wait3A_33] : memref<2x1024x32xf32, #tpu.memory_space<vmem>> -> memref<1x128x32xf32, #tpu.memory_space<vmem>>
    %dma_wait3A_35 = tpu.memref_squeeze %dma_wait3A_34 : memref<1x128x32xf32, #tpu.memory_space<vmem>> -> memref<128x32xf32, #tpu.memory_space<vmem>>
    %dma_wait3A_36 = tpu.memref_slice %arg4[%add3A_29, %mul3A_31] : memref<32768x128xf32, #tpu.memory_space<hbm>> -> memref<128x32xf32, #tpu.memory_space<hbm>>
    %dma_wait3A_37 = tpu.memref_slice %arg4[%add3A_29, %mul3A_31] : memref<32768x128xf32, #tpu.memory_space<hbm>> -> memref<128x32xf32, #tpu.memory_space<hbm>>
    %dma_wait3A_38 = arith.constant 0 : i32
    %dma_wait3A_39 = arith.constant 0 : i32
    %dma_wait3A_40 = tpu.memref_slice %arg6[%dma_wait3A, %dma_wait3A_38, %dma_wait3A_39] : memref<2x1024x32xf32, #tpu.memory_space<vmem>> -> memref<1x128x32xf32, #tpu.memory_space<vmem>>
    %dma_wait3A_41 = tpu.memref_squeeze %dma_wait3A_40 : memref<1x128x32xf32, #tpu.memory_space<vmem>> -> memref<128x32xf32, #tpu.memory_space<vmem>>
    tpu.wait_dma2 semaphore(%arg8 : memref<!tpu.dma_semaphore, #tpu.memory_space<semaphore_mem>>) src(%dma_wait3A_41 : memref<128x32xf32, #tpu.memory_space<vmem>>) dst(%dma_wait3A_37 : memref<128x32xf32, #tpu.memory_space<hbm>>)
    %add3A_42 = arith.constant 0 : i32
    %add3A_43 = arith.addi %add3A_4, %add3A_42 : i32
    %div3A_44 = arith.constant 128 : i32
    %div3A_45 = arith.divsi %add3A_43, %div3A_44 : i32
    %sub3A_46 = arith.constant 20 : i32
    %sub3A_47 = arith.subi %div3A_45, %sub3A_46 : i32
    %div3A_48 = arith.constant 4 : i32
    %div3A_49 = arith.divsi %sub3A_47, %div3A_48 : i32
    %rem3A_50 = arith.constant 4 : i32
    %rem3A_51 = arith.remsi %sub3A_47, %rem3A_50 : i32
    %rem3A_52 = arith.constant 128 : i32
    %rem3A_53 = arith.remsi %add3A_43, %rem3A_52 : i32
    %mul3A_54 = arith.constant 128 : i32
    %mul3A_55 = arith.muli %rem3A_53, %mul3A_54 : i32
    %mul3A_56 = arith.constant 16384 : i32
    %mul3A_57 = arith.muli %div3A_49, %mul3A_56 : i32
    %add3A_58 = arith.addi %mul3A_57, %mul3A_55 : i32
    %mul3A_59 = arith.constant 32 : i32
    %mul3A_60 = arith.muli %mul3A_59, %rem3A_51 : i32
    %dma_wait3A_61 = arith.constant 0 : i32
    %dma_wait3A_62 = arith.constant 0 : i32
    %dma_wait3A_63 = arith.constant 0 : i32
    %dma_wait3A_64 = tpu.memref_slice %arg6[%dma_wait3A_61, %dma_wait3A_62, %dma_wait3A_63] : memref<2x1024x32xf32, #tpu.memory_space<vmem>> -> memref<1x128x32xf32, #tpu.memory_space<vmem>>
    %dma_wait3A_65 = tpu.memref_squeeze %dma_wait3A_64 : memref<1x128x32xf32, #tpu.memory_space<vmem>> -> memref<128x32xf32, #tpu.memory_space<vmem>>
    %dma_wait3A_66 = tpu.memref_slice %arg4[%add3A_58, %mul3A_60] : memref<32768x128xf32, #tpu.memory_space<hbm>> -> memref<128x32xf32, #tpu.memory_space<hbm>>
    %dma_wait3A_67 = tpu.memref_slice %arg4[%add3A_58, %mul3A_60] : memref<32768x128xf32, #tpu.memory_space<hbm>> -> memref<128x32xf32, #tpu.memory_space<hbm>>
    %dma_wait3A_68 = arith.constant 0 : i32
    %dma_wait3A_69 = arith.constant 0 : i32
    %dma_wait3A_70 = tpu.memref_slice %arg6[%dma_wait3A_61, %dma_wait3A_68, %dma_wait3A_69] : memref<2x1024x32xf32, #tpu.memory_space<vmem>> -> memref<1x128x32xf32, #tpu.memory_space<vmem>>
    %dma_wait3A_71 = tpu.memref_squeeze %dma_wait3A_70 : memref<1x128x32xf32, #tpu.memory_space<vmem>> -> memref<128x32xf32, #tpu.memory_space<vmem>>
    tpu.wait_dma2 semaphore(%arg8 : memref<!tpu.dma_semaphore, #tpu.memory_space<semaphore_mem>>) src(%dma_wait3A_71 : memref<128x32xf32, #tpu.memory_space<vmem>>) dst(%dma_wait3A_67 : memref<128x32xf32, #tpu.memory_space<hbm>>)
    %add3A_72 = arith.constant 0 : i32
    %add3A_73 = arith.addi %add3A_4, %add3A_72 : i32
    %div3A_74 = arith.constant 128 : i32
    %div3A_75 = arith.divsi %add3A_73, %div3A_74 : i32
    %sub3A_76 = arith.constant 20 : i32
    %sub3A_77 = arith.subi %div3A_75, %sub3A_76 : i32
    %div3A_78 = arith.constant 4 : i32
    %div3A_79 = arith.divsi %sub3A_77, %div3A_78 : i32
    %rem3A_80 = arith.constant 4 : i32
    %rem3A_81 = arith.remsi %sub3A_77, %rem3A_80 : i32
    %rem3A_82 = arith.constant 128 : i32
    %rem3A_83 = arith.remsi %add3A_73, %rem3A_82 : i32
    %mul3A_84 = arith.constant 128 : i32
    %mul3A_85 = arith.muli %rem3A_83, %mul3A_84 : i32
    %mul3A_86 = arith.constant 16384 : i32
    %mul3A_87 = arith.muli %div3A_79, %mul3A_86 : i32
    %add3A_88 = arith.addi %mul3A_87, %mul3A_85 : i32
    %mul3A_89 = arith.constant 32 : i32
    %mul3A_90 = arith.muli %mul3A_89, %rem3A_81 : i32
    %dma_wait3A_91 = arith.constant 0 : i32
    %dma_wait3A_92 = arith.constant 0 : i32
    %dma_wait3A_93 = arith.constant 0 : i32
    %dma_wait3A_94 = tpu.memref_slice %arg6[%dma_wait3A_91, %dma_wait3A_92, %dma_wait3A_93] : memref<2x1024x32xf32, #tpu.memory_space<vmem>> -> memref<1x128x32xf32, #tpu.memory_space<vmem>>
    %dma_wait3A_95 = tpu.memref_squeeze %dma_wait3A_94 : memref<1x128x32xf32, #tpu.memory_space<vmem>> -> memref<128x32xf32, #tpu.memory_space<vmem>>
    %dma_wait3A_96 = tpu.memref_slice %arg4[%add3A_88, %mul3A_90] : memref<32768x128xf32, #tpu.memory_space<hbm>> -> memref<128x32xf32, #tpu.memory_space<hbm>>
    %dma_wait3A_97 = tpu.memref_slice %arg4[%add3A_88, %mul3A_90] : memref<32768x128xf32, #tpu.memory_space<hbm>> -> memref<128x32xf32, #tpu.memory_space<hbm>>
    %dma_wait3A_98 = arith.constant 0 : i32
    %dma_wait3A_99 = arith.constant 0 : i32
    %dma_wait3A_100 = tpu.memref_slice %arg6[%dma_wait3A_91, %dma_wait3A_98, %dma_wait3A_99] : memref<2x1024x32xf32, #tpu.memory_space<vmem>> -> memref<1x128x32xf32, #tpu.memory_space<vmem>>
    %dma_wait3A_101 = tpu.memref_squeeze %dma_wait3A_100 : memref<1x128x32xf32, #tpu.memory_space<vmem>> -> memref<128x32xf32, #tpu.memory_space<vmem>>
    tpu.wait_dma2 semaphore(%arg8 : memref<!tpu.dma_semaphore, #tpu.memory_space<semaphore_mem>>) src(%dma_wait3A_101 : memref<128x32xf32, #tpu.memory_space<vmem>>) dst(%dma_wait3A_97 : memref<128x32xf32, #tpu.memory_space<hbm>>)
    %add3A_102 = arith.constant 0 : i32
    %add3A_103 = arith.addi %add3A_4, %add3A_102 : i32
    %div3A_104 = arith.constant 128 : i32
    %div3A_105 = arith.divsi %add3A_103, %div3A_104 : i32
    %sub3A_106 = arith.constant 20 : i32
    %sub3A_107 = arith.subi %div3A_105, %sub3A_106 : i32
    %div3A_108 = arith.constant 4 : i32
    %div3A_109 = arith.divsi %sub3A_107, %div3A_108 : i32
    %rem3A_110 = arith.constant 4 : i32
    %rem3A_111 = arith.remsi %sub3A_107, %rem3A_110 : i32
    %rem3A_112 = arith.constant 128 : i32
    %rem3A_113 = arith.remsi %add3A_103, %rem3A_112 : i32
    %mul3A_114 = arith.constant 128 : i32
    %mul3A_115 = arith.muli %rem3A_113, %mul3A_114 : i32
    %mul3A_116 = arith.constant 16384 : i32
    %mul3A_117 = arith.muli %div3A_109, %mul3A_116 : i32
    %add3A_118 = arith.addi %mul3A_117, %mul3A_115 : i32
    %mul3A_119 = arith.constant 32 : i32
    %mul3A_120 = arith.muli %mul3A_119, %rem3A_111 : i32
    %dma_wait3A_121 = arith.constant 0 : i32
    %dma_wait3A_122 = arith.constant 0 : i32
    %dma_wait3A_123 = arith.constant 0 : i32
    %dma_wait3A_124 = tpu.memref_slice %arg6[%dma_wait3A_121, %dma_wait3A_122, %dma_wait3A_123] : memref<2x1024x32xf32, #tpu.memory_space<vmem>> -> memref<1x128x32xf32, #tpu.memory_space<vmem>>
    %dma_wait3A_125 = tpu.memref_squeeze %dma_wait3A_124 : memref<1x128x32xf32, #tpu.memory_space<vmem>> -> memref<128x32xf32, #tpu.memory_space<vmem>>
    %dma_wait3A_126 = tpu.memref_slice %arg4[%add3A_118, %mul3A_120] : memref<32768x128xf32, #tpu.memory_space<hbm>> -> memref<128x32xf32, #tpu.memory_space<hbm>>
    %dma_wait3A_127 = tpu.memref_slice %arg4[%add3A_118, %mul3A_120] : memref<32768x128xf32, #tpu.memory_space<hbm>> -> memref<128x32xf32, #tpu.memory_space<hbm>>
    %dma_wait3A_128 = arith.constant 0 : i32
    %dma_wait3A_129 = arith.constant 0 : i32
    %dma_wait3A_130 = tpu.memref_slice %arg6[%dma_wait3A_121, %dma_wait3A_128, %dma_wait3A_129] : memref<2x1024x32xf32, #tpu.memory_space<vmem>> -> memref<1x128x32xf32, #tpu.memory_space<vmem>>
    %dma_wait3A_131 = tpu.memref_squeeze %dma_wait3A_130 : memref<1x128x32xf32, #tpu.memory_space<vmem>> -> memref<128x32xf32, #tpu.memory_space<vmem>>
    tpu.wait_dma2 semaphore(%arg8 : memref<!tpu.dma_semaphore, #tpu.memory_space<semaphore_mem>>) src(%dma_wait3A_131 : memref<128x32xf32, #tpu.memory_space<vmem>>) dst(%dma_wait3A_127 : memref<128x32xf32, #tpu.memory_space<hbm>>)
    %add3A_132 = arith.constant 0 : i32
    %add3A_133 = arith.addi %add3A_4, %add3A_132 : i32
    %div3A_134 = arith.constant 128 : i32
    %div3A_135 = arith.divsi %add3A_133, %div3A_134 : i32
    %sub3A_136 = arith.constant 20 : i32
    %sub3A_137 = arith.subi %div3A_135, %sub3A_136 : i32
    %div3A_138 = arith.constant 4 : i32
    %div3A_139 = arith.divsi %sub3A_137, %div3A_138 : i32
    %rem3A_140 = arith.constant 4 : i32
    %rem3A_141 = arith.remsi %sub3A_137, %rem3A_140 : i32
    %rem3A_142 = arith.constant 128 : i32
    %rem3A_143 = arith.remsi %add3A_133, %rem3A_142 : i32
    %mul3A_144 = arith.constant 128 : i32
    %mul3A_145 = arith.muli %rem3A_143, %mul3A_144 : i32
    %mul3A_146 = arith.constant 16384 : i32
    %mul3A_147 = arith.muli %div3A_139, %mul3A_146 : i32
    %add3A_148 = arith.addi %mul3A_147, %mul3A_145 : i32
    %mul3A_149 = arith.constant 32 : i32
    %mul3A_150 = arith.muli %mul3A_149, %rem3A_141 : i32
    %dma_wait3A_151 = arith.constant 0 : i32
    %dma_wait3A_152 = arith.constant 0 : i32
    %dma_wait3A_153 = arith.constant 0 : i32
    %dma_wait3A_154 = tpu.memref_slice %arg6[%dma_wait3A_151, %dma_wait3A_152, %dma_wait3A_153] : memref<2x1024x32xf32, #tpu.memory_space<vmem>> -> memref<1x128x32xf32, #tpu.memory_space<vmem>>
    %dma_wait3A_155 = tpu.memref_squeeze %dma_wait3A_154 : memref<1x128x32xf32, #tpu.memory_space<vmem>> -> memref<128x32xf32, #tpu.memory_space<vmem>>
    %dma_wait3A_156 = tpu.memref_slice %arg4[%add3A_148, %mul3A_150] : memref<32768x128xf32, #tpu.memory_space<hbm>> -> memref<128x32xf32, #tpu.memory_space<hbm>>
    %dma_wait3A_157 = tpu.memref_slice %arg4[%add3A_148, %mul3A_150] : memref<32768x128xf32, #tpu.memory_space<hbm>> -> memref<128x32xf32, #tpu.memory_space<hbm>>
    %dma_wait3A_158 = arith.constant 0 : i32
    %dma_wait3A_159 = arith.constant 0 : i32
    %dma_wait3A_160 = tpu.memref_slice %arg6[%dma_wait3A_151, %dma_wait3A_158, %dma_wait3A_159] : memref<2x1024x32xf32, #tpu.memory_space<vmem>> -> memref<1x128x32xf32, #tpu.memory_space<vmem>>
    %dma_wait3A_161 = tpu.memref_squeeze %dma_wait3A_160 : memref<1x128x32xf32, #tpu.memory_space<vmem>> -> memref<128x32xf32, #tpu.memory_space<vmem>>
    tpu.wait_dma2 semaphore(%arg8 : memref<!tpu.dma_semaphore, #tpu.memory_space<semaphore_mem>>) src(%dma_wait3A_161 : memref<128x32xf32, #tpu.memory_space<vmem>>) dst(%dma_wait3A_157 : memref<128x32xf32, #tpu.memory_space<hbm>>)
    %add3A_162 = arith.constant 0 : i32
    %add3A_163 = arith.addi %add3A_4, %add3A_162 : i32
    %div3A_164 = arith.constant 128 : i32
    %div3A_165 = arith.divsi %add3A_163, %div3A_164 : i32
    %sub3A_166 = arith.constant 20 : i32
    %sub3A_167 = arith.subi %div3A_165, %sub3A_166 : i32
    %div3A_168 = arith.constant 4 : i32
    %div3A_169 = arith.divsi %sub3A_167, %div3A_168 : i32
    %rem3A_170 = arith.constant 4 : i32
    %rem3A_171 = arith.remsi %sub3A_167, %rem3A_170 : i32
    %rem3A_172 = arith.constant 128 : i32
    %rem3A_173 = arith.remsi %add3A_163, %rem3A_172 : i32
    %mul3A_174 = arith.constant 128 : i32
    %mul3A_175 = arith.muli %rem3A_173, %mul3A_174 : i32
    %mul3A_176 = arith.constant 16384 : i32
    %mul3A_177 = arith.muli %div3A_169, %mul3A_176 : i32
    %add3A_178 = arith.addi %mul3A_177, %mul3A_175 : i32
    %mul3A_179 = arith.constant 32 : i32
    %mul3A_180 = arith.muli %mul3A_179, %rem3A_171 : i32
    %dma_wait3A_181 = arith.constant 0 : i32
    %dma_wait3A_182 = arith.constant 0 : i32
    %dma_wait3A_183 = arith.constant 0 : i32
    %dma_wait3A_184 = tpu.memref_slice %arg6[%dma_wait3A_181, %dma_wait3A_182, %dma_wait3A_183] : memref<2x1024x32xf32, #tpu.memory_space<vmem>> -> memref<1x128x32xf32, #tpu.memory_space<vmem>>
    %dma_wait3A_185 = tpu.memref_squeeze %dma_wait3A_184 : memref<1x128x32xf32, #tpu.memory_space<vmem>> -> memref<128x32xf32, #tpu.memory_space<vmem>>
    %dma_wait3A_186 = tpu.memref_slice %arg4[%add3A_178, %mul3A_180] : memref<32768x128xf32, #tpu.memory_space<hbm>> -> memref<128x32xf32, #tpu.memory_space<hbm>>
    %dma_wait3A_187 = tpu.memref_slice %arg4[%add3A_178, %mul3A_180] : memref<32768x128xf32, #tpu.memory_space<hbm>> -> memref<128x32xf32, #tpu.memory_space<hbm>>
    %dma_wait3A_188 = arith.constant 0 : i32
    %dma_wait3A_189 = arith.constant 0 : i32
    %dma_wait3A_190 = tpu.memref_slice %arg6[%dma_wait3A_181, %dma_wait3A_188, %dma_wait3A_189] : memref<2x1024x32xf32, #tpu.memory_space<vmem>> -> memref<1x128x32xf32, #tpu.memory_space<vmem>>
    %dma_wait3A_191 = tpu.memref_squeeze %dma_wait3A_190 : memref<1x128x32xf32, #tpu.memory_space<vmem>> -> memref<128x32xf32, #tpu.memory_space<vmem>>
    tpu.wait_dma2 semaphore(%arg8 : memref<!tpu.dma_semaphore, #tpu.memory_space<semaphore_mem>>) src(%dma_wait3A_191 : memref<128x32xf32, #tpu.memory_space<vmem>>) dst(%dma_wait3A_187 : memref<128x32xf32, #tpu.memory_space<hbm>>)
    %add3A_192 = arith.constant 0 : i32
    %add3A_193 = arith.addi %add3A_4, %add3A_192 : i32
    %div3A_194 = arith.constant 128 : i32
    %div3A_195 = arith.divsi %add3A_193, %div3A_194 : i32
    %sub3A_196 = arith.constant 20 : i32
    %sub3A_197 = arith.subi %div3A_195, %sub3A_196 : i32
    %div3A_198 = arith.constant 4 : i32
    %div3A_199 = arith.divsi %sub3A_197, %div3A_198 : i32
    %rem3A_200 = arith.constant 4 : i32
    %rem3A_201 = arith.remsi %sub3A_197, %rem3A_200 : i32
    %rem3A_202 = arith.constant 128 : i32
    %rem3A_203 = arith.remsi %add3A_193, %rem3A_202 : i32
    %mul3A_204 = arith.constant 128 : i32
    %mul3A_205 = arith.muli %rem3A_203, %mul3A_204 : i32
    %mul3A_206 = arith.constant 16384 : i32
    %mul3A_207 = arith.muli %div3A_199, %mul3A_206 : i32
    %add3A_208 = arith.addi %mul3A_207, %mul3A_205 : i32
    %mul3A_209 = arith.constant 32 : i32
    %mul3A_210 = arith.muli %mul3A_209, %rem3A_201 : i32
    %dma_wait3A_211 = arith.constant 0 : i32
    %dma_wait3A_212 = arith.constant 0 : i32
    %dma_wait3A_213 = arith.constant 0 : i32
    %dma_wait3A_214 = tpu.memref_slice %arg6[%dma_wait3A_211, %dma_wait3A_212, %dma_wait3A_213] : memref<2x1024x32xf32, #tpu.memory_space<vmem>> -> memref<1x128x32xf32, #tpu.memory_space<vmem>>
    %dma_wait3A_215 = tpu.memref_squeeze %dma_wait3A_214 : memref<1x128x32xf32, #tpu.memory_space<vmem>> -> memref<128x32xf32, #tpu.memory_space<vmem>>
    %dma_wait3A_216 = tpu.memref_slice %arg4[%add3A_208, %mul3A_210] : memref<32768x128xf32, #tpu.memory_space<hbm>> -> memref<128x32xf32, #tpu.memory_space<hbm>>
    %dma_wait3A_217 = tpu.memref_slice %arg4[%add3A_208, %mul3A_210] : memref<32768x128xf32, #tpu.memory_space<hbm>> -> memref<128x32xf32, #tpu.memory_space<hbm>>
    %dma_wait3A_218 = arith.constant 0 : i32
    %dma_wait3A_219 = arith.constant 0 : i32
    %dma_wait3A_220 = tpu.memref_slice %arg6[%dma_wait3A_211, %dma_wait3A_218, %dma_wait3A_219] : memref<2x1024x32xf32, #tpu.memory_space<vmem>> -> memref<1x128x32xf32, #tpu.memory_space<vmem>>
    %dma_wait3A_221 = tpu.memref_squeeze %dma_wait3A_220 : memref<1x128x32xf32, #tpu.memory_space<vmem>> -> memref<128x32xf32, #tpu.memory_space<vmem>>
    tpu.wait_dma2 semaphore(%arg8 : memref<!tpu.dma_semaphore, #tpu.memory_space<semaphore_mem>>) src(%dma_wait3A_221 : memref<128x32xf32, #tpu.memory_space<vmem>>) dst(%dma_wait3A_217 : memref<128x32xf32, #tpu.memory_space<hbm>>)
    %add3A_222 = arith.constant 0 : i32
    %add3A_223 = arith.addi %add3A_4, %add3A_222 : i32
    %div3A_224 = arith.constant 128 : i32
    %div3A_225 = arith.divsi %add3A_223, %div3A_224 : i32
    %sub3A_226 = arith.constant 20 : i32
    %sub3A_227 = arith.subi %div3A_225, %sub3A_226 : i32
    %div3A_228 = arith.constant 4 : i32
    %div3A_229 = arith.divsi %sub3A_227, %div3A_228 : i32
    %rem3A_230 = arith.constant 4 : i32
    %rem3A_231 = arith.remsi %sub3A_227, %rem3A_230 : i32
    %rem3A_232 = arith.constant 128 : i32
    %rem3A_233 = arith.remsi %add3A_223, %rem3A_232 : i32
    %mul3A_234 = arith.constant 128 : i32
    %mul3A_235 = arith.muli %rem3A_233, %mul3A_234 : i32
    %mul3A_236 = arith.constant 16384 : i32
    %mul3A_237 = arith.muli %div3A_229, %mul3A_236 : i32
    %add3A_238 = arith.addi %mul3A_237, %mul3A_235 : i32
    %mul3A_239 = arith.constant 32 : i32
    %mul3A_240 = arith.muli %mul3A_239, %rem3A_231 : i32
    %dma_wait3A_241 = arith.constant 0 : i32
    %dma_wait3A_242 = arith.constant 0 : i32
    %dma_wait3A_243 = arith.constant 0 : i32
    %dma_wait3A_244 = tpu.memref_slice %arg6[%dma_wait3A_241, %dma_wait3A_242, %dma_wait3A_243] : memref<2x1024x32xf32, #tpu.memory_space<vmem>> -> memref<1x128x32xf32, #tpu.memory_space<vmem>>
    %dma_wait3A_245 = tpu.memref_squeeze %dma_wait3A_244 : memref<1x128x32xf32, #tpu.memory_space<vmem>> -> memref<128x32xf32, #tpu.memory_space<vmem>>
    %dma_wait3A_246 = tpu.memref_slice %arg4[%add3A_238, %mul3A_240] : memref<32768x128xf32, #tpu.memory_space<hbm>> -> memref<128x32xf32, #tpu.memory_space<hbm>>
    %dma_wait3A_247 = tpu.memref_slice %arg4[%add3A_238, %mul3A_240] : memref<32768x128xf32, #tpu.memory_space<hbm>> -> memref<128x32xf32, #tpu.memory_space<hbm>>
    %dma_wait3A_248 = arith.constant 0 : i32
    %dma_wait3A_249 = arith.constant 0 : i32
    %dma_wait3A_250 = tpu.memref_slice %arg6[%dma_wait3A_241, %dma_wait3A_248, %dma_wait3A_249] : memref<2x1024x32xf32, #tpu.memory_space<vmem>> -> memref<1x128x32xf32, #tpu.memory_space<vmem>>
    %dma_wait3A_251 = tpu.memref_squeeze %dma_wait3A_250 : memref<1x128x32xf32, #tpu.memory_space<vmem>> -> memref<128x32xf32, #tpu.memory_space<vmem>>
    tpu.wait_dma2 semaphore(%arg8 : memref<!tpu.dma_semaphore, #tpu.memory_space<semaphore_mem>>) src(%dma_wait3A_251 : memref<128x32xf32, #tpu.memory_space<vmem>>) dst(%dma_wait3A_247 : memref<128x32xf32, #tpu.memory_space<hbm>>)
    %add3A_252 = arith.constant 0 : i32
    %add3A_253 = arith.addi %add3A_4, %add3A_252 : i32
    %div3A_254 = arith.constant 128 : i32
    %div3A_255 = arith.divsi %add3A_253, %div3A_254 : i32
    %sub3A_256 = arith.constant 20 : i32
    %sub3A_257 = arith.subi %div3A_255, %sub3A_256 : i32
    %div3A_258 = arith.constant 4 : i32
    %div3A_259 = arith.divsi %sub3A_257, %div3A_258 : i32
    %rem3A_260 = arith.constant 4 : i32
    %rem3A_261 = arith.remsi %sub3A_257, %rem3A_260 : i32
    %rem3A_262 = arith.constant 128 : i32
    %rem3A_263 = arith.remsi %add3A_253, %rem3A_262 : i32
    %mul3A_264 = arith.constant 128 : i32
    %mul3A_265 = arith.muli %rem3A_263, %mul3A_264 : i32
    %mul3A_266 = arith.constant 16384 : i32
    %mul3A_267 = arith.muli %div3A_259, %mul3A_266 : i32
    %add3A_268 = arith.addi %mul3A_267, %mul3A_265 : i32
    %mul3A_269 = arith.constant 32 : i32
    %mul3A_270 = arith.muli %mul3A_269, %rem3A_261 : i32
    %dma_wait3A_271 = arith.constant 0 : i32
    %dma_wait3A_272 = arith.constant 0 : i32
    %dma_wait3A_273 = arith.constant 0 : i32
    %dma_wait3A_274 = tpu.memref_slice %arg6[%dma_wait3A_271, %dma_wait3A_272, %dma_wait3A_273] : memref<2x1024x32xf32, #tpu.memory_space<vmem>> -> memref<1x128x32xf32, #tpu.memory_space<vmem>>
    %dma_wait3A_275 = tpu.memref_squeeze %dma_wait3A_274 : memref<1x128x32xf32, #tpu.memory_space<vmem>> -> memref<128x32xf32, #tpu.memory_space<vmem>>
    %dma_wait3A_276 = tpu.memref_slice %arg4[%add3A_268, %mul3A_270] : memref<32768x128xf32, #tpu.memory_space<hbm>> -> memref<128x32xf32, #tpu.memory_space<hbm>>
    %dma_wait3A_277 = tpu.memref_slice %arg4[%add3A_268, %mul3A_270] : memref<32768x128xf32, #tpu.memory_space<hbm>> -> memref<128x32xf32, #tpu.memory_space<hbm>>
    %dma_wait3A_278 = arith.constant 0 : i32
    %dma_wait3A_279 = arith.constant 0 : i32
    %dma_wait3A_280 = tpu.memref_slice %arg6[%dma_wait3A_271, %dma_wait3A_278, %dma_wait3A_279] : memref<2x1024x32xf32, #tpu.memory_space<vmem>> -> memref<1x128x32xf32, #tpu.memory_space<vmem>>
    %dma_wait3A_281 = tpu.memref_squeeze %dma_wait3A_280 : memref<1x128x32xf32, #tpu.memory_space<vmem>> -> memref<128x32xf32, #tpu.memory_space<vmem>>
    tpu.wait_dma2 semaphore(%arg8 : memref<!tpu.dma_semaphore, #tpu.memory_space<semaphore_mem>>) src(%dma_wait3A_281 : memref<128x32xf32, #tpu.memory_space<vmem>>) dst(%dma_wait3A_277 : memref<128x32xf32, #tpu.memory_space<hbm>>)
    %add3A_282 = arith.constant 0 : i32
    %add3A_283 = arith.addi %add3A_4, %add3A_282 : i32
    %div3A_284 = arith.constant 128 : i32
    %div3A_285 = arith.divsi %add3A_283, %div3A_284 : i32
    %sub3A_286 = arith.constant 20 : i32
    %sub3A_287 = arith.subi %div3A_285, %sub3A_286 : i32
    %div3A_288 = arith.constant 4 : i32
    %div3A_289 = arith.divsi %sub3A_287, %div3A_288 : i32
    %rem3A_290 = arith.constant 4 : i32
    %rem3A_291 = arith.remsi %sub3A_287, %rem3A_290 : i32
    %rem3A_292 = arith.constant 128 : i32
    %rem3A_293 = arith.remsi %add3A_283, %rem3A_292 : i32
    %mul3A_294 = arith.constant 128 : i32
    %mul3A_295 = arith.muli %rem3A_293, %mul3A_294 : i32
    %mul3A_296 = arith.constant 16384 : i32
    %mul3A_297 = arith.muli %div3A_289, %mul3A_296 : i32
    %add3A_298 = arith.addi %mul3A_297, %mul3A_295 : i32
    %mul3A_299 = arith.constant 32 : i32
    %mul3A_300 = arith.muli %mul3A_299, %rem3A_291 : i32
    %dma_wait3A_301 = arith.constant 0 : i32
    %dma_wait3A_302 = arith.constant 0 : i32
    %dma_wait3A_303 = arith.constant 0 : i32
    %dma_wait3A_304 = tpu.memref_slice %arg6[%dma_wait3A_301, %dma_wait3A_302, %dma_wait3A_303] : memref<2x1024x32xf32, #tpu.memory_space<vmem>> -> memref<1x128x32xf32, #tpu.memory_space<vmem>>
    %dma_wait3A_305 = tpu.memref_squeeze %dma_wait3A_304 : memref<1x128x32xf32, #tpu.memory_space<vmem>> -> memref<128x32xf32, #tpu.memory_space<vmem>>
    %dma_wait3A_306 = tpu.memref_slice %arg4[%add3A_298, %mul3A_300] : memref<32768x128xf32, #tpu.memory_space<hbm>> -> memref<128x32xf32, #tpu.memory_space<hbm>>
    %dma_wait3A_307 = tpu.memref_slice %arg4[%add3A_298, %mul3A_300] : memref<32768x128xf32, #tpu.memory_space<hbm>> -> memref<128x32xf32, #tpu.memory_space<hbm>>
    %dma_wait3A_308 = arith.constant 0 : i32
    %dma_wait3A_309 = arith.constant 0 : i32
    %dma_wait3A_310 = tpu.memref_slice %arg6[%dma_wait3A_301, %dma_wait3A_308, %dma_wait3A_309] : memref<2x1024x32xf32, #tpu.memory_space<vmem>> -> memref<1x128x32xf32, #tpu.memory_space<vmem>>
    %dma_wait3A_311 = tpu.memref_squeeze %dma_wait3A_310 : memref<1x128x32xf32, #tpu.memory_space<vmem>> -> memref<128x32xf32, #tpu.memory_space<vmem>>
    tpu.wait_dma2 semaphore(%arg8 : memref<!tpu.dma_semaphore, #tpu.memory_space<semaphore_mem>>) src(%dma_wait3A_311 : memref<128x32xf32, #tpu.memory_space<vmem>>) dst(%dma_wait3A_307 : memref<128x32xf32, #tpu.memory_space<hbm>>)
    %add3A_312 = arith.constant 0 : i32
    %add3A_313 = arith.addi %add3A_4, %add3A_312 : i32
    %div3A_314 = arith.constant 128 : i32
    %div3A_315 = arith.divsi %add3A_313, %div3A_314 : i32
    %sub3A_316 = arith.constant 20 : i32
    %sub3A_317 = arith.subi %div3A_315, %sub3A_316 : i32
    %div3A_318 = arith.constant 4 : i32
    %div3A_319 = arith.divsi %sub3A_317, %div3A_318 : i32
    %rem3A_320 = arith.constant 4 : i32
    %rem3A_321 = arith.remsi %sub3A_317, %rem3A_320 : i32
    %rem3A_322 = arith.constant 128 : i32
    %rem3A_323 = arith.remsi %add3A_313, %rem3A_322 : i32
    %mul3A_324 = arith.constant 128 : i32
    %mul3A_325 = arith.muli %rem3A_323, %mul3A_324 : i32
    %mul3A_326 = arith.constant 16384 : i32
    %mul3A_327 = arith.muli %div3A_319, %mul3A_326 : i32
    %add3A_328 = arith.addi %mul3A_327, %mul3A_325 : i32
    %mul3A_329 = arith.constant 32 : i32
    %mul3A_330 = arith.muli %mul3A_329, %rem3A_321 : i32
    %dma_wait3A_331 = arith.constant 0 : i32
    %dma_wait3A_332 = arith.constant 0 : i32
    %dma_wait3A_333 = arith.constant 0 : i32
    %dma_wait3A_334 = tpu.memref_slice %arg6[%dma_wait3A_331, %dma_wait3A_332, %dma_wait3A_333] : memref<2x1024x32xf32, #tpu.memory_space<vmem>> -> memref<1x128x32xf32, #tpu.memory_space<vmem>>
    %dma_wait3A_335 = tpu.memref_squeeze %dma_wait3A_334 : memref<1x128x32xf32, #tpu.memory_space<vmem>> -> memref<128x32xf32, #tpu.memory_space<vmem>>
    %dma_wait3A_336 = tpu.memref_slice %arg4[%add3A_328, %mul3A_330] : memref<32768x128xf32, #tpu.memory_space<hbm>> -> memref<128x32xf32, #tpu.memory_space<hbm>>
    %dma_wait3A_337 = tpu.memref_slice %arg4[%add3A_328, %mul3A_330] : memref<32768x128xf32, #tpu.memory_space<hbm>> -> memref<128x32xf32, #tpu.memory_space<hbm>>
    %dma_wait3A_338 = arith.constant 0 : i32
    %dma_wait3A_339 = arith.constant 0 : i32
    %dma_wait3A_340 = tpu.memref_slice %arg6[%dma_wait3A_331, %dma_wait3A_338, %dma_wait3A_339] : memref<2x1024x32xf32, #tpu.memory_space<vmem>> -> memref<1x128x32xf32, #tpu.memory_space<vmem>>
    %dma_wait3A_341 = tpu.memref_squeeze %dma_wait3A_340 : memref<1x128x32xf32, #tpu.memory_space<vmem>> -> memref<128x32xf32, #tpu.memory_space<vmem>>
    tpu.wait_dma2 semaphore(%arg8 : memref<!tpu.dma_semaphore, #tpu.memory_space<semaphore_mem>>) src(%dma_wait3A_341 : memref<128x32xf32, #tpu.memory_space<vmem>>) dst(%dma_wait3A_337 : memref<128x32xf32, #tpu.memory_space<hbm>>)
    %add3A_342 = arith.constant 0 : i32
    %add3A_343 = arith.addi %add3A_4, %add3A_342 : i32
    %div3A_344 = arith.constant 128 : i32
    %div3A_345 = arith.divsi %add3A_343, %div3A_344 : i32
    %sub3A_346 = arith.constant 20 : i32
    %sub3A_347 = arith.subi %div3A_345, %sub3A_346 : i32
    %div3A_348 = arith.constant 4 : i32
    %div3A_349 = arith.divsi %sub3A_347, %div3A_348 : i32
    %rem3A_350 = arith.constant 4 : i32
    %rem3A_351 = arith.remsi %sub3A_347, %rem3A_350 : i32
    %rem3A_352 = arith.constant 128 : i32
    %rem3A_353 = arith.remsi %add3A_343, %rem3A_352 : i32
    %mul3A_354 = arith.constant 128 : i32
    %mul3A_355 = arith.muli %rem3A_353, %mul3A_354 : i32
    %mul3A_356 = arith.constant 16384 : i32
    %mul3A_357 = arith.muli %div3A_349, %mul3A_356 : i32
    %add3A_358 = arith.addi %mul3A_357, %mul3A_355 : i32
    %mul3A_359 = arith.constant 32 : i32
    %mul3A_360 = arith.muli %mul3A_359, %rem3A_351 : i32
    %dma_wait3A_361 = arith.constant 0 : i32
    %dma_wait3A_362 = arith.constant 0 : i32
    %dma_wait3A_363 = arith.constant 0 : i32
    %dma_wait3A_364 = tpu.memref_slice %arg6[%dma_wait3A_361, %dma_wait3A_362, %dma_wait3A_363] : memref<2x1024x32xf32, #tpu.memory_space<vmem>> -> memref<1x128x32xf32, #tpu.memory_space<vmem>>
    %dma_wait3A_365 = tpu.memref_squeeze %dma_wait3A_364 : memref<1x128x32xf32, #tpu.memory_space<vmem>> -> memref<128x32xf32, #tpu.memory_space<vmem>>
    %dma_wait3A_366 = tpu.memref_slice %arg4[%add3A_358, %mul3A_360] : memref<32768x128xf32, #tpu.memory_space<hbm>> -> memref<128x32xf32, #tpu.memory_space<hbm>>
    %dma_wait3A_367 = tpu.memref_slice %arg4[%add3A_358, %mul3A_360] : memref<32768x128xf32, #tpu.memory_space<hbm>> -> memref<128x32xf32, #tpu.memory_space<hbm>>
    %dma_wait3A_368 = arith.constant 0 : i32
    %dma_wait3A_369 = arith.constant 0 : i32
    %dma_wait3A_370 = tpu.memref_slice %arg6[%dma_wait3A_361, %dma_wait3A_368, %dma_wait3A_369] : memref<2x1024x32xf32, #tpu.memory_space<vmem>> -> memref<1x128x32xf32, #tpu.memory_space<vmem>>
    %dma_wait3A_371 = tpu.memref_squeeze %dma_wait3A_370 : memref<1x128x32xf32, #tpu.memory_space<vmem>> -> memref<128x32xf32, #tpu.memory_space<vmem>>
    tpu.wait_dma2 semaphore(%arg8 : memref<!tpu.dma_semaphore, #tpu.memory_space<semaphore_mem>>) src(%dma_wait3A_371 : memref<128x32xf32, #tpu.memory_space<vmem>>) dst(%dma_wait3A_367 : memref<128x32xf32, #tpu.memory_space<hbm>>)
    %add3A_372 = arith.constant 0 : i32
    %add3A_373 = arith.addi %add3A_4, %add3A_372 : i32
    %div3A_374 = arith.constant 128 : i32
    %div3A_375 = arith.divsi %add3A_373, %div3A_374 : i32
    %sub3A_376 = arith.constant 20 : i32
    %sub3A_377 = arith.subi %div3A_375, %sub3A_376 : i32
    %div3A_378 = arith.constant 4 : i32
    %div3A_379 = arith.divsi %sub3A_377, %div3A_378 : i32
    %rem3A_380 = arith.constant 4 : i32
    %rem3A_381 = arith.remsi %sub3A_377, %rem3A_380 : i32
    %rem3A_382 = arith.constant 128 : i32
    %rem3A_383 = arith.remsi %add3A_373, %rem3A_382 : i32
    %mul3A_384 = arith.constant 128 : i32
    %mul3A_385 = arith.muli %rem3A_383, %mul3A_384 : i32
    %mul3A_386 = arith.constant 16384 : i32
    %mul3A_387 = arith.muli %div3A_379, %mul3A_386 : i32
    %add3A_388 = arith.addi %mul3A_387, %mul3A_385 : i32
    %mul3A_389 = arith.constant 32 : i32
    %mul3A_390 = arith.muli %mul3A_389, %rem3A_381 : i32
    %dma_wait3A_391 = arith.constant 0 : i32
    %dma_wait3A_392 = arith.constant 0 : i32
    %dma_wait3A_393 = arith.constant 0 : i32
    %dma_wait3A_394 = tpu.memref_slice %arg6[%dma_wait3A_391, %dma_wait3A_392, %dma_wait3A_393] : memref<2x1024x32xf32, #tpu.memory_space<vmem>> -> memref<1x128x32xf32, #tpu.memory_space<vmem>>
    %dma_wait3A_395 = tpu.memref_squeeze %dma_wait3A_394 : memref<1x128x32xf32, #tpu.memory_space<vmem>> -> memref<128x32xf32, #tpu.memory_space<vmem>>
    %dma_wait3A_396 = tpu.memref_slice %arg4[%add3A_388, %mul3A_390] : memref<32768x128xf32, #tpu.memory_space<hbm>> -> memref<128x32xf32, #tpu.memory_space<hbm>>
    %dma_wait3A_397 = tpu.memref_slice %arg4[%add3A_388, %mul3A_390] : memref<32768x128xf32, #tpu.memory_space<hbm>> -> memref<128x32xf32, #tpu.memory_space<hbm>>
    %dma_wait3A_398 = arith.constant 0 : i32
    %dma_wait3A_399 = arith.constant 0 : i32
    %dma_wait3A_400 = tpu.memref_slice %arg6[%dma_wait3A_391, %dma_wait3A_398, %dma_wait3A_399] : memref<2x1024x32xf32, #tpu.memory_space<vmem>> -> memref<1x128x32xf32, #tpu.memory_space<vmem>>
    %dma_wait3A_401 = tpu.memref_squeeze %dma_wait3A_400 : memref<1x128x32xf32, #tpu.memory_space<vmem>> -> memref<128x32xf32, #tpu.memory_space<vmem>>
    tpu.wait_dma2 semaphore(%arg8 : memref<!tpu.dma_semaphore, #tpu.memory_space<semaphore_mem>>) src(%dma_wait3A_401 : memref<128x32xf32, #tpu.memory_space<vmem>>) dst(%dma_wait3A_397 : memref<128x32xf32, #tpu.memory_space<hbm>>)
    %add3A_402 = arith.constant 0 : i32
    %add3A_403 = arith.addi %add3A_4, %add3A_402 : i32
    %div3A_404 = arith.constant 128 : i32
    %div3A_405 = arith.divsi %add3A_403, %div3A_404 : i32
    %sub3A_406 = arith.constant 20 : i32
    %sub3A_407 = arith.subi %div3A_405, %sub3A_406 : i32
    %div3A_408 = arith.constant 4 : i32
    %div3A_409 = arith.divsi %sub3A_407, %div3A_408 : i32
    %rem3A_410 = arith.constant 4 : i32
    %rem3A_411 = arith.remsi %sub3A_407, %rem3A_410 : i32
    %rem3A_412 = arith.constant 128 : i32
    %rem3A_413 = arith.remsi %add3A_403, %rem3A_412 : i32
    %mul3A_414 = arith.constant 128 : i32
    %mul3A_415 = arith.muli %rem3A_413, %mul3A_414 : i32
    %mul3A_416 = arith.constant 16384 : i32
    %mul3A_417 = arith.muli %div3A_409, %mul3A_416 : i32
    %add3A_418 = arith.addi %mul3A_417, %mul3A_415 : i32
    %mul3A_419 = arith.constant 32 : i32
    %mul3A_420 = arith.muli %mul3A_419, %rem3A_411 : i32
    %dma_wait3A_421 = arith.constant 0 : i32
    %dma_wait3A_422 = arith.constant 0 : i32
    %dma_wait3A_423 = arith.constant 0 : i32
    %dma_wait3A_424 = tpu.memref_slice %arg6[%dma_wait3A_421, %dma_wait3A_422, %dma_wait3A_423] : memref<2x1024x32xf32, #tpu.memory_space<vmem>> -> memref<1x128x32xf32, #tpu.memory_space<vmem>>
    %dma_wait3A_425 = tpu.memref_squeeze %dma_wait3A_424 : memref<1x128x32xf32, #tpu.memory_space<vmem>> -> memref<128x32xf32, #tpu.memory_space<vmem>>
    %dma_wait3A_426 = tpu.memref_slice %arg4[%add3A_418, %mul3A_420] : memref<32768x128xf32, #tpu.memory_space<hbm>> -> memref<128x32xf32, #tpu.memory_space<hbm>>
    %dma_wait3A_427 = tpu.memref_slice %arg4[%add3A_418, %mul3A_420] : memref<32768x128xf32, #tpu.memory_space<hbm>> -> memref<128x32xf32, #tpu.memory_space<hbm>>
    %dma_wait3A_428 = arith.constant 0 : i32
    %dma_wait3A_429 = arith.constant 0 : i32
    %dma_wait3A_430 = tpu.memref_slice %arg6[%dma_wait3A_421, %dma_wait3A_428, %dma_wait3A_429] : memref<2x1024x32xf32, #tpu.memory_space<vmem>> -> memref<1x128x32xf32, #tpu.memory_space<vmem>>
    %dma_wait3A_431 = tpu.memref_squeeze %dma_wait3A_430 : memref<1x128x32xf32, #tpu.memory_space<vmem>> -> memref<128x32xf32, #tpu.memory_space<vmem>>
    tpu.wait_dma2 semaphore(%arg8 : memref<!tpu.dma_semaphore, #tpu.memory_space<semaphore_mem>>) src(%dma_wait3A_431 : memref<128x32xf32, #tpu.memory_space<vmem>>) dst(%dma_wait3A_427 : memref<128x32xf32, #tpu.memory_space<hbm>>)
    %add3A_432 = arith.constant 0 : i32
    %add3A_433 = arith.addi %add3A_4, %add3A_432 : i32
    %div3A_434 = arith.constant 128 : i32
    %div3A_435 = arith.divsi %add3A_433, %div3A_434 : i32
    %sub3A_436 = arith.constant 20 : i32
    %sub3A_437 = arith.subi %div3A_435, %sub3A_436 : i32
    %div3A_438 = arith.constant 4 : i32
    %div3A_439 = arith.divsi %sub3A_437, %div3A_438 : i32
    %rem3A_440 = arith.constant 4 : i32
    %rem3A_441 = arith.remsi %sub3A_437, %rem3A_440 : i32
    %rem3A_442 = arith.constant 128 : i32
    %rem3A_443 = arith.remsi %add3A_433, %rem3A_442 : i32
    %mul3A_444 = arith.constant 128 : i32
    %mul3A_445 = arith.muli %rem3A_443, %mul3A_444 : i32
    %mul3A_446 = arith.constant 16384 : i32
    %mul3A_447 = arith.muli %div3A_439, %mul3A_446 : i32
    %add3A_448 = arith.addi %mul3A_447, %mul3A_445 : i32
    %mul3A_449 = arith.constant 32 : i32
    %mul3A_450 = arith.muli %mul3A_449, %rem3A_441 : i32
    %dma_wait3A_451 = arith.constant 0 : i32
    %dma_wait3A_452 = arith.constant 0 : i32
    %dma_wait3A_453 = arith.constant 0 : i32
    %dma_wait3A_454 = tpu.memref_slice %arg6[%dma_wait3A_451, %dma_wait3A_452, %dma_wait3A_453] : memref<2x1024x32xf32, #tpu.memory_space<vmem>> -> memref<1x128x32xf32, #tpu.memory_space<vmem>>
    %dma_wait3A_455 = tpu.memref_squeeze %dma_wait3A_454 : memref<1x128x32xf32, #tpu.memory_space<vmem>> -> memref<128x32xf32, #tpu.memory_space<vmem>>
    %dma_wait3A_456 = tpu.memref_slice %arg4[%add3A_448, %mul3A_450] : memref<32768x128xf32, #tpu.memory_space<hbm>> -> memref<128x32xf32, #tpu.memory_space<hbm>>
    %dma_wait3A_457 = tpu.memref_slice %arg4[%add3A_448, %mul3A_450] : memref<32768x128xf32, #tpu.memory_space<hbm>> -> memref<128x32xf32, #tpu.memory_space<hbm>>
    %dma_wait3A_458 = arith.constant 0 : i32
    %dma_wait3A_459 = arith.constant 0 : i32
    %dma_wait3A_460 = tpu.memref_slice %arg6[%dma_wait3A_451, %dma_wait3A_458, %dma_wait3A_459] : memref<2x1024x32xf32, #tpu.memory_space<vmem>> -> memref<1x128x32xf32, #tpu.memory_space<vmem>>
    %dma_wait3A_461 = tpu.memref_squeeze %dma_wait3A_460 : memref<1x128x32xf32, #tpu.memory_space<vmem>> -> memref<128x32xf32, #tpu.memory_space<vmem>>
    tpu.wait_dma2 semaphore(%arg8 : memref<!tpu.dma_semaphore, #tpu.memory_space<semaphore_mem>>) src(%dma_wait3A_461 : memref<128x32xf32, #tpu.memory_space<vmem>>) dst(%dma_wait3A_457 : memref<128x32xf32, #tpu.memory_space<hbm>>)
    %add3A_462 = arith.constant 0 : i32
    %add3A_463 = arith.addi %add3A_4, %add3A_462 : i32
    %div3A_464 = arith.constant 128 : i32
    %div3A_465 = arith.divsi %add3A_463, %div3A_464 : i32
    %sub3A_466 = arith.constant 20 : i32
    %sub3A_467 = arith.subi %div3A_465, %sub3A_466 : i32
    %div3A_468 = arith.constant 4 : i32
    %div3A_469 = arith.divsi %sub3A_467, %div3A_468 : i32
    %rem3A_470 = arith.constant 4 : i32
    %rem3A_471 = arith.remsi %sub3A_467, %rem3A_470 : i32
    %rem3A_472 = arith.constant 128 : i32
    %rem3A_473 = arith.remsi %add3A_463, %rem3A_472 : i32
    %mul3A_474 = arith.constant 128 : i32
    %mul3A_475 = arith.muli %rem3A_473, %mul3A_474 : i32
    %mul3A_476 = arith.constant 16384 : i32
    %mul3A_477 = arith.muli %div3A_469, %mul3A_476 : i32
    %add3A_478 = arith.addi %mul3A_477, %mul3A_475 : i32
    %mul3A_479 = arith.constant 32 : i32
    %mul3A_480 = arith.muli %mul3A_479, %rem3A_471 : i32
    %dma_wait3A_481 = arith.constant 0 : i32
    %dma_wait3A_482 = arith.constant 0 : i32
    %dma_wait3A_483 = arith.constant 0 : i32
    %dma_wait3A_484 = tpu.memref_slice %arg6[%dma_wait3A_481, %dma_wait3A_482, %dma_wait3A_483] : memref<2x1024x32xf32, #tpu.memory_space<vmem>> -> memref<1x128x32xf32, #tpu.memory_space<vmem>>
    %dma_wait3A_485 = tpu.memref_squeeze %dma_wait3A_484 : memref<1x128x32xf32, #tpu.memory_space<vmem>> -> memref<128x32xf32, #tpu.memory_space<vmem>>
    %dma_wait3A_486 = tpu.memref_slice %arg4[%add3A_478, %mul3A_480] : memref<32768x128xf32, #tpu.memory_space<hbm>> -> memref<128x32xf32, #tpu.memory_space<hbm>>
    %dma_wait3A_487 = tpu.memref_slice %arg4[%add3A_478, %mul3A_480] : memref<32768x128xf32, #tpu.memory_space<hbm>> -> memref<128x32xf32, #tpu.memory_space<hbm>>
    %dma_wait3A_488 = arith.constant 0 : i32
    %dma_wait3A_489 = arith.constant 0 : i32
    %dma_wait3A_490 = tpu.memref_slice %arg6[%dma_wait3A_481, %dma_wait3A_488, %dma_wait3A_489] : memref<2x1024x32xf32, #tpu.memory_space<vmem>> -> memref<1x128x32xf32, #tpu.memory_space<vmem>>
    %dma_wait3A_491 = tpu.memref_squeeze %dma_wait3A_490 : memref<1x128x32xf32, #tpu.memory_space<vmem>> -> memref<128x32xf32, #tpu.memory_space<vmem>>
    tpu.wait_dma2 semaphore(%arg8 : memref<!tpu.dma_semaphore, #tpu.memory_space<semaphore_mem>>) src(%dma_wait3A_491 : memref<128x32xf32, #tpu.memory_space<vmem>>) dst(%dma_wait3A_487 : memref<128x32xf32, #tpu.memory_space<hbm>>)
    return
  }
}

#map = affine_map<(d0, d1) -> (0, 0)>
module attributes {stable_mosaic.version = 14 : i64} {
  func.func @_emb(%arg0: i32, %arg1: i32, %arg2: memref<3328x128xi32, #tpu.memory_space<hbm>>, %arg3: memref<2031616x32xf32, #tpu.memory_space<hbm>>, %arg4: memref<81920x128xf32, #tpu.memory_space<hbm>>, %arg5: memref<80x128xi32, #tpu.memory_space<vmem>>, %arg6: memref<2x1024x32xf32, #tpu.memory_space<vmem>>, %arg7: memref<!tpu.dma_semaphore, #tpu.memory_space<semaphore_mem>>, %arg8: memref<!tpu.dma_semaphore, #tpu.memory_space<semaphore_mem>>) attributes {dimension_semantics = [#tpu.dimension_semantics<core_parallel>, #tpu.dimension_semantics<subcore_parallel>], iteration_bounds = array<i64: 2, 16>, scalar_prefetch = 0 : i64, scratch_operands = 4 : i64, tpu.core_type = #tpu.core_type<sc_vector_subcore>, window_params = [{transform_indices = #map}, {transform_indices = #map}, {transform_indices = #map}]} {
    %mul3A = arith.constant 2 : i32
    %mul3A_0 = arith.muli %arg1, %mul3A : i32
    %add3A = arith.addi %mul3A_0, %arg0 : i32
    %mul3A_1 = arith.constant 80 : i32
    %mul3A_2 = arith.muli %add3A, %mul3A_1 : i32
    %add3A_3 = arith.constant 0 : i32
    %add3A_4 = arith.addi %add3A_3, %mul3A_2 : i32
    "tpu.region"() ({
      %run_scoped3A = tpu.sem_alloc : memref<!tpu.dma_semaphore, #tpu.memory_space<semaphore_mem>>
      %dma_start3A = arith.constant 0 : i32
      %dma_start3A_492 = tpu.memref_slice %arg2[%add3A_4, %dma_start3A] : memref<3328x128xi32, #tpu.memory_space<hbm>> -> memref<80x128xi32, #tpu.memory_space<hbm>>
      %dma_start3A_493 = arith.constant 0 : i32
      %dma_start3A_494 = tpu.memref_slice %arg2[%add3A_4, %dma_start3A_493] : memref<3328x128xi32, #tpu.memory_space<hbm>> -> memref<80x128xi32, #tpu.memory_space<hbm>>
      tpu.enqueue_dma source(%dma_start3A_494 : memref<80x128xi32, #tpu.memory_space<hbm>>) target(%arg5 : memref<80x128xi32, #tpu.memory_space<vmem>>) target_semaphore(%run_scoped3A : memref<!tpu.dma_semaphore, #tpu.memory_space<semaphore_mem>>)
      %dma_wait3A_495 = arith.constant 0 : i32
      %dma_wait3A_496 = tpu.memref_slice %arg2[%add3A_4, %dma_wait3A_495] : memref<3328x128xi32, #tpu.memory_space<hbm>> -> memref<80x128xi32, #tpu.memory_space<hbm>>
      %dma_wait3A_497 = arith.constant 0 : i32
      %dma_wait3A_498 = tpu.memref_slice %arg2[%add3A_4, %dma_wait3A_497] : memref<3328x128xi32, #tpu.memory_space<hbm>> -> memref<80x128xi32, #tpu.memory_space<hbm>>
      tpu.wait_dma2 semaphore(%run_scoped3A : memref<!tpu.dma_semaphore, #tpu.memory_space<semaphore_mem>>) src(%dma_wait3A_498 : memref<80x128xi32, #tpu.memory_space<hbm>>) dst(%arg5 : memref<80x128xi32, #tpu.memory_space<vmem>>)
      tpu.yield
    }) : () -> ()
    %scan3A = arith.constant 0 : i32
    %scan3A_5 = arith.constant 0 : i32
    %scan3A_6 = arith.constant 80 : i32
    %scan3A_7 = arith.addi %scan3A_5, %scan3A_6 : i32
    %scan3A_8 = arith.constant 1 : i32
    scf.for %scan3A_492 = %scan3A_5 to %scan3A_7 step %scan3A_8  : i32 {
      %add3A_493 = arith.addi %add3A_4, %scan3A_492 : i32
      %div3A_494 = arith.constant 128 : i32
      %div3A_495 = arith.divsi %add3A_493, %div3A_494 : i32
      %mul3A_496 = arith.constant 100000 : i32
      %mul3A_497 = arith.muli %div3A_495, %mul3A_496 : i32
      %get3A = arith.index_cast %scan3A_492 : i32 to index
      %get3A_498 = arith.constant 0 : index
      %get3A_499 = tpu.vector_load %arg5[%get3A, %get3A_498] {strides = array<i32>} : memref<80x128xi32, #tpu.memory_space<vmem>>, vector<1x16xi32>,
      %get3A_500 = vector.shape_cast %get3A_499 : vector<1x16xi32> to vector<16xi32>
      %add3A_501 = vector.broadcast %mul3A_497 : i32 to vector<16xi32>
      %add3A_502 = arith.addi %get3A_500, %add3A_501 : vector<16xi32>
      %and3A = arith.constant -65536 : i32
      %and3A_503 = vector.broadcast %and3A : i32 to vector<16xi32>
      %and3A_504 = arith.andi %add3A_502, %and3A_503 : vector<16xi32>
      %and3A_505 = arith.constant 65535 : i32
      %and3A_506 = vector.broadcast %and3A_505 : i32 to vector<16xi32>
      %and3A_507 = arith.andi %add3A_502, %and3A_506 : vector<16xi32>
      %shift_right_logical3A = arith.constant 14 : i32
      %shift_right_logical3A_508 = vector.broadcast %shift_right_logical3A : i32 to vector<16xi32>
      %shift_right_logical3A_509 = arith.shrui %and3A_507, %shift_right_logical3A_508 : vector<16xi32>
      %and3A_510 = arith.constant 16383 : i32
      %and3A_511 = vector.broadcast %and3A_510 : i32 to vector<16xi32>
      %and3A_512 = arith.andi %and3A_507, %and3A_511 : vector<16xi32>
      %shift_left3A = arith.constant 2 : i32
      %shift_left3A_513 = vector.broadcast %shift_left3A : i32 to vector<16xi32>
      %shift_left3A_514 = arith.shli %and3A_512, %shift_left3A_513 : vector<16xi32>
      %or3A = arith.ori %and3A_504, %shift_left3A_514 : vector<16xi32>
      %or3A_515 = arith.ori %or3A, %shift_right_logical3A_509 : vector<16xi32>
      %sub3A_516 = arith.constant 0 : i32
      %sub3A_517 = vector.broadcast %sub3A_516 : i32 to vector<16xi32>
      %sub3A_518 = arith.subi %or3A_515, %sub3A_517 : vector<16xi32>
      %swap3A = arith.index_cast %scan3A_492 : i32 to index
      %swap3A_519 = arith.constant 0 : index
      %swap3A_520 = tpu.vector_load %arg5[%swap3A, %swap3A_519] {strides = array<i32>} : memref<80x128xi32, #tpu.memory_space<vmem>>, vector<1x16xi32>,
      %swap3A_521 = vector.shape_cast %swap3A_520 : vector<1x16xi32> to vector<16xi32>
      %swap3A_522 = vector.shape_cast %sub3A_518 : vector<16xi32> to vector<1x16xi32>
      tpu.vector_store %arg5[%swap3A, %swap3A_519], %swap3A_522 {strides = array<i32>} : memref<80x128xi32, #tpu.memory_space<vmem>>, vector<1x16xi32>,
      %get3A_523 = arith.index_cast %scan3A_492 : i32 to index
      %get3A_524 = arith.constant 16 : index
      %get3A_525 = tpu.vector_load %arg5[%get3A_523, %get3A_524] {strides = array<i32>} : memref<80x128xi32, #tpu.memory_space<vmem>>, vector<1x16xi32>,
      %get3A_526 = vector.shape_cast %get3A_525 : vector<1x16xi32> to vector<16xi32>
      %add3A_527 = vector.broadcast %mul3A_497 : i32 to vector<16xi32>
      %add3A_528 = arith.addi %get3A_526, %add3A_527 : vector<16xi32>
      %and3A_529 = arith.constant -65536 : i32
      %and3A_530 = vector.broadcast %and3A_529 : i32 to vector<16xi32>
      %and3A_531 = arith.andi %add3A_528, %and3A_530 : vector<16xi32>
      %and3A_532 = arith.constant 65535 : i32
      %and3A_533 = vector.broadcast %and3A_532 : i32 to vector<16xi32>
      %and3A_534 = arith.andi %add3A_528, %and3A_533 : vector<16xi32>
      %shift_right_logical3A_535 = arith.constant 14 : i32
      %shift_right_logical3A_536 = vector.broadcast %shift_right_logical3A_535 : i32 to vector<16xi32>
      %shift_right_logical3A_537 = arith.shrui %and3A_534, %shift_right_logical3A_536 : vector<16xi32>
      %and3A_538 = arith.constant 16383 : i32
      %and3A_539 = vector.broadcast %and3A_538 : i32 to vector<16xi32>
      %and3A_540 = arith.andi %and3A_534, %and3A_539 : vector<16xi32>
      %shift_left3A_541 = arith.constant 2 : i32
      %shift_left3A_542 = vector.broadcast %shift_left3A_541 : i32 to vector<16xi32>
      %shift_left3A_543 = arith.shli %and3A_540, %shift_left3A_542 : vector<16xi32>
      %or3A_544 = arith.ori %and3A_531, %shift_left3A_543 : vector<16xi32>
      %or3A_545 = arith.ori %or3A_544, %shift_right_logical3A_537 : vector<16xi32>
      %sub3A_546 = arith.constant 0 : i32
      %sub3A_547 = vector.broadcast %sub3A_546 : i32 to vector<16xi32>
      %sub3A_548 = arith.subi %or3A_545, %sub3A_547 : vector<16xi32>
      %swap3A_549 = arith.index_cast %scan3A_492 : i32 to index
      %swap3A_550 = arith.constant 16 : index
      %swap3A_551 = tpu.vector_load %arg5[%swap3A_549, %swap3A_550] {strides = array<i32>} : memref<80x128xi32, #tpu.memory_space<vmem>>, vector<1x16xi32>,
      %swap3A_552 = vector.shape_cast %swap3A_551 : vector<1x16xi32> to vector<16xi32>
      %swap3A_553 = vector.shape_cast %sub3A_548 : vector<16xi32> to vector<1x16xi32>
      tpu.vector_store %arg5[%swap3A_549, %swap3A_550], %swap3A_553 {strides = array<i32>} : memref<80x128xi32, #tpu.memory_space<vmem>>, vector<1x16xi32>,
      %get3A_554 = arith.index_cast %scan3A_492 : i32 to index
      %get3A_555 = arith.constant 32 : index
      %get3A_556 = tpu.vector_load %arg5[%get3A_554, %get3A_555] {strides = array<i32>} : memref<80x128xi32, #tpu.memory_space<vmem>>, vector<1x16xi32>,
      %get3A_557 = vector.shape_cast %get3A_556 : vector<1x16xi32> to vector<16xi32>
      %add3A_558 = vector.broadcast %mul3A_497 : i32 to vector<16xi32>
      %add3A_559 = arith.addi %get3A_557, %add3A_558 : vector<16xi32>
      %and3A_560 = arith.constant -65536 : i32
      %and3A_561 = vector.broadcast %and3A_560 : i32 to vector<16xi32>
      %and3A_562 = arith.andi %add3A_559, %and3A_561 : vector<16xi32>
      %and3A_563 = arith.constant 65535 : i32
      %and3A_564 = vector.broadcast %and3A_563 : i32 to vector<16xi32>
      %and3A_565 = arith.andi %add3A_559, %and3A_564 : vector<16xi32>
      %shift_right_logical3A_566 = arith.constant 14 : i32
      %shift_right_logical3A_567 = vector.broadcast %shift_right_logical3A_566 : i32 to vector<16xi32>
      %shift_right_logical3A_568 = arith.shrui %and3A_565, %shift_right_logical3A_567 : vector<16xi32>
      %and3A_569 = arith.constant 16383 : i32
      %and3A_570 = vector.broadcast %and3A_569 : i32 to vector<16xi32>
      %and3A_571 = arith.andi %and3A_565, %and3A_570 : vector<16xi32>
      %shift_left3A_572 = arith.constant 2 : i32
      %shift_left3A_573 = vector.broadcast %shift_left3A_572 : i32 to vector<16xi32>
      %shift_left3A_574 = arith.shli %and3A_571, %shift_left3A_573 : vector<16xi32>
      %or3A_575 = arith.ori %and3A_562, %shift_left3A_574 : vector<16xi32>
      %or3A_576 = arith.ori %or3A_575, %shift_right_logical3A_568 : vector<16xi32>
      %sub3A_577 = arith.constant 0 : i32
      %sub3A_578 = vector.broadcast %sub3A_577 : i32 to vector<16xi32>
      %sub3A_579 = arith.subi %or3A_576, %sub3A_578 : vector<16xi32>
      %swap3A_580 = arith.index_cast %scan3A_492 : i32 to index
      %swap3A_581 = arith.constant 32 : index
      %swap3A_582 = tpu.vector_load %arg5[%swap3A_580, %swap3A_581] {strides = array<i32>} : memref<80x128xi32, #tpu.memory_space<vmem>>, vector<1x16xi32>,
      %swap3A_583 = vector.shape_cast %swap3A_582 : vector<1x16xi32> to vector<16xi32>
      %swap3A_584 = vector.shape_cast %sub3A_579 : vector<16xi32> to vector<1x16xi32>
      tpu.vector_store %arg5[%swap3A_580, %swap3A_581], %swap3A_584 {strides = array<i32>} : memref<80x128xi32, #tpu.memory_space<vmem>>, vector<1x16xi32>,
      %get3A_585 = arith.index_cast %scan3A_492 : i32 to index
      %get3A_586 = arith.constant 48 : index
      %get3A_587 = tpu.vector_load %arg5[%get3A_585, %get3A_586] {strides = array<i32>} : memref<80x128xi32, #tpu.memory_space<vmem>>, vector<1x16xi32>,
      %get3A_588 = vector.shape_cast %get3A_587 : vector<1x16xi32> to vector<16xi32>
      %add3A_589 = vector.broadcast %mul3A_497 : i32 to vector<16xi32>
      %add3A_590 = arith.addi %get3A_588, %add3A_589 : vector<16xi32>
      %and3A_591 = arith.constant -65536 : i32
      %and3A_592 = vector.broadcast %and3A_591 : i32 to vector<16xi32>
      %and3A_593 = arith.andi %add3A_590, %and3A_592 : vector<16xi32>
      %and3A_594 = arith.constant 65535 : i32
      %and3A_595 = vector.broadcast %and3A_594 : i32 to vector<16xi32>
      %and3A_596 = arith.andi %add3A_590, %and3A_595 : vector<16xi32>
      %shift_right_logical3A_597 = arith.constant 14 : i32
      %shift_right_logical3A_598 = vector.broadcast %shift_right_logical3A_597 : i32 to vector<16xi32>
      %shift_right_logical3A_599 = arith.shrui %and3A_596, %shift_right_logical3A_598 : vector<16xi32>
      %and3A_600 = arith.constant 16383 : i32
      %and3A_601 = vector.broadcast %and3A_600 : i32 to vector<16xi32>
      %and3A_602 = arith.andi %and3A_596, %and3A_601 : vector<16xi32>
      %shift_left3A_603 = arith.constant 2 : i32
      %shift_left3A_604 = vector.broadcast %shift_left3A_603 : i32 to vector<16xi32>
      %shift_left3A_605 = arith.shli %and3A_602, %shift_left3A_604 : vector<16xi32>
      %or3A_606 = arith.ori %and3A_593, %shift_left3A_605 : vector<16xi32>
      %or3A_607 = arith.ori %or3A_606, %shift_right_logical3A_599 : vector<16xi32>
      %sub3A_608 = arith.constant 0 : i32
      %sub3A_609 = vector.broadcast %sub3A_608 : i32 to vector<16xi32>
      %sub3A_610 = arith.subi %or3A_607, %sub3A_609 : vector<16xi32>
      %swap3A_611 = arith.index_cast %scan3A_492 : i32 to index
      %swap3A_612 = arith.constant 48 : index
      %swap3A_613 = tpu.vector_load %arg5[%swap3A_611, %swap3A_612] {strides = array<i32>} : memref<80x128xi32, #tpu.memory_space<vmem>>, vector<1x16xi32>,
      %swap3A_614 = vector.shape_cast %swap3A_613 : vector<1x16xi32> to vector<16xi32>
      %swap3A_615 = vector.shape_cast %sub3A_610 : vector<16xi32> to vector<1x16xi32>
      tpu.vector_store %arg5[%swap3A_611, %swap3A_612], %swap3A_615 {strides = array<i32>} : memref<80x128xi32, #tpu.memory_space<vmem>>, vector<1x16xi32>,
      %get3A_616 = arith.index_cast %scan3A_492 : i32 to index
      %get3A_617 = arith.constant 64 : index
      %get3A_618 = tpu.vector_load %arg5[%get3A_616, %get3A_617] {strides = array<i32>} : memref<80x128xi32, #tpu.memory_space<vmem>>, vector<1x16xi32>,
      %get3A_619 = vector.shape_cast %get3A_618 : vector<1x16xi32> to vector<16xi32>
      %add3A_620 = vector.broadcast %mul3A_497 : i32 to vector<16xi32>
      %add3A_621 = arith.addi %get3A_619, %add3A_620 : vector<16xi32>
      %and3A_622 = arith.constant -65536 : i32
      %and3A_623 = vector.broadcast %and3A_622 : i32 to vector<16xi32>
      %and3A_624 = arith.andi %add3A_621, %and3A_623 : vector<16xi32>
      %and3A_625 = arith.constant 65535 : i32
      %and3A_626 = vector.broadcast %and3A_625 : i32 to vector<16xi32>
      %and3A_627 = arith.andi %add3A_621, %and3A_626 : vector<16xi32>
      %shift_right_logical3A_628 = arith.constant 14 : i32
      %shift_right_logical3A_629 = vector.broadcast %shift_right_logical3A_628 : i32 to vector<16xi32>
      %shift_right_logical3A_630 = arith.shrui %and3A_627, %shift_right_logical3A_629 : vector<16xi32>
      %and3A_631 = arith.constant 16383 : i32
      %and3A_632 = vector.broadcast %and3A_631 : i32 to vector<16xi32>
      %and3A_633 = arith.andi %and3A_627, %and3A_632 : vector<16xi32>
      %shift_left3A_634 = arith.constant 2 : i32
      %shift_left3A_635 = vector.broadcast %shift_left3A_634 : i32 to vector<16xi32>
      %shift_left3A_636 = arith.shli %and3A_633, %shift_left3A_635 : vector<16xi32>
      %or3A_637 = arith.ori %and3A_624, %shift_left3A_636 : vector<16xi32>
      %or3A_638 = arith.ori %or3A_637, %shift_right_logical3A_630 : vector<16xi32>
      %sub3A_639 = arith.constant 0 : i32
      %sub3A_640 = vector.broadcast %sub3A_639 : i32 to vector<16xi32>
      %sub3A_641 = arith.subi %or3A_638, %sub3A_640 : vector<16xi32>
      %swap3A_642 = arith.index_cast %scan3A_492 : i32 to index
      %swap3A_643 = arith.constant 64 : index
      %swap3A_644 = tpu.vector_load %arg5[%swap3A_642, %swap3A_643] {strides = array<i32>} : memref<80x128xi32, #tpu.memory_space<vmem>>, vector<1x16xi32>,
      %swap3A_645 = vector.shape_cast %swap3A_644 : vector<1x16xi32> to vector<16xi32>
      %swap3A_646 = vector.shape_cast %sub3A_641 : vector<16xi32> to vector<1x16xi32>
      tpu.vector_store %arg5[%swap3A_642, %swap3A_643], %swap3A_646 {strides = array<i32>} : memref<80x128xi32, #tpu.memory_space<vmem>>, vector<1x16xi32>,
      %get3A_647 = arith.index_cast %scan3A_492 : i32 to index
      %get3A_648 = arith.constant 80 : index
      %get3A_649 = tpu.vector_load %arg5[%get3A_647, %get3A_648] {strides = array<i32>} : memref<80x128xi32, #tpu.memory_space<vmem>>, vector<1x16xi32>,
      %get3A_650 = vector.shape_cast %get3A_649 : vector<1x16xi32> to vector<16xi32>
      %add3A_651 = vector.broadcast %mul3A_497 : i32 to vector<16xi32>
      %add3A_652 = arith.addi %get3A_650, %add3A_651 : vector<16xi32>
      %and3A_653 = arith.constant -65536 : i32
      %and3A_654 = vector.broadcast %and3A_653 : i32 to vector<16xi32>
      %and3A_655 = arith.andi %add3A_652, %and3A_654 : vector<16xi32>
      %and3A_656 = arith.constant 65535 : i32
      %and3A_657 = vector.broadcast %and3A_656 : i32 to vector<16xi32>
      %and3A_658 = arith.andi %add3A_652, %and3A_657 : vector<16xi32>
      %shift_right_logical3A_659 = arith.constant 14 : i32
      %shift_right_logical3A_660 = vector.broadcast %shift_right_logical3A_659 : i32 to vector<16xi32>
      %shift_right_logical3A_661 = arith.shrui %and3A_658, %shift_right_logical3A_660 : vector<16xi32>
      %and3A_662 = arith.constant 16383 : i32
      %and3A_663 = vector.broadcast %and3A_662 : i32 to vector<16xi32>
      %and3A_664 = arith.andi %and3A_658, %and3A_663 : vector<16xi32>
      %shift_left3A_665 = arith.constant 2 : i32
      %shift_left3A_666 = vector.broadcast %shift_left3A_665 : i32 to vector<16xi32>
      %shift_left3A_667 = arith.shli %and3A_664, %shift_left3A_666 : vector<16xi32>
      %or3A_668 = arith.ori %and3A_655, %shift_left3A_667 : vector<16xi32>
      %or3A_669 = arith.ori %or3A_668, %shift_right_logical3A_661 : vector<16xi32>
      %sub3A_670 = arith.constant 0 : i32
      %sub3A_671 = vector.broadcast %sub3A_670 : i32 to vector<16xi32>
      %sub3A_672 = arith.subi %or3A_669, %sub3A_671 : vector<16xi32>
      %swap3A_673 = arith.index_cast %scan3A_492 : i32 to index
      %swap3A_674 = arith.constant 80 : index
      %swap3A_675 = tpu.vector_load %arg5[%swap3A_673, %swap3A_674] {strides = array<i32>} : memref<80x128xi32, #tpu.memory_space<vmem>>, vector<1x16xi32>,
      %swap3A_676 = vector.shape_cast %swap3A_675 : vector<1x16xi32> to vector<16xi32>
      %swap3A_677 = vector.shape_cast %sub3A_672 : vector<16xi32> to vector<1x16xi32>
      tpu.vector_store %arg5[%swap3A_673, %swap3A_674], %swap3A_677 {strides = array<i32>} : memref<80x128xi32, #tpu.memory_space<vmem>>, vector<1x16xi32>,
      %get3A_678 = arith.index_cast %scan3A_492 : i32 to index
      %get3A_679 = arith.constant 96 : index
      %get3A_680 = tpu.vector_load %arg5[%get3A_678, %get3A_679] {strides = array<i32>} : memref<80x128xi32, #tpu.memory_space<vmem>>, vector<1x16xi32>,
      %get3A_681 = vector.shape_cast %get3A_680 : vector<1x16xi32> to vector<16xi32>
      %add3A_682 = vector.broadcast %mul3A_497 : i32 to vector<16xi32>
      %add3A_683 = arith.addi %get3A_681, %add3A_682 : vector<16xi32>
      %and3A_684 = arith.constant -65536 : i32
      %and3A_685 = vector.broadcast %and3A_684 : i32 to vector<16xi32>
      %and3A_686 = arith.andi %add3A_683, %and3A_685 : vector<16xi32>
      %and3A_687 = arith.constant 65535 : i32
      %and3A_688 = vector.broadcast %and3A_687 : i32 to vector<16xi32>
      %and3A_689 = arith.andi %add3A_683, %and3A_688 : vector<16xi32>
      %shift_right_logical3A_690 = arith.constant 14 : i32
      %shift_right_logical3A_691 = vector.broadcast %shift_right_logical3A_690 : i32 to vector<16xi32>
      %shift_right_logical3A_692 = arith.shrui %and3A_689, %shift_right_logical3A_691 : vector<16xi32>
      %and3A_693 = arith.constant 16383 : i32
      %and3A_694 = vector.broadcast %and3A_693 : i32 to vector<16xi32>
      %and3A_695 = arith.andi %and3A_689, %and3A_694 : vector<16xi32>
      %shift_left3A_696 = arith.constant 2 : i32
      %shift_left3A_697 = vector.broadcast %shift_left3A_696 : i32 to vector<16xi32>
      %shift_left3A_698 = arith.shli %and3A_695, %shift_left3A_697 : vector<16xi32>
      %or3A_699 = arith.ori %and3A_686, %shift_left3A_698 : vector<16xi32>
      %or3A_700 = arith.ori %or3A_699, %shift_right_logical3A_692 : vector<16xi32>
      %sub3A_701 = arith.constant 0 : i32
      %sub3A_702 = vector.broadcast %sub3A_701 : i32 to vector<16xi32>
      %sub3A_703 = arith.subi %or3A_700, %sub3A_702 : vector<16xi32>
      %swap3A_704 = arith.index_cast %scan3A_492 : i32 to index
      %swap3A_705 = arith.constant 96 : index
      %swap3A_706 = tpu.vector_load %arg5[%swap3A_704, %swap3A_705] {strides = array<i32>} : memref<80x128xi32, #tpu.memory_space<vmem>>, vector<1x16xi32>,
      %swap3A_707 = vector.shape_cast %swap3A_706 : vector<1x16xi32> to vector<16xi32>
      %swap3A_708 = vector.shape_cast %sub3A_703 : vector<16xi32> to vector<1x16xi32>
      tpu.vector_store %arg5[%swap3A_704, %swap3A_705], %swap3A_708 {strides = array<i32>} : memref<80x128xi32, #tpu.memory_space<vmem>>, vector<1x16xi32>,
      %get3A_709 = arith.index_cast %scan3A_492 : i32 to index
      %get3A_710 = arith.constant 112 : index
      %get3A_711 = tpu.vector_load %arg5[%get3A_709, %get3A_710] {strides = array<i32>} : memref<80x128xi32, #tpu.memory_space<vmem>>, vector<1x16xi32>,
      %get3A_712 = vector.shape_cast %get3A_711 : vector<1x16xi32> to vector<16xi32>
      %add3A_713 = vector.broadcast %mul3A_497 : i32 to vector<16xi32>
      %add3A_714 = arith.addi %get3A_712, %add3A_713 : vector<16xi32>
      %and3A_715 = arith.constant -65536 : i32
      %and3A_716 = vector.broadcast %and3A_715 : i32 to vector<16xi32>
      %and3A_717 = arith.andi %add3A_714, %and3A_716 : vector<16xi32>
      %and3A_718 = arith.constant 65535 : i32
      %and3A_719 = vector.broadcast %and3A_718 : i32 to vector<16xi32>
      %and3A_720 = arith.andi %add3A_714, %and3A_719 : vector<16xi32>
      %shift_right_logical3A_721 = arith.constant 14 : i32
      %shift_right_logical3A_722 = vector.broadcast %shift_right_logical3A_721 : i32 to vector<16xi32>
      %shift_right_logical3A_723 = arith.shrui %and3A_720, %shift_right_logical3A_722 : vector<16xi32>
      %and3A_724 = arith.constant 16383 : i32
      %and3A_725 = vector.broadcast %and3A_724 : i32 to vector<16xi32>
      %and3A_726 = arith.andi %and3A_720, %and3A_725 : vector<16xi32>
      %shift_left3A_727 = arith.constant 2 : i32
      %shift_left3A_728 = vector.broadcast %shift_left3A_727 : i32 to vector<16xi32>
      %shift_left3A_729 = arith.shli %and3A_726, %shift_left3A_728 : vector<16xi32>
      %or3A_730 = arith.ori %and3A_717, %shift_left3A_729 : vector<16xi32>
      %or3A_731 = arith.ori %or3A_730, %shift_right_logical3A_723 : vector<16xi32>
      %sub3A_732 = arith.constant 0 : i32
      %sub3A_733 = vector.broadcast %sub3A_732 : i32 to vector<16xi32>
      %sub3A_734 = arith.subi %or3A_731, %sub3A_733 : vector<16xi32>
      %swap3A_735 = arith.index_cast %scan3A_492 : i32 to index
      %swap3A_736 = arith.constant 112 : index
      %swap3A_737 = tpu.vector_load %arg5[%swap3A_735, %swap3A_736] {strides = array<i32>} : memref<80x128xi32, #tpu.memory_space<vmem>>, vector<1x16xi32>,
      %swap3A_738 = vector.shape_cast %swap3A_737 : vector<1x16xi32> to vector<16xi32>
      %swap3A_739 = vector.shape_cast %sub3A_734 : vector<16xi32> to vector<1x16xi32>
      tpu.vector_store %arg5[%swap3A_735, %swap3A_736], %swap3A_739 {strides = array<i32>} : memref<80x128xi32, #tpu.memory_space<vmem>>, vector<1x16xi32>,
    }
    %scan3A_9 = arith.constant 80 : i32
    %scan3A_10 = arith.constant 0 : i32
    %scan3A_11 = arith.constant 0 : i32
    %scan3A_12 = arith.constant 10 : i32
    %scan3A_13 = arith.addi %scan3A_11, %scan3A_12 : i32
    %scan3A_14 = arith.constant 1 : i32
    scf.for %scan3A_492 = %scan3A_11 to %scan3A_13 step %scan3A_14  : i32 {
      %rem3A_493 = arith.constant 2 : i32
      %rem3A_494 = arith.remsi %scan3A_492, %rem3A_493 : i32
      %ge3A = arith.constant 2 : i32
      %ge3A_495 = arith.cmpi sge, %scan3A_492, %ge3A : i32
      %convert_element_type3A = arith.extui %ge3A_495 : i1 to i32
      %cond3A = arith.constant 0 : i32
      %cond3A_496 = arith.cmpi ne, %convert_element_type3A, %cond3A : i32
      scf.if %cond3A_496 {
        %add3A_944 = arith.constant 0 : i32
        %add3A_945 = arith.addi %add3A_4, %add3A_944 : i32
        %div3A_946 = arith.constant 128 : i32
        %div3A_947 = arith.divsi %add3A_945, %div3A_946 : i32
        %sub3A_948 = arith.constant 0 : i32
        %sub3A_949 = arith.subi %div3A_947, %sub3A_948 : i32
        %div3A_950 = arith.constant 4 : i32
        %div3A_951 = arith.divsi %sub3A_949, %div3A_950 : i32
        %rem3A_952 = arith.constant 4 : i32
        %rem3A_953 = arith.remsi %sub3A_949, %rem3A_952 : i32
        %rem3A_954 = arith.constant 128 : i32
        %rem3A_955 = arith.remsi %add3A_945, %rem3A_954 : i32
        %mul3A_956 = arith.constant 128 : i32
        %mul3A_957 = arith.muli %rem3A_955, %mul3A_956 : i32
        %mul3A_958 = arith.constant 16384 : i32
        %mul3A_959 = arith.muli %div3A_951, %mul3A_958 : i32
        %add3A_960 = arith.addi %mul3A_959, %mul3A_957 : i32
        %mul3A_961 = arith.constant 32 : i32
        %mul3A_962 = arith.muli %mul3A_961, %rem3A_953 : i32
        %dma_wait3A_963 = arith.constant 0 : i32
        %dma_wait3A_964 = arith.constant 0 : i32
        %dma_wait3A_965 = arith.constant 0 : i32
        %dma_wait3A_966 = tpu.memref_slice %arg6[%dma_wait3A_963, %dma_wait3A_964, %dma_wait3A_965] : memref<2x1024x32xf32, #tpu.memory_space<vmem>> -> memref<1x128x32xf32, #tpu.memory_space<vmem>>
        %dma_wait3A_967 = tpu.memref_squeeze %dma_wait3A_966 : memref<1x128x32xf32, #tpu.memory_space<vmem>> -> memref<128x32xf32, #tpu.memory_space<vmem>>
        %dma_wait3A_968 = tpu.memref_slice %arg4[%add3A_960, %mul3A_962] : memref<81920x128xf32, #tpu.memory_space<hbm>> -> memref<128x32xf32, #tpu.memory_space<hbm>>
        %dma_wait3A_969 = tpu.memref_slice %arg4[%add3A_960, %mul3A_962] : memref<81920x128xf32, #tpu.memory_space<hbm>> -> memref<128x32xf32, #tpu.memory_space<hbm>>
        %dma_wait3A_970 = arith.constant 0 : i32
        %dma_wait3A_971 = arith.constant 0 : i32
        %dma_wait3A_972 = tpu.memref_slice %arg6[%dma_wait3A_963, %dma_wait3A_970, %dma_wait3A_971] : memref<2x1024x32xf32, #tpu.memory_space<vmem>> -> memref<1x128x32xf32, #tpu.memory_space<vmem>>
        %dma_wait3A_973 = tpu.memref_squeeze %dma_wait3A_972 : memref<1x128x32xf32, #tpu.memory_space<vmem>> -> memref<128x32xf32, #tpu.memory_space<vmem>>
        tpu.wait_dma2 semaphore(%arg8 : memref<!tpu.dma_semaphore, #tpu.memory_space<semaphore_mem>>) src(%dma_wait3A_973 : memref<128x32xf32, #tpu.memory_space<vmem>>) dst(%dma_wait3A_969 : memref<128x32xf32, #tpu.memory_space<hbm>>)
        %add3A_974 = arith.constant 0 : i32
        %add3A_975 = arith.addi %add3A_4, %add3A_974 : i32
        %div3A_976 = arith.constant 128 : i32
        %div3A_977 = arith.divsi %add3A_975, %div3A_976 : i32
        %sub3A_978 = arith.constant 0 : i32
        %sub3A_979 = arith.subi %div3A_977, %sub3A_978 : i32
        %div3A_980 = arith.constant 4 : i32
        %div3A_981 = arith.divsi %sub3A_979, %div3A_980 : i32
        %rem3A_982 = arith.constant 4 : i32
        %rem3A_983 = arith.remsi %sub3A_979, %rem3A_982 : i32
        %rem3A_984 = arith.constant 128 : i32
        %rem3A_985 = arith.remsi %add3A_975, %rem3A_984 : i32
        %mul3A_986 = arith.constant 128 : i32
        %mul3A_987 = arith.muli %rem3A_985, %mul3A_986 : i32
        %mul3A_988 = arith.constant 16384 : i32
        %mul3A_989 = arith.muli %div3A_981, %mul3A_988 : i32
        %add3A_990 = arith.addi %mul3A_989, %mul3A_987 : i32
        %mul3A_991 = arith.constant 32 : i32
        %mul3A_992 = arith.muli %mul3A_991, %rem3A_983 : i32
        %dma_wait3A_993 = arith.constant 0 : i32
        %dma_wait3A_994 = arith.constant 0 : i32
        %dma_wait3A_995 = arith.constant 0 : i32
        %dma_wait3A_996 = tpu.memref_slice %arg6[%dma_wait3A_993, %dma_wait3A_994, %dma_wait3A_995] : memref<2x1024x32xf32, #tpu.memory_space<vmem>> -> memref<1x128x32xf32, #tpu.memory_space<vmem>>
        %dma_wait3A_997 = tpu.memref_squeeze %dma_wait3A_996 : memref<1x128x32xf32, #tpu.memory_space<vmem>> -> memref<128x32xf32, #tpu.memory_space<vmem>>
        %dma_wait3A_998 = tpu.memref_slice %arg4[%add3A_990, %mul3A_992] : memref<81920x128xf32, #tpu.memory_space<hbm>> -> memref<128x32xf32, #tpu.memory_space<hbm>>
        %dma_wait3A_999 = tpu.memref_slice %arg4[%add3A_990, %mul3A_992] : memref<81920x128xf32, #tpu.memory_space<hbm>> -> memref<128x32xf32, #tpu.memory_space<hbm>>
        %dma_wait3A_1000 = arith.constant 0 : i32
        %dma_wait3A_1001 = arith.constant 0 : i32
        %dma_wait3A_1002 = tpu.memref_slice %arg6[%dma_wait3A_993, %dma_wait3A_1000, %dma_wait3A_1001] : memref<2x1024x32xf32, #tpu.memory_space<vmem>> -> memref<1x128x32xf32, #tpu.memory_space<vmem>>
        %dma_wait3A_1003 = tpu.memref_squeeze %dma_wait3A_1002 : memref<1x128x32xf32, #tpu.memory_space<vmem>> -> memref<128x32xf32, #tpu.memory_space<vmem>>
        tpu.wait_dma2 semaphore(%arg8 : memref<!tpu.dma_semaphore, #tpu.memory_space<semaphore_mem>>) src(%dma_wait3A_1003 : memref<128x32xf32, #tpu.memory_space<vmem>>) dst(%dma_wait3A_999 : memref<128x32xf32, #tpu.memory_space<hbm>>)
        %add3A_1004 = arith.constant 0 : i32
        %add3A_1005 = arith.addi %add3A_4, %add3A_1004 : i32
        %div3A_1006 = arith.constant 128 : i32
        %div3A_1007 = arith.divsi %add3A_1005, %div3A_1006 : i32
        %sub3A_1008 = arith.constant 0 : i32
        %sub3A_1009 = arith.subi %div3A_1007, %sub3A_1008 : i32
        %div3A_1010 = arith.constant 4 : i32
        %div3A_1011 = arith.divsi %sub3A_1009, %div3A_1010 : i32
        %rem3A_1012 = arith.constant 4 : i32
        %rem3A_1013 = arith.remsi %sub3A_1009, %rem3A_1012 : i32
        %rem3A_1014 = arith.constant 128 : i32
        %rem3A_1015 = arith.remsi %add3A_1005, %rem3A_1014 : i32
        %mul3A_1016 = arith.constant 128 : i32
        %mul3A_1017 = arith.muli %rem3A_1015, %mul3A_1016 : i32
        %mul3A_1018 = arith.constant 16384 : i32
        %mul3A_1019 = arith.muli %div3A_1011, %mul3A_1018 : i32
        %add3A_1020 = arith.addi %mul3A_1019, %mul3A_1017 : i32
        %mul3A_1021 = arith.constant 32 : i32
        %mul3A_1022 = arith.muli %mul3A_1021, %rem3A_1013 : i32
        %dma_wait3A_1023 = arith.constant 0 : i32
        %dma_wait3A_1024 = arith.constant 0 : i32
        %dma_wait3A_1025 = arith.constant 0 : i32
        %dma_wait3A_1026 = tpu.memref_slice %arg6[%dma_wait3A_1023, %dma_wait3A_1024, %dma_wait3A_1025] : memref<2x1024x32xf32, #tpu.memory_space<vmem>> -> memref<1x128x32xf32, #tpu.memory_space<vmem>>
        %dma_wait3A_1027 = tpu.memref_squeeze %dma_wait3A_1026 : memref<1x128x32xf32, #tpu.memory_space<vmem>> -> memref<128x32xf32, #tpu.memory_space<vmem>>
        %dma_wait3A_1028 = tpu.memref_slice %arg4[%add3A_1020, %mul3A_1022] : memref<81920x128xf32, #tpu.memory_space<hbm>> -> memref<128x32xf32, #tpu.memory_space<hbm>>
        %dma_wait3A_1029 = tpu.memref_slice %arg4[%add3A_1020, %mul3A_1022] : memref<81920x128xf32, #tpu.memory_space<hbm>> -> memref<128x32xf32, #tpu.memory_space<hbm>>
        %dma_wait3A_1030 = arith.constant 0 : i32
        %dma_wait3A_1031 = arith.constant 0 : i32
        %dma_wait3A_1032 = tpu.memref_slice %arg6[%dma_wait3A_1023, %dma_wait3A_1030, %dma_wait3A_1031] : memref<2x1024x32xf32, #tpu.memory_space<vmem>> -> memref<1x128x32xf32, #tpu.memory_space<vmem>>
        %dma_wait3A_1033 = tpu.memref_squeeze %dma_wait3A_1032 : memref<1x128x32xf32, #tpu.memory_space<vmem>> -> memref<128x32xf32, #tpu.memory_space<vmem>>
        tpu.wait_dma2 semaphore(%arg8 : memref<!tpu.dma_semaphore, #tpu.memory_space<semaphore_mem>>) src(%dma_wait3A_1033 : memref<128x32xf32, #tpu.memory_space<vmem>>) dst(%dma_wait3A_1029 : memref<128x32xf32, #tpu.memory_space<hbm>>)
        %add3A_1034 = arith.constant 0 : i32
        %add3A_1035 = arith.addi %add3A_4, %add3A_1034 : i32
        %div3A_1036 = arith.constant 128 : i32
        %div3A_1037 = arith.divsi %add3A_1035, %div3A_1036 : i32
        %sub3A_1038 = arith.constant 0 : i32
        %sub3A_1039 = arith.subi %div3A_1037, %sub3A_1038 : i32
        %div3A_1040 = arith.constant 4 : i32
        %div3A_1041 = arith.divsi %sub3A_1039, %div3A_1040 : i32
        %rem3A_1042 = arith.constant 4 : i32
        %rem3A_1043 = arith.remsi %sub3A_1039, %rem3A_1042 : i32
        %rem3A_1044 = arith.constant 128 : i32
        %rem3A_1045 = arith.remsi %add3A_1035, %rem3A_1044 : i32
        %mul3A_1046 = arith.constant 128 : i32
        %mul3A_1047 = arith.muli %rem3A_1045, %mul3A_1046 : i32
        %mul3A_1048 = arith.constant 16384 : i32
        %mul3A_1049 = arith.muli %div3A_1041, %mul3A_1048 : i32
        %add3A_1050 = arith.addi %mul3A_1049, %mul3A_1047 : i32
        %mul3A_1051 = arith.constant 32 : i32
        %mul3A_1052 = arith.muli %mul3A_1051, %rem3A_1043 : i32
        %dma_wait3A_1053 = arith.constant 0 : i32
        %dma_wait3A_1054 = arith.constant 0 : i32
        %dma_wait3A_1055 = arith.constant 0 : i32
        %dma_wait3A_1056 = tpu.memref_slice %arg6[%dma_wait3A_1053, %dma_wait3A_1054, %dma_wait3A_1055] : memref<2x1024x32xf32, #tpu.memory_space<vmem>> -> memref<1x128x32xf32, #tpu.memory_space<vmem>>
        %dma_wait3A_1057 = tpu.memref_squeeze %dma_wait3A_1056 : memref<1x128x32xf32, #tpu.memory_space<vmem>> -> memref<128x32xf32, #tpu.memory_space<vmem>>
        %dma_wait3A_1058 = tpu.memref_slice %arg4[%add3A_1050, %mul3A_1052] : memref<81920x128xf32, #tpu.memory_space<hbm>> -> memref<128x32xf32, #tpu.memory_space<hbm>>
        %dma_wait3A_1059 = tpu.memref_slice %arg4[%add3A_1050, %mul3A_1052] : memref<81920x128xf32, #tpu.memory_space<hbm>> -> memref<128x32xf32, #tpu.memory_space<hbm>>
        %dma_wait3A_1060 = arith.constant 0 : i32
        %dma_wait3A_1061 = arith.constant 0 : i32
        %dma_wait3A_1062 = tpu.memref_slice %arg6[%dma_wait3A_1053, %dma_wait3A_1060, %dma_wait3A_1061] : memref<2x1024x32xf32, #tpu.memory_space<vmem>> -> memref<1x128x32xf32, #tpu.memory_space<vmem>>
        %dma_wait3A_1063 = tpu.memref_squeeze %dma_wait3A_1062 : memref<1x128x32xf32, #tpu.memory_space<vmem>> -> memref<128x32xf32, #tpu.memory_space<vmem>>
        tpu.wait_dma2 semaphore(%arg8 : memref<!tpu.dma_semaphore, #tpu.memory_space<semaphore_mem>>) src(%dma_wait3A_1063 : memref<128x32xf32, #tpu.memory_space<vmem>>) dst(%dma_wait3A_1059 : memref<128x32xf32, #tpu.memory_space<hbm>>)
        %add3A_1064 = arith.constant 0 : i32
        %add3A_1065 = arith.addi %add3A_4, %add3A_1064 : i32
        %div3A_1066 = arith.constant 128 : i32
        %div3A_1067 = arith.divsi %add3A_1065, %div3A_1066 : i32
        %sub3A_1068 = arith.constant 0 : i32
        %sub3A_1069 = arith.subi %div3A_1067, %sub3A_1068 : i32
        %div3A_1070 = arith.constant 4 : i32
        %div3A_1071 = arith.divsi %sub3A_1069, %div3A_1070 : i32
        %rem3A_1072 = arith.constant 4 : i32
        %rem3A_1073 = arith.remsi %sub3A_1069, %rem3A_1072 : i32
        %rem3A_1074 = arith.constant 128 : i32
        %rem3A_1075 = arith.remsi %add3A_1065, %rem3A_1074 : i32
        %mul3A_1076 = arith.constant 128 : i32
        %mul3A_1077 = arith.muli %rem3A_1075, %mul3A_1076 : i32
        %mul3A_1078 = arith.constant 16384 : i32
        %mul3A_1079 = arith.muli %div3A_1071, %mul3A_1078 : i32
        %add3A_1080 = arith.addi %mul3A_1079, %mul3A_1077 : i32
        %mul3A_1081 = arith.constant 32 : i32
        %mul3A_1082 = arith.muli %mul3A_1081, %rem3A_1073 : i32
        %dma_wait3A_1083 = arith.constant 0 : i32
        %dma_wait3A_1084 = arith.constant 0 : i32
        %dma_wait3A_1085 = arith.constant 0 : i32
        %dma_wait3A_1086 = tpu.memref_slice %arg6[%dma_wait3A_1083, %dma_wait3A_1084, %dma_wait3A_1085] : memref<2x1024x32xf32, #tpu.memory_space<vmem>> -> memref<1x128x32xf32, #tpu.memory_space<vmem>>
        %dma_wait3A_1087 = tpu.memref_squeeze %dma_wait3A_1086 : memref<1x128x32xf32, #tpu.memory_space<vmem>> -> memref<128x32xf32, #tpu.memory_space<vmem>>
        %dma_wait3A_1088 = tpu.memref_slice %arg4[%add3A_1080, %mul3A_1082] : memref<81920x128xf32, #tpu.memory_space<hbm>> -> memref<128x32xf32, #tpu.memory_space<hbm>>
        %dma_wait3A_1089 = tpu.memref_slice %arg4[%add3A_1080, %mul3A_1082] : memref<81920x128xf32, #tpu.memory_space<hbm>> -> memref<128x32xf32, #tpu.memory_space<hbm>>
        %dma_wait3A_1090 = arith.constant 0 : i32
        %dma_wait3A_1091 = arith.constant 0 : i32
        %dma_wait3A_1092 = tpu.memref_slice %arg6[%dma_wait3A_1083, %dma_wait3A_1090, %dma_wait3A_1091] : memref<2x1024x32xf32, #tpu.memory_space<vmem>> -> memref<1x128x32xf32, #tpu.memory_space<vmem>>
        %dma_wait3A_1093 = tpu.memref_squeeze %dma_wait3A_1092 : memref<1x128x32xf32, #tpu.memory_space<vmem>> -> memref<128x32xf32, #tpu.memory_space<vmem>>
        tpu.wait_dma2 semaphore(%arg8 : memref<!tpu.dma_semaphore, #tpu.memory_space<semaphore_mem>>) src(%dma_wait3A_1093 : memref<128x32xf32, #tpu.memory_space<vmem>>) dst(%dma_wait3A_1089 : memref<128x32xf32, #tpu.memory_space<hbm>>)
        %add3A_1094 = arith.constant 0 : i32
        %add3A_1095 = arith.addi %add3A_4, %add3A_1094 : i32
        %div3A_1096 = arith.constant 128 : i32
        %div3A_1097 = arith.divsi %add3A_1095, %div3A_1096 : i32
        %sub3A_1098 = arith.constant 0 : i32
        %sub3A_1099 = arith.subi %div3A_1097, %sub3A_1098 : i32
        %div3A_1100 = arith.constant 4 : i32
        %div3A_1101 = arith.divsi %sub3A_1099, %div3A_1100 : i32
        %rem3A_1102 = arith.constant 4 : i32
        %rem3A_1103 = arith.remsi %sub3A_1099, %rem3A_1102 : i32
        %rem3A_1104 = arith.constant 128 : i32
        %rem3A_1105 = arith.remsi %add3A_1095, %rem3A_1104 : i32
        %mul3A_1106 = arith.constant 128 : i32
        %mul3A_1107 = arith.muli %rem3A_1105, %mul3A_1106 : i32
        %mul3A_1108 = arith.constant 16384 : i32
        %mul3A_1109 = arith.muli %div3A_1101, %mul3A_1108 : i32
        %add3A_1110 = arith.addi %mul3A_1109, %mul3A_1107 : i32
        %mul3A_1111 = arith.constant 32 : i32
        %mul3A_1112 = arith.muli %mul3A_1111, %rem3A_1103 : i32
        %dma_wait3A_1113 = arith.constant 0 : i32
        %dma_wait3A_1114 = arith.constant 0 : i32
        %dma_wait3A_1115 = arith.constant 0 : i32
        %dma_wait3A_1116 = tpu.memref_slice %arg6[%dma_wait3A_1113, %dma_wait3A_1114, %dma_wait3A_1115] : memref<2x1024x32xf32, #tpu.memory_space<vmem>> -> memref<1x128x32xf32, #tpu.memory_space<vmem>>
        %dma_wait3A_1117 = tpu.memref_squeeze %dma_wait3A_1116 : memref<1x128x32xf32, #tpu.memory_space<vmem>> -> memref<128x32xf32, #tpu.memory_space<vmem>>
        %dma_wait3A_1118 = tpu.memref_slice %arg4[%add3A_1110, %mul3A_1112] : memref<81920x128xf32, #tpu.memory_space<hbm>> -> memref<128x32xf32, #tpu.memory_space<hbm>>
        %dma_wait3A_1119 = tpu.memref_slice %arg4[%add3A_1110, %mul3A_1112] : memref<81920x128xf32, #tpu.memory_space<hbm>> -> memref<128x32xf32, #tpu.memory_space<hbm>>
        %dma_wait3A_1120 = arith.constant 0 : i32
        %dma_wait3A_1121 = arith.constant 0 : i32
        %dma_wait3A_1122 = tpu.memref_slice %arg6[%dma_wait3A_1113, %dma_wait3A_1120, %dma_wait3A_1121] : memref<2x1024x32xf32, #tpu.memory_space<vmem>> -> memref<1x128x32xf32, #tpu.memory_space<vmem>>
        %dma_wait3A_1123 = tpu.memref_squeeze %dma_wait3A_1122 : memref<1x128x32xf32, #tpu.memory_space<vmem>> -> memref<128x32xf32, #tpu.memory_space<vmem>>
        tpu.wait_dma2 semaphore(%arg8 : memref<!tpu.dma_semaphore, #tpu.memory_space<semaphore_mem>>) src(%dma_wait3A_1123 : memref<128x32xf32, #tpu.memory_space<vmem>>) dst(%dma_wait3A_1119 : memref<128x32xf32, #tpu.memory_space<hbm>>)
        %add3A_1124 = arith.constant 0 : i32
        %add3A_1125 = arith.addi %add3A_4, %add3A_1124 : i32
        %div3A_1126 = arith.constant 128 : i32
        %div3A_1127 = arith.divsi %add3A_1125, %div3A_1126 : i32
        %sub3A_1128 = arith.constant 0 : i32
        %sub3A_1129 = arith.subi %div3A_1127, %sub3A_1128 : i32
        %div3A_1130 = arith.constant 4 : i32
        %div3A_1131 = arith.divsi %sub3A_1129, %div3A_1130 : i32
        %rem3A_1132 = arith.constant 4 : i32
        %rem3A_1133 = arith.remsi %sub3A_1129, %rem3A_1132 : i32
        %rem3A_1134 = arith.constant 128 : i32
        %rem3A_1135 = arith.remsi %add3A_1125, %rem3A_1134 : i32
        %mul3A_1136 = arith.constant 128 : i32
        %mul3A_1137 = arith.muli %rem3A_1135, %mul3A_1136 : i32
        %mul3A_1138 = arith.constant 16384 : i32
        %mul3A_1139 = arith.muli %div3A_1131, %mul3A_1138 : i32
        %add3A_1140 = arith.addi %mul3A_1139, %mul3A_1137 : i32
        %mul3A_1141 = arith.constant 32 : i32
        %mul3A_1142 = arith.muli %mul3A_1141, %rem3A_1133 : i32
        %dma_wait3A_1143 = arith.constant 0 : i32
        %dma_wait3A_1144 = arith.constant 0 : i32
        %dma_wait3A_1145 = arith.constant 0 : i32
        %dma_wait3A_1146 = tpu.memref_slice %arg6[%dma_wait3A_1143, %dma_wait3A_1144, %dma_wait3A_1145] : memref<2x1024x32xf32, #tpu.memory_space<vmem>> -> memref<1x128x32xf32, #tpu.memory_space<vmem>>
        %dma_wait3A_1147 = tpu.memref_squeeze %dma_wait3A_1146 : memref<1x128x32xf32, #tpu.memory_space<vmem>> -> memref<128x32xf32, #tpu.memory_space<vmem>>
        %dma_wait3A_1148 = tpu.memref_slice %arg4[%add3A_1140, %mul3A_1142] : memref<81920x128xf32, #tpu.memory_space<hbm>> -> memref<128x32xf32, #tpu.memory_space<hbm>>
        %dma_wait3A_1149 = tpu.memref_slice %arg4[%add3A_1140, %mul3A_1142] : memref<81920x128xf32, #tpu.memory_space<hbm>> -> memref<128x32xf32, #tpu.memory_space<hbm>>
        %dma_wait3A_1150 = arith.constant 0 : i32
        %dma_wait3A_1151 = arith.constant 0 : i32
        %dma_wait3A_1152 = tpu.memref_slice %arg6[%dma_wait3A_1143, %dma_wait3A_1150, %dma_wait3A_1151] : memref<2x1024x32xf32, #tpu.memory_space<vmem>> -> memref<1x128x32xf32, #tpu.memory_space<vmem>>
        %dma_wait3A_1153 = tpu.memref_squeeze %dma_wait3A_1152 : memref<1x128x32xf32, #tpu.memory_space<vmem>> -> memref<128x32xf32, #tpu.memory_space<vmem>>
        tpu.wait_dma2 semaphore(%arg8 : memref<!tpu.dma_semaphore, #tpu.memory_space<semaphore_mem>>) src(%dma_wait3A_1153 : memref<128x32xf32, #tpu.memory_space<vmem>>) dst(%dma_wait3A_1149 : memref<128x32xf32, #tpu.memory_space<hbm>>)
        %add3A_1154 = arith.constant 0 : i32
        %add3A_1155 = arith.addi %add3A_4, %add3A_1154 : i32
        %div3A_1156 = arith.constant 128 : i32
        %div3A_1157 = arith.divsi %add3A_1155, %div3A_1156 : i32
        %sub3A_1158 = arith.constant 0 : i32
        %sub3A_1159 = arith.subi %div3A_1157, %sub3A_1158 : i32
        %div3A_1160 = arith.constant 4 : i32
        %div3A_1161 = arith.divsi %sub3A_1159, %div3A_1160 : i32
        %rem3A_1162 = arith.constant 4 : i32
        %rem3A_1163 = arith.remsi %sub3A_1159, %rem3A_1162 : i32
        %rem3A_1164 = arith.constant 128 : i32
        %rem3A_1165 = arith.remsi %add3A_1155, %rem3A_1164 : i32
        %mul3A_1166 = arith.constant 128 : i32
        %mul3A_1167 = arith.muli %rem3A_1165, %mul3A_1166 : i32
        %mul3A_1168 = arith.constant 16384 : i32
        %mul3A_1169 = arith.muli %div3A_1161, %mul3A_1168 : i32
        %add3A_1170 = arith.addi %mul3A_1169, %mul3A_1167 : i32
        %mul3A_1171 = arith.constant 32 : i32
        %mul3A_1172 = arith.muli %mul3A_1171, %rem3A_1163 : i32
        %dma_wait3A_1173 = arith.constant 0 : i32
        %dma_wait3A_1174 = arith.constant 0 : i32
        %dma_wait3A_1175 = arith.constant 0 : i32
        %dma_wait3A_1176 = tpu.memref_slice %arg6[%dma_wait3A_1173, %dma_wait3A_1174, %dma_wait3A_1175] : memref<2x1024x32xf32, #tpu.memory_space<vmem>> -> memref<1x128x32xf32, #tpu.memory_space<vmem>>
        %dma_wait3A_1177 = tpu.memref_squeeze %dma_wait3A_1176 : memref<1x128x32xf32, #tpu.memory_space<vmem>> -> memref<128x32xf32, #tpu.memory_space<vmem>>
        %dma_wait3A_1178 = tpu.memref_slice %arg4[%add3A_1170, %mul3A_1172] : memref<81920x128xf32, #tpu.memory_space<hbm>> -> memref<128x32xf32, #tpu.memory_space<hbm>>
        %dma_wait3A_1179 = tpu.memref_slice %arg4[%add3A_1170, %mul3A_1172] : memref<81920x128xf32, #tpu.memory_space<hbm>> -> memref<128x32xf32, #tpu.memory_space<hbm>>
        %dma_wait3A_1180 = arith.constant 0 : i32
        %dma_wait3A_1181 = arith.constant 0 : i32
        %dma_wait3A_1182 = tpu.memref_slice %arg6[%dma_wait3A_1173, %dma_wait3A_1180, %dma_wait3A_1181] : memref<2x1024x32xf32, #tpu.memory_space<vmem>> -> memref<1x128x32xf32, #tpu.memory_space<vmem>>
        %dma_wait3A_1183 = tpu.memref_squeeze %dma_wait3A_1182 : memref<1x128x32xf32, #tpu.memory_space<vmem>> -> memref<128x32xf32, #tpu.memory_space<vmem>>
        tpu.wait_dma2 semaphore(%arg8 : memref<!tpu.dma_semaphore, #tpu.memory_space<semaphore_mem>>) src(%dma_wait3A_1183 : memref<128x32xf32, #tpu.memory_space<vmem>>) dst(%dma_wait3A_1179 : memref<128x32xf32, #tpu.memory_space<hbm>>)
      } else {
      }
      %mul3A_497 = arith.constant 8 : i32
      %mul3A_498 = arith.muli %scan3A_492, %mul3A_497 : i32
      %add3A_499 = arith.constant 0 : i32
      %add3A_500 = arith.addi %mul3A_498, %add3A_499 : i32
      %dma_start3A = arith.constant 0 : i32
      %dma_start3A_501 = arith.constant 0 : i32
      %dma_start3A_502 = tpu.memref_slice %arg6[%rem3A_494, %dma_start3A, %dma_start3A_501] : memref<2x1024x32xf32, #tpu.memory_space<vmem>> -> memref<1x128x32xf32, #tpu.memory_space<vmem>>
      %dma_start3A_503 = tpu.memref_squeeze %dma_start3A_502 : memref<1x128x32xf32, #tpu.memory_space<vmem>> -> memref<128x32xf32, #tpu.memory_space<vmem>>
      %dma_start3A_504 = arith.constant 0 : i32
      %dma_start3A_505 = tpu.memref_slice %arg5[%add3A_500, %dma_start3A_504] : memref<80x128xi32, #tpu.memory_space<vmem>> -> memref<1x128xi32, #tpu.memory_space<vmem>>
      %dma_start3A_506 = tpu.memref_squeeze %dma_start3A_505 : memref<1x128xi32, #tpu.memory_space<vmem>> -> memref<128xi32, #tpu.memory_space<vmem>>
      %dma_start3A_507 = arith.constant 0 : i32
      %dma_start3A_508 = arith.constant 0 : i32
      %dma_start3A_509 = tpu.memref_slice %arg3[%dma_start3A_507, %dma_start3A_508] : memref<2031616x32xf32, #tpu.memory_space<hbm>> -> memref<2031616x32xf32, #tpu.memory_space<hbm>>
      tpu.enqueue_indirect_dma source(%dma_start3A_509 : memref<2031616x32xf32, #tpu.memory_space<hbm>>) target(%dma_start3A_503 : memref<128x32xf32, #tpu.memory_space<vmem>>) offsets(%dma_start3A_506 : memref<128xi32, #tpu.memory_space<vmem>>) semaphore(%arg7 : memref<!tpu.dma_semaphore, #tpu.memory_space<semaphore_mem>>)
      %mul3A_510 = arith.constant 8 : i32
      %mul3A_511 = arith.muli %scan3A_492, %mul3A_510 : i32
      %add3A_512 = arith.constant 1 : i32
      %add3A_513 = arith.addi %mul3A_511, %add3A_512 : i32
      %dma_start3A_514 = arith.constant 128 : i32
      %dma_start3A_515 = arith.constant 0 : i32
      %dma_start3A_516 = tpu.memref_slice %arg6[%rem3A_494, %dma_start3A_514, %dma_start3A_515] : memref<2x1024x32xf32, #tpu.memory_space<vmem>> -> memref<1x128x32xf32, #tpu.memory_space<vmem>>
      %dma_start3A_517 = tpu.memref_squeeze %dma_start3A_516 : memref<1x128x32xf32, #tpu.memory_space<vmem>> -> memref<128x32xf32, #tpu.memory_space<vmem>>
      %dma_start3A_518 = arith.constant 0 : i32
      %dma_start3A_519 = tpu.memref_slice %arg5[%add3A_513, %dma_start3A_518] : memref<80x128xi32, #tpu.memory_space<vmem>> -> memref<1x128xi32, #tpu.memory_space<vmem>>
      %dma_start3A_520 = tpu.memref_squeeze %dma_start3A_519 : memref<1x128xi32, #tpu.memory_space<vmem>> -> memref<128xi32, #tpu.memory_space<vmem>>
      %dma_start3A_521 = arith.constant 0 : i32
      %dma_start3A_522 = arith.constant 0 : i32
      %dma_start3A_523 = tpu.memref_slice %arg3[%dma_start3A_521, %dma_start3A_522] : memref<2031616x32xf32, #tpu.memory_space<hbm>> -> memref<2031616x32xf32, #tpu.memory_space<hbm>>
      tpu.enqueue_indirect_dma source(%dma_start3A_523 : memref<2031616x32xf32, #tpu.memory_space<hbm>>) target(%dma_start3A_517 : memref<128x32xf32, #tpu.memory_space<vmem>>) offsets(%dma_start3A_520 : memref<128xi32, #tpu.memory_space<vmem>>) semaphore(%arg7 : memref<!tpu.dma_semaphore, #tpu.memory_space<semaphore_mem>>)
      %mul3A_524 = arith.constant 8 : i32
      %mul3A_525 = arith.muli %scan3A_492, %mul3A_524 : i32
      %add3A_526 = arith.constant 2 : i32
      %add3A_527 = arith.addi %mul3A_525, %add3A_526 : i32
      %dma_start3A_528 = arith.constant 256 : i32
      %dma_start3A_529 = arith.constant 0 : i32
      %dma_start3A_530 = tpu.memref_slice %arg6[%rem3A_494, %dma_start3A_528, %dma_start3A_529] : memref<2x1024x32xf32, #tpu.memory_space<vmem>> -> memref<1x128x32xf32, #tpu.memory_space<vmem>>
      %dma_start3A_531 = tpu.memref_squeeze %dma_start3A_530 : memref<1x128x32xf32, #tpu.memory_space<vmem>> -> memref<128x32xf32, #tpu.memory_space<vmem>>
      %dma_start3A_532 = arith.constant 0 : i32
      %dma_start3A_533 = tpu.memref_slice %arg5[%add3A_527, %dma_start3A_532] : memref<80x128xi32, #tpu.memory_space<vmem>> -> memref<1x128xi32, #tpu.memory_space<vmem>>
      %dma_start3A_534 = tpu.memref_squeeze %dma_start3A_533 : memref<1x128xi32, #tpu.memory_space<vmem>> -> memref<128xi32, #tpu.memory_space<vmem>>
      %dma_start3A_535 = arith.constant 0 : i32
      %dma_start3A_536 = arith.constant 0 : i32
      %dma_start3A_537 = tpu.memref_slice %arg3[%dma_start3A_535, %dma_start3A_536] : memref<2031616x32xf32, #tpu.memory_space<hbm>> -> memref<2031616x32xf32, #tpu.memory_space<hbm>>
      tpu.enqueue_indirect_dma source(%dma_start3A_537 : memref<2031616x32xf32, #tpu.memory_space<hbm>>) target(%dma_start3A_531 : memref<128x32xf32, #tpu.memory_space<vmem>>) offsets(%dma_start3A_534 : memref<128xi32, #tpu.memory_space<vmem>>) semaphore(%arg7 : memref<!tpu.dma_semaphore, #tpu.memory_space<semaphore_mem>>)
      %mul3A_538 = arith.constant 8 : i32
      %mul3A_539 = arith.muli %scan3A_492, %mul3A_538 : i32
      %add3A_540 = arith.constant 3 : i32
      %add3A_541 = arith.addi %mul3A_539, %add3A_540 : i32
      %dma_start3A_542 = arith.constant 384 : i32
      %dma_start3A_543 = arith.constant 0 : i32
      %dma_start3A_544 = tpu.memref_slice %arg6[%rem3A_494, %dma_start3A_542, %dma_start3A_543] : memref<2x1024x32xf32, #tpu.memory_space<vmem>> -> memref<1x128x32xf32, #tpu.memory_space<vmem>>
      %dma_start3A_545 = tpu.memref_squeeze %dma_start3A_544 : memref<1x128x32xf32, #tpu.memory_space<vmem>> -> memref<128x32xf32, #tpu.memory_space<vmem>>
      %dma_start3A_546 = arith.constant 0 : i32
      %dma_start3A_547 = tpu.memref_slice %arg5[%add3A_541, %dma_start3A_546] : memref<80x128xi32, #tpu.memory_space<vmem>> -> memref<1x128xi32, #tpu.memory_space<vmem>>
      %dma_start3A_548 = tpu.memref_squeeze %dma_start3A_547 : memref<1x128xi32, #tpu.memory_space<vmem>> -> memref<128xi32, #tpu.memory_space<vmem>>
      %dma_start3A_549 = arith.constant 0 : i32
      %dma_start3A_550 = arith.constant 0 : i32
      %dma_start3A_551 = tpu.memref_slice %arg3[%dma_start3A_549, %dma_start3A_550] : memref<2031616x32xf32, #tpu.memory_space<hbm>> -> memref<2031616x32xf32, #tpu.memory_space<hbm>>
      tpu.enqueue_indirect_dma source(%dma_start3A_551 : memref<2031616x32xf32, #tpu.memory_space<hbm>>) target(%dma_start3A_545 : memref<128x32xf32, #tpu.memory_space<vmem>>) offsets(%dma_start3A_548 : memref<128xi32, #tpu.memory_space<vmem>>) semaphore(%arg7 : memref<!tpu.dma_semaphore, #tpu.memory_space<semaphore_mem>>)
      %mul3A_552 = arith.constant 8 : i32
      %mul3A_553 = arith.muli %scan3A_492, %mul3A_552 : i32
      %add3A_554 = arith.constant 4 : i32
      %add3A_555 = arith.addi %mul3A_553, %add3A_554 : i32
      %dma_start3A_556 = arith.constant 512 : i32
      %dma_start3A_557 = arith.constant 0 : i32
      %dma_start3A_558 = tpu.memref_slice %arg6[%rem3A_494, %dma_start3A_556, %dma_start3A_557] : memref<2x1024x32xf32, #tpu.memory_space<vmem>> -> memref<1x128x32xf32, #tpu.memory_space<vmem>>
      %dma_start3A_559 = tpu.memref_squeeze %dma_start3A_558 : memref<1x128x32xf32, #tpu.memory_space<vmem>> -> memref<128x32xf32, #tpu.memory_space<vmem>>
      %dma_start3A_560 = arith.constant 0 : i32
      %dma_start3A_561 = tpu.memref_slice %arg5[%add3A_555, %dma_start3A_560] : memref<80x128xi32, #tpu.memory_space<vmem>> -> memref<1x128xi32, #tpu.memory_space<vmem>>
      %dma_start3A_562 = tpu.memref_squeeze %dma_start3A_561 : memref<1x128xi32, #tpu.memory_space<vmem>> -> memref<128xi32, #tpu.memory_space<vmem>>
      %dma_start3A_563 = arith.constant 0 : i32
      %dma_start3A_564 = arith.constant 0 : i32
      %dma_start3A_565 = tpu.memref_slice %arg3[%dma_start3A_563, %dma_start3A_564] : memref<2031616x32xf32, #tpu.memory_space<hbm>> -> memref<2031616x32xf32, #tpu.memory_space<hbm>>
      tpu.enqueue_indirect_dma source(%dma_start3A_565 : memref<2031616x32xf32, #tpu.memory_space<hbm>>) target(%dma_start3A_559 : memref<128x32xf32, #tpu.memory_space<vmem>>) offsets(%dma_start3A_562 : memref<128xi32, #tpu.memory_space<vmem>>) semaphore(%arg7 : memref<!tpu.dma_semaphore, #tpu.memory_space<semaphore_mem>>)
      %mul3A_566 = arith.constant 8 : i32
      %mul3A_567 = arith.muli %scan3A_492, %mul3A_566 : i32
      %add3A_568 = arith.constant 5 : i32
      %add3A_569 = arith.addi %mul3A_567, %add3A_568 : i32
      %dma_start3A_570 = arith.constant 640 : i32
      %dma_start3A_571 = arith.constant 0 : i32
      %dma_start3A_572 = tpu.memref_slice %arg6[%rem3A_494, %dma_start3A_570, %dma_start3A_571] : memref<2x1024x32xf32, #tpu.memory_space<vmem>> -> memref<1x128x32xf32, #tpu.memory_space<vmem>>
      %dma_start3A_573 = tpu.memref_squeeze %dma_start3A_572 : memref<1x128x32xf32, #tpu.memory_space<vmem>> -> memref<128x32xf32, #tpu.memory_space<vmem>>
      %dma_start3A_574 = arith.constant 0 : i32
      %dma_start3A_575 = tpu.memref_slice %arg5[%add3A_569, %dma_start3A_574] : memref<80x128xi32, #tpu.memory_space<vmem>> -> memref<1x128xi32, #tpu.memory_space<vmem>>
      %dma_start3A_576 = tpu.memref_squeeze %dma_start3A_575 : memref<1x128xi32, #tpu.memory_space<vmem>> -> memref<128xi32, #tpu.memory_space<vmem>>
      %dma_start3A_577 = arith.constant 0 : i32
      %dma_start3A_578 = arith.constant 0 : i32
      %dma_start3A_579 = tpu.memref_slice %arg3[%dma_start3A_577, %dma_start3A_578] : memref<2031616x32xf32, #tpu.memory_space<hbm>> -> memref<2031616x32xf32, #tpu.memory_space<hbm>>
      tpu.enqueue_indirect_dma source(%dma_start3A_579 : memref<2031616x32xf32, #tpu.memory_space<hbm>>) target(%dma_start3A_573 : memref<128x32xf32, #tpu.memory_space<vmem>>) offsets(%dma_start3A_576 : memref<128xi32, #tpu.memory_space<vmem>>) semaphore(%arg7 : memref<!tpu.dma_semaphore, #tpu.memory_space<semaphore_mem>>)
      %mul3A_580 = arith.constant 8 : i32
      %mul3A_581 = arith.muli %scan3A_492, %mul3A_580 : i32
      %add3A_582 = arith.constant 6 : i32
      %add3A_583 = arith.addi %mul3A_581, %add3A_582 : i32
      %dma_start3A_584 = arith.constant 768 : i32
      %dma_start3A_585 = arith.constant 0 : i32
      %dma_start3A_586 = tpu.memref_slice %arg6[%rem3A_494, %dma_start3A_584, %dma_start3A_585] : memref<2x1024x32xf32, #tpu.memory_space<vmem>> -> memref<1x128x32xf32, #tpu.memory_space<vmem>>
      %dma_start3A_587 = tpu.memref_squeeze %dma_start3A_586 : memref<1x128x32xf32, #tpu.memory_space<vmem>> -> memref<128x32xf32, #tpu.memory_space<vmem>>
      %dma_start3A_588 = arith.constant 0 : i32
      %dma_start3A_589 = tpu.memref_slice %arg5[%add3A_583, %dma_start3A_588] : memref<80x128xi32, #tpu.memory_space<vmem>> -> memref<1x128xi32, #tpu.memory_space<vmem>>
      %dma_start3A_590 = tpu.memref_squeeze %dma_start3A_589 : memref<1x128xi32, #tpu.memory_space<vmem>> -> memref<128xi32, #tpu.memory_space<vmem>>
      %dma_start3A_591 = arith.constant 0 : i32
      %dma_start3A_592 = arith.constant 0 : i32
      %dma_start3A_593 = tpu.memref_slice %arg3[%dma_start3A_591, %dma_start3A_592] : memref<2031616x32xf32, #tpu.memory_space<hbm>> -> memref<2031616x32xf32, #tpu.memory_space<hbm>>
      tpu.enqueue_indirect_dma source(%dma_start3A_593 : memref<2031616x32xf32, #tpu.memory_space<hbm>>) target(%dma_start3A_587 : memref<128x32xf32, #tpu.memory_space<vmem>>) offsets(%dma_start3A_590 : memref<128xi32, #tpu.memory_space<vmem>>) semaphore(%arg7 : memref<!tpu.dma_semaphore, #tpu.memory_space<semaphore_mem>>)
      %mul3A_594 = arith.constant 8 : i32
      %mul3A_595 = arith.muli %scan3A_492, %mul3A_594 : i32
      %add3A_596 = arith.constant 7 : i32
      %add3A_597 = arith.addi %mul3A_595, %add3A_596 : i32
      %dma_start3A_598 = arith.constant 896 : i32
      %dma_start3A_599 = arith.constant 0 : i32
      %dma_start3A_600 = tpu.memref_slice %arg6[%rem3A_494, %dma_start3A_598, %dma_start3A_599] : memref<2x1024x32xf32, #tpu.memory_space<vmem>> -> memref<1x128x32xf32, #tpu.memory_space<vmem>>
      %dma_start3A_601 = tpu.memref_squeeze %dma_start3A_600 : memref<1x128x32xf32, #tpu.memory_space<vmem>> -> memref<128x32xf32, #tpu.memory_space<vmem>>
      %dma_start3A_602 = arith.constant 0 : i32
      %dma_start3A_603 = tpu.memref_slice %arg5[%add3A_597, %dma_start3A_602] : memref<80x128xi32, #tpu.memory_space<vmem>> -> memref<1x128xi32, #tpu.memory_space<vmem>>
      %dma_start3A_604 = tpu.memref_squeeze %dma_start3A_603 : memref<1x128xi32, #tpu.memory_space<vmem>> -> memref<128xi32, #tpu.memory_space<vmem>>
      %dma_start3A_605 = arith.constant 0 : i32
      %dma_start3A_606 = arith.constant 0 : i32
      %dma_start3A_607 = tpu.memref_slice %arg3[%dma_start3A_605, %dma_start3A_606] : memref<2031616x32xf32, #tpu.memory_space<hbm>> -> memref<2031616x32xf32, #tpu.memory_space<hbm>>
      tpu.enqueue_indirect_dma source(%dma_start3A_607 : memref<2031616x32xf32, #tpu.memory_space<hbm>>) target(%dma_start3A_601 : memref<128x32xf32, #tpu.memory_space<vmem>>) offsets(%dma_start3A_604 : memref<128xi32, #tpu.memory_space<vmem>>) semaphore(%arg7 : memref<!tpu.dma_semaphore, #tpu.memory_space<semaphore_mem>>)
      %dma_wait3A_608 = arith.constant 0 : i32
      %dma_wait3A_609 = arith.constant 0 : i32
      %dma_wait3A_610 = tpu.memref_slice %arg6[%rem3A_494, %dma_wait3A_608, %dma_wait3A_609] : memref<2x1024x32xf32, #tpu.memory_space<vmem>> -> memref<1x128x32xf32, #tpu.memory_space<vmem>>
      %dma_wait3A_611 = tpu.memref_squeeze %dma_wait3A_610 : memref<1x128x32xf32, #tpu.memory_space<vmem>> -> memref<128x32xf32, #tpu.memory_space<vmem>>
      %dma_wait3A_612 = arith.constant 0 : i32
      %dma_wait3A_613 = tpu.memref_slice %arg5[%add3A_500, %dma_wait3A_612] : memref<80x128xi32, #tpu.memory_space<vmem>> -> memref<1x128xi32, #tpu.memory_space<vmem>>
      %dma_wait3A_614 = tpu.memref_squeeze %dma_wait3A_613 : memref<1x128xi32, #tpu.memory_space<vmem>> -> memref<128xi32, #tpu.memory_space<vmem>>
      %dma_wait3A_615 = arith.constant 0 : i32
      %dma_wait3A_616 = arith.constant 0 : i32
      %dma_wait3A_617 = tpu.memref_slice %arg3[%dma_wait3A_615, %dma_wait3A_616] : memref<2031616x32xf32, #tpu.memory_space<hbm>> -> memref<2031616x32xf32, #tpu.memory_space<hbm>>
      tpu.wait_indirect_dma semaphore(%arg7 : memref<!tpu.dma_semaphore, #tpu.memory_space<semaphore_mem>>) src(%dma_wait3A_617 : memref<2031616x32xf32, #tpu.memory_space<hbm>>) dst(%dma_wait3A_611 : memref<128x32xf32, #tpu.memory_space<vmem>>)
      %dma_wait3A_618 = arith.constant 128 : i32
      %dma_wait3A_619 = arith.constant 0 : i32
      %dma_wait3A_620 = tpu.memref_slice %arg6[%rem3A_494, %dma_wait3A_618, %dma_wait3A_619] : memref<2x1024x32xf32, #tpu.memory_space<vmem>> -> memref<1x128x32xf32, #tpu.memory_space<vmem>>
      %dma_wait3A_621 = tpu.memref_squeeze %dma_wait3A_620 : memref<1x128x32xf32, #tpu.memory_space<vmem>> -> memref<128x32xf32, #tpu.memory_space<vmem>>
      %dma_wait3A_622 = arith.constant 0 : i32
      %dma_wait3A_623 = tpu.memref_slice %arg5[%add3A_513, %dma_wait3A_622] : memref<80x128xi32, #tpu.memory_space<vmem>> -> memref<1x128xi32, #tpu.memory_space<vmem>>
      %dma_wait3A_624 = tpu.memref_squeeze %dma_wait3A_623 : memref<1x128xi32, #tpu.memory_space<vmem>> -> memref<128xi32, #tpu.memory_space<vmem>>
      %dma_wait3A_625 = arith.constant 0 : i32
      %dma_wait3A_626 = arith.constant 0 : i32
      %dma_wait3A_627 = tpu.memref_slice %arg3[%dma_wait3A_625, %dma_wait3A_626] : memref<2031616x32xf32, #tpu.memory_space<hbm>> -> memref<2031616x32xf32, #tpu.memory_space<hbm>>
      tpu.wait_indirect_dma semaphore(%arg7 : memref<!tpu.dma_semaphore, #tpu.memory_space<semaphore_mem>>) src(%dma_wait3A_627 : memref<2031616x32xf32, #tpu.memory_space<hbm>>) dst(%dma_wait3A_621 : memref<128x32xf32, #tpu.memory_space<vmem>>)
      %dma_wait3A_628 = arith.constant 256 : i32
      %dma_wait3A_629 = arith.constant 0 : i32
      %dma_wait3A_630 = tpu.memref_slice %arg6[%rem3A_494, %dma_wait3A_628, %dma_wait3A_629] : memref<2x1024x32xf32, #tpu.memory_space<vmem>> -> memref<1x128x32xf32, #tpu.memory_space<vmem>>
      %dma_wait3A_631 = tpu.memref_squeeze %dma_wait3A_630 : memref<1x128x32xf32, #tpu.memory_space<vmem>> -> memref<128x32xf32, #tpu.memory_space<vmem>>
      %dma_wait3A_632 = arith.constant 0 : i32
      %dma_wait3A_633 = tpu.memref_slice %arg5[%add3A_527, %dma_wait3A_632] : memref<80x128xi32, #tpu.memory_space<vmem>> -> memref<1x128xi32, #tpu.memory_space<vmem>>
      %dma_wait3A_634 = tpu.memref_squeeze %dma_wait3A_633 : memref<1x128xi32, #tpu.memory_space<vmem>> -> memref<128xi32, #tpu.memory_space<vmem>>
      %dma_wait3A_635 = arith.constant 0 : i32
      %dma_wait3A_636 = arith.constant 0 : i32
      %dma_wait3A_637 = tpu.memref_slice %arg3[%dma_wait3A_635, %dma_wait3A_636] : memref<2031616x32xf32, #tpu.memory_space<hbm>> -> memref<2031616x32xf32, #tpu.memory_space<hbm>>
      tpu.wait_indirect_dma semaphore(%arg7 : memref<!tpu.dma_semaphore, #tpu.memory_space<semaphore_mem>>) src(%dma_wait3A_637 : memref<2031616x32xf32, #tpu.memory_space<hbm>>) dst(%dma_wait3A_631 : memref<128x32xf32, #tpu.memory_space<vmem>>)
      %dma_wait3A_638 = arith.constant 384 : i32
      %dma_wait3A_639 = arith.constant 0 : i32
      %dma_wait3A_640 = tpu.memref_slice %arg6[%rem3A_494, %dma_wait3A_638, %dma_wait3A_639] : memref<2x1024x32xf32, #tpu.memory_space<vmem>> -> memref<1x128x32xf32, #tpu.memory_space<vmem>>
      %dma_wait3A_641 = tpu.memref_squeeze %dma_wait3A_640 : memref<1x128x32xf32, #tpu.memory_space<vmem>> -> memref<128x32xf32, #tpu.memory_space<vmem>>
      %dma_wait3A_642 = arith.constant 0 : i32
      %dma_wait3A_643 = tpu.memref_slice %arg5[%add3A_541, %dma_wait3A_642] : memref<80x128xi32, #tpu.memory_space<vmem>> -> memref<1x128xi32, #tpu.memory_space<vmem>>
      %dma_wait3A_644 = tpu.memref_squeeze %dma_wait3A_643 : memref<1x128xi32, #tpu.memory_space<vmem>> -> memref<128xi32, #tpu.memory_space<vmem>>
      %dma_wait3A_645 = arith.constant 0 : i32
      %dma_wait3A_646 = arith.constant 0 : i32
      %dma_wait3A_647 = tpu.memref_slice %arg3[%dma_wait3A_645, %dma_wait3A_646] : memref<2031616x32xf32, #tpu.memory_space<hbm>> -> memref<2031616x32xf32, #tpu.memory_space<hbm>>
      tpu.wait_indirect_dma semaphore(%arg7 : memref<!tpu.dma_semaphore, #tpu.memory_space<semaphore_mem>>) src(%dma_wait3A_647 : memref<2031616x32xf32, #tpu.memory_space<hbm>>) dst(%dma_wait3A_641 : memref<128x32xf32, #tpu.memory_space<vmem>>)
      %dma_wait3A_648 = arith.constant 512 : i32
      %dma_wait3A_649 = arith.constant 0 : i32
      %dma_wait3A_650 = tpu.memref_slice %arg6[%rem3A_494, %dma_wait3A_648, %dma_wait3A_649] : memref<2x1024x32xf32, #tpu.memory_space<vmem>> -> memref<1x128x32xf32, #tpu.memory_space<vmem>>
      %dma_wait3A_651 = tpu.memref_squeeze %dma_wait3A_650 : memref<1x128x32xf32, #tpu.memory_space<vmem>> -> memref<128x32xf32, #tpu.memory_space<vmem>>
      %dma_wait3A_652 = arith.constant 0 : i32
      %dma_wait3A_653 = tpu.memref_slice %arg5[%add3A_555, %dma_wait3A_652] : memref<80x128xi32, #tpu.memory_space<vmem>> -> memref<1x128xi32, #tpu.memory_space<vmem>>
      %dma_wait3A_654 = tpu.memref_squeeze %dma_wait3A_653 : memref<1x128xi32, #tpu.memory_space<vmem>> -> memref<128xi32, #tpu.memory_space<vmem>>
      %dma_wait3A_655 = arith.constant 0 : i32
      %dma_wait3A_656 = arith.constant 0 : i32
      %dma_wait3A_657 = tpu.memref_slice %arg3[%dma_wait3A_655, %dma_wait3A_656] : memref<2031616x32xf32, #tpu.memory_space<hbm>> -> memref<2031616x32xf32, #tpu.memory_space<hbm>>
      tpu.wait_indirect_dma semaphore(%arg7 : memref<!tpu.dma_semaphore, #tpu.memory_space<semaphore_mem>>) src(%dma_wait3A_657 : memref<2031616x32xf32, #tpu.memory_space<hbm>>) dst(%dma_wait3A_651 : memref<128x32xf32, #tpu.memory_space<vmem>>)
      %dma_wait3A_658 = arith.constant 640 : i32
      %dma_wait3A_659 = arith.constant 0 : i32
      %dma_wait3A_660 = tpu.memref_slice %arg6[%rem3A_494, %dma_wait3A_658, %dma_wait3A_659] : memref<2x1024x32xf32, #tpu.memory_space<vmem>> -> memref<1x128x32xf32, #tpu.memory_space<vmem>>
      %dma_wait3A_661 = tpu.memref_squeeze %dma_wait3A_660 : memref<1x128x32xf32, #tpu.memory_space<vmem>> -> memref<128x32xf32, #tpu.memory_space<vmem>>
      %dma_wait3A_662 = arith.constant 0 : i32
      %dma_wait3A_663 = tpu.memref_slice %arg5[%add3A_569, %dma_wait3A_662] : memref<80x128xi32, #tpu.memory_space<vmem>> -> memref<1x128xi32, #tpu.memory_space<vmem>>
      %dma_wait3A_664 = tpu.memref_squeeze %dma_wait3A_663 : memref<1x128xi32, #tpu.memory_space<vmem>> -> memref<128xi32, #tpu.memory_space<vmem>>
      %dma_wait3A_665 = arith.constant 0 : i32
      %dma_wait3A_666 = arith.constant 0 : i32
      %dma_wait3A_667 = tpu.memref_slice %arg3[%dma_wait3A_665, %dma_wait3A_666] : memref<2031616x32xf32, #tpu.memory_space<hbm>> -> memref<2031616x32xf32, #tpu.memory_space<hbm>>
      tpu.wait_indirect_dma semaphore(%arg7 : memref<!tpu.dma_semaphore, #tpu.memory_space<semaphore_mem>>) src(%dma_wait3A_667 : memref<2031616x32xf32, #tpu.memory_space<hbm>>) dst(%dma_wait3A_661 : memref<128x32xf32, #tpu.memory_space<vmem>>)
      %dma_wait3A_668 = arith.constant 768 : i32
      %dma_wait3A_669 = arith.constant 0 : i32
      %dma_wait3A_670 = tpu.memref_slice %arg6[%rem3A_494, %dma_wait3A_668, %dma_wait3A_669] : memref<2x1024x32xf32, #tpu.memory_space<vmem>> -> memref<1x128x32xf32, #tpu.memory_space<vmem>>
      %dma_wait3A_671 = tpu.memref_squeeze %dma_wait3A_670 : memref<1x128x32xf32, #tpu.memory_space<vmem>> -> memref<128x32xf32, #tpu.memory_space<vmem>>
      %dma_wait3A_672 = arith.constant 0 : i32
      %dma_wait3A_673 = tpu.memref_slice %arg5[%add3A_583, %dma_wait3A_672] : memref<80x128xi32, #tpu.memory_space<vmem>> -> memref<1x128xi32, #tpu.memory_space<vmem>>
      %dma_wait3A_674 = tpu.memref_squeeze %dma_wait3A_673 : memref<1x128xi32, #tpu.memory_space<vmem>> -> memref<128xi32, #tpu.memory_space<vmem>>
      %dma_wait3A_675 = arith.constant 0 : i32
      %dma_wait3A_676 = arith.constant 0 : i32
      %dma_wait3A_677 = tpu.memref_slice %arg3[%dma_wait3A_675, %dma_wait3A_676] : memref<2031616x32xf32, #tpu.memory_space<hbm>> -> memref<2031616x32xf32, #tpu.memory_space<hbm>>
      tpu.wait_indirect_dma semaphore(%arg7 : memref<!tpu.dma_semaphore, #tpu.memory_space<semaphore_mem>>) src(%dma_wait3A_677 : memref<2031616x32xf32, #tpu.memory_space<hbm>>) dst(%dma_wait3A_671 : memref<128x32xf32, #tpu.memory_space<vmem>>)
      %dma_wait3A_678 = arith.constant 896 : i32
      %dma_wait3A_679 = arith.constant 0 : i32
      %dma_wait3A_680 = tpu.memref_slice %arg6[%rem3A_494, %dma_wait3A_678, %dma_wait3A_679] : memref<2x1024x32xf32, #tpu.memory_space<vmem>> -> memref<1x128x32xf32, #tpu.memory_space<vmem>>
      %dma_wait3A_681 = tpu.memref_squeeze %dma_wait3A_680 : memref<1x128x32xf32, #tpu.memory_space<vmem>> -> memref<128x32xf32, #tpu.memory_space<vmem>>
      %dma_wait3A_682 = arith.constant 0 : i32
      %dma_wait3A_683 = tpu.memref_slice %arg5[%add3A_597, %dma_wait3A_682] : memref<80x128xi32, #tpu.memory_space<vmem>> -> memref<1x128xi32, #tpu.memory_space<vmem>>
      %dma_wait3A_684 = tpu.memref_squeeze %dma_wait3A_683 : memref<1x128xi32, #tpu.memory_space<vmem>> -> memref<128xi32, #tpu.memory_space<vmem>>
      %dma_wait3A_685 = arith.constant 0 : i32
      %dma_wait3A_686 = arith.constant 0 : i32
      %dma_wait3A_687 = tpu.memref_slice %arg3[%dma_wait3A_685, %dma_wait3A_686] : memref<2031616x32xf32, #tpu.memory_space<hbm>> -> memref<2031616x32xf32, #tpu.memory_space<hbm>>
      tpu.wait_indirect_dma semaphore(%arg7 : memref<!tpu.dma_semaphore, #tpu.memory_space<semaphore_mem>>) src(%dma_wait3A_687 : memref<2031616x32xf32, #tpu.memory_space<hbm>>) dst(%dma_wait3A_681 : memref<128x32xf32, #tpu.memory_space<vmem>>)
      %mul3A_688 = arith.constant 8 : i32
      %mul3A_689 = arith.muli %scan3A_492, %mul3A_688 : i32
      %add3A_690 = arith.constant 0 : i32
      %add3A_691 = arith.addi %mul3A_689, %add3A_690 : i32
      %add3A_692 = arith.addi %add3A_4, %add3A_691 : i32
      %div3A_693 = arith.constant 128 : i32
      %div3A_694 = arith.divsi %add3A_692, %div3A_693 : i32
      %sub3A_695 = arith.constant 0 : i32
      %sub3A_696 = arith.subi %div3A_694, %sub3A_695 : i32
      %div3A_697 = arith.constant 4 : i32
      %div3A_698 = arith.divsi %sub3A_696, %div3A_697 : i32
      %rem3A_699 = arith.constant 4 : i32
      %rem3A_700 = arith.remsi %sub3A_696, %rem3A_699 : i32
      %rem3A_701 = arith.constant 128 : i32
      %rem3A_702 = arith.remsi %add3A_692, %rem3A_701 : i32
      %mul3A_703 = arith.constant 128 : i32
      %mul3A_704 = arith.muli %rem3A_702, %mul3A_703 : i32
      %mul3A_705 = arith.constant 16384 : i32
      %mul3A_706 = arith.muli %div3A_698, %mul3A_705 : i32
      %add3A_707 = arith.addi %mul3A_706, %mul3A_704 : i32
      %mul3A_708 = arith.constant 32 : i32
      %mul3A_709 = arith.muli %mul3A_708, %rem3A_700 : i32
      %dma_start3A_710 = arith.constant 0 : i32
      %dma_start3A_711 = arith.constant 0 : i32
      %dma_start3A_712 = tpu.memref_slice %arg6[%rem3A_494, %dma_start3A_710, %dma_start3A_711] : memref<2x1024x32xf32, #tpu.memory_space<vmem>> -> memref<1x128x32xf32, #tpu.memory_space<vmem>>
      %dma_start3A_713 = tpu.memref_squeeze %dma_start3A_712 : memref<1x128x32xf32, #tpu.memory_space<vmem>> -> memref<128x32xf32, #tpu.memory_space<vmem>>
      %dma_start3A_714 = tpu.memref_slice %arg4[%add3A_707, %mul3A_709] : memref<81920x128xf32, #tpu.memory_space<hbm>> -> memref<128x32xf32, #tpu.memory_space<hbm>>
      %dma_start3A_715 = tpu.memref_slice %arg4[%add3A_707, %mul3A_709] : memref<81920x128xf32, #tpu.memory_space<hbm>> -> memref<128x32xf32, #tpu.memory_space<hbm>>
      %dma_start3A_716 = arith.constant 0 : i32
      %dma_start3A_717 = arith.constant 0 : i32
      %dma_start3A_718 = tpu.memref_slice %arg6[%rem3A_494, %dma_start3A_716, %dma_start3A_717] : memref<2x1024x32xf32, #tpu.memory_space<vmem>> -> memref<1x128x32xf32, #tpu.memory_space<vmem>>
      %dma_start3A_719 = tpu.memref_squeeze %dma_start3A_718 : memref<1x128x32xf32, #tpu.memory_space<vmem>> -> memref<128x32xf32, #tpu.memory_space<vmem>>
      tpu.enqueue_dma source(%dma_start3A_719 : memref<128x32xf32, #tpu.memory_space<vmem>>) target(%dma_start3A_715 : memref<128x32xf32, #tpu.memory_space<hbm>>) target_semaphore(%arg8 : memref<!tpu.dma_semaphore, #tpu.memory_space<semaphore_mem>>)
      %mul3A_720 = arith.constant 8 : i32
      %mul3A_721 = arith.muli %scan3A_492, %mul3A_720 : i32
      %add3A_722 = arith.constant 1 : i32
      %add3A_723 = arith.addi %mul3A_721, %add3A_722 : i32
      %add3A_724 = arith.addi %add3A_4, %add3A_723 : i32
      %div3A_725 = arith.constant 128 : i32
      %div3A_726 = arith.divsi %add3A_724, %div3A_725 : i32
      %sub3A_727 = arith.constant 0 : i32
      %sub3A_728 = arith.subi %div3A_726, %sub3A_727 : i32
      %div3A_729 = arith.constant 4 : i32
      %div3A_730 = arith.divsi %sub3A_728, %div3A_729 : i32
      %rem3A_731 = arith.constant 4 : i32
      %rem3A_732 = arith.remsi %sub3A_728, %rem3A_731 : i32
      %rem3A_733 = arith.constant 128 : i32
      %rem3A_734 = arith.remsi %add3A_724, %rem3A_733 : i32
      %mul3A_735 = arith.constant 128 : i32
      %mul3A_736 = arith.muli %rem3A_734, %mul3A_735 : i32
      %mul3A_737 = arith.constant 16384 : i32
      %mul3A_738 = arith.muli %div3A_730, %mul3A_737 : i32
      %add3A_739 = arith.addi %mul3A_738, %mul3A_736 : i32
      %mul3A_740 = arith.constant 32 : i32
      %mul3A_741 = arith.muli %mul3A_740, %rem3A_732 : i32
      %dma_start3A_742 = arith.constant 128 : i32
      %dma_start3A_743 = arith.constant 0 : i32
      %dma_start3A_744 = tpu.memref_slice %arg6[%rem3A_494, %dma_start3A_742, %dma_start3A_743] : memref<2x1024x32xf32, #tpu.memory_space<vmem>> -> memref<1x128x32xf32, #tpu.memory_space<vmem>>
      %dma_start3A_745 = tpu.memref_squeeze %dma_start3A_744 : memref<1x128x32xf32, #tpu.memory_space<vmem>> -> memref<128x32xf32, #tpu.memory_space<vmem>>
      %dma_start3A_746 = tpu.memref_slice %arg4[%add3A_739, %mul3A_741] : memref<81920x128xf32, #tpu.memory_space<hbm>> -> memref<128x32xf32, #tpu.memory_space<hbm>>
      %dma_start3A_747 = tpu.memref_slice %arg4[%add3A_739, %mul3A_741] : memref<81920x128xf32, #tpu.memory_space<hbm>> -> memref<128x32xf32, #tpu.memory_space<hbm>>
      %dma_start3A_748 = arith.constant 128 : i32
      %dma_start3A_749 = arith.constant 0 : i32
      %dma_start3A_750 = tpu.memref_slice %arg6[%rem3A_494, %dma_start3A_748, %dma_start3A_749] : memref<2x1024x32xf32, #tpu.memory_space<vmem>> -> memref<1x128x32xf32, #tpu.memory_space<vmem>>
      %dma_start3A_751 = tpu.memref_squeeze %dma_start3A_750 : memref<1x128x32xf32, #tpu.memory_space<vmem>> -> memref<128x32xf32, #tpu.memory_space<vmem>>
      tpu.enqueue_dma source(%dma_start3A_751 : memref<128x32xf32, #tpu.memory_space<vmem>>) target(%dma_start3A_747 : memref<128x32xf32, #tpu.memory_space<hbm>>) target_semaphore(%arg8 : memref<!tpu.dma_semaphore, #tpu.memory_space<semaphore_mem>>)
      %mul3A_752 = arith.constant 8 : i32
      %mul3A_753 = arith.muli %scan3A_492, %mul3A_752 : i32
      %add3A_754 = arith.constant 2 : i32
      %add3A_755 = arith.addi %mul3A_753, %add3A_754 : i32
      %add3A_756 = arith.addi %add3A_4, %add3A_755 : i32
      %div3A_757 = arith.constant 128 : i32
      %div3A_758 = arith.divsi %add3A_756, %div3A_757 : i32
      %sub3A_759 = arith.constant 0 : i32
      %sub3A_760 = arith.subi %div3A_758, %sub3A_759 : i32
      %div3A_761 = arith.constant 4 : i32
      %div3A_762 = arith.divsi %sub3A_760, %div3A_761 : i32
      %rem3A_763 = arith.constant 4 : i32
      %rem3A_764 = arith.remsi %sub3A_760, %rem3A_763 : i32
      %rem3A_765 = arith.constant 128 : i32
      %rem3A_766 = arith.remsi %add3A_756, %rem3A_765 : i32
      %mul3A_767 = arith.constant 128 : i32
      %mul3A_768 = arith.muli %rem3A_766, %mul3A_767 : i32
      %mul3A_769 = arith.constant 16384 : i32
      %mul3A_770 = arith.muli %div3A_762, %mul3A_769 : i32
      %add3A_771 = arith.addi %mul3A_770, %mul3A_768 : i32
      %mul3A_772 = arith.constant 32 : i32
      %mul3A_773 = arith.muli %mul3A_772, %rem3A_764 : i32
      %dma_start3A_774 = arith.constant 256 : i32
      %dma_start3A_775 = arith.constant 0 : i32
      %dma_start3A_776 = tpu.memref_slice %arg6[%rem3A_494, %dma_start3A_774, %dma_start3A_775] : memref<2x1024x32xf32, #tpu.memory_space<vmem>> -> memref<1x128x32xf32, #tpu.memory_space<vmem>>
      %dma_start3A_777 = tpu.memref_squeeze %dma_start3A_776 : memref<1x128x32xf32, #tpu.memory_space<vmem>> -> memref<128x32xf32, #tpu.memory_space<vmem>>
      %dma_start3A_778 = tpu.memref_slice %arg4[%add3A_771, %mul3A_773] : memref<81920x128xf32, #tpu.memory_space<hbm>> -> memref<128x32xf32, #tpu.memory_space<hbm>>
      %dma_start3A_779 = tpu.memref_slice %arg4[%add3A_771, %mul3A_773] : memref<81920x128xf32, #tpu.memory_space<hbm>> -> memref<128x32xf32, #tpu.memory_space<hbm>>
      %dma_start3A_780 = arith.constant 256 : i32
      %dma_start3A_781 = arith.constant 0 : i32
      %dma_start3A_782 = tpu.memref_slice %arg6[%rem3A_494, %dma_start3A_780, %dma_start3A_781] : memref<2x1024x32xf32, #tpu.memory_space<vmem>> -> memref<1x128x32xf32, #tpu.memory_space<vmem>>
      %dma_start3A_783 = tpu.memref_squeeze %dma_start3A_782 : memref<1x128x32xf32, #tpu.memory_space<vmem>> -> memref<128x32xf32, #tpu.memory_space<vmem>>
      tpu.enqueue_dma source(%dma_start3A_783 : memref<128x32xf32, #tpu.memory_space<vmem>>) target(%dma_start3A_779 : memref<128x32xf32, #tpu.memory_space<hbm>>) target_semaphore(%arg8 : memref<!tpu.dma_semaphore, #tpu.memory_space<semaphore_mem>>)
      %mul3A_784 = arith.constant 8 : i32
      %mul3A_785 = arith.muli %scan3A_492, %mul3A_784 : i32
      %add3A_786 = arith.constant 3 : i32
      %add3A_787 = arith.addi %mul3A_785, %add3A_786 : i32
      %add3A_788 = arith.addi %add3A_4, %add3A_787 : i32
      %div3A_789 = arith.constant 128 : i32
      %div3A_790 = arith.divsi %add3A_788, %div3A_789 : i32
      %sub3A_791 = arith.constant 0 : i32
      %sub3A_792 = arith.subi %div3A_790, %sub3A_791 : i32
      %div3A_793 = arith.constant 4 : i32
      %div3A_794 = arith.divsi %sub3A_792, %div3A_793 : i32
      %rem3A_795 = arith.constant 4 : i32
      %rem3A_796 = arith.remsi %sub3A_792, %rem3A_795 : i32
      %rem3A_797 = arith.constant 128 : i32
      %rem3A_798 = arith.remsi %add3A_788, %rem3A_797 : i32
      %mul3A_799 = arith.constant 128 : i32
      %mul3A_800 = arith.muli %rem3A_798, %mul3A_799 : i32
      %mul3A_801 = arith.constant 16384 : i32
      %mul3A_802 = arith.muli %div3A_794, %mul3A_801 : i32
      %add3A_803 = arith.addi %mul3A_802, %mul3A_800 : i32
      %mul3A_804 = arith.constant 32 : i32
      %mul3A_805 = arith.muli %mul3A_804, %rem3A_796 : i32
      %dma_start3A_806 = arith.constant 384 : i32
      %dma_start3A_807 = arith.constant 0 : i32
      %dma_start3A_808 = tpu.memref_slice %arg6[%rem3A_494, %dma_start3A_806, %dma_start3A_807] : memref<2x1024x32xf32, #tpu.memory_space<vmem>> -> memref<1x128x32xf32, #tpu.memory_space<vmem>>
      %dma_start3A_809 = tpu.memref_squeeze %dma_start3A_808 : memref<1x128x32xf32, #tpu.memory_space<vmem>> -> memref<128x32xf32, #tpu.memory_space<vmem>>
      %dma_start3A_810 = tpu.memref_slice %arg4[%add3A_803, %mul3A_805] : memref<81920x128xf32, #tpu.memory_space<hbm>> -> memref<128x32xf32, #tpu.memory_space<hbm>>
      %dma_start3A_811 = tpu.memref_slice %arg4[%add3A_803, %mul3A_805] : memref<81920x128xf32, #tpu.memory_space<hbm>> -> memref<128x32xf32, #tpu.memory_space<hbm>>
      %dma_start3A_812 = arith.constant 384 : i32
      %dma_start3A_813 = arith.constant 0 : i32
      %dma_start3A_814 = tpu.memref_slice %arg6[%rem3A_494, %dma_start3A_812, %dma_start3A_813] : memref<2x1024x32xf32, #tpu.memory_space<vmem>> -> memref<1x128x32xf32, #tpu.memory_space<vmem>>
      %dma_start3A_815 = tpu.memref_squeeze %dma_start3A_814 : memref<1x128x32xf32, #tpu.memory_space<vmem>> -> memref<128x32xf32, #tpu.memory_space<vmem>>
      tpu.enqueue_dma source(%dma_start3A_815 : memref<128x32xf32, #tpu.memory_space<vmem>>) target(%dma_start3A_811 : memref<128x32xf32, #tpu.memory_space<hbm>>) target_semaphore(%arg8 : memref<!tpu.dma_semaphore, #tpu.memory_space<semaphore_mem>>)
      %mul3A_816 = arith.constant 8 : i32
      %mul3A_817 = arith.muli %scan3A_492, %mul3A_816 : i32
      %add3A_818 = arith.constant 4 : i32
      %add3A_819 = arith.addi %mul3A_817, %add3A_818 : i32
      %add3A_820 = arith.addi %add3A_4, %add3A_819 : i32
      %div3A_821 = arith.constant 128 : i32
      %div3A_822 = arith.divsi %add3A_820, %div3A_821 : i32
      %sub3A_823 = arith.constant 0 : i32
      %sub3A_824 = arith.subi %div3A_822, %sub3A_823 : i32
      %div3A_825 = arith.constant 4 : i32
      %div3A_826 = arith.divsi %sub3A_824, %div3A_825 : i32
      %rem3A_827 = arith.constant 4 : i32
      %rem3A_828 = arith.remsi %sub3A_824, %rem3A_827 : i32
      %rem3A_829 = arith.constant 128 : i32
      %rem3A_830 = arith.remsi %add3A_820, %rem3A_829 : i32
      %mul3A_831 = arith.constant 128 : i32
      %mul3A_832 = arith.muli %rem3A_830, %mul3A_831 : i32
      %mul3A_833 = arith.constant 16384 : i32
      %mul3A_834 = arith.muli %div3A_826, %mul3A_833 : i32
      %add3A_835 = arith.addi %mul3A_834, %mul3A_832 : i32
      %mul3A_836 = arith.constant 32 : i32
      %mul3A_837 = arith.muli %mul3A_836, %rem3A_828 : i32
      %dma_start3A_838 = arith.constant 512 : i32
      %dma_start3A_839 = arith.constant 0 : i32
      %dma_start3A_840 = tpu.memref_slice %arg6[%rem3A_494, %dma_start3A_838, %dma_start3A_839] : memref<2x1024x32xf32, #tpu.memory_space<vmem>> -> memref<1x128x32xf32, #tpu.memory_space<vmem>>
      %dma_start3A_841 = tpu.memref_squeeze %dma_start3A_840 : memref<1x128x32xf32, #tpu.memory_space<vmem>> -> memref<128x32xf32, #tpu.memory_space<vmem>>
      %dma_start3A_842 = tpu.memref_slice %arg4[%add3A_835, %mul3A_837] : memref<81920x128xf32, #tpu.memory_space<hbm>> -> memref<128x32xf32, #tpu.memory_space<hbm>>
      %dma_start3A_843 = tpu.memref_slice %arg4[%add3A_835, %mul3A_837] : memref<81920x128xf32, #tpu.memory_space<hbm>> -> memref<128x32xf32, #tpu.memory_space<hbm>>
      %dma_start3A_844 = arith.constant 512 : i32
      %dma_start3A_845 = arith.constant 0 : i32
      %dma_start3A_846 = tpu.memref_slice %arg6[%rem3A_494, %dma_start3A_844, %dma_start3A_845] : memref<2x1024x32xf32, #tpu.memory_space<vmem>> -> memref<1x128x32xf32, #tpu.memory_space<vmem>>
      %dma_start3A_847 = tpu.memref_squeeze %dma_start3A_846 : memref<1x128x32xf32, #tpu.memory_space<vmem>> -> memref<128x32xf32, #tpu.memory_space<vmem>>
      tpu.enqueue_dma source(%dma_start3A_847 : memref<128x32xf32, #tpu.memory_space<vmem>>) target(%dma_start3A_843 : memref<128x32xf32, #tpu.memory_space<hbm>>) target_semaphore(%arg8 : memref<!tpu.dma_semaphore, #tpu.memory_space<semaphore_mem>>)
      %mul3A_848 = arith.constant 8 : i32
      %mul3A_849 = arith.muli %scan3A_492, %mul3A_848 : i32
      %add3A_850 = arith.constant 5 : i32
      %add3A_851 = arith.addi %mul3A_849, %add3A_850 : i32
      %add3A_852 = arith.addi %add3A_4, %add3A_851 : i32
      %div3A_853 = arith.constant 128 : i32
      %div3A_854 = arith.divsi %add3A_852, %div3A_853 : i32
      %sub3A_855 = arith.constant 0 : i32
      %sub3A_856 = arith.subi %div3A_854, %sub3A_855 : i32
      %div3A_857 = arith.constant 4 : i32
      %div3A_858 = arith.divsi %sub3A_856, %div3A_857 : i32
      %rem3A_859 = arith.constant 4 : i32
      %rem3A_860 = arith.remsi %sub3A_856, %rem3A_859 : i32
      %rem3A_861 = arith.constant 128 : i32
      %rem3A_862 = arith.remsi %add3A_852, %rem3A_861 : i32
      %mul3A_863 = arith.constant 128 : i32
      %mul3A_864 = arith.muli %rem3A_862, %mul3A_863 : i32
      %mul3A_865 = arith.constant 16384 : i32
      %mul3A_866 = arith.muli %div3A_858, %mul3A_865 : i32
      %add3A_867 = arith.addi %mul3A_866, %mul3A_864 : i32
      %mul3A_868 = arith.constant 32 : i32
      %mul3A_869 = arith.muli %mul3A_868, %rem3A_860 : i32
      %dma_start3A_870 = arith.constant 640 : i32
      %dma_start3A_871 = arith.constant 0 : i32
      %dma_start3A_872 = tpu.memref_slice %arg6[%rem3A_494, %dma_start3A_870, %dma_start3A_871] : memref<2x1024x32xf32, #tpu.memory_space<vmem>> -> memref<1x128x32xf32, #tpu.memory_space<vmem>>
      %dma_start3A_873 = tpu.memref_squeeze %dma_start3A_872 : memref<1x128x32xf32, #tpu.memory_space<vmem>> -> memref<128x32xf32, #tpu.memory_space<vmem>>
      %dma_start3A_874 = tpu.memref_slice %arg4[%add3A_867, %mul3A_869] : memref<81920x128xf32, #tpu.memory_space<hbm>> -> memref<128x32xf32, #tpu.memory_space<hbm>>
      %dma_start3A_875 = tpu.memref_slice %arg4[%add3A_867, %mul3A_869] : memref<81920x128xf32, #tpu.memory_space<hbm>> -> memref<128x32xf32, #tpu.memory_space<hbm>>
      %dma_start3A_876 = arith.constant 640 : i32
      %dma_start3A_877 = arith.constant 0 : i32
      %dma_start3A_878 = tpu.memref_slice %arg6[%rem3A_494, %dma_start3A_876, %dma_start3A_877] : memref<2x1024x32xf32, #tpu.memory_space<vmem>> -> memref<1x128x32xf32, #tpu.memory_space<vmem>>
      %dma_start3A_879 = tpu.memref_squeeze %dma_start3A_878 : memref<1x128x32xf32, #tpu.memory_space<vmem>> -> memref<128x32xf32, #tpu.memory_space<vmem>>
      tpu.enqueue_dma source(%dma_start3A_879 : memref<128x32xf32, #tpu.memory_space<vmem>>) target(%dma_start3A_875 : memref<128x32xf32, #tpu.memory_space<hbm>>) target_semaphore(%arg8 : memref<!tpu.dma_semaphore, #tpu.memory_space<semaphore_mem>>)
      %mul3A_880 = arith.constant 8 : i32
      %mul3A_881 = arith.muli %scan3A_492, %mul3A_880 : i32
      %add3A_882 = arith.constant 6 : i32
      %add3A_883 = arith.addi %mul3A_881, %add3A_882 : i32
      %add3A_884 = arith.addi %add3A_4, %add3A_883 : i32
      %div3A_885 = arith.constant 128 : i32
      %div3A_886 = arith.divsi %add3A_884, %div3A_885 : i32
      %sub3A_887 = arith.constant 0 : i32
      %sub3A_888 = arith.subi %div3A_886, %sub3A_887 : i32
      %div3A_889 = arith.constant 4 : i32
      %div3A_890 = arith.divsi %sub3A_888, %div3A_889 : i32
      %rem3A_891 = arith.constant 4 : i32
      %rem3A_892 = arith.remsi %sub3A_888, %rem3A_891 : i32
      %rem3A_893 = arith.constant 128 : i32
      %rem3A_894 = arith.remsi %add3A_884, %rem3A_893 : i32
      %mul3A_895 = arith.constant 128 : i32
      %mul3A_896 = arith.muli %rem3A_894, %mul3A_895 : i32
      %mul3A_897 = arith.constant 16384 : i32
      %mul3A_898 = arith.muli %div3A_890, %mul3A_897 : i32
      %add3A_899 = arith.addi %mul3A_898, %mul3A_896 : i32
      %mul3A_900 = arith.constant 32 : i32
      %mul3A_901 = arith.muli %mul3A_900, %rem3A_892 : i32
      %dma_start3A_902 = arith.constant 768 : i32
      %dma_start3A_903 = arith.constant 0 : i32
      %dma_start3A_904 = tpu.memref_slice %arg6[%rem3A_494, %dma_start3A_902, %dma_start3A_903] : memref<2x1024x32xf32, #tpu.memory_space<vmem>> -> memref<1x128x32xf32, #tpu.memory_space<vmem>>
      %dma_start3A_905 = tpu.memref_squeeze %dma_start3A_904 : memref<1x128x32xf32, #tpu.memory_space<vmem>> -> memref<128x32xf32, #tpu.memory_space<vmem>>
      %dma_start3A_906 = tpu.memref_slice %arg4[%add3A_899, %mul3A_901] : memref<81920x128xf32, #tpu.memory_space<hbm>> -> memref<128x32xf32, #tpu.memory_space<hbm>>
      %dma_start3A_907 = tpu.memref_slice %arg4[%add3A_899, %mul3A_901] : memref<81920x128xf32, #tpu.memory_space<hbm>> -> memref<128x32xf32, #tpu.memory_space<hbm>>
      %dma_start3A_908 = arith.constant 768 : i32
      %dma_start3A_909 = arith.constant 0 : i32
      %dma_start3A_910 = tpu.memref_slice %arg6[%rem3A_494, %dma_start3A_908, %dma_start3A_909] : memref<2x1024x32xf32, #tpu.memory_space<vmem>> -> memref<1x128x32xf32, #tpu.memory_space<vmem>>
      %dma_start3A_911 = tpu.memref_squeeze %dma_start3A_910 : memref<1x128x32xf32, #tpu.memory_space<vmem>> -> memref<128x32xf32, #tpu.memory_space<vmem>>
      tpu.enqueue_dma source(%dma_start3A_911 : memref<128x32xf32, #tpu.memory_space<vmem>>) target(%dma_start3A_907 : memref<128x32xf32, #tpu.memory_space<hbm>>) target_semaphore(%arg8 : memref<!tpu.dma_semaphore, #tpu.memory_space<semaphore_mem>>)
      %mul3A_912 = arith.constant 8 : i32
      %mul3A_913 = arith.muli %scan3A_492, %mul3A_912 : i32
      %add3A_914 = arith.constant 7 : i32
      %add3A_915 = arith.addi %mul3A_913, %add3A_914 : i32
      %add3A_916 = arith.addi %add3A_4, %add3A_915 : i32
      %div3A_917 = arith.constant 128 : i32
      %div3A_918 = arith.divsi %add3A_916, %div3A_917 : i32
      %sub3A_919 = arith.constant 0 : i32
      %sub3A_920 = arith.subi %div3A_918, %sub3A_919 : i32
      %div3A_921 = arith.constant 4 : i32
      %div3A_922 = arith.divsi %sub3A_920, %div3A_921 : i32
      %rem3A_923 = arith.constant 4 : i32
      %rem3A_924 = arith.remsi %sub3A_920, %rem3A_923 : i32
      %rem3A_925 = arith.constant 128 : i32
      %rem3A_926 = arith.remsi %add3A_916, %rem3A_925 : i32
      %mul3A_927 = arith.constant 128 : i32
      %mul3A_928 = arith.muli %rem3A_926, %mul3A_927 : i32
      %mul3A_929 = arith.constant 16384 : i32
      %mul3A_930 = arith.muli %div3A_922, %mul3A_929 : i32
      %add3A_931 = arith.addi %mul3A_930, %mul3A_928 : i32
      %mul3A_932 = arith.constant 32 : i32
      %mul3A_933 = arith.muli %mul3A_932, %rem3A_924 : i32
      %dma_start3A_934 = arith.constant 896 : i32
      %dma_start3A_935 = arith.constant 0 : i32
      %dma_start3A_936 = tpu.memref_slice %arg6[%rem3A_494, %dma_start3A_934, %dma_start3A_935] : memref<2x1024x32xf32, #tpu.memory_space<vmem>> -> memref<1x128x32xf32, #tpu.memory_space<vmem>>
      %dma_start3A_937 = tpu.memref_squeeze %dma_start3A_936 : memref<1x128x32xf32, #tpu.memory_space<vmem>> -> memref<128x32xf32, #tpu.memory_space<vmem>>
      %dma_start3A_938 = tpu.memref_slice %arg4[%add3A_931, %mul3A_933] : memref<81920x128xf32, #tpu.memory_space<hbm>> -> memref<128x32xf32, #tpu.memory_space<hbm>>
      %dma_start3A_939 = tpu.memref_slice %arg4[%add3A_931, %mul3A_933] : memref<81920x128xf32, #tpu.memory_space<hbm>> -> memref<128x32xf32, #tpu.memory_space<hbm>>
      %dma_start3A_940 = arith.constant 896 : i32
      %dma_start3A_941 = arith.constant 0 : i32
      %dma_start3A_942 = tpu.memref_slice %arg6[%rem3A_494, %dma_start3A_940, %dma_start3A_941] : memref<2x1024x32xf32, #tpu.memory_space<vmem>> -> memref<1x128x32xf32, #tpu.memory_space<vmem>>
      %dma_start3A_943 = tpu.memref_squeeze %dma_start3A_942 : memref<1x128x32xf32, #tpu.memory_space<vmem>> -> memref<128x32xf32, #tpu.memory_space<vmem>>
      tpu.enqueue_dma source(%dma_start3A_943 : memref<128x32xf32, #tpu.memory_space<vmem>>) target(%dma_start3A_939 : memref<128x32xf32, #tpu.memory_space<hbm>>) target_semaphore(%arg8 : memref<!tpu.dma_semaphore, #tpu.memory_space<semaphore_mem>>)
    }
    %scan3A_15 = arith.constant 10 : i32
    %add3A_16 = arith.constant 0 : i32
    %add3A_17 = arith.addi %add3A_4, %add3A_16 : i32
    %div3A = arith.constant 128 : i32
    %div3A_18 = arith.divsi %add3A_17, %div3A : i32
    %sub3A = arith.constant 0 : i32
    %sub3A_19 = arith.subi %div3A_18, %sub3A : i32
    %div3A_20 = arith.constant 4 : i32
    %div3A_21 = arith.divsi %sub3A_19, %div3A_20 : i32
    %rem3A = arith.constant 4 : i32
    %rem3A_22 = arith.remsi %sub3A_19, %rem3A : i32
    %rem3A_23 = arith.constant 128 : i32
    %rem3A_24 = arith.remsi %add3A_17, %rem3A_23 : i32
    %mul3A_25 = arith.constant 128 : i32
    %mul3A_26 = arith.muli %rem3A_24, %mul3A_25 : i32
    %mul3A_27 = arith.constant 16384 : i32
    %mul3A_28 = arith.muli %div3A_21, %mul3A_27 : i32
    %add3A_29 = arith.addi %mul3A_28, %mul3A_26 : i32
    %mul3A_30 = arith.constant 32 : i32
    %mul3A_31 = arith.muli %mul3A_30, %rem3A_22 : i32
    %dma_wait3A = arith.constant 0 : i32
    %dma_wait3A_32 = arith.constant 0 : i32
    %dma_wait3A_33 = arith.constant 0 : i32
    %dma_wait3A_34 = tpu.memref_slice %arg6[%dma_wait3A, %dma_wait3A_32, %dma_wait3A_33] : memref<2x1024x32xf32, #tpu.memory_space<vmem>> -> memref<1x128x32xf32, #tpu.memory_space<vmem>>
    %dma_wait3A_35 = tpu.memref_squeeze %dma_wait3A_34 : memref<1x128x32xf32, #tpu.memory_space<vmem>> -> memref<128x32xf32, #tpu.memory_space<vmem>>
    %dma_wait3A_36 = tpu.memref_slice %arg4[%add3A_29, %mul3A_31] : memref<81920x128xf32, #tpu.memory_space<hbm>> -> memref<128x32xf32, #tpu.memory_space<hbm>>
    %dma_wait3A_37 = tpu.memref_slice %arg4[%add3A_29, %mul3A_31] : memref<81920x128xf32, #tpu.memory_space<hbm>> -> memref<128x32xf32, #tpu.memory_space<hbm>>
    %dma_wait3A_38 = arith.constant 0 : i32
    %dma_wait3A_39 = arith.constant 0 : i32
    %dma_wait3A_40 = tpu.memref_slice %arg6[%dma_wait3A, %dma_wait3A_38, %dma_wait3A_39] : memref<2x1024x32xf32, #tpu.memory_space<vmem>> -> memref<1x128x32xf32, #tpu.memory_space<vmem>>
    %dma_wait3A_41 = tpu.memref_squeeze %dma_wait3A_40 : memref<1x128x32xf32, #tpu.memory_space<vmem>> -> memref<128x32xf32, #tpu.memory_space<vmem>>
    tpu.wait_dma2 semaphore(%arg8 : memref<!tpu.dma_semaphore, #tpu.memory_space<semaphore_mem>>) src(%dma_wait3A_41 : memref<128x32xf32, #tpu.memory_space<vmem>>) dst(%dma_wait3A_37 : memref<128x32xf32, #tpu.memory_space<hbm>>)
    %add3A_42 = arith.constant 0 : i32
    %add3A_43 = arith.addi %add3A_4, %add3A_42 : i32
    %div3A_44 = arith.constant 128 : i32
    %div3A_45 = arith.divsi %add3A_43, %div3A_44 : i32
    %sub3A_46 = arith.constant 0 : i32
    %sub3A_47 = arith.subi %div3A_45, %sub3A_46 : i32
    %div3A_48 = arith.constant 4 : i32
    %div3A_49 = arith.divsi %sub3A_47, %div3A_48 : i32
    %rem3A_50 = arith.constant 4 : i32
    %rem3A_51 = arith.remsi %sub3A_47, %rem3A_50 : i32
    %rem3A_52 = arith.constant 128 : i32
    %rem3A_53 = arith.remsi %add3A_43, %rem3A_52 : i32
    %mul3A_54 = arith.constant 128 : i32
    %mul3A_55 = arith.muli %rem3A_53, %mul3A_54 : i32
    %mul3A_56 = arith.constant 16384 : i32
    %mul3A_57 = arith.muli %div3A_49, %mul3A_56 : i32
    %add3A_58 = arith.addi %mul3A_57, %mul3A_55 : i32
    %mul3A_59 = arith.constant 32 : i32
    %mul3A_60 = arith.muli %mul3A_59, %rem3A_51 : i32
    %dma_wait3A_61 = arith.constant 0 : i32
    %dma_wait3A_62 = arith.constant 0 : i32
    %dma_wait3A_63 = arith.constant 0 : i32
    %dma_wait3A_64 = tpu.memref_slice %arg6[%dma_wait3A_61, %dma_wait3A_62, %dma_wait3A_63] : memref<2x1024x32xf32, #tpu.memory_space<vmem>> -> memref<1x128x32xf32, #tpu.memory_space<vmem>>
    %dma_wait3A_65 = tpu.memref_squeeze %dma_wait3A_64 : memref<1x128x32xf32, #tpu.memory_space<vmem>> -> memref<128x32xf32, #tpu.memory_space<vmem>>
    %dma_wait3A_66 = tpu.memref_slice %arg4[%add3A_58, %mul3A_60] : memref<81920x128xf32, #tpu.memory_space<hbm>> -> memref<128x32xf32, #tpu.memory_space<hbm>>
    %dma_wait3A_67 = tpu.memref_slice %arg4[%add3A_58, %mul3A_60] : memref<81920x128xf32, #tpu.memory_space<hbm>> -> memref<128x32xf32, #tpu.memory_space<hbm>>
    %dma_wait3A_68 = arith.constant 0 : i32
    %dma_wait3A_69 = arith.constant 0 : i32
    %dma_wait3A_70 = tpu.memref_slice %arg6[%dma_wait3A_61, %dma_wait3A_68, %dma_wait3A_69] : memref<2x1024x32xf32, #tpu.memory_space<vmem>> -> memref<1x128x32xf32, #tpu.memory_space<vmem>>
    %dma_wait3A_71 = tpu.memref_squeeze %dma_wait3A_70 : memref<1x128x32xf32, #tpu.memory_space<vmem>> -> memref<128x32xf32, #tpu.memory_space<vmem>>
    tpu.wait_dma2 semaphore(%arg8 : memref<!tpu.dma_semaphore, #tpu.memory_space<semaphore_mem>>) src(%dma_wait3A_71 : memref<128x32xf32, #tpu.memory_space<vmem>>) dst(%dma_wait3A_67 : memref<128x32xf32, #tpu.memory_space<hbm>>)
    %add3A_72 = arith.constant 0 : i32
    %add3A_73 = arith.addi %add3A_4, %add3A_72 : i32
    %div3A_74 = arith.constant 128 : i32
    %div3A_75 = arith.divsi %add3A_73, %div3A_74 : i32
    %sub3A_76 = arith.constant 0 : i32
    %sub3A_77 = arith.subi %div3A_75, %sub3A_76 : i32
    %div3A_78 = arith.constant 4 : i32
    %div3A_79 = arith.divsi %sub3A_77, %div3A_78 : i32
    %rem3A_80 = arith.constant 4 : i32
    %rem3A_81 = arith.remsi %sub3A_77, %rem3A_80 : i32
    %rem3A_82 = arith.constant 128 : i32
    %rem3A_83 = arith.remsi %add3A_73, %rem3A_82 : i32
    %mul3A_84 = arith.constant 128 : i32
    %mul3A_85 = arith.muli %rem3A_83, %mul3A_84 : i32
    %mul3A_86 = arith.constant 16384 : i32
    %mul3A_87 = arith.muli %div3A_79, %mul3A_86 : i32
    %add3A_88 = arith.addi %mul3A_87, %mul3A_85 : i32
    %mul3A_89 = arith.constant 32 : i32
    %mul3A_90 = arith.muli %mul3A_89, %rem3A_81 : i32
    %dma_wait3A_91 = arith.constant 0 : i32
    %dma_wait3A_92 = arith.constant 0 : i32
    %dma_wait3A_93 = arith.constant 0 : i32
    %dma_wait3A_94 = tpu.memref_slice %arg6[%dma_wait3A_91, %dma_wait3A_92, %dma_wait3A_93] : memref<2x1024x32xf32, #tpu.memory_space<vmem>> -> memref<1x128x32xf32, #tpu.memory_space<vmem>>
    %dma_wait3A_95 = tpu.memref_squeeze %dma_wait3A_94 : memref<1x128x32xf32, #tpu.memory_space<vmem>> -> memref<128x32xf32, #tpu.memory_space<vmem>>
    %dma_wait3A_96 = tpu.memref_slice %arg4[%add3A_88, %mul3A_90] : memref<81920x128xf32, #tpu.memory_space<hbm>> -> memref<128x32xf32, #tpu.memory_space<hbm>>
    %dma_wait3A_97 = tpu.memref_slice %arg4[%add3A_88, %mul3A_90] : memref<81920x128xf32, #tpu.memory_space<hbm>> -> memref<128x32xf32, #tpu.memory_space<hbm>>
    %dma_wait3A_98 = arith.constant 0 : i32
    %dma_wait3A_99 = arith.constant 0 : i32
    %dma_wait3A_100 = tpu.memref_slice %arg6[%dma_wait3A_91, %dma_wait3A_98, %dma_wait3A_99] : memref<2x1024x32xf32, #tpu.memory_space<vmem>> -> memref<1x128x32xf32, #tpu.memory_space<vmem>>
    %dma_wait3A_101 = tpu.memref_squeeze %dma_wait3A_100 : memref<1x128x32xf32, #tpu.memory_space<vmem>> -> memref<128x32xf32, #tpu.memory_space<vmem>>
    tpu.wait_dma2 semaphore(%arg8 : memref<!tpu.dma_semaphore, #tpu.memory_space<semaphore_mem>>) src(%dma_wait3A_101 : memref<128x32xf32, #tpu.memory_space<vmem>>) dst(%dma_wait3A_97 : memref<128x32xf32, #tpu.memory_space<hbm>>)
    %add3A_102 = arith.constant 0 : i32
    %add3A_103 = arith.addi %add3A_4, %add3A_102 : i32
    %div3A_104 = arith.constant 128 : i32
    %div3A_105 = arith.divsi %add3A_103, %div3A_104 : i32
    %sub3A_106 = arith.constant 0 : i32
    %sub3A_107 = arith.subi %div3A_105, %sub3A_106 : i32
    %div3A_108 = arith.constant 4 : i32
    %div3A_109 = arith.divsi %sub3A_107, %div3A_108 : i32
    %rem3A_110 = arith.constant 4 : i32
    %rem3A_111 = arith.remsi %sub3A_107, %rem3A_110 : i32
    %rem3A_112 = arith.constant 128 : i32
    %rem3A_113 = arith.remsi %add3A_103, %rem3A_112 : i32
    %mul3A_114 = arith.constant 128 : i32
    %mul3A_115 = arith.muli %rem3A_113, %mul3A_114 : i32
    %mul3A_116 = arith.constant 16384 : i32
    %mul3A_117 = arith.muli %div3A_109, %mul3A_116 : i32
    %add3A_118 = arith.addi %mul3A_117, %mul3A_115 : i32
    %mul3A_119 = arith.constant 32 : i32
    %mul3A_120 = arith.muli %mul3A_119, %rem3A_111 : i32
    %dma_wait3A_121 = arith.constant 0 : i32
    %dma_wait3A_122 = arith.constant 0 : i32
    %dma_wait3A_123 = arith.constant 0 : i32
    %dma_wait3A_124 = tpu.memref_slice %arg6[%dma_wait3A_121, %dma_wait3A_122, %dma_wait3A_123] : memref<2x1024x32xf32, #tpu.memory_space<vmem>> -> memref<1x128x32xf32, #tpu.memory_space<vmem>>
    %dma_wait3A_125 = tpu.memref_squeeze %dma_wait3A_124 : memref<1x128x32xf32, #tpu.memory_space<vmem>> -> memref<128x32xf32, #tpu.memory_space<vmem>>
    %dma_wait3A_126 = tpu.memref_slice %arg4[%add3A_118, %mul3A_120] : memref<81920x128xf32, #tpu.memory_space<hbm>> -> memref<128x32xf32, #tpu.memory_space<hbm>>
    %dma_wait3A_127 = tpu.memref_slice %arg4[%add3A_118, %mul3A_120] : memref<81920x128xf32, #tpu.memory_space<hbm>> -> memref<128x32xf32, #tpu.memory_space<hbm>>
    %dma_wait3A_128 = arith.constant 0 : i32
    %dma_wait3A_129 = arith.constant 0 : i32
    %dma_wait3A_130 = tpu.memref_slice %arg6[%dma_wait3A_121, %dma_wait3A_128, %dma_wait3A_129] : memref<2x1024x32xf32, #tpu.memory_space<vmem>> -> memref<1x128x32xf32, #tpu.memory_space<vmem>>
    %dma_wait3A_131 = tpu.memref_squeeze %dma_wait3A_130 : memref<1x128x32xf32, #tpu.memory_space<vmem>> -> memref<128x32xf32, #tpu.memory_space<vmem>>
    tpu.wait_dma2 semaphore(%arg8 : memref<!tpu.dma_semaphore, #tpu.memory_space<semaphore_mem>>) src(%dma_wait3A_131 : memref<128x32xf32, #tpu.memory_space<vmem>>) dst(%dma_wait3A_127 : memref<128x32xf32, #tpu.memory_space<hbm>>)
    %add3A_132 = arith.constant 0 : i32
    %add3A_133 = arith.addi %add3A_4, %add3A_132 : i32
    %div3A_134 = arith.constant 128 : i32
    %div3A_135 = arith.divsi %add3A_133, %div3A_134 : i32
    %sub3A_136 = arith.constant 0 : i32
    %sub3A_137 = arith.subi %div3A_135, %sub3A_136 : i32
    %div3A_138 = arith.constant 4 : i32
    %div3A_139 = arith.divsi %sub3A_137, %div3A_138 : i32
    %rem3A_140 = arith.constant 4 : i32
    %rem3A_141 = arith.remsi %sub3A_137, %rem3A_140 : i32
    %rem3A_142 = arith.constant 128 : i32
    %rem3A_143 = arith.remsi %add3A_133, %rem3A_142 : i32
    %mul3A_144 = arith.constant 128 : i32
    %mul3A_145 = arith.muli %rem3A_143, %mul3A_144 : i32
    %mul3A_146 = arith.constant 16384 : i32
    %mul3A_147 = arith.muli %div3A_139, %mul3A_146 : i32
    %add3A_148 = arith.addi %mul3A_147, %mul3A_145 : i32
    %mul3A_149 = arith.constant 32 : i32
    %mul3A_150 = arith.muli %mul3A_149, %rem3A_141 : i32
    %dma_wait3A_151 = arith.constant 0 : i32
    %dma_wait3A_152 = arith.constant 0 : i32
    %dma_wait3A_153 = arith.constant 0 : i32
    %dma_wait3A_154 = tpu.memref_slice %arg6[%dma_wait3A_151, %dma_wait3A_152, %dma_wait3A_153] : memref<2x1024x32xf32, #tpu.memory_space<vmem>> -> memref<1x128x32xf32, #tpu.memory_space<vmem>>
    %dma_wait3A_155 = tpu.memref_squeeze %dma_wait3A_154 : memref<1x128x32xf32, #tpu.memory_space<vmem>> -> memref<128x32xf32, #tpu.memory_space<vmem>>
    %dma_wait3A_156 = tpu.memref_slice %arg4[%add3A_148, %mul3A_150] : memref<81920x128xf32, #tpu.memory_space<hbm>> -> memref<128x32xf32, #tpu.memory_space<hbm>>
    %dma_wait3A_157 = tpu.memref_slice %arg4[%add3A_148, %mul3A_150] : memref<81920x128xf32, #tpu.memory_space<hbm>> -> memref<128x32xf32, #tpu.memory_space<hbm>>
    %dma_wait3A_158 = arith.constant 0 : i32
    %dma_wait3A_159 = arith.constant 0 : i32
    %dma_wait3A_160 = tpu.memref_slice %arg6[%dma_wait3A_151, %dma_wait3A_158, %dma_wait3A_159] : memref<2x1024x32xf32, #tpu.memory_space<vmem>> -> memref<1x128x32xf32, #tpu.memory_space<vmem>>
    %dma_wait3A_161 = tpu.memref_squeeze %dma_wait3A_160 : memref<1x128x32xf32, #tpu.memory_space<vmem>> -> memref<128x32xf32, #tpu.memory_space<vmem>>
    tpu.wait_dma2 semaphore(%arg8 : memref<!tpu.dma_semaphore, #tpu.memory_space<semaphore_mem>>) src(%dma_wait3A_161 : memref<128x32xf32, #tpu.memory_space<vmem>>) dst(%dma_wait3A_157 : memref<128x32xf32, #tpu.memory_space<hbm>>)
    %add3A_162 = arith.constant 0 : i32
    %add3A_163 = arith.addi %add3A_4, %add3A_162 : i32
    %div3A_164 = arith.constant 128 : i32
    %div3A_165 = arith.divsi %add3A_163, %div3A_164 : i32
    %sub3A_166 = arith.constant 0 : i32
    %sub3A_167 = arith.subi %div3A_165, %sub3A_166 : i32
    %div3A_168 = arith.constant 4 : i32
    %div3A_169 = arith.divsi %sub3A_167, %div3A_168 : i32
    %rem3A_170 = arith.constant 4 : i32
    %rem3A_171 = arith.remsi %sub3A_167, %rem3A_170 : i32
    %rem3A_172 = arith.constant 128 : i32
    %rem3A_173 = arith.remsi %add3A_163, %rem3A_172 : i32
    %mul3A_174 = arith.constant 128 : i32
    %mul3A_175 = arith.muli %rem3A_173, %mul3A_174 : i32
    %mul3A_176 = arith.constant 16384 : i32
    %mul3A_177 = arith.muli %div3A_169, %mul3A_176 : i32
    %add3A_178 = arith.addi %mul3A_177, %mul3A_175 : i32
    %mul3A_179 = arith.constant 32 : i32
    %mul3A_180 = arith.muli %mul3A_179, %rem3A_171 : i32
    %dma_wait3A_181 = arith.constant 0 : i32
    %dma_wait3A_182 = arith.constant 0 : i32
    %dma_wait3A_183 = arith.constant 0 : i32
    %dma_wait3A_184 = tpu.memref_slice %arg6[%dma_wait3A_181, %dma_wait3A_182, %dma_wait3A_183] : memref<2x1024x32xf32, #tpu.memory_space<vmem>> -> memref<1x128x32xf32, #tpu.memory_space<vmem>>
    %dma_wait3A_185 = tpu.memref_squeeze %dma_wait3A_184 : memref<1x128x32xf32, #tpu.memory_space<vmem>> -> memref<128x32xf32, #tpu.memory_space<vmem>>
    %dma_wait3A_186 = tpu.memref_slice %arg4[%add3A_178, %mul3A_180] : memref<81920x128xf32, #tpu.memory_space<hbm>> -> memref<128x32xf32, #tpu.memory_space<hbm>>
    %dma_wait3A_187 = tpu.memref_slice %arg4[%add3A_178, %mul3A_180] : memref<81920x128xf32, #tpu.memory_space<hbm>> -> memref<128x32xf32, #tpu.memory_space<hbm>>
    %dma_wait3A_188 = arith.constant 0 : i32
    %dma_wait3A_189 = arith.constant 0 : i32
    %dma_wait3A_190 = tpu.memref_slice %arg6[%dma_wait3A_181, %dma_wait3A_188, %dma_wait3A_189] : memref<2x1024x32xf32, #tpu.memory_space<vmem>> -> memref<1x128x32xf32, #tpu.memory_space<vmem>>
    %dma_wait3A_191 = tpu.memref_squeeze %dma_wait3A_190 : memref<1x128x32xf32, #tpu.memory_space<vmem>> -> memref<128x32xf32, #tpu.memory_space<vmem>>
    tpu.wait_dma2 semaphore(%arg8 : memref<!tpu.dma_semaphore, #tpu.memory_space<semaphore_mem>>) src(%dma_wait3A_191 : memref<128x32xf32, #tpu.memory_space<vmem>>) dst(%dma_wait3A_187 : memref<128x32xf32, #tpu.memory_space<hbm>>)
    %add3A_192 = arith.constant 0 : i32
    %add3A_193 = arith.addi %add3A_4, %add3A_192 : i32
    %div3A_194 = arith.constant 128 : i32
    %div3A_195 = arith.divsi %add3A_193, %div3A_194 : i32
    %sub3A_196 = arith.constant 0 : i32
    %sub3A_197 = arith.subi %div3A_195, %sub3A_196 : i32
    %div3A_198 = arith.constant 4 : i32
    %div3A_199 = arith.divsi %sub3A_197, %div3A_198 : i32
    %rem3A_200 = arith.constant 4 : i32
    %rem3A_201 = arith.remsi %sub3A_197, %rem3A_200 : i32
    %rem3A_202 = arith.constant 128 : i32
    %rem3A_203 = arith.remsi %add3A_193, %rem3A_202 : i32
    %mul3A_204 = arith.constant 128 : i32
    %mul3A_205 = arith.muli %rem3A_203, %mul3A_204 : i32
    %mul3A_206 = arith.constant 16384 : i32
    %mul3A_207 = arith.muli %div3A_199, %mul3A_206 : i32
    %add3A_208 = arith.addi %mul3A_207, %mul3A_205 : i32
    %mul3A_209 = arith.constant 32 : i32
    %mul3A_210 = arith.muli %mul3A_209, %rem3A_201 : i32
    %dma_wait3A_211 = arith.constant 0 : i32
    %dma_wait3A_212 = arith.constant 0 : i32
    %dma_wait3A_213 = arith.constant 0 : i32
    %dma_wait3A_214 = tpu.memref_slice %arg6[%dma_wait3A_211, %dma_wait3A_212, %dma_wait3A_213] : memref<2x1024x32xf32, #tpu.memory_space<vmem>> -> memref<1x128x32xf32, #tpu.memory_space<vmem>>
    %dma_wait3A_215 = tpu.memref_squeeze %dma_wait3A_214 : memref<1x128x32xf32, #tpu.memory_space<vmem>> -> memref<128x32xf32, #tpu.memory_space<vmem>>
    %dma_wait3A_216 = tpu.memref_slice %arg4[%add3A_208, %mul3A_210] : memref<81920x128xf32, #tpu.memory_space<hbm>> -> memref<128x32xf32, #tpu.memory_space<hbm>>
    %dma_wait3A_217 = tpu.memref_slice %arg4[%add3A_208, %mul3A_210] : memref<81920x128xf32, #tpu.memory_space<hbm>> -> memref<128x32xf32, #tpu.memory_space<hbm>>
    %dma_wait3A_218 = arith.constant 0 : i32
    %dma_wait3A_219 = arith.constant 0 : i32
    %dma_wait3A_220 = tpu.memref_slice %arg6[%dma_wait3A_211, %dma_wait3A_218, %dma_wait3A_219] : memref<2x1024x32xf32, #tpu.memory_space<vmem>> -> memref<1x128x32xf32, #tpu.memory_space<vmem>>
    %dma_wait3A_221 = tpu.memref_squeeze %dma_wait3A_220 : memref<1x128x32xf32, #tpu.memory_space<vmem>> -> memref<128x32xf32, #tpu.memory_space<vmem>>
    tpu.wait_dma2 semaphore(%arg8 : memref<!tpu.dma_semaphore, #tpu.memory_space<semaphore_mem>>) src(%dma_wait3A_221 : memref<128x32xf32, #tpu.memory_space<vmem>>) dst(%dma_wait3A_217 : memref<128x32xf32, #tpu.memory_space<hbm>>)
    %add3A_222 = arith.constant 0 : i32
    %add3A_223 = arith.addi %add3A_4, %add3A_222 : i32
    %div3A_224 = arith.constant 128 : i32
    %div3A_225 = arith.divsi %add3A_223, %div3A_224 : i32
    %sub3A_226 = arith.constant 0 : i32
    %sub3A_227 = arith.subi %div3A_225, %sub3A_226 : i32
    %div3A_228 = arith.constant 4 : i32
    %div3A_229 = arith.divsi %sub3A_227, %div3A_228 : i32
    %rem3A_230 = arith.constant 4 : i32
    %rem3A_231 = arith.remsi %sub3A_227, %rem3A_230 : i32
    %rem3A_232 = arith.constant 128 : i32
    %rem3A_233 = arith.remsi %add3A_223, %rem3A_232 : i32
    %mul3A_234 = arith.constant 128 : i32
    %mul3A_235 = arith.muli %rem3A_233, %mul3A_234 : i32
    %mul3A_236 = arith.constant 16384 : i32
    %mul3A_237 = arith.muli %div3A_229, %mul3A_236 : i32
    %add3A_238 = arith.addi %mul3A_237, %mul3A_235 : i32
    %mul3A_239 = arith.constant 32 : i32
    %mul3A_240 = arith.muli %mul3A_239, %rem3A_231 : i32
    %dma_wait3A_241 = arith.constant 0 : i32
    %dma_wait3A_242 = arith.constant 0 : i32
    %dma_wait3A_243 = arith.constant 0 : i32
    %dma_wait3A_244 = tpu.memref_slice %arg6[%dma_wait3A_241, %dma_wait3A_242, %dma_wait3A_243] : memref<2x1024x32xf32, #tpu.memory_space<vmem>> -> memref<1x128x32xf32, #tpu.memory_space<vmem>>
    %dma_wait3A_245 = tpu.memref_squeeze %dma_wait3A_244 : memref<1x128x32xf32, #tpu.memory_space<vmem>> -> memref<128x32xf32, #tpu.memory_space<vmem>>
    %dma_wait3A_246 = tpu.memref_slice %arg4[%add3A_238, %mul3A_240] : memref<81920x128xf32, #tpu.memory_space<hbm>> -> memref<128x32xf32, #tpu.memory_space<hbm>>
    %dma_wait3A_247 = tpu.memref_slice %arg4[%add3A_238, %mul3A_240] : memref<81920x128xf32, #tpu.memory_space<hbm>> -> memref<128x32xf32, #tpu.memory_space<hbm>>
    %dma_wait3A_248 = arith.constant 0 : i32
    %dma_wait3A_249 = arith.constant 0 : i32
    %dma_wait3A_250 = tpu.memref_slice %arg6[%dma_wait3A_241, %dma_wait3A_248, %dma_wait3A_249] : memref<2x1024x32xf32, #tpu.memory_space<vmem>> -> memref<1x128x32xf32, #tpu.memory_space<vmem>>
    %dma_wait3A_251 = tpu.memref_squeeze %dma_wait3A_250 : memref<1x128x32xf32, #tpu.memory_space<vmem>> -> memref<128x32xf32, #tpu.memory_space<vmem>>
    tpu.wait_dma2 semaphore(%arg8 : memref<!tpu.dma_semaphore, #tpu.memory_space<semaphore_mem>>) src(%dma_wait3A_251 : memref<128x32xf32, #tpu.memory_space<vmem>>) dst(%dma_wait3A_247 : memref<128x32xf32, #tpu.memory_space<hbm>>)
    %add3A_252 = arith.constant 0 : i32
    %add3A_253 = arith.addi %add3A_4, %add3A_252 : i32
    %div3A_254 = arith.constant 128 : i32
    %div3A_255 = arith.divsi %add3A_253, %div3A_254 : i32
    %sub3A_256 = arith.constant 0 : i32
    %sub3A_257 = arith.subi %div3A_255, %sub3A_256 : i32
    %div3A_258 = arith.constant 4 : i32
    %div3A_259 = arith.divsi %sub3A_257, %div3A_258 : i32
    %rem3A_260 = arith.constant 4 : i32
    %rem3A_261 = arith.remsi %sub3A_257, %rem3A_260 : i32
    %rem3A_262 = arith.constant 128 : i32
    %rem3A_263 = arith.remsi %add3A_253, %rem3A_262 : i32
    %mul3A_264 = arith.constant 128 : i32
    %mul3A_265 = arith.muli %rem3A_263, %mul3A_264 : i32
    %mul3A_266 = arith.constant 16384 : i32
    %mul3A_267 = arith.muli %div3A_259, %mul3A_266 : i32
    %add3A_268 = arith.addi %mul3A_267, %mul3A_265 : i32
    %mul3A_269 = arith.constant 32 : i32
    %mul3A_270 = arith.muli %mul3A_269, %rem3A_261 : i32
    %dma_wait3A_271 = arith.constant 0 : i32
    %dma_wait3A_272 = arith.constant 0 : i32
    %dma_wait3A_273 = arith.constant 0 : i32
    %dma_wait3A_274 = tpu.memref_slice %arg6[%dma_wait3A_271, %dma_wait3A_272, %dma_wait3A_273] : memref<2x1024x32xf32, #tpu.memory_space<vmem>> -> memref<1x128x32xf32, #tpu.memory_space<vmem>>
    %dma_wait3A_275 = tpu.memref_squeeze %dma_wait3A_274 : memref<1x128x32xf32, #tpu.memory_space<vmem>> -> memref<128x32xf32, #tpu.memory_space<vmem>>
    %dma_wait3A_276 = tpu.memref_slice %arg4[%add3A_268, %mul3A_270] : memref<81920x128xf32, #tpu.memory_space<hbm>> -> memref<128x32xf32, #tpu.memory_space<hbm>>
    %dma_wait3A_277 = tpu.memref_slice %arg4[%add3A_268, %mul3A_270] : memref<81920x128xf32, #tpu.memory_space<hbm>> -> memref<128x32xf32, #tpu.memory_space<hbm>>
    %dma_wait3A_278 = arith.constant 0 : i32
    %dma_wait3A_279 = arith.constant 0 : i32
    %dma_wait3A_280 = tpu.memref_slice %arg6[%dma_wait3A_271, %dma_wait3A_278, %dma_wait3A_279] : memref<2x1024x32xf32, #tpu.memory_space<vmem>> -> memref<1x128x32xf32, #tpu.memory_space<vmem>>
    %dma_wait3A_281 = tpu.memref_squeeze %dma_wait3A_280 : memref<1x128x32xf32, #tpu.memory_space<vmem>> -> memref<128x32xf32, #tpu.memory_space<vmem>>
    tpu.wait_dma2 semaphore(%arg8 : memref<!tpu.dma_semaphore, #tpu.memory_space<semaphore_mem>>) src(%dma_wait3A_281 : memref<128x32xf32, #tpu.memory_space<vmem>>) dst(%dma_wait3A_277 : memref<128x32xf32, #tpu.memory_space<hbm>>)
    %add3A_282 = arith.constant 0 : i32
    %add3A_283 = arith.addi %add3A_4, %add3A_282 : i32
    %div3A_284 = arith.constant 128 : i32
    %div3A_285 = arith.divsi %add3A_283, %div3A_284 : i32
    %sub3A_286 = arith.constant 0 : i32
    %sub3A_287 = arith.subi %div3A_285, %sub3A_286 : i32
    %div3A_288 = arith.constant 4 : i32
    %div3A_289 = arith.divsi %sub3A_287, %div3A_288 : i32
    %rem3A_290 = arith.constant 4 : i32
    %rem3A_291 = arith.remsi %sub3A_287, %rem3A_290 : i32
    %rem3A_292 = arith.constant 128 : i32
    %rem3A_293 = arith.remsi %add3A_283, %rem3A_292 : i32
    %mul3A_294 = arith.constant 128 : i32
    %mul3A_295 = arith.muli %rem3A_293, %mul3A_294 : i32
    %mul3A_296 = arith.constant 16384 : i32
    %mul3A_297 = arith.muli %div3A_289, %mul3A_296 : i32
    %add3A_298 = arith.addi %mul3A_297, %mul3A_295 : i32
    %mul3A_299 = arith.constant 32 : i32
    %mul3A_300 = arith.muli %mul3A_299, %rem3A_291 : i32
    %dma_wait3A_301 = arith.constant 0 : i32
    %dma_wait3A_302 = arith.constant 0 : i32
    %dma_wait3A_303 = arith.constant 0 : i32
    %dma_wait3A_304 = tpu.memref_slice %arg6[%dma_wait3A_301, %dma_wait3A_302, %dma_wait3A_303] : memref<2x1024x32xf32, #tpu.memory_space<vmem>> -> memref<1x128x32xf32, #tpu.memory_space<vmem>>
    %dma_wait3A_305 = tpu.memref_squeeze %dma_wait3A_304 : memref<1x128x32xf32, #tpu.memory_space<vmem>> -> memref<128x32xf32, #tpu.memory_space<vmem>>
    %dma_wait3A_306 = tpu.memref_slice %arg4[%add3A_298, %mul3A_300] : memref<81920x128xf32, #tpu.memory_space<hbm>> -> memref<128x32xf32, #tpu.memory_space<hbm>>
    %dma_wait3A_307 = tpu.memref_slice %arg4[%add3A_298, %mul3A_300] : memref<81920x128xf32, #tpu.memory_space<hbm>> -> memref<128x32xf32, #tpu.memory_space<hbm>>
    %dma_wait3A_308 = arith.constant 0 : i32
    %dma_wait3A_309 = arith.constant 0 : i32
    %dma_wait3A_310 = tpu.memref_slice %arg6[%dma_wait3A_301, %dma_wait3A_308, %dma_wait3A_309] : memref<2x1024x32xf32, #tpu.memory_space<vmem>> -> memref<1x128x32xf32, #tpu.memory_space<vmem>>
    %dma_wait3A_311 = tpu.memref_squeeze %dma_wait3A_310 : memref<1x128x32xf32, #tpu.memory_space<vmem>> -> memref<128x32xf32, #tpu.memory_space<vmem>>
    tpu.wait_dma2 semaphore(%arg8 : memref<!tpu.dma_semaphore, #tpu.memory_space<semaphore_mem>>) src(%dma_wait3A_311 : memref<128x32xf32, #tpu.memory_space<vmem>>) dst(%dma_wait3A_307 : memref<128x32xf32, #tpu.memory_space<hbm>>)
    %add3A_312 = arith.constant 0 : i32
    %add3A_313 = arith.addi %add3A_4, %add3A_312 : i32
    %div3A_314 = arith.constant 128 : i32
    %div3A_315 = arith.divsi %add3A_313, %div3A_314 : i32
    %sub3A_316 = arith.constant 0 : i32
    %sub3A_317 = arith.subi %div3A_315, %sub3A_316 : i32
    %div3A_318 = arith.constant 4 : i32
    %div3A_319 = arith.divsi %sub3A_317, %div3A_318 : i32
    %rem3A_320 = arith.constant 4 : i32
    %rem3A_321 = arith.remsi %sub3A_317, %rem3A_320 : i32
    %rem3A_322 = arith.constant 128 : i32
    %rem3A_323 = arith.remsi %add3A_313, %rem3A_322 : i32
    %mul3A_324 = arith.constant 128 : i32
    %mul3A_325 = arith.muli %rem3A_323, %mul3A_324 : i32
    %mul3A_326 = arith.constant 16384 : i32
    %mul3A_327 = arith.muli %div3A_319, %mul3A_326 : i32
    %add3A_328 = arith.addi %mul3A_327, %mul3A_325 : i32
    %mul3A_329 = arith.constant 32 : i32
    %mul3A_330 = arith.muli %mul3A_329, %rem3A_321 : i32
    %dma_wait3A_331 = arith.constant 0 : i32
    %dma_wait3A_332 = arith.constant 0 : i32
    %dma_wait3A_333 = arith.constant 0 : i32
    %dma_wait3A_334 = tpu.memref_slice %arg6[%dma_wait3A_331, %dma_wait3A_332, %dma_wait3A_333] : memref<2x1024x32xf32, #tpu.memory_space<vmem>> -> memref<1x128x32xf32, #tpu.memory_space<vmem>>
    %dma_wait3A_335 = tpu.memref_squeeze %dma_wait3A_334 : memref<1x128x32xf32, #tpu.memory_space<vmem>> -> memref<128x32xf32, #tpu.memory_space<vmem>>
    %dma_wait3A_336 = tpu.memref_slice %arg4[%add3A_328, %mul3A_330] : memref<81920x128xf32, #tpu.memory_space<hbm>> -> memref<128x32xf32, #tpu.memory_space<hbm>>
    %dma_wait3A_337 = tpu.memref_slice %arg4[%add3A_328, %mul3A_330] : memref<81920x128xf32, #tpu.memory_space<hbm>> -> memref<128x32xf32, #tpu.memory_space<hbm>>
    %dma_wait3A_338 = arith.constant 0 : i32
    %dma_wait3A_339 = arith.constant 0 : i32
    %dma_wait3A_340 = tpu.memref_slice %arg6[%dma_wait3A_331, %dma_wait3A_338, %dma_wait3A_339] : memref<2x1024x32xf32, #tpu.memory_space<vmem>> -> memref<1x128x32xf32, #tpu.memory_space<vmem>>
    %dma_wait3A_341 = tpu.memref_squeeze %dma_wait3A_340 : memref<1x128x32xf32, #tpu.memory_space<vmem>> -> memref<128x32xf32, #tpu.memory_space<vmem>>
    tpu.wait_dma2 semaphore(%arg8 : memref<!tpu.dma_semaphore, #tpu.memory_space<semaphore_mem>>) src(%dma_wait3A_341 : memref<128x32xf32, #tpu.memory_space<vmem>>) dst(%dma_wait3A_337 : memref<128x32xf32, #tpu.memory_space<hbm>>)
    %add3A_342 = arith.constant 0 : i32
    %add3A_343 = arith.addi %add3A_4, %add3A_342 : i32
    %div3A_344 = arith.constant 128 : i32
    %div3A_345 = arith.divsi %add3A_343, %div3A_344 : i32
    %sub3A_346 = arith.constant 0 : i32
    %sub3A_347 = arith.subi %div3A_345, %sub3A_346 : i32
    %div3A_348 = arith.constant 4 : i32
    %div3A_349 = arith.divsi %sub3A_347, %div3A_348 : i32
    %rem3A_350 = arith.constant 4 : i32
    %rem3A_351 = arith.remsi %sub3A_347, %rem3A_350 : i32
    %rem3A_352 = arith.constant 128 : i32
    %rem3A_353 = arith.remsi %add3A_343, %rem3A_352 : i32
    %mul3A_354 = arith.constant 128 : i32
    %mul3A_355 = arith.muli %rem3A_353, %mul3A_354 : i32
    %mul3A_356 = arith.constant 16384 : i32
    %mul3A_357 = arith.muli %div3A_349, %mul3A_356 : i32
    %add3A_358 = arith.addi %mul3A_357, %mul3A_355 : i32
    %mul3A_359 = arith.constant 32 : i32
    %mul3A_360 = arith.muli %mul3A_359, %rem3A_351 : i32
    %dma_wait3A_361 = arith.constant 0 : i32
    %dma_wait3A_362 = arith.constant 0 : i32
    %dma_wait3A_363 = arith.constant 0 : i32
    %dma_wait3A_364 = tpu.memref_slice %arg6[%dma_wait3A_361, %dma_wait3A_362, %dma_wait3A_363] : memref<2x1024x32xf32, #tpu.memory_space<vmem>> -> memref<1x128x32xf32, #tpu.memory_space<vmem>>
    %dma_wait3A_365 = tpu.memref_squeeze %dma_wait3A_364 : memref<1x128x32xf32, #tpu.memory_space<vmem>> -> memref<128x32xf32, #tpu.memory_space<vmem>>
    %dma_wait3A_366 = tpu.memref_slice %arg4[%add3A_358, %mul3A_360] : memref<81920x128xf32, #tpu.memory_space<hbm>> -> memref<128x32xf32, #tpu.memory_space<hbm>>
    %dma_wait3A_367 = tpu.memref_slice %arg4[%add3A_358, %mul3A_360] : memref<81920x128xf32, #tpu.memory_space<hbm>> -> memref<128x32xf32, #tpu.memory_space<hbm>>
    %dma_wait3A_368 = arith.constant 0 : i32
    %dma_wait3A_369 = arith.constant 0 : i32
    %dma_wait3A_370 = tpu.memref_slice %arg6[%dma_wait3A_361, %dma_wait3A_368, %dma_wait3A_369] : memref<2x1024x32xf32, #tpu.memory_space<vmem>> -> memref<1x128x32xf32, #tpu.memory_space<vmem>>
    %dma_wait3A_371 = tpu.memref_squeeze %dma_wait3A_370 : memref<1x128x32xf32, #tpu.memory_space<vmem>> -> memref<128x32xf32, #tpu.memory_space<vmem>>
    tpu.wait_dma2 semaphore(%arg8 : memref<!tpu.dma_semaphore, #tpu.memory_space<semaphore_mem>>) src(%dma_wait3A_371 : memref<128x32xf32, #tpu.memory_space<vmem>>) dst(%dma_wait3A_367 : memref<128x32xf32, #tpu.memory_space<hbm>>)
    %add3A_372 = arith.constant 0 : i32
    %add3A_373 = arith.addi %add3A_4, %add3A_372 : i32
    %div3A_374 = arith.constant 128 : i32
    %div3A_375 = arith.divsi %add3A_373, %div3A_374 : i32
    %sub3A_376 = arith.constant 0 : i32
    %sub3A_377 = arith.subi %div3A_375, %sub3A_376 : i32
    %div3A_378 = arith.constant 4 : i32
    %div3A_379 = arith.divsi %sub3A_377, %div3A_378 : i32
    %rem3A_380 = arith.constant 4 : i32
    %rem3A_381 = arith.remsi %sub3A_377, %rem3A_380 : i32
    %rem3A_382 = arith.constant 128 : i32
    %rem3A_383 = arith.remsi %add3A_373, %rem3A_382 : i32
    %mul3A_384 = arith.constant 128 : i32
    %mul3A_385 = arith.muli %rem3A_383, %mul3A_384 : i32
    %mul3A_386 = arith.constant 16384 : i32
    %mul3A_387 = arith.muli %div3A_379, %mul3A_386 : i32
    %add3A_388 = arith.addi %mul3A_387, %mul3A_385 : i32
    %mul3A_389 = arith.constant 32 : i32
    %mul3A_390 = arith.muli %mul3A_389, %rem3A_381 : i32
    %dma_wait3A_391 = arith.constant 0 : i32
    %dma_wait3A_392 = arith.constant 0 : i32
    %dma_wait3A_393 = arith.constant 0 : i32
    %dma_wait3A_394 = tpu.memref_slice %arg6[%dma_wait3A_391, %dma_wait3A_392, %dma_wait3A_393] : memref<2x1024x32xf32, #tpu.memory_space<vmem>> -> memref<1x128x32xf32, #tpu.memory_space<vmem>>
    %dma_wait3A_395 = tpu.memref_squeeze %dma_wait3A_394 : memref<1x128x32xf32, #tpu.memory_space<vmem>> -> memref<128x32xf32, #tpu.memory_space<vmem>>
    %dma_wait3A_396 = tpu.memref_slice %arg4[%add3A_388, %mul3A_390] : memref<81920x128xf32, #tpu.memory_space<hbm>> -> memref<128x32xf32, #tpu.memory_space<hbm>>
    %dma_wait3A_397 = tpu.memref_slice %arg4[%add3A_388, %mul3A_390] : memref<81920x128xf32, #tpu.memory_space<hbm>> -> memref<128x32xf32, #tpu.memory_space<hbm>>
    %dma_wait3A_398 = arith.constant 0 : i32
    %dma_wait3A_399 = arith.constant 0 : i32
    %dma_wait3A_400 = tpu.memref_slice %arg6[%dma_wait3A_391, %dma_wait3A_398, %dma_wait3A_399] : memref<2x1024x32xf32, #tpu.memory_space<vmem>> -> memref<1x128x32xf32, #tpu.memory_space<vmem>>
    %dma_wait3A_401 = tpu.memref_squeeze %dma_wait3A_400 : memref<1x128x32xf32, #tpu.memory_space<vmem>> -> memref<128x32xf32, #tpu.memory_space<vmem>>
    tpu.wait_dma2 semaphore(%arg8 : memref<!tpu.dma_semaphore, #tpu.memory_space<semaphore_mem>>) src(%dma_wait3A_401 : memref<128x32xf32, #tpu.memory_space<vmem>>) dst(%dma_wait3A_397 : memref<128x32xf32, #tpu.memory_space<hbm>>)
    %add3A_402 = arith.constant 0 : i32
    %add3A_403 = arith.addi %add3A_4, %add3A_402 : i32
    %div3A_404 = arith.constant 128 : i32
    %div3A_405 = arith.divsi %add3A_403, %div3A_404 : i32
    %sub3A_406 = arith.constant 0 : i32
    %sub3A_407 = arith.subi %div3A_405, %sub3A_406 : i32
    %div3A_408 = arith.constant 4 : i32
    %div3A_409 = arith.divsi %sub3A_407, %div3A_408 : i32
    %rem3A_410 = arith.constant 4 : i32
    %rem3A_411 = arith.remsi %sub3A_407, %rem3A_410 : i32
    %rem3A_412 = arith.constant 128 : i32
    %rem3A_413 = arith.remsi %add3A_403, %rem3A_412 : i32
    %mul3A_414 = arith.constant 128 : i32
    %mul3A_415 = arith.muli %rem3A_413, %mul3A_414 : i32
    %mul3A_416 = arith.constant 16384 : i32
    %mul3A_417 = arith.muli %div3A_409, %mul3A_416 : i32
    %add3A_418 = arith.addi %mul3A_417, %mul3A_415 : i32
    %mul3A_419 = arith.constant 32 : i32
    %mul3A_420 = arith.muli %mul3A_419, %rem3A_411 : i32
    %dma_wait3A_421 = arith.constant 0 : i32
    %dma_wait3A_422 = arith.constant 0 : i32
    %dma_wait3A_423 = arith.constant 0 : i32
    %dma_wait3A_424 = tpu.memref_slice %arg6[%dma_wait3A_421, %dma_wait3A_422, %dma_wait3A_423] : memref<2x1024x32xf32, #tpu.memory_space<vmem>> -> memref<1x128x32xf32, #tpu.memory_space<vmem>>
    %dma_wait3A_425 = tpu.memref_squeeze %dma_wait3A_424 : memref<1x128x32xf32, #tpu.memory_space<vmem>> -> memref<128x32xf32, #tpu.memory_space<vmem>>
    %dma_wait3A_426 = tpu.memref_slice %arg4[%add3A_418, %mul3A_420] : memref<81920x128xf32, #tpu.memory_space<hbm>> -> memref<128x32xf32, #tpu.memory_space<hbm>>
    %dma_wait3A_427 = tpu.memref_slice %arg4[%add3A_418, %mul3A_420] : memref<81920x128xf32, #tpu.memory_space<hbm>> -> memref<128x32xf32, #tpu.memory_space<hbm>>
    %dma_wait3A_428 = arith.constant 0 : i32
    %dma_wait3A_429 = arith.constant 0 : i32
    %dma_wait3A_430 = tpu.memref_slice %arg6[%dma_wait3A_421, %dma_wait3A_428, %dma_wait3A_429] : memref<2x1024x32xf32, #tpu.memory_space<vmem>> -> memref<1x128x32xf32, #tpu.memory_space<vmem>>
    %dma_wait3A_431 = tpu.memref_squeeze %dma_wait3A_430 : memref<1x128x32xf32, #tpu.memory_space<vmem>> -> memref<128x32xf32, #tpu.memory_space<vmem>>
    tpu.wait_dma2 semaphore(%arg8 : memref<!tpu.dma_semaphore, #tpu.memory_space<semaphore_mem>>) src(%dma_wait3A_431 : memref<128x32xf32, #tpu.memory_space<vmem>>) dst(%dma_wait3A_427 : memref<128x32xf32, #tpu.memory_space<hbm>>)
    %add3A_432 = arith.constant 0 : i32
    %add3A_433 = arith.addi %add3A_4, %add3A_432 : i32
    %div3A_434 = arith.constant 128 : i32
    %div3A_435 = arith.divsi %add3A_433, %div3A_434 : i32
    %sub3A_436 = arith.constant 0 : i32
    %sub3A_437 = arith.subi %div3A_435, %sub3A_436 : i32
    %div3A_438 = arith.constant 4 : i32
    %div3A_439 = arith.divsi %sub3A_437, %div3A_438 : i32
    %rem3A_440 = arith.constant 4 : i32
    %rem3A_441 = arith.remsi %sub3A_437, %rem3A_440 : i32
    %rem3A_442 = arith.constant 128 : i32
    %rem3A_443 = arith.remsi %add3A_433, %rem3A_442 : i32
    %mul3A_444 = arith.constant 128 : i32
    %mul3A_445 = arith.muli %rem3A_443, %mul3A_444 : i32
    %mul3A_446 = arith.constant 16384 : i32
    %mul3A_447 = arith.muli %div3A_439, %mul3A_446 : i32
    %add3A_448 = arith.addi %mul3A_447, %mul3A_445 : i32
    %mul3A_449 = arith.constant 32 : i32
    %mul3A_450 = arith.muli %mul3A_449, %rem3A_441 : i32
    %dma_wait3A_451 = arith.constant 0 : i32
    %dma_wait3A_452 = arith.constant 0 : i32
    %dma_wait3A_453 = arith.constant 0 : i32
    %dma_wait3A_454 = tpu.memref_slice %arg6[%dma_wait3A_451, %dma_wait3A_452, %dma_wait3A_453] : memref<2x1024x32xf32, #tpu.memory_space<vmem>> -> memref<1x128x32xf32, #tpu.memory_space<vmem>>
    %dma_wait3A_455 = tpu.memref_squeeze %dma_wait3A_454 : memref<1x128x32xf32, #tpu.memory_space<vmem>> -> memref<128x32xf32, #tpu.memory_space<vmem>>
    %dma_wait3A_456 = tpu.memref_slice %arg4[%add3A_448, %mul3A_450] : memref<81920x128xf32, #tpu.memory_space<hbm>> -> memref<128x32xf32, #tpu.memory_space<hbm>>
    %dma_wait3A_457 = tpu.memref_slice %arg4[%add3A_448, %mul3A_450] : memref<81920x128xf32, #tpu.memory_space<hbm>> -> memref<128x32xf32, #tpu.memory_space<hbm>>
    %dma_wait3A_458 = arith.constant 0 : i32
    %dma_wait3A_459 = arith.constant 0 : i32
    %dma_wait3A_460 = tpu.memref_slice %arg6[%dma_wait3A_451, %dma_wait3A_458, %dma_wait3A_459] : memref<2x1024x32xf32, #tpu.memory_space<vmem>> -> memref<1x128x32xf32, #tpu.memory_space<vmem>>
    %dma_wait3A_461 = tpu.memref_squeeze %dma_wait3A_460 : memref<1x128x32xf32, #tpu.memory_space<vmem>> -> memref<128x32xf32, #tpu.memory_space<vmem>>
    tpu.wait_dma2 semaphore(%arg8 : memref<!tpu.dma_semaphore, #tpu.memory_space<semaphore_mem>>) src(%dma_wait3A_461 : memref<128x32xf32, #tpu.memory_space<vmem>>) dst(%dma_wait3A_457 : memref<128x32xf32, #tpu.memory_space<hbm>>)
    %add3A_462 = arith.constant 0 : i32
    %add3A_463 = arith.addi %add3A_4, %add3A_462 : i32
    %div3A_464 = arith.constant 128 : i32
    %div3A_465 = arith.divsi %add3A_463, %div3A_464 : i32
    %sub3A_466 = arith.constant 0 : i32
    %sub3A_467 = arith.subi %div3A_465, %sub3A_466 : i32
    %div3A_468 = arith.constant 4 : i32
    %div3A_469 = arith.divsi %sub3A_467, %div3A_468 : i32
    %rem3A_470 = arith.constant 4 : i32
    %rem3A_471 = arith.remsi %sub3A_467, %rem3A_470 : i32
    %rem3A_472 = arith.constant 128 : i32
    %rem3A_473 = arith.remsi %add3A_463, %rem3A_472 : i32
    %mul3A_474 = arith.constant 128 : i32
    %mul3A_475 = arith.muli %rem3A_473, %mul3A_474 : i32
    %mul3A_476 = arith.constant 16384 : i32
    %mul3A_477 = arith.muli %div3A_469, %mul3A_476 : i32
    %add3A_478 = arith.addi %mul3A_477, %mul3A_475 : i32
    %mul3A_479 = arith.constant 32 : i32
    %mul3A_480 = arith.muli %mul3A_479, %rem3A_471 : i32
    %dma_wait3A_481 = arith.constant 0 : i32
    %dma_wait3A_482 = arith.constant 0 : i32
    %dma_wait3A_483 = arith.constant 0 : i32
    %dma_wait3A_484 = tpu.memref_slice %arg6[%dma_wait3A_481, %dma_wait3A_482, %dma_wait3A_483] : memref<2x1024x32xf32, #tpu.memory_space<vmem>> -> memref<1x128x32xf32, #tpu.memory_space<vmem>>
    %dma_wait3A_485 = tpu.memref_squeeze %dma_wait3A_484 : memref<1x128x32xf32, #tpu.memory_space<vmem>> -> memref<128x32xf32, #tpu.memory_space<vmem>>
    %dma_wait3A_486 = tpu.memref_slice %arg4[%add3A_478, %mul3A_480] : memref<81920x128xf32, #tpu.memory_space<hbm>> -> memref<128x32xf32, #tpu.memory_space<hbm>>
    %dma_wait3A_487 = tpu.memref_slice %arg4[%add3A_478, %mul3A_480] : memref<81920x128xf32, #tpu.memory_space<hbm>> -> memref<128x32xf32, #tpu.memory_space<hbm>>
    %dma_wait3A_488 = arith.constant 0 : i32
    %dma_wait3A_489 = arith.constant 0 : i32
    %dma_wait3A_490 = tpu.memref_slice %arg6[%dma_wait3A_481, %dma_wait3A_488, %dma_wait3A_489] : memref<2x1024x32xf32, #tpu.memory_space<vmem>> -> memref<1x128x32xf32, #tpu.memory_space<vmem>>
    %dma_wait3A_491 = tpu.memref_squeeze %dma_wait3A_490 : memref<1x128x32xf32, #tpu.memory_space<vmem>> -> memref<128x32xf32, #tpu.memory_space<vmem>>
    tpu.wait_dma2 semaphore(%arg8 : memref<!tpu.dma_semaphore, #tpu.memory_space<semaphore_mem>>) src(%dma_wait3A_491 : memref<128x32xf32, #tpu.memory_space<vmem>>) dst(%dma_wait3A_487 : memref<128x32xf32, #tpu.memory_space<hbm>>)
    return
  }
}

module attributes {stable_mosaic.version = 14 : i64} {
  func.func @body(%arg0: i32, %arg1: memref<32x16384xf32, #tpu.memory_space<vmem>>, %arg2: memref<32x16384xf32, #tpu.memory_space<vmem>>, %arg3: memref<32x16384xf32, #tpu.memory_space<vmem>>, %arg4: memref<32x16384xf32, #tpu.memory_space<vmem>>, %arg5: memref<16384x128xf32, #tpu.memory_space<vmem>>) attributes {dimension_semantics = [#tpu.dimension_semantics<arbitrary>], iteration_bounds = array<i64: 10>, scalar_prefetch = 0 : i64, scratch_operands = 0 : i64, tpu.core_type = #tpu.core_type<tc>, window_params = [{transform_indices = @transform_0, window_bounds = array<i64: 32, 16384>}, {transform_indices = @transform_1, window_bounds = array<i64: 32, 16384>}, {transform_indices = @transform_2, window_bounds = array<i64: 32, 16384>}, {transform_indices = @transform_3, window_bounds = array<i64: 32, 16384>}, {transform_indices = @transform_4, window_bounds = array<i64: 16384, 128>}]} {
    %get3A = arith.constant 0 : index
    %get3A_0 = arith.constant 0 : index
    %get3A_1 = vector.load %arg1[%get3A, %get3A_0] : memref<32x16384xf32, #tpu.memory_space<vmem>>, vector<32x16384xf32>
    %get3A_2 = arith.constant 0 : index
    %get3A_3 = arith.constant 0 : index
    %get3A_4 = vector.load %arg2[%get3A_2, %get3A_3] : memref<32x16384xf32, #tpu.memory_space<vmem>>, vector<32x16384xf32>
    %get3A_5 = arith.constant 0 : index
    %get3A_6 = arith.constant 0 : index
    %get3A_7 = vector.load %arg3[%get3A_5, %get3A_6] : memref<32x16384xf32, #tpu.memory_space<vmem>>, vector<32x16384xf32>
    %get3A_8 = arith.constant 0 : index
    %get3A_9 = arith.constant 0 : index
    %get3A_10 = vector.load %arg4[%get3A_8, %get3A_9] : memref<32x16384xf32, #tpu.memory_space<vmem>>, vector<32x16384xf32>
    %concatenate3A = tpu.concatenate %get3A_1, %get3A_4, %get3A_7, %get3A_10 in 0 : vector<32x16384xf32>, vector<32x16384xf32>, vector<32x16384xf32>, vector<32x16384xf32> -> vector<128x16384xf32>
    %transpose3A = tpu.transpose %concatenate3A, [1, 0] : vector<128x16384xf32> -> vector<16384x128xf32>
    %swap3A = arith.constant 0 : index
    %swap3A_11 = arith.constant 0 : index
    %swap3A_12 = vector.load %arg5[%swap3A, %swap3A_11] : memref<16384x128xf32, #tpu.memory_space<vmem>>, vector<16384x128xf32>
    tpu.vector_store %arg5[%swap3A, %swap3A_11], %transpose3A {strides = array<i32>} : memref<16384x128xf32, #tpu.memory_space<vmem>>, vector<16384x128xf32>,
    return
  }
  func.func @transform_0(%arg0: i32) -> (i32, i32) {
    %add3A = arith.constant 30 : i32
    %add3A_0 = arith.addi %add3A, %arg0 : i32
    %mul3A = arith.constant 4 : i32
    %mul3A_1 = arith.muli %mul3A, %add3A_0 : i32
    %add3A_2 = arith.constant 0 : i32
    %add3A_3 = arith.addi %mul3A_1, %add3A_2 : i32
    %min3A = arith.constant 158 : i32
    %min3A_4 = arith.minsi %add3A_3, %min3A : i32
    %c0_i32 = arith.constant 0 : i32
    %c0_i32_5 = arith.constant 0 : i32
    return %c0_i32, %min3A_4 : i32, i32
  }
  func.func @transform_1(%arg0: i32) -> (i32, i32) {
    %add3A = arith.constant 30 : i32
    %add3A_0 = arith.addi %add3A, %arg0 : i32
    %mul3A = arith.constant 4 : i32
    %mul3A_1 = arith.muli %mul3A, %add3A_0 : i32
    %add3A_2 = arith.constant 1 : i32
    %add3A_3 = arith.addi %mul3A_1, %add3A_2 : i32
    %min3A = arith.constant 158 : i32
    %min3A_4 = arith.minsi %add3A_3, %min3A : i32
    %c0_i32 = arith.constant 0 : i32
    %c0_i32_5 = arith.constant 0 : i32
    return %c0_i32, %min3A_4 : i32, i32
  }
  func.func @transform_2(%arg0: i32) -> (i32, i32) {
    %add3A = arith.constant 30 : i32
    %add3A_0 = arith.addi %add3A, %arg0 : i32
    %mul3A = arith.constant 4 : i32
    %mul3A_1 = arith.muli %mul3A, %add3A_0 : i32
    %add3A_2 = arith.constant 2 : i32
    %add3A_3 = arith.addi %mul3A_1, %add3A_2 : i32
    %min3A = arith.constant 158 : i32
    %min3A_4 = arith.minsi %add3A_3, %min3A : i32
    %c0_i32 = arith.constant 0 : i32
    %c0_i32_5 = arith.constant 0 : i32
    return %c0_i32, %min3A_4 : i32, i32
  }
  func.func @transform_3(%arg0: i32) -> (i32, i32) {
    %add3A = arith.constant 30 : i32
    %add3A_0 = arith.addi %add3A, %arg0 : i32
    %mul3A = arith.constant 4 : i32
    %mul3A_1 = arith.muli %mul3A, %add3A_0 : i32
    %add3A_2 = arith.constant 3 : i32
    %add3A_3 = arith.addi %mul3A_1, %add3A_2 : i32
    %min3A = arith.constant 158 : i32
    %min3A_4 = arith.minsi %add3A_3, %min3A : i32
    %c0_i32 = arith.constant 0 : i32
    %c0_i32_5 = arith.constant 0 : i32
    return %c0_i32, %min3A_4 : i32, i32
  }
  func.func @transform_4(%arg0: i32) -> (i32, i32) {
    %c0_i32 = arith.constant 0 : i32
    %c0_i32_0 = arith.constant 0 : i32
    return %arg0, %c0_i32 : i32, i32
  }
}

module attributes {stable_mosaic.version = 14 : i64} {
  func.func @body(%arg0: i32, %arg1: memref<32x16384xf32, #tpu.memory_space<vmem>>, %arg2: memref<32x16384xf32, #tpu.memory_space<vmem>>, %arg3: memref<32x16384xf32, #tpu.memory_space<vmem>>, %arg4: memref<32x16384xf32, #tpu.memory_space<vmem>>, %arg5: memref<16384x128xf32, #tpu.memory_space<vmem>>) attributes {dimension_semantics = [#tpu.dimension_semantics<arbitrary>], iteration_bounds = array<i64: 31>, scalar_prefetch = 0 : i64, scratch_operands = 0 : i64, tpu.core_type = #tpu.core_type<tc>, window_params = [{transform_indices = @transform_0, window_bounds = array<i64: 32, 16384>}, {transform_indices = @transform_1, window_bounds = array<i64: 32, 16384>}, {transform_indices = @transform_2, window_bounds = array<i64: 32, 16384>}, {transform_indices = @transform_3, window_bounds = array<i64: 32, 16384>}, {transform_indices = @transform_4, window_bounds = array<i64: 16384, 128>}]} {
    %get3A = arith.constant 0 : index
    %get3A_0 = arith.constant 0 : index
    %get3A_1 = vector.load %arg1[%get3A, %get3A_0] : memref<32x16384xf32, #tpu.memory_space<vmem>>, vector<32x16384xf32>
    %get3A_2 = arith.constant 0 : index
    %get3A_3 = arith.constant 0 : index
    %get3A_4 = vector.load %arg2[%get3A_2, %get3A_3] : memref<32x16384xf32, #tpu.memory_space<vmem>>, vector<32x16384xf32>
    %get3A_5 = arith.constant 0 : index
    %get3A_6 = arith.constant 0 : index
    %get3A_7 = vector.load %arg3[%get3A_5, %get3A_6] : memref<32x16384xf32, #tpu.memory_space<vmem>>, vector<32x16384xf32>
    %get3A_8 = arith.constant 0 : index
    %get3A_9 = arith.constant 0 : index
    %get3A_10 = vector.load %arg4[%get3A_8, %get3A_9] : memref<32x16384xf32, #tpu.memory_space<vmem>>, vector<32x16384xf32>
    %concatenate3A = tpu.concatenate %get3A_1, %get3A_4, %get3A_7, %get3A_10 in 0 : vector<32x16384xf32>, vector<32x16384xf32>, vector<32x16384xf32>, vector<32x16384xf32> -> vector<128x16384xf32>
    %transpose3A = tpu.transpose %concatenate3A, [1, 0] : vector<128x16384xf32> -> vector<16384x128xf32>
    %swap3A = arith.constant 0 : index
    %swap3A_11 = arith.constant 0 : index
    %swap3A_12 = vector.load %arg5[%swap3A, %swap3A_11] : memref<16384x128xf32, #tpu.memory_space<vmem>>, vector<16384x128xf32>
    tpu.vector_store %arg5[%swap3A, %swap3A_11], %transpose3A {strides = array<i32>} : memref<16384x128xf32, #tpu.memory_space<vmem>>, vector<16384x128xf32>,
    return
  }
  func.func @transform_0(%arg0: i32) -> (i32, i32) {
    %add3A = arith.constant 0 : i32
    %add3A_0 = arith.addi %add3A, %arg0 : i32
    %mul3A = arith.constant 4 : i32
    %mul3A_1 = arith.muli %mul3A, %add3A_0 : i32
    %add3A_2 = arith.constant 0 : i32
    %add3A_3 = arith.addi %mul3A_1, %add3A_2 : i32
    %min3A = arith.constant 158 : i32
    %min3A_4 = arith.minsi %add3A_3, %min3A : i32
    %c0_i32 = arith.constant 0 : i32
    %c0_i32_5 = arith.constant 0 : i32
    return %c0_i32, %min3A_4 : i32, i32
  }
  func.func @transform_1(%arg0: i32) -> (i32, i32) {
    %add3A = arith.constant 0 : i32
    %add3A_0 = arith.addi %add3A, %arg0 : i32
    %mul3A = arith.constant 4 : i32
    %mul3A_1 = arith.muli %mul3A, %add3A_0 : i32
    %add3A_2 = arith.constant 1 : i32
    %add3A_3 = arith.addi %mul3A_1, %add3A_2 : i32
    %min3A = arith.constant 158 : i32
    %min3A_4 = arith.minsi %add3A_3, %min3A : i32
    %c0_i32 = arith.constant 0 : i32
    %c0_i32_5 = arith.constant 0 : i32
    return %c0_i32, %min3A_4 : i32, i32
  }
  func.func @transform_2(%arg0: i32) -> (i32, i32) {
    %add3A = arith.constant 0 : i32
    %add3A_0 = arith.addi %add3A, %arg0 : i32
    %mul3A = arith.constant 4 : i32
    %mul3A_1 = arith.muli %mul3A, %add3A_0 : i32
    %add3A_2 = arith.constant 2 : i32
    %add3A_3 = arith.addi %mul3A_1, %add3A_2 : i32
    %min3A = arith.constant 158 : i32
    %min3A_4 = arith.minsi %add3A_3, %min3A : i32
    %c0_i32 = arith.constant 0 : i32
    %c0_i32_5 = arith.constant 0 : i32
    return %c0_i32, %min3A_4 : i32, i32
  }
  func.func @transform_3(%arg0: i32) -> (i32, i32) {
    %add3A = arith.constant 0 : i32
    %add3A_0 = arith.addi %add3A, %arg0 : i32
    %mul3A = arith.constant 4 : i32
    %mul3A_1 = arith.muli %mul3A, %add3A_0 : i32
    %add3A_2 = arith.constant 3 : i32
    %add3A_3 = arith.addi %mul3A_1, %add3A_2 : i32
    %min3A = arith.constant 158 : i32
    %min3A_4 = arith.minsi %add3A_3, %min3A : i32
    %c0_i32 = arith.constant 0 : i32
    %c0_i32_5 = arith.constant 0 : i32
    return %c0_i32, %min3A_4 : i32, i32
  }
  func.func @transform_4(%arg0: i32) -> (i32, i32) {
    %c0_i32 = arith.constant 0 : i32
    %c0_i32_0 = arith.constant 0 : i32
    return %arg0, %c0_i32 : i32, i32
  }
}

module attributes {stable_mosaic.version = 14 : i64} {
  func.func @body(%arg0: i32, %arg1: i32, %arg2: memref<8192x128xf32, #tpu.memory_space<vmem>>, %arg3: memref<8192x128xf32, #tpu.memory_space<vmem>>, %arg4: memref<4x32x8192xf32, #tpu.memory_space<vmem>>) attributes {dimension_semantics = [#tpu.dimension_semantics<arbitrary>, #tpu.dimension_semantics<arbitrary>], iteration_bounds = array<i64: 7, 2>, scalar_prefetch = 0 : i64, scratch_operands = 0 : i64, tpu.core_type = #tpu.core_type<tc>, window_params = [{transform_indices = @transform_0, window_bounds = array<i64: 8192, 128>}, {transform_indices = @transform_1, window_bounds = array<i64: 8192, 128>}, {transform_indices = @transform_2, window_bounds = array<i64: 4, 32, 8192>}]} {
    %le3A = arith.constant 4 : i32
    %le3A_0 = arith.cmpi sle, %arg0, %le3A : i32
    %get3A = arith.constant 0 : index
    %get3A_1 = arith.constant 0 : index
    %get3A_2 = vector.load %arg2[%get3A, %get3A_1] : memref<8192x128xf32, #tpu.memory_space<vmem>>, vector<8192x128xf32>
    %get3A_3 = arith.constant 0 : index
    %get3A_4 = arith.constant 0 : index
    %get3A_5 = vector.load %arg3[%get3A_3, %get3A_4] : memref<8192x128xf32, #tpu.memory_space<vmem>>, vector<8192x128xf32>
    %select_n3A = arith.select %le3A_0, %get3A_2, %get3A_5 : vector<8192x128xf32>
    %transpose3A = tpu.transpose %select_n3A, [1, 0] : vector<8192x128xf32> -> vector<128x8192xf32>
    %reshape3A = vector.shape_cast %transpose3A : vector<128x8192xf32> to vector<4x32x8192xf32>
    %swap3A = arith.constant 0 : index
    %swap3A_6 = arith.constant 0 : index
    %swap3A_7 = arith.constant 0 : index
    %swap3A_8 = vector.load %arg4[%swap3A, %swap3A_6, %swap3A_7] : memref<4x32x8192xf32, #tpu.memory_space<vmem>>, vector<4x32x8192xf32>
    tpu.vector_store %arg4[%swap3A, %swap3A_6, %swap3A_7], %reshape3A {strides = array<i32>} : memref<4x32x8192xf32, #tpu.memory_space<vmem>>, vector<4x32x8192xf32>,
    return
  }
  func.func @transform_0(%arg0: i32, %arg1: i32) -> (i32, i32) {
    %mul3A = arith.constant 2 : i32
    %mul3A_0 = arith.muli %mul3A, %arg0 : i32
    %add3A = arith.addi %mul3A_0, %arg1 : i32
    %min3A = arith.constant 9 : i32
    %min3A_1 = arith.minsi %add3A, %min3A : i32
    %c0_i32 = arith.constant 0 : i32
    %c0_i32_2 = arith.constant 0 : i32
    return %min3A_1, %c0_i32 : i32, i32
  }
  func.func @transform_1(%arg0: i32, %arg1: i32) -> (i32, i32) {
    %sub3A = arith.constant 5 : i32
    %sub3A_0 = arith.subi %arg0, %sub3A : i32
    %mul3A = arith.constant 2 : i32
    %mul3A_1 = arith.muli %mul3A, %sub3A_0 : i32
    %add3A = arith.addi %mul3A_1, %arg1 : i32
    %jit3A = arith.constant 0 : i32
    %jit3A_2 = arith.constant 3 : i32
    %max3A = arith.maxsi %jit3A, %add3A : i32
    %min3A = arith.minsi %jit3A_2, %max3A : i32
    %c0_i32 = arith.constant 0 : i32
    %c0_i32_3 = arith.constant 0 : i32
    return %min3A, %c0_i32 : i32, i32
  }
  func.func @transform_2(%arg0: i32, %arg1: i32) -> (i32, i32, i32) {
    %c0_i32 = arith.constant 0 : i32
    %c0_i32_0 = arith.constant 0 : i32
    return %arg0, %c0_i32, %arg1 : i32, i32, i32
  }
}

</mosaic_0001>

<sc_bundles>
// kernel: kernel.10.cloned.1.call-start
scs
__scs_entry_jumppad:
0x0: {  	(pc) =	sbr.rel $0x88, $3  }
0x1: {  	(tag) =	ssettag $0x0;
	lr =	simm.s32 $0x1  }
0x2: {  	[smem:$0x3F9F] =	sst lr;
	_ =	strace $0xD0000000  }
0x3: {  	_ = 	snop  }
0x4: {  	_ = 	snop  }
0x5: {  	_ = 	snop  }
0x6: {  	_ = 	snop  }
0x7: {  	_ = 	snop  }
__scs_overlays_trampoline_lowered:
0x8: {  	[smem:$0x3FAE] =	sst s0  }
0x9: {  	[smem:$0x3FAF] =	sst s1  }
0xa: {  	[smem:$0x3FB0] =	sst s2  }
0xb: {  	[smem:$0x3FB1] =	sst s3  }
0xc: {  	[smem:$0x3FB2] =	sst s4  }
0xd: {  	[smem:$0x3FB3] =	sst s5  }
0xe: {  	[smem:$0x3FB4] =	sst s6  }
0xf: {  	[smem:$0x3FB5] =	sst s7  }
0x10: {  	[smem:$0x3FB6] =	sst s8  }
0x11: {  	[smem:$0x3FB7] =	sst s9;
	s0 =	simm.s32 @!p0 $0x0  }
0x12: {  	s1 =	sld [smem:$0x3F9D];
	s0 =	simm.s32 @p0 $0x1  }
0x13: {  	[smem:$0x3FB8] =	sst s0;
	s0 =	simm.s32 @!p1 $0x0  }
0x14: {  	s2 =	sld [smem:$0x3F9C];
	s0 =	simm.s32 @p1 $0x1  }
0x15: {  	[smem:$0x3FB9] =	sst s0;
	s0 =	simm.s32 @!p2 $0x0  }
0x16: {  	s3 =	sld [smem:$0x3FDB];
	s0 =	simm.s32 @p2 $0x1  }
0x17: {  	s4 =	simm.s32 $0x1BF5;
	[smem:$0x3FBB] =	sst s0  }
0x18: {  	s0 =	sld [smem:$0x3F9E];
	_ =	swait.ge [sflag:s4], $0x0  }
0x19: {  	s7 =	sld [smem:$0x3F9F]  }
0x1a: {  	s8 =	sadd.s32 $0xFFFFE003, lr  }
0x1b: {  	s9 =	sadd.s32 $0xFFFFFEF7, lr;
	s5 =	simm.s32 $0xFFFFFFFF;
	p2 =	slt.u32 s8, $0xFFFFF086  }
0x1c: {  	p1 =	slt.u32 s9, $0xF7A;
	s5 =	simm.s32 @!p2 $0x0  }
0x1d: {  	s5 =	simm.s32 @p1 $0x1;
	p0 =	seq.s32 s7, s2  }
0x1e: {  	s7 =	smul.u32 @!p0 $0xF7A, s2;
	p2 =	seq.s32 @!p0 s5, $0x0  }
0x1f: {  	s9 =	smul.u32 $0xF7A, s1;
	s8 =	simm.s32 @!p0 $0x1BF5;
	p2 =	por !p2, p0  }
0x20: {  	[sflag:s8] =	ssyncset.s32 @!p0 $0xFFFFF086;
	s6 =	sadd.s32 @!p0 s3, s7;
	s7 =	simm.s32 @!p0 $0x108  }
0x21: {  	s3 =	sadd.s32 s3, s9;
	s6 =	sadd.s32 @!p0 $0x88, s6;
	s7 =	simm.s32 @p2 $0x1082  }
0x22: {  	[simem:s7], [sflag:s8] =	dma.local @!p0 [hbm:s6], $0xF7A  }
0x23: {  	s9 =	sor.u32 $0xD0000000, s2;
	s6 =	simm.s32 $0x108;
	_ =	swait.ge @!p0 [sflag:s8], $0x0  }
0x24: {  	s3 =	sadd.s32 $0x88, s3;
	s6 =	simm.s32 @!p1 $0x1082;
	[sflag:s4] =	ssyncset.s32 $0xFFFFF086  }
0x25: {  	[simem:s6], [sflag:s4] =	dma.local [hbm:s3], $0xF7A  }
0x26: {  	[smem:$0x3F9F] =	sst s1;
	(tag) =	ssettag s2;
	_ =	strace s9  }
0x27: {  	s1 =	sld [smem:$0x3FAF]  }
0x28: {  	s2 =	sld [smem:$0x3FB0]  }
0x29: {  	s4 =	sld [smem:$0x3FB2]  }
0x2a: {  	p0 =	seq.s32 s5, $0x0;
	s5 =	sld [smem:$0x3FB3]  }
0x2b: {  	s6 =	sld [smem:$0x3FB4]  }
0x2c: {  	s7 =	sld [smem:$0x3FB5]  }
0x2d: {  	s3 =	simm.s32 $0x108;
	s8 =	sld [smem:$0x3FB6]  }
0x2e: {  	s3 =	simm.s32 @!p0 $0x1082;
	s9 =	sld [smem:$0x3FB7]  }
0x2f: {  	lr =	sadd.s32 s0, s3;
	s0 =	sld [smem:$0x3FAE]  }
0x30: {  	s3 =	sld [smem:$0x3FB1]  }
0x31: {  	[smem:$0x3FBA] =	sst s10  }
0x32: {  	s10 =	sld [smem:$0x3FB8];
	_ =	sdelay $0x3  }
0x33: {  	p0 =	seq.s32 s10, $0x1;
	s10 =	sld [smem:$0x3FBA];
	_ =	sdelay $0x3  }
0x34: {  	[smem:$0x3FBA] =	sst s10  }
0x35: {  	s10 =	sld [smem:$0x3FB9];
	_ =	sdelay $0x3  }
0x36: {  	p1 =	seq.s32 s10, $0x1;
	s10 =	sld [smem:$0x3FBA];
	_ =	sdelay $0x3  }
0x37: {  	[smem:$0x3FBA] =	sst s10  }
0x38: {  	s10 =	sld [smem:$0x3FBB]  }
0x39: {  	_ = 	snop;
	(pc) =	sbr.ind lr, $3  }
0x3a: {  	_ = 	snop  }
0x3b: {  	_ = 	snop  }
0x3c: {  	p2 =	seq.s32 s10, $0x1;
	s10 =	sld [smem:$0x3FBA]  }
0x3d: {  	_ =	shalt  }
0x3e: {  	_ =	shalt  }
0x3f: {  	_ =	shalt  }
0x40: {  	_ =	shalt  }
0x41: {  	_ =	shalt  }
0x42: {  	_ =	shalt  }
0x43: {  	_ =	shalt  }
0x44: {  	_ =	shalt  }
0x45: {  	_ =	shalt  }
0x46: {  	_ =	shalt  }
0x47: {  	_ =	shalt  }
0x48: {  	_ =	shalt  }
0x49: {  	_ =	shalt  }
0x4a: {  	_ =	shalt  }
0x4b: {  	_ =	shalt  }
0x4c: {  	_ =	shalt  }
0x4d: {  	_ =	shalt  }
0x4e: {  	_ =	shalt  }
0x4f: {  	_ =	shalt  }
0x50: {  	_ =	shalt  }
0x51: {  	_ =	shalt  }
0x52: {  	_ =	shalt  }
0x53: {  	_ =	shalt  }
0x54: {  	_ =	shalt  }
0x55: {  	_ =	shalt  }
0x56: {  	_ =	shalt  }
0x57: {  	_ =	shalt  }
0x58: {  	_ =	shalt  }
0x59: {  	_ =	shalt  }
0x5a: {  	_ =	shalt  }
0x5b: {  	_ =	shalt  }
0x5c: {  	_ =	shalt  }
0x5d: {  	_ =	shalt  }
0x5e: {  	_ =	shalt  }
0x5f: {  	_ =	shalt  }
0x60: {  	_ =	shalt  }
0x61: {  	_ =	shalt  }
0x62: {  	_ =	shalt  }
0x63: {  	_ =	shalt  }
0x64: {  	_ =	shalt  }
0x65: {  	_ =	shalt  }
0x66: {  	_ =	shalt  }
0x67: {  	_ =	shalt  }
0x68: {  	_ =	shalt  }
0x69: {  	_ =	shalt  }
0x6a: {  	_ =	shalt  }
0x6b: {  	_ =	shalt  }
0x6c: {  	_ =	shalt  }
0x6d: {  	_ =	shalt  }
0x6e: {  	_ =	shalt  }
0x6f: {  	_ =	shalt  }
0x70: {  	_ =	shalt  }
0x71: {  	_ =	shalt  }
0x72: {  	_ =	shalt  }
0x73: {  	_ =	shalt  }
0x74: {  	_ =	shalt  }
0x75: {  	_ =	shalt  }
0x76: {  	_ =	shalt  }
0x77: {  	_ =	shalt  }
0x78: {  	_ =	shalt  }
0x79: {  	_ =	shalt  }
0x7a: {  	_ =	shalt  }
0x7b: {  	_ =	shalt  }
0x7c: {  	_ =	shalt  }
0x7d: {  	_ =	shalt  }
0x7e: {  	_ =	shalt  }
0x7f: {  	_ =	shalt  }
0x80: {  	_ =	shalt  }
0x81: {  	_ =	shalt  }
0x82: {  	_ =	shalt  }
0x83: {  	_ =	shalt  }
0x84: {  	_ =	shalt  }
0x85: {  	_ =	shalt  }
0x86: {  	_ =	shalt  }
0x87: {  	_ =	shalt  }
.Lfunc_end0:
.L_simem_size_0:
called_computation.1_lowered:
.L_overlay_start_0:
0x88: {  	s2 =	sld [smem:$0x3FD9]  }
0x89: {  	s3 =	sld [smem:$0x3FFE];
	_ =	sdelay $0x1  }
0x8a: {  	s1 =	srdreg.scid  }
0x8b: {  	s0 =	sand.u32 $0x1, s1  }
0x8c: {  	s17 =	sshll.u32 s0, $0xA;
	s2 =	sadd.s32 s3, s2  }
0x8d: {  	s2 =	sadd.s32 s2, s17  }
0x8e: {  	[smem:$0x3FC6] =	sst s2  }
0x8f: {  	_ = 	snop  }
0x90: {  	s18 =	sld [smem:$0x3FD0];
	(tm) =	ssettm $0x1  }
0x91: {  	s19 =	sld [smem:$0x3FFB];
	_ =	sdelay $0x3  }
0x92: {  	_ =	strace s19  }
0x93: {  	s2 =	sld [smem:$0x3FFC];
	_ =	sdelay $0x3  }
0x94: {  	_ =	strace s2  }
0x95: {  	s2 =	sld [smem:$0x3FFD];
	_ =	sdelay $0x3  }
0x96: {  	_ =	strace s2  }
0x97: {  	_ =	strace $0x8FFFFFFF  }
0x98: {  	s20 =	sld [smem:$0x3FDB];
	_ =	sdelay $0x1  }
0x99: {  	s4 =	simm.s32 $_scs_section_size  }
0x9a: {  	s5 =	simm.s32 $_size__tile_overlayer_lowered;
	s6 =	simm.s32 $_tile_overlayer_lowered  }
0x9b: {  	s7 =	simm.s32 $0x1BFF;
	s21 =	sshll.u32 s6, $0x1;
	s4 =	sadd.s32 s4, s20  }
0x9c: {  	s22 =	simm.s32 $0x0;
	s5 =	sshll.u32 s5, $0x1;
	s6 =	sadd.s32 s21, s4  }
0x9d: {  	[timem:s22], [sflag:s7] =	dma.local [hbm:s6], s5  }
0x9e: {  	_ =	swait.ge [sflag:s7], s5  }
0x9f: {  	s5 =	ssub.s32 $0x0, s5;
	[sflag:s7] =	ssyncset.done $0x0  }
0xa0: {  	[sflag:s7] =	ssyncadd.s32 s5;
	_ =	sdelay $0x1  }
0xa1: {  	s23 =	simm.s32 $0x1B8B  }
0xa2: {  	_ =	swait.ge [sflag:s23], $0x1  }
0xa3: {  	[sflag:s23] =	ssyncset.done $0x0  }
0xa4: {  	[sflag:s23] =	ssyncadd.s32 $0xFFFFFFFF  }
0xa5: {  	s5 =	sld [smem:$0x0]  }
0xa6: {  	s6 =	sand.u32 $0xFFFFFFFE, s1  }
0xa7: {  	p0 =	sne.s32 s1, s6  }
0xa8: {  	s6 =	sshll.u32 @p0 s6, $0xE  }
0xa9: {  	s6 =	sadd.s32 @p0 $0x11B8D, s6;
	s7 =	sshll.u32 @p0 s5, $0x11  }
0xaa: {  	s6 =	sor.u32 @p0 s7, s6  }
0xab: {  	[sflag:s6] =	ssyncadd.remote.s32 @p0 $0x1;
	_ =	sdelay $0x1  }
0xac: {  	s6 =	simm.s32 @p0 $0x1B8D  }
0xad: {  	_ =	swait.eq @p0 [sflag:s6], $0x1  }
0xae: {  	[sflag:s6] =	ssyncadd.s32 @p0 $0xFFFFFFFF  }
0xaf: {  	s7 =	sshll.u32 @!p0 s1, $0xE  }
0xb0: {  	s7 =	sor.u32 @!p0 $0x4000, s7;
	s6 =	simm.s32 @!p0 $0x1B8D  }
0xb1: {  	s5 =	sshll.u32 @!p0 s5, $0x11;
	s7 =	sadd.s32 @!p0 $0x11B8D, s7;
	_ =	swait.eq @!p0 [sflag:s6], $0x1  }
0xb2: {  	s5 =	sor.u32 @!p0 s5, s7;
	[sflag:s6] =	ssyncadd.s32 @!p0 $0xFFFFFFFF  }
0xb3: {  	s25 =	simm.s32 $0x1B8E;
	s24 =	sld [smem:$0x3FFE];
	[sflag:s5] =	ssyncadd.remote.s32 @!p0 $0x1  }
0xb4: {  	s26 =	simm.s32 $execute0_lowered;
	[smem:$0x3FD2] =	sst s25  }
0xb5: {  	s6 =	sshll.u32 s26, $0x1;
	_ =	strace $0x80000049;
	[dreg:$0x1] =	wrdreg $0xFFFFFFFF  }
0xb6: {  	s28 =	simm.s32 $_size_execute0_lowered;
	s4 =	sadd.s32 s4, s6;
	[dreg:$0x0] =	wrdreg $0x0  }
0xb7: {  	s6 =	sshll.u32 s28, $0x1;
	[dreg:$0x2] =	wrdreg s4  }
0xb8: {  	[dreg:$0x3] =	wrdreg s6  }
0xb9: {  	[dreg:$0x4] =	wrdreg $0xC0  }
0xba: {  	_ =	task [dreg:s22], $0x5FFFF  }
0xbb: {  	[dreg:$0x1] =	wrdreg $0xFFFFFFFF  }
0xbc: {  	[dreg:$0x0] =	wrdreg $0x60  }
0xbd: {  	[dreg:$0x2] =	wrdreg s24  }
0xbe: {  	[dreg:$0x3] =	wrdreg s18  }
0xbf: {  	[dreg:$0x4] =	wrdreg $0xA  }
0xc0: {  	_ =	task.clear_ibuf [dreg:s22], $0x5FFFF;
	_ =	strace $0x90000049  }
0xc1: {  	s29 =	simm.s32 $0xA;
	_ =	strace $0x8000004B  }
0xc2: {  	_ =	swait.ge [sflag:s29], $0x1  }
0xc3: {  	[sflag:s29] =	ssyncadd.s32 $0xFFFFFFFF  }
0xc4: {  	_ =	strace $0x9000004B  }
0xc5: {  	_ =	sfence  }
0xc6: {  	s30 =	sld [smem:$0x0];
	_ =	sdelay $0x2  }
0xc7: {  	s31 =	sshll.u32 s1, $0xD;
	s1 =	sshrl.u32 s1, $0x2  }
0xc8: {  	s4 =	sand.u32 $0x4000, s31;
	s1 =	sadd.s32 s1, s30  }
0xc9: {  	s0 =	sor.u32 s4, s0;
	s1 =	sshll.u32 s1, $0x11  }
0xca: {  	s0 =	sor.u32 s1, s0  }
0xcb: {  	s0 =	sadd.s32 $0x8F2B, s0  }
0xcc: {  	[sflag:s0] =	ssyncadd.remote.s32 $0x1  }
0xcd: {  	_ =	sfence.sel $0xFFFF  }
0xce: {  	[dreg:$0x0] =	wrdreg $0xFFFFFFFF;
	(pc) =	sbr.abs _section_cstart, $3  }
0xcf: {  	[dreg:$0x1] =	wrdreg $0xFFFFFFFF  }
0xd0: {  	_ =	task.clear_ibuf [dreg:s22], $0x2FFFF;
	_ =	strace $0x9FFFFFFF  }
0xd1: {  	(tm) =	ssettm $0x7FFFFFFF  }
tec
execute0_lowered:
.L_overlay_start_1:
0x0: {  	(tag) =	ssettag $0x1  }
0x1: {  	s7 =	stileid.u32  }
0x2: {  	s0 =	srdreg.scid;
	s3 =	simm.s32 $0x0;
	s26 =	smul.u32 $0x30, s7  }
0x3: {  	s0 =	sand.u32 $0x1, s0;
	s2 =	sshll.u32 s7, $0x1;
	s7 =	smul.u32 $0xC0000, s7  }
0x4: {  	[smem:$0x7FF] =	sst s3;
	s5 =	smul.u32 $0x18, s0  }
0x5: {  	s2 =	sor.u32 s0, s2;
	s4 =	ssub.s32 $0x2, s0;
	s0 =	smul.u32 $0x60000, s0  }
0x6: {  	s1 =	rddreg [dreg:$0x0];
	_ =	strace $0x8000004A;
	s6 =	sshrl.u32 s4, $0x1  }
0x7: {  	s2 =	smul.u32 $0x180, s2;
	s4 =	ssub.s32 s4, s6;
	s0 =	sadd.s32 s0, s7  }
0x8: {  	s29 =	sadd.s32 s5, s26;
	s28 =	smax.u32 s4, $0x1;
	[dreg:$0x18] =	wrdreg s0  }
0x9: {  	s22 =	sadd.s32 $0x90DC00, s1;
	s30 =	sadd.s32 $0xA07, s29;
	[dreg:$0x16] =	wrdreg s28  }
0xa: {  	s1 =	sadd.s32 s1, s2;
	s4 =	sadd.s32 $0xA00, s29;
	[dreg:$0x19] =	wrdreg s30  }
0xb: {  	s1 =	sadd.s32 $0x7CAC00, s1;
	[dreg:$0x17] =	wrdreg s4  }
0xc: {  	s31 =	simm.s32 $0x80;
	s2 =	simm.s32 $0x0;
	[dreg:$0x15] =	wrdreg s1  }
.LBB2_1:
0xd: {  	[dreg:$0x1a] =	wrdreg s2  }
0xe: {  	s0 =	simm.s32 $0x0;
	s1 =	rddreg [dreg:$0x15];
	s26 =	simm.s32 $0x3  }
0xf: {  	[tilespmem:s0], [sflag:$0x3] =	stream.linear.gather [hbm4b:s1+s0], $0xC00, $0x38;
	[tilespmem:$0x10C00] =	vst v63  }
0x10: {  	_ =	swait.ge [sflag:s26], $0xC00  }
0x11: {  	[sflag:s26] =	ssyncset.done $0x0  }
0x12: {  	s17 =	simm.s32 $0x40;
	[sflag:s26] =	ssyncadd.s32 $0xFFFFF400  }
0x13: {  	v0 =	vld [tilespmem:s17+$0xFFFFFFC0]  }
0x14: {  	v1 =	vld [tilespmem:s17+$0xFFFFFFF0]  }
0x15: {  	v2 =	vld [tilespmem:s17+$0xFFFFFFD0]  }
0x16: {  	v4 =	vld [tilespmem:s17+$0xFFFFFFE0]  }
0x17: {  	s28 =	sadd.s32 $0x0, s4;
	v9 =	vld [tilespmem:s17+$0x10]  }
0x18: {  	s0 =	sshrl.u32 s28, $0x7  }
0x19: {  	s29 =	smul.u32 $0x186A0, s0;
	_ =	sdelay $0x1  }
0x1a: {  	v0 =	vadd.s32 s29, v0;
	v1 =	vadd.s32 s29, v1  }
0x1b: {  	v2 =	vadd.s32 s29, v2;
	v4 =	vadd.s32 s29, v4;
	v9 =	vadd.s32 s29, v9  }
0x1c: {  	v3 =	vshll.u32 v0, $0x2;
	v5 =	vand.u32 $0xFFFF0000, v0;
	v0 =	vshrl.u32 v0, $0xE  }
0x1d: {  	v7 =	vshll.u32 v2, $0x2;
	v8 =	vshll.u32 v4, $0x2;
	v10 =	vand.u32 $0xFFFF0000, v4  }
0x1e: {  	v4 =	vshrl.u32 v4, $0xE;
	v11 =	vand.u32 $0xFFFF0000, v9;
	v3 =	vand.u32 $0xFFFC, v3  }
0x1f: {  	v6 =	vld [tilespmem:s17+$0x0];
	v0 =	vand.u32 $0x3, v0;
	v7 =	vand.u32 $0xFFFC, v7;
	v3 =	vor.u32 v3, v5  }
0x20: {  	v8 =	vand.u32 $0xFFFC, v8;
	v5 =	vshll.u32 v1, $0x2;
	v0 =	vor.u32 v0, v3  }
0x21: {  	v3 =	vand.u32 $0xFFFC, v5;
	v5 =	vand.u32 $0xFFFF0000, v2;
	v2 =	vshrl.u32 v2, $0xE  }
0x22: {  	v4 =	vand.u32 $0x3, v4;
	v2 =	vand.u32 $0x3, v2;
	v5 =	vor.u32 v7, v5  }
0x23: {  	v0 =	vadd.s32 $0xFFE20000, v0;
	v7 =	vor.u32 v8, v10;
	v10 =	vld [tilespmem:s17+$0x30];
	v2 =	vor.u32 v2, v5  }
0x24: {  	v4 =	vor.u32 v4, v7;
	v5 =	vadd.s32 s29, v6;
	v7 =	vld [tilespmem:s17+$0x20];
	v2 =	vadd.s32 $0xFFE20000, v2  }
0x25: {  	v6 =	vshll.u32 v5, $0x2;
	v8 =	vand.u32 $0xFFFF0000, v5;
	v5 =	vshrl.u32 v5, $0xE  }
0x26: {  	v4 =	vadd.s32 $0xFFE20000, v4;
	v6 =	vand.u32 $0xFFFC, v6;
	v5 =	vand.u32 $0x3, v5  }
0x27: {  	v6 =	vor.u32 v6, v8;
	v8 =	vshll.u32 v9, $0x2;
	v9 =	vshrl.u32 v9, $0xE  }
0x28: {  	v8 =	vand.u32 $0xFFFC, v8;
	v9 =	vand.u32 $0x3, v9;
	v5 =	vor.u32 v5, v6  }
0x29: {  	v10 =	vadd.s32 s29, v10;
	v8 =	vor.u32 v8, v11;
	v7 =	vadd.s32 s29, v7  }
0x2a: {  	v5 =	vadd.s32 $0xFFE20000, v5;
	v11 =	vand.u32 $0xFFFF0000, v10;
	v6 =	vor.u32 v9, v8  }
0x2b: {  	s0 =	simm.s32 $0xC0;
	[tilespmem:s17+$0xFFFFFFC0] =	vst v0;
	v8 =	vshll.u32 v7, $0x2;
	v0 =	vand.u32 $0xFFFF0000, v7;
	v7 =	vshrl.u32 v7, $0xE  }
0x2c: {  	v9 =	vld [tilespmem:s0+$0xFFFFFFC0];
	[tilespmem:s17+$0xFFFFFFD0] =	vst v2;
	v6 =	vadd.s32 $0xFFE20000, v6;
	v8 =	vand.u32 $0xFFFC, v8;
	v2 =	vand.u32 $0x3, v7  }
0x2d: {  	s30 =	sadd.s32 $0x1, s4;
	v7 =	vshll.u32 v10, $0x2;
	v10 =	vshrl.u32 v10, $0xE;
	v0 =	vor.u32 v8, v0;
	v8 =	vld [tilespmem:s0+$0xFFFFFFF0];
	[tilespmem:s17+$0xFFFFFFE0] =	vst v4  }
0x2e: {  	s1 =	sshrl.u32 s30, $0x7;
	v4 =	vand.u32 $0xFFFC, v7;
	[tilespmem:s17+$0x0] =	vst v5;
	v5 =	vand.u32 $0xFFFF0000, v1;
	v1 =	vshrl.u32 v1, $0xE  }
0x2f: {  	s1 =	smul.u32 $0x186A0, s1;
	v0 =	vor.u32 v2, v0;
	v2 =	vand.u32 $0x3, v10;
	v4 =	vor.u32 v4, v11  }
0x30: {  	v3 =	vor.u32 v3, v5;
	v7 =	vadd.s32 $0xFFE20000, v0;
	v0 =	vor.u32 v2, v4;
	v2 =	vld [tilespmem:s0+$0xFFFFFFD0]  }
0x31: {  	[tilespmem:s17+$0x10] =	vst v6;
	v4 =	vadd.s32 $0xFFE20000, v0;
	v5 =	vadd.s32 s1, v9;
	v0 =	vand.u32 $0x3, v1  }
0x32: {  	v9 =	vld [tilespmem:s0+$0xFFFFFFE0];
	v6 =	vshll.u32 v5, $0x2;
	v0 =	vor.u32 v0, v3;
	v3 =	vand.u32 $0xFFFF0000, v5  }
0x33: {  	v5 =	vshrl.u32 v5, $0xE;
	v1 =	vadd.s32 s1, v8;
	v6 =	vand.u32 $0xFFFC, v6  }
0x34: {  	[tilespmem:s17+$0x20] =	vst v7;
	v5 =	vand.u32 $0x3, v5;
	v3 =	vor.u32 v6, v3;
	v6 =	vshll.u32 v1, $0x2  }
0x35: {  	[tilespmem:s17+$0x30] =	vst v4;
	v3 =	vor.u32 v5, v3;
	v4 =	vadd.s32 s1, v2;
	v2 =	vand.u32 $0xFFFC, v6  }
0x36: {  	v7 =	vld [tilespmem:s0+$0x0];
	v3 =	vadd.s32 $0xFFE20000, v3;
	v5 =	vand.u32 $0xFFFF0000, v4;
	v6 =	vshll.u32 v4, $0x2  }
0x37: {  	v4 =	vshrl.u32 v4, $0xE;
	v8 =	vadd.s32 s1, v9;
	v9 =	vld [tilespmem:s0+$0x10];
	v6 =	vand.u32 $0xFFFC, v6  }
0x38: {  	v4 =	vand.u32 $0x3, v4;
	v5 =	vor.u32 v6, v5;
	v6 =	vshll.u32 v8, $0x2  }
0x39: {  	v10 =	vand.u32 $0xFFFF0000, v8;
	v8 =	vshrl.u32 v8, $0xE;
	v6 =	vand.u32 $0xFFFC, v6  }
0x3a: {  	v4 =	vor.u32 v4, v5;
	v8 =	vand.u32 $0x3, v8;
	v6 =	vor.u32 v6, v10  }
0x3b: {  	v5 =	vadd.s32 $0xFFE20000, v4;
	v4 =	vor.u32 v8, v6;
	v6 =	vadd.s32 s1, v7  }
0x3c: {  	v7 =	vld [tilespmem:s0+$0x20];
	v10 =	vadd.s32 s1, v9;
	v4 =	vadd.s32 $0xFFE20000, v4;
	v8 =	vshll.u32 v6, $0x2  }
0x3d: {  	v11 =	vand.u32 $0xFFFF0000, v6;
	v6 =	vshrl.u32 v6, $0xE;
	v12 =	vand.u32 $0xFFFC, v8  }
0x3e: {  	s2 =	simm.s32 $0x2;
	s3 =	simm.s32 $0xC0;
	v8 =	vand.u32 $0x3, v6;
	v6 =	vld [tilespmem:s0+$0x30];
	v9 =	vor.u32 v12, v11;
	v11 =	vshll.u32 v10, $0x2  }
.LBB2_2:
0x3f: {  	p0 =	sne.s32 s2, $0x17;
	v12 =	vand.u32 $0xFFFF0000, v10;
	v10 =	vshrl.u32 v10, $0xE;
	v11 =	vand.u32 $0xFFFC, v11  }
0x40: {  	v8 =	vor.u32 v8, v9;
	v9 =	vand.u32 $0x3, v10;
	v10 =	vor.u32 v11, v12  }
0x41: {  	v8 =	vadd.s32 $0xFFE20000, v8;
	v9 =	vor.u32 v9, v10;
	v7 =	vadd.s32 s1, v7  }
0x42: {  	v9 =	vadd.s32 $0xFFE20000, v9;
	v10 =	vand.u32 $0xFFFF0000, v7;
	v11 =	vshll.u32 v7, $0x2  }
0x43: {  	s3 =	sadd.s32 $0x80, s3;
	[tilespmem:s0+$0xFFFFFFC0] =	vst v3;
	v3 =	vshrl.u32 v7, $0xE;
	v7 =	vand.u32 $0xFFFC, v11;
	v6 =	vadd.s32 s1, v6  }
0x44: {  	v11 =	vld [tilespmem:s3+$0xFFFFFFC0];
	[tilespmem:s0+$0xFFFFFFD0] =	vst v5;
	v3 =	vand.u32 $0x3, v3;
	v5 =	vor.u32 v7, v10;
	v7 =	vshll.u32 v6, $0x2  }
0x45: {  	s1 =	sadd.s32 s2, s4;
	v10 =	vld [tilespmem:s3+$0xFFFFFFF0];
	[tilespmem:s0+$0xFFFFFFE0] =	vst v4;
	v4 =	vand.u32 $0xFFFF0000, v6;
	v6 =	vshrl.u32 v6, $0xE;
	v7 =	vand.u32 $0xFFFC, v7  }
0x46: {  	s1 =	sshrl.u32 s1, $0x7;
	v3 =	vor.u32 v3, v5;
	[tilespmem:s0+$0x0] =	vst v8;
	v5 =	vand.u32 $0x3, v6;
	v4 =	vor.u32 v7, v4  }
0x47: {  	s1 =	smul.u32 $0x186A0, s1;
	v6 =	vand.u32 $0xFFFF0000, v1;
	v3 =	vadd.s32 $0xFFE20000, v3;
	[tilespmem:s0+$0x10] =	vst v9;
	v4 =	vor.u32 v5, v4  }
0x48: {  	v1 =	vshrl.u32 v1, $0xE;
	v2 =	vor.u32 v2, v6;
	v5 =	vld [tilespmem:s3+$0xFFFFFFD0];
	[tilespmem:s0+$0x20] =	vst v3;
	v3 =	vadd.s32 $0xFFE20000, v4  }
0x49: {  	v6 =	vand.u32 $0x3, v1;
	v4 =	vadd.s32 s1, v11;
	[tilespmem:s0+$0x30] =	vst v3;
	v3 =	vadd.s32 $0xFFE20000, v0  }
0x4a: {  	v0 =	vor.u32 v6, v2;
	v7 =	vshll.u32 v4, $0x2;
	v8 =	vld [tilespmem:s3+$0xFFFFFFE0];
	v1 =	vadd.s32 s1, v10;
	[tilespmem:s17+$0xFFFFFFF0] =	vst v3;
	s17 =	smov.u32 s0;
	s0 =	smov.u32 s3  }
0x4b: {  	v2 =	vand.u32 $0xFFFF0000, v4;
	v3 =	vshrl.u32 v4, $0xE;
	v4 =	vand.u32 $0xFFFC, v7  }
0x4c: {  	v3 =	vand.u32 $0x3, v3;
	v2 =	vor.u32 v4, v2;
	v4 =	vshll.u32 v1, $0x2  }
0x4d: {  	v3 =	vor.u32 v3, v2;
	v5 =	vadd.s32 s1, v5;
	v2 =	vand.u32 $0xFFFC, v4  }
0x4e: {  	v3 =	vadd.s32 $0xFFE20000, v3;
	v4 =	vand.u32 $0xFFFF0000, v5;
	v6 =	vshll.u32 v5, $0x2;
	v7 =	vld [tilespmem:s3+$0x0]  }
0x4f: {  	v5 =	vshrl.u32 v5, $0xE;
	v6 =	vand.u32 $0xFFFC, v6;
	v8 =	vadd.s32 s1, v8  }
0x50: {  	v5 =	vand.u32 $0x3, v5;
	v4 =	vor.u32 v6, v4;
	v6 =	vshll.u32 v8, $0x2;
	v9 =	vld [tilespmem:s3+$0x10]  }
0x51: {  	v10 =	vand.u32 $0xFFFF0000, v8;
	v8 =	vshrl.u32 v8, $0xE;
	v6 =	vand.u32 $0xFFFC, v6  }
.Ltmp0:
0x52: {  	v4 =	vor.u32 v5, v4;
	v8 =	vand.u32 $0x3, v8;
	v6 =	vor.u32 v6, v10;
	(pc) =	sbr.rel @p0 .LBB2_2-.Ltmp0, $4  }
0x53: {  	v5 =	vadd.s32 $0xFFE20000, v4;
	v4 =	vor.u32 v8, v6;
	v6 =	vadd.s32 s1, v7  }
0x54: {  	v4 =	vadd.s32 $0xFFE20000, v4;
	v11 =	vand.u32 $0xFFFF0000, v6;
	v8 =	vshll.u32 v6, $0x2;
	v7 =	vld [tilespmem:s3+$0x20]  }
0x55: {  	v6 =	vshrl.u32 v6, $0xE;
	v12 =	vand.u32 $0xFFFC, v8;
	v10 =	vadd.s32 s1, v9  }
0x56: {  	s2 =	sadd.s32 $0x1, s2;
	v8 =	vand.u32 $0x3, v6;
	v9 =	vor.u32 v12, v11;
	v11 =	vshll.u32 v10, $0x2;
	v6 =	vld [tilespmem:s3+$0x30]  }
0x57: {  	s3 =	simm.s32 $0x0;
	s2 =	simm.s32 $0x1000;
	s20 =	rddreg [dreg:$0x19]  }
0x58: {  	s12 =	rddreg [dreg:$0x18];
	p0 =	por $0x1, $0x1;
	s28 =	simm.s32 $0x380  }
0x59: {  	[dreg:$0x3] =	wrdreg s2;
	s6 =	sadd.s32 $0xFFFFFFFF, s20;
	s21 =	sadd.s32 $0xFFFFFFFD, s20  }
0x5a: {  	v12 =	vand.u32 $0xFFFF0000, v10;
	s8 =	sadd.s32 $0xFFFFFFFC, s20;
	s24 =	sshrl.u32 s20, $0x2;
	s9 =	sadd.s32 $0x2814000, s12  }
0x5b: {  	v52 =	vshrl.u32 v10, $0xE;
	v11 =	vand.u32 $0xFFFC, v11;
	v8 =	vor.u32 v8, v9;
	s10 =	sshll.u32 s20, $0xC;
	s11 =	sadd.s32 $0xFFFFFFFE, s20;
	s14 =	sadd.s32 $0xFFFFFFF9, s20  }
0x5c: {  	v60 =	vand.u32 $0xFFFF0000, v1;
	v10 =	vand.u32 $0x3, v52;
	v11 =	vor.u32 v11, v12;
	s16 =	sadd.s32 $0x2810000, s12;
	s18 =	sadd.s32 $0x2800000, s12;
	s19 =	sadd.s32 $0x2804000, s12  }
0x5d: {  	v61 =	vshrl.u32 v1, $0xE;
	v0 =	vadd.s32 $0xFFE20000, v0;
	s25 =	sadd.s32 $0x280C000, s12;
	s26 =	sadd.s32 $0x2818000, s12;
	v53 =	vor.u32 v10, v11;
	s7 =	sshll.u32 s6, $0xC  }
0x5e: {  	v8 =	vadd.s32 $0xFFE20000, v8;
	v7 =	vadd.s32 s1, v7;
	s2 =	sshll.u32 s21, $0xC;
	s4 =	sshll.u32 s8, $0xC;
	s8 =	sshrl.u32 s8, $0x2;
	v9 =	vadd.s32 $0xFFE20000, v53  }
0x5f: {  	[tilespmem:s0+$0xFFFFFFC0] =	vst v3;
	s6 =	sshrl.u32 s6, $0x2;
	s10 =	sand.u32 $0xFFE00000, s10;
	s13 =	sshll.u32 s11, $0xC;
	v54 =	vand.u32 $0xFFFF0000, v7;
	v55 =	vshll.u32 v7, $0x2;
	v7 =	vshrl.u32 v7, $0xE  }
0x60: {  	[tilespmem:s0+$0xFFFFFFD0] =	vst v5;
	s11 =	sshrl.u32 s11, $0x2;
	s15 =	sshll.u32 s14, $0xC;
	s14 =	sshrl.u32 s14, $0x2;
	v56 =	vand.u32 $0xFFFC, v55;
	v6 =	vadd.s32 s1, v6;
	v7 =	vand.u32 $0x3, v7  }
0x61: {  	[tilespmem:s0+$0xFFFFFFE0] =	vst v4;
	s18 =	sand.u32 $0x1E0000, s18;
	s9 =	sand.u32 $0x1F4000, s9;
	s7 =	sand.u32 $0xFFE00000, s7;
	v3 =	vor.u32 v56, v54;
	v57 =	vshll.u32 v6, $0x2;
	v58 =	vand.u32 $0xFFFF0000, v6  }
0x62: {  	[tilespmem:s0+$0x0] =	vst v8;
	s13 =	sand.u32 $0xFFE00000, s13;
	s11 =	sand.u32 $0x60, s11;
	s15 =	sand.u32 $0xFFE00000, s15;
	v59 =	vshrl.u32 v6, $0xE;
	v5 =	vand.u32 $0xFFFC, v57;
	v3 =	vor.u32 v7, v3  }
0x63: {  	s14 =	sand.u32 $0x60, s14;
	s6 =	sand.u32 $0x60, s6;
	[tilespmem:s0+$0x10] =	vst v9;
	s15 =	sor.u32 s18, s15;
	v4 =	vand.u32 $0x3, v59;
	v5 =	vor.u32 v5, v58;
	v3 =	vadd.s32 $0xFFE20000, v3  }
0x64: {  	v2 =	vor.u32 v2, v60;
	v1 =	vand.u32 $0x3, v61;
	s9 =	sor.u32 s9, s13;
	s1 =	sand.u32 $0x60, s24;
	s14 =	sor.u32 s14, s15;
	v4 =	vor.u32 v4, v5;
	[tilespmem:s0+$0x20] =	vst v3  }
0x65: {  	v1 =	vor.u32 v1, v2;
	s13 =	sadd.s32 $0x2808000, s12;
	s9 =	sor.u32 s11, s9;
	s14 =	sadd.s32 $0xFF600000, s14;
	v62 =	vadd.s32 $0xFFE20000, v4;
	[tilespmem:s17+$0xFFFFFFF0] =	vst v0  }
0x66: {  	v63 =	vadd.s32 $0xFFE20000, v1;
	s11 =	sand.u32 $0x1EC000, s25;
	s15 =	simm.s32 $0x200;
	s5 =	sshrl.u32 s14, $0x3;
	[tilespmem:s0+$0x30] =	vst v62  }
0x67: {  	s9 =	sadd.s32 $0xFF600000, s9;
	[dreg:$0x8] =	wrdreg s5;
	[tilespmem:s0+$0xFFFFFFF0] =	vst v63;
	s0 =	simm.s32 @!p0 $0x2  }
0x68: {  	s25 =	sadd.s32 $0xFFFFFFFA, s20;
	s9 =	sshrl.u32 s9, $0x3;
	_ =	swait.ge @!p0 [sflag:s0], $0x1000  }
0x69: {  	s14 =	sand.u32 $0x1E4000, s19;
	s19 =	sadd.s32 $0xFFFFFFFB, s20;
	[sflag:s0] =	ssyncset.done @!p0 $0x0  }
0x6a: {  	s5 =	sand.u32 $0x1F8000, s26;
	s26 =	sshrl.u32 s19, $0x2;
	[sflag:s0] =	ssyncadd.s32 @!p0 $0xFFFFF000  }
0x6b: {  	s7 =	sor.u32 s5, s7;
	s17 =	simm.s32 $0x80;
	_ =	swait.ge @!p0 [sflag:s0], $0x1000  }
0x6c: {  	s6 =	sor.u32 s6, s7;
	[dreg:$0x4] =	wrdreg s9;
	[sflag:s0] =	ssyncset.done @!p0 $0x0  }
0x6d: {  	s9 =	sadd.s32 $0x281C000, s12;
	[dreg:$0x7] =	wrdreg s11;
	[sflag:s0] =	ssyncadd.s32 @!p0 $0xFFFFF000  }
0x6e: {  	s6 =	sadd.s32 $0xFF600000, s6;
	s7 =	sand.u32 $0x1FC000, s9;
	_ =	swait.ge @!p0 [sflag:s0], $0x1000  }
0x6f: {  	s6 =	sshrl.u32 s6, $0x3;
	s7 =	sor.u32 s7, s10;
	[sflag:s0] =	ssyncset.done @!p0 $0x0  }
0x70: {  	s1 =	sor.u32 s1, s7;
	[dreg:$0x5] =	wrdreg s6;
	[sflag:s0] =	ssyncadd.s32 @!p0 $0xFFFFF000  }
0x71: {  	s9 =	sand.u32 $0x8000, s3;
	s1 =	sadd.s32 $0xFF600000, s1;
	_ =	swait.ge @!p0 [sflag:s0], $0x1000  }
0x72: {  	s10 =	sand.u32 $0x1F0000, s16;
	s1 =	sshrl.u32 s1, $0x3;
	[sflag:s0] =	ssyncset.done @!p0 $0x0  }
0x73: {  	s5 =	sor.u32 $0x6C00, s9;
	[dreg:$0x6] =	wrdreg s1;
	[sflag:s0] =	ssyncadd.s32 @!p0 $0xFFFFF000  }
0x74: {  	s16 =	sand.u32 $0x1E8000, s13;
	s24 =	sor.u32 $0xC00, s9;
	_ =	swait.ge @!p0 [sflag:s0], $0x1000  }
0x75: {  	s23 =	sor.u32 $0x1C00, s9;
	s3 =	sor.u32 $0x4C00, s9;
	[sflag:s0] =	ssyncset.done @!p0 $0x0  }
0x76: {  	s7 =	simm.s32 $0x0;
	s6 =	sshll.u32 s19, $0xC;
	[sflag:s0] =	ssyncadd.s32 @!p0 $0xFFFFF000  }
0x77: {  	s19 =	sshll.u32 s25, $0xC;
	s18 =	sand.u32 $0xFFE00000, s6;
	_ =	swait.ge @!p0 [sflag:s0], $0x1000  }
0x78: {  	s13 =	sor.u32 s16, s18;
	s18 =	sand.u32 $0xFFE00000, s19;
	[sflag:s0] =	ssyncset.done @!p0 $0x0  }
0x79: {  	s16 =	sshrl.u32 s25, $0x2;
	s19 =	simm.s32 $0x280;
	[sflag:s0] =	ssyncadd.s32 @!p0 $0xFFFFF000  }
0x7a: {  	s25 =	simm.s32 $0x180;
	s1 =	sor.u32 $0x5C00, s9;
	_ =	swait.ge @!p0 [sflag:s0], $0x1000  }
0x7b: {  	s11 =	sor.u32 s14, s18;
	s16 =	sand.u32 $0x60, s16;
	[sflag:s0] =	ssyncset.done @!p0 $0x0  }
0x7c: {  	s18 =	sadd.s32 $0x8, s20;
	s20 =	sand.u32 $0xFFE00000, s2;
	[sflag:s0] =	ssyncadd.s32 @!p0 $0xFFFFF000  }
0x7d: {  	s11 =	sor.u32 s16, s11;
	_ =	swait.ge @!p0 [sflag:s0], $0x1000;
	[dreg:$0x11] =	wrdreg s24  }
0x7e: {  	s6 =	sadd.s32 $0xFFFFFFFC, s18;
	s11 =	sadd.s32 $0xFF600000, s11;
	[dreg:$0x10] =	wrdreg s23  }
0x7f: {  	s16 =	sshrl.u32 s11, $0x3;
	s11 =	sshll.u32 s6, $0xC;
	[dreg:$0xc] =	wrdreg s3  }
0x80: {  	s2 =	sor.u32 $0x2C00, s9;
	s14 =	sshrl.u32 s6, $0x2;
	[dreg:$0x9] =	wrdreg s11  }
0x81: {  	[dreg:$0xd] =	wrdreg s14;
	s11 =	sand.u32 $0xFFE00000, s4;
	s4 =	sand.u32 $0x60, s8  }
0x82: {  	s14 =	sor.u32 $0x7C00, s9;
	[dreg:$0xe] =	wrdreg s1;
	[sflag:s0] =	ssyncset.done @!p0 $0x0  }
0x83: {  	s8 =	simm.s32 $0x2000;
	[sflag:s0] =	ssyncadd.s32 @!p0 $0xFFFFF000;
	s0 =	sadd.s32 $0xFFFFFFFF, s18  }
0x84: {  	[tilespmem:s24], [sflag:$0x1] =	stream.indirect.gather [hbm4b:s22+s31], $0x20, s7, s31, $0xb8;
	[tilespmem:$0x10C00] =	vst v63  }
0x85: {  	s24 =	sand.u32 $0x60, s26;
	s7 =	sor.u32 $0x3C00, s9;
	s26 =	sshll.u32 s0, $0xC  }
0x86: {  	s30 =	sshrl.u32 s0, $0x2;
	s13 =	sor.u32 s24, s13;
	s24 =	sor.u32 s10, s20  }
0x87: {  	s10 =	sand.u32 $0xFFE00000, s26;
	s20 =	sadd.s32 $0xFFFFFFFD, s18;
	s26 =	simm.s32 $0x300  }
0x88: {  	[tilespmem:s23], [sflag:$0x1] =	stream.indirect.gather [hbm4b:s22+s31], $0x20, s17, s31, $0xb8;
	[tilespmem:$0x10C00] =	vst v63  }
0x89: {  	s23 =	simm.s32 $0x100;
	[dreg:$0xa] =	wrdreg s20;
	s0 =	sshll.u32 s20, $0xC  }
0x8a: {  	[tilespmem:s2], [sflag:$0x1] =	stream.indirect.gather [hbm4b:s22+s31], $0x20, s23, s31, $0xb8;
	[tilespmem:$0x10C00] =	vst v63  }
0x8b: {  	s17 =	sadd.s32 $0x20000, s12;
	s20 =	simm.s32 $0x1;
	[dreg:$0xb] =	wrdreg s0  }
0x8c: {  	[tilespmem:s7], [sflag:$0x1] =	stream.indirect.gather [hbm4b:s22+s31], $0x20, s25, s31, $0xb8;
	[tilespmem:$0x10C00] =	vst v63  }
0x8d: {  	s9 =	sadd.s32 $0x2814000, s17;
	s23 =	sshrl.u32 s21, $0x2;
	s21 =	sshrl.u32 s18, $0x2  }
0x8e: {  	[tilespmem:s3], [sflag:$0x1] =	stream.indirect.gather [hbm4b:s22+s31], $0x20, s15, s31, $0xb8;
	[tilespmem:$0x10C00] =	vst v63  }
0x8f: {  	[dreg:$0xf] =	wrdreg s21;
	s25 =	simm.s32 $0x8000;
	s15 =	sshll.u32 s18, $0xC  }
0x90: {  	[tilespmem:s1], [sflag:$0x1] =	stream.indirect.gather [hbm4b:s22+s31], $0x20, s19, s31, $0xb8;
	[tilespmem:$0x10C00] =	vst v63  }
0x91: {  	s29 =	sand.u32 $0xFFE00000, s15;
	s19 =	sadd.s32 $0xFF600000, s13;
	s13 =	sadd.s32 $0xFFFFFFFE, s18  }
.LBB2_4:
0x92: {  	s21 =	sadd.s32 $0xFFFFFFF9, s18;
	s15 =	smov.u32 s30  }
0x93: {  	s30 =	sshll.u32 s13, $0xC;
	s0 =	sshrl.u32 s13, $0x2;
	s3 =	rddreg [dreg:$0x3]  }
0x94: {  	[tilespmem:s5], [sflag:$0x1] =	stream.indirect.gather [hbm4b:s22+s31], $0x20, s26, s31, $0xb8;
	[tilespmem:$0x10C00] =	vst v63  }
0x95: {  	s1 =	smov.u32 s8;
	s8 =	sadd.s32 $0x1000, s8;
	s26 =	sadd.s32 $0x2810000, s17  }
0x96: {  	s23 =	sand.u32 $0x60, s23;
	s9 =	sand.u32 $0x1F4000, s9;
	s13 =	smov.u32 s3  }
0x97: {  	[dreg:$0x3] =	wrdreg s1;
	s1 =	smov.u32 s25;
	s30 =	sand.u32 $0xFFE00000, s30  }
0x98: {  	s0 =	sand.u32 $0x60, s0;
	s12 =	sshrl.u32 s21, $0x2;
	[dreg:$0x13] =	wrdreg s1  }
0x99: {  	[tilespmem:s14], [sflag:$0x1] =	stream.indirect.gather [hbm4b:s22+s31], $0x20, s28, s31, $0xb8;
	[tilespmem:$0x10C00] =	vst v63  }
0x9a: {  	s23 =	sor.u32 s23, s24;
	s26 =	sand.u32 $0x1F0000, s26;
	_ =	swait.ge [sflag:s20], $0x1000  }
0x9b: {  	s1 =	smov.u32 s29;
	s29 =	smov.u32 s5;
	[sflag:s20] =	ssyncset.done $0x0  }
0x9c: {  	s28 =	sshll.u32 s21, $0xC;
	s5 =	sadd.s32 $0x280C000, s17;
	[sflag:s20] =	ssyncadd.s32 $0xFFFFF000  }
0x9d: {  	s31 =	smov.u32 s22;
	s22 =	sadd.s32 $0x2800000, s17;
	_ =	swait.ge [sflag:s20], $0x1000  }
0x9e: {  	s12 =	sand.u32 $0x60, s12;
	s9 =	sor.u32 s9, s30;
	[sflag:s20] =	ssyncset.done $0x0  }
0x9f: {  	s3 =	sand.u32 $0xFFE00000, s28;
	s22 =	sand.u32 $0x1E0000, s22;
	[sflag:s20] =	ssyncadd.s32 $0xFFFFF000  }
0xa0: {  	s0 =	sor.u32 s0, s9;
	s22 =	sor.u32 s22, s3;
	_ =	swait.ge [sflag:s20], $0x1000  }
0xa1: {  	s3 =	sadd.s32 $0xFF600000, s23;
	s0 =	sadd.s32 $0xFF600000, s0;
	[sflag:s20] =	ssyncset.done $0x0  }
0xa2: {  	s12 =	sor.u32 s12, s22;
	s23 =	sshrl.u32 s3, $0x3;
	[sflag:s20] =	ssyncadd.s32 $0xFFFFF000  }
0xa3: {  	s22 =	sadd.s32 $0x2818000, s17;
	s12 =	sadd.s32 $0xFF600000, s12;
	_ =	swait.ge [sflag:s20], $0x1000  }
0xa4: {  	s3 =	sand.u32 $0x1F8000, s22;
	s22 =	sand.u32 $0x60, s15;
	[sflag:s20] =	ssyncset.done $0x0  }
0xa5: {  	s15 =	sand.u32 $0x1EC000, s5;
	s28 =	rddreg [dreg:$0x1];
	[sflag:s20] =	ssyncadd.s32 $0xFFFFF000  }
0xa6: {  	s24 =	sadd.s32 s28, s16;
	s16 =	rddreg [dreg:$0x8];
	_ =	swait.ge [sflag:s20], $0x1000  }
0xa7: {  	s9 =	sadd.s32 s28, s16;
	s16 =	sshrl.u32 s0, $0x3;
	[sflag:s20] =	ssyncset.done $0x0  }
0xa8: {  	s0 =	sor.u32 s3, s10;
	s3 =	sadd.s32 $0x281C000, s17;
	[sflag:s20] =	ssyncadd.s32 $0xFFFFF000  }
0xa9: {  	s0 =	sor.u32 s22, s0;
	s22 =	sand.u32 $0x1FC000, s3;
	_ =	swait.ge [sflag:s20], $0x1000  }
0xaa: {  	s12 =	sshrl.u32 s12, $0x3;
	s5 =	sor.u32 s22, s1;
	[sflag:s20] =	ssyncset.done $0x0  }
0xab: {  	s1 =	smov.u32 s12;
	s10 =	rddreg [dreg:$0x7];
	[sflag:s20] =	ssyncadd.s32 $0xFFFFF000  }
0xac: {  	s22 =	rddreg [dreg:$0xf];
	s11 =	sor.u32 s10, s11;
	_ =	swait.ge [sflag:s20], $0x1000  }
0xad: {  	s3 =	sand.u32 $0x60, s22;
	s4 =	sor.u32 s4, s11;
	[sflag:s20] =	ssyncset.done $0x0  }
0xae: {  	s5 =	sor.u32 s3, s5;
	[dreg:$0x12] =	wrdreg s26;
	[sflag:s20] =	ssyncadd.s32 $0xFFFFF000  }
0xaf: {  	s3 =	smov.u32 s15;
	_ =	swait.ge [sflag:s20], $0x1000;
	[dreg:$0x8] =	wrdreg s1  }
0xb0: {  	s6 =	simm.s32 $0x80;
	s4 =	sadd.s32 $0xFF600000, s4;
	[dreg:$0x7] =	wrdreg s3  }
0xb1: {  	s10 =	sadd.s32 $0xFF600000, s5;
	s11 =	sshrl.u32 s4, $0x3;
	s4 =	rddreg [dreg:$0x11]  }
0xb2: {  	s0 =	sadd.s32 $0xFF600000, s0;
	s26 =	sshrl.u32 s10, $0x3;
	s10 =	rddreg [dreg:$0xa]  }
0xb3: {  	s5 =	sshrl.u32 s19, $0x3;
	[sflag:s20] =	ssyncset.done $0x0;
	s19 =	rddreg [dreg:$0xb]  }
0xb4: {  	s15 =	simm.s32 $0x20;
	s3 =	rddreg [dreg:$0x10];
	[sflag:s20] =	ssyncadd.s32 $0xFFFFF000  }
0xb5: {  	[hbm4b:s9+s15] =	stream.strided.scatter [tilespmem:s4], [sflag:$0x2], $0x1000, s6, s15, $0x38;
	[tilespmem:$0x10C00] =	vst v63  }
0xb6: {  	s22 =	sshrl.u32 s0, $0x3;
	s0 =	smov.u32 s19;
	s19 =	rddreg [dreg:$0x9]  }
0xb7: {  	[hbm4b:s24+s15] =	stream.strided.scatter [tilespmem:s3], [sflag:$0x2], $0x1000, s6, s15, $0x38;
	[tilespmem:$0x10C00] =	vst v63  }
0xb8: {  	s5 =	sadd.s32 s28, s5;
	s9 =	smov.u32 s10;
	s24 =	rddreg [dreg:$0xd]  }
0xb9: {  	s3 =	sadd.s32 s28, s11;
	s11 =	rddreg [dreg:$0x4];
	s10 =	smov.u32 s24  }
0xba: {  	[hbm4b:s5+s15] =	stream.strided.scatter [tilespmem:s2], [sflag:$0x2], $0x1000, s6, s15, $0x38;
	[tilespmem:$0x10C00] =	vst v63  }
0xbb: {  	s24 =	rddreg [dreg:$0xe];
	s5 =	sadd.s32 s28, s23;
	s23 =	smov.u32 s16  }
0xbc: {  	p0 =	sne.s32 s8, $0x3000;
	s21 =	sadd.s32 $0x2804000, s17;
	[dreg:$0x4] =	wrdreg s23  }
0xbd: {  	[hbm4b:s3+s15] =	stream.strided.scatter [tilespmem:s7], [sflag:$0x2], $0x1000, s6, s15, $0x38;
	[tilespmem:$0x10C00] =	vst v63  }
0xbe: {  	p1 =	sne.s32 s13, $0x2000;
	s12 =	smov.u32 s17;
	s7 =	rddreg [dreg:$0xc]  }
0xbf: {  	s17 =	sadd.s32 $0x20000, s17;
	s4 =	smov.u32 s19;
	s3 =	rddreg [dreg:$0x5]  }
0xc0: {  	[hbm4b:s5+s15] =	stream.strided.scatter [tilespmem:s7], [sflag:$0x2], $0x1000, s6, s15, $0x38;
	[tilespmem:$0x10C00] =	vst v63  }
0xc1: {  	s19 =	sadd.s32 s28, s11;
	s11 =	smov.u32 s26;
	s7 =	rddreg [dreg:$0x6]  }
0xc2: {  	[hbm4b:s19+s15] =	stream.strided.scatter [tilespmem:s24], [sflag:$0x2], $0x1000, s6, s15, $0x38;
	[tilespmem:$0x10C00] =	vst v63  }
0xc3: {  	s1 =	sadd.s32 s28, s3;
	s5 =	smov.u32 s22;
	[dreg:$0x6] =	wrdreg s11  }
0xc4: {  	[hbm4b:s1+s15] =	stream.strided.scatter [tilespmem:s29], [sflag:$0x2], $0x1000, s6, s15, $0x38;
	[tilespmem:$0x10C00] =	vst v63  }
0xc5: {  	s2 =	simm.s32 @!p1 $0x2;
	[dreg:$0x5] =	wrdreg s5;
	s1 =	sadd.s32 s28, s7  }
0xc6: {  	[hbm4b:s1+s15] =	stream.strided.scatter [tilespmem:s14], [sflag:$0x2], $0x1000, s6, s15, $0x38;
	[tilespmem:$0x10C00] =	vst v63  }
0xc7: {  	s0 =	sand.u32 $0xFFE00000, s0;
	s16 =	sadd.s32 $0xFFFFFFFB, s18;
	_ =	swait.ge @!p1 [sflag:s2], $0x1000  }
0xc8: {  	s23 =	sadd.s32 $0xFFFFFFFA, s18;
	s18 =	sadd.s32 $0x8, s18;
	[sflag:s2] =	ssyncset.done @!p1 $0x0  }
0xc9: {  	s26 =	sshll.u32 s23, $0xC;
	s3 =	sadd.s32 $0x8000, s25;
	[sflag:s2] =	ssyncadd.s32 @!p1 $0xFFFFF000  }
0xca: {  	s11 =	sand.u32 $0x1E4000, s21;
	s19 =	sshrl.u32 s16, $0x2;
	_ =	swait.ge @!p1 [sflag:s2], $0x1000  }
0xcb: {  	s15 =	sshra.s32 s13, $0x2;
	s14 =	sadd.s32 $0x2808000, s12;
	[sflag:s2] =	ssyncset.done @!p1 $0x0  }
0xcc: {  	s12 =	sand.u32 $0x1E8000, s14;
	s22 =	sadd.s32 $0x200, s15;
	[sflag:s2] =	ssyncadd.s32 @!p1 $0xFFFFF000  }
0xcd: {  	s21 =	sadd.s32 $0x280, s15;
	s13 =	rddreg [dreg:$0x13];
	_ =	swait.ge @!p1 [sflag:s2], $0x1000  }
0xce: {  	s14 =	sshll.u32 s16, $0xC;
	s16 =	sshrl.u32 s23, $0x2;
	[sflag:s2] =	ssyncset.done @!p1 $0x0  }
0xcf: {  	s23 =	sadd.s32 $0xFFFFFFFD, s18;
	[dreg:$0x14] =	wrdreg s22;
	[sflag:s2] =	ssyncadd.s32 @!p1 $0xFFFFF000  }
0xd0: {  	s28 =	sadd.s32 $0x380, s15;
	s14 =	sand.u32 $0xFFE00000, s14;
	_ =	swait.ge @!p1 [sflag:s2], $0x1000  }
0xd1: {  	s12 =	sor.u32 s12, s14;
	s14 =	sshll.u32 s23, $0xC;
	[sflag:s2] =	ssyncset.done @!p1 $0x0  }
0xd2: {  	s7 =	sand.u32 $0x8000, s13;
	s13 =	sadd.s32 $0x80, s15;
	[sflag:s2] =	ssyncadd.s32 @!p1 $0xFFFFF000  }
0xd3: {  	s5 =	sor.u32 $0x6C00, s7;
	s25 =	sor.u32 $0xC00, s7;
	_ =	swait.ge @!p1 [sflag:s2], $0x1000  }
0xd4: {  	s24 =	sor.u32 $0x1C00, s7;
	s22 =	sand.u32 $0xFFE00000, s26;
	[sflag:s2] =	ssyncset.done @!p1 $0x0  }
0xd5: {  	s11 =	sor.u32 s11, s22;
	s22 =	sand.u32 $0x60, s16;
	[sflag:s2] =	ssyncadd.s32 @!p1 $0xFFFFF000  }
0xd6: {  	s29 =	sor.u32 $0x4C00, s7;
	s11 =	sor.u32 s22, s11;
	_ =	swait.ge @!p1 [sflag:s2], $0x1000  }
0xd7: {  	s1 =	sor.u32 $0x5C00, s7;
	s11 =	sadd.s32 $0xFF600000, s11;
	[sflag:s2] =	ssyncset.done @!p1 $0x0  }
0xd8: {  	s26 =	sadd.s32 $0x300, s15;
	s16 =	sshrl.u32 s11, $0x3;
	[sflag:s2] =	ssyncadd.s32 @!p1 $0xFFFFF000  }
0xd9: {  	s11 =	sadd.s32 $0xFFFFFFFC, s18;
	_ =	swait.ge @!p1 [sflag:s2], $0x1000;
	[dreg:$0xa] =	wrdreg s23  }
0xda: {  	s22 =	sadd.s32 $0xFFFFFFFF, s18;
	[dreg:$0xb] =	wrdreg s14;
	s23 =	sshll.u32 s11, $0xC  }
0xdb: {  	s30 =	sshll.u32 s22, $0xC;
	s11 =	sshrl.u32 s11, $0x2;
	[dreg:$0x9] =	wrdreg s23  }
0xdc: {  	s14 =	sor.u32 $0x7C00, s7;
	[sflag:s2] =	ssyncset.done @!p1 $0x0;
	[dreg:$0xd] =	wrdreg s11  }
0xdd: {  	s11 =	sand.u32 $0xFFE00000, s4;
	s4 =	sand.u32 $0x60, s10;
	[sflag:s2] =	ssyncadd.s32 @!p1 $0xFFFFF000  }
0xde: {  	s23 =	sshrl.u32 s9, $0x2;
	_ =	swait.ge @!p1 [sflag:s2], $0x1000;
	[dreg:$0x11] =	wrdreg s25  }
0xdf: {  	s10 =	sadd.s32 $0x180, s15;
	[dreg:$0x10] =	wrdreg s24;
	[sflag:s2] =	ssyncset.done @!p1 $0x0  }
0xe0: {  	s9 =	sadd.s32 $0x2814000, s17;
	[dreg:$0xc] =	wrdreg s29;
	[sflag:s2] =	ssyncadd.s32 @!p1 $0xFFFFF000  }
0xe1: {  	[tilespmem:s25], [sflag:$0x1] =	stream.indirect.gather [hbm4b:s31+s6], $0x20, s15, s6, $0xb8;
	[tilespmem:$0x10C00] =	vst v63  }
0xe2: {  	[dreg:$0xe] =	wrdreg s1;
	s25 =	smov.u32 s3;
	s3 =	sand.u32 $0x60, s19  }
0xe3: {  	[tilespmem:s24], [sflag:$0x1] =	stream.indirect.gather [hbm4b:s31+s6], $0x20, s13, s6, $0xb8;
	[tilespmem:$0x10C00] =	vst v63  }
0xe4: {  	s2 =	sor.u32 $0x2C00, s7;
	s12 =	sor.u32 s3, s12;
	s13 =	sshrl.u32 s18, $0x2  }
0xe5: {  	s24 =	sadd.s32 $0x100, s15;
	s19 =	sadd.s32 $0xFF600000, s12;
	s12 =	rddreg [dreg:$0x14]  }
0xe6: {  	[tilespmem:s2], [sflag:$0x1] =	stream.indirect.gather [hbm4b:s31+s6], $0x20, s24, s6, $0xb8;
	[tilespmem:$0x10C00] =	vst v63  }
0xe7: {  	s7 =	sor.u32 $0x3C00, s7;
	s15 =	sshll.u32 s18, $0xC;
	[dreg:$0xf] =	wrdreg s13  }
0xe8: {  	[tilespmem:s7], [sflag:$0x1] =	stream.indirect.gather [hbm4b:s31+s6], $0x20, s10, s6, $0xb8;
	[tilespmem:$0x10C00] =	vst v63  }
.Ltmp1:
0xe9: {  	s13 =	sadd.s32 $0xFFFFFFFE, s18;
	s10 =	rddreg [dreg:$0x12];
	(pc) =	sbr.rel @p0 .LBB2_4-.Ltmp1, $4  }
0xea: {  	s24 =	sor.u32 s10, s0;
	s10 =	sand.u32 $0xFFE00000, s30;
	s30 =	sshrl.u32 s22, $0x2  }
0xeb: {  	[tilespmem:s29], [sflag:$0x1] =	stream.indirect.gather [hbm4b:s31+s6], $0x20, s12, s6, $0xb8;
	[tilespmem:$0x10C00] =	vst v63  }
0xec: {  	s22 =	smov.u32 s31;
	s31 =	simm.s32 $0x80;
	s29 =	sand.u32 $0xFFE00000, s15  }
0xed: {  	[tilespmem:s1], [sflag:$0x1] =	stream.indirect.gather [hbm4b:s22+s31], $0x20, s21, s31, $0xb8;
	[tilespmem:$0x10C00] =	vst v63  }
0xee: {  	[tilespmem:s5], [sflag:$0x1] =	stream.indirect.gather [hbm4b:s22+s31], $0x20, s26, s31, $0xb8;
	[tilespmem:$0x10C00] =	vst v63  }
0xef: {  	_ = 	snop  }
0xf0: {  	[tilespmem:s14], [sflag:$0x1] =	stream.indirect.gather [hbm4b:s22+s31], $0x20, s28, s31, $0xb8;
	[tilespmem:$0x10C00] =	vst v63  }
0xf1: {  	_ =	swait.ge [sflag:s20], $0x1000  }
0xf2: {  	[sflag:s20] =	ssyncset.done $0x0  }
0xf3: {  	[sflag:s20] =	ssyncadd.s32 $0xFFFFF000  }
0xf4: {  	_ =	swait.ge [sflag:s20], $0x1000  }
0xf5: {  	[sflag:s20] =	ssyncset.done $0x0  }
0xf6: {  	[sflag:s20] =	ssyncadd.s32 $0xFFFFF000  }
0xf7: {  	_ =	swait.ge [sflag:s20], $0x1000  }
0xf8: {  	[sflag:s20] =	ssyncset.done $0x0  }
0xf9: {  	[sflag:s20] =	ssyncadd.s32 $0xFFFFF000  }
0xfa: {  	_ =	swait.ge [sflag:s20], $0x1000  }
0xfb: {  	[sflag:s20] =	ssyncset.done $0x0  }
0xfc: {  	[sflag:s20] =	ssyncadd.s32 $0xFFFFF000  }
0xfd: {  	_ =	swait.ge [sflag:s20], $0x1000  }
0xfe: {  	[sflag:s20] =	ssyncset.done $0x0  }
0xff: {  	[sflag:s20] =	ssyncadd.s32 $0xFFFFF000  }
0x100: {  	_ =	swait.ge [sflag:s20], $0x1000  }
0x101: {  	[sflag:s20] =	ssyncset.done $0x0  }
0x102: {  	[sflag:s20] =	ssyncadd.s32 $0xFFFFF000  }
0x103: {  	_ =	swait.ge [sflag:s20], $0x1000  }
0x104: {  	[sflag:s20] =	ssyncset.done $0x0  }
0x105: {  	[sflag:s20] =	ssyncadd.s32 $0xFFFFF000  }
0x106: {  	_ =	swait.ge [sflag:s20], $0x1000  }
0x107: {  	[sflag:s20] =	ssyncset.done $0x0;
	s0 =	rddreg [dreg:$0x8]  }
0x108: {  	s21 =	simm.s32 $0x20;
	s15 =	rddreg [dreg:$0x1]  }
0x109: {  	s1 =	rddreg [dreg:$0x11];
	[sflag:s20] =	ssyncadd.s32 $0xFFFFF000;
	s0 =	sadd.s32 s15, s0  }
0x10a: {  	[hbm4b:s0+s21] =	stream.strided.scatter [tilespmem:s1], [sflag:$0x2], $0x1000, s31, s21, $0x38;
	[tilespmem:$0x10C00] =	vst v63  }
0x10b: {  	s28 =	rddreg [dreg:$0x10];
	s26 =	sadd.s32 s15, s16;
	s1 =	sshrl.u32 s19, $0x3  }
0x10c: {  	[hbm4b:s26+s21] =	stream.strided.scatter [tilespmem:s28], [sflag:$0x2], $0x1000, s31, s21, $0x38;
	[tilespmem:$0x10C00] =	vst v63  }
0x10d: {  	s0 =	sadd.s32 s15, s1  }
0x10e: {  	[hbm4b:s0+s21] =	stream.strided.scatter [tilespmem:s2], [sflag:$0x2], $0x1000, s31, s21, $0x38;
	[tilespmem:$0x10C00] =	vst v63  }
0x10f: {  	s2 =	rddreg [dreg:$0x7]  }
0x110: {  	s0 =	sor.u32 s2, s11  }
0x111: {  	s0 =	sor.u32 s4, s0  }
0x112: {  	s0 =	sadd.s32 $0xFF600000, s0  }
0x113: {  	s0 =	sshrl.u32 s0, $0x3  }
0x114: {  	s3 =	sand.u32 $0x60, s23;
	s0 =	sadd.s32 s15, s0  }
0x115: {  	[hbm4b:s0+s21] =	stream.strided.scatter [tilespmem:s7], [sflag:$0x2], $0x1000, s31, s21, $0x38;
	[tilespmem:$0x10C00] =	vst v63  }
0x116: {  	s6 =	rddreg [dreg:$0x4];
	s0 =	sor.u32 s3, s24  }
0x117: {  	s8 =	rddreg [dreg:$0x5];
	s0 =	sadd.s32 $0xFF600000, s0  }
0x118: {  	s12 =	rddreg [dreg:$0x6];
	s0 =	sshrl.u32 s0, $0x3  }
0x119: {  	s4 =	rddreg [dreg:$0xc];
	s0 =	sadd.s32 s15, s0  }
0x11a: {  	[hbm4b:s0+s21] =	stream.strided.scatter [tilespmem:s4], [sflag:$0x2], $0x1000, s31, s21, $0x38;
	[tilespmem:$0x10C00] =	vst v63  }
0x11b: {  	s7 =	rddreg [dreg:$0xe];
	s0 =	sadd.s32 s15, s6  }
0x11c: {  	[hbm4b:s0+s21] =	stream.strided.scatter [tilespmem:s7], [sflag:$0x2], $0x1000, s31, s21, $0x38;
	[tilespmem:$0x10C00] =	vst v63  }
0x11d: {  	s11 =	rddreg [dreg:$0x3];
	s0 =	sadd.s32 s15, s8  }
0x11e: {  	[hbm4b:s0+s21] =	stream.strided.scatter [tilespmem:s5], [sflag:$0x2], $0x1000, s31, s21, $0x38;
	[tilespmem:$0x10C00] =	vst v63  }
0x11f: {  	p0 =	sne.s32 s11, $0x2000;
	s0 =	sadd.s32 s15, s12  }
0x120: {  	[hbm4b:s0+s21] =	stream.strided.scatter [tilespmem:s14], [sflag:$0x2], $0x1000, s31, s21, $0x38;
	[tilespmem:$0x10C00] =	vst v63  }
0x121: {  	s0 =	simm.s32 @!p0 $0x2  }
0x122: {  	_ =	swait.ge @!p0 [sflag:s0], $0x1000  }
0x123: {  	[sflag:s0] =	ssyncset.done @!p0 $0x0  }
0x124: {  	[sflag:s0] =	ssyncadd.s32 @!p0 $0xFFFFF000  }
0x125: {  	_ =	swait.ge @!p0 [sflag:s0], $0x1000  }
0x126: {  	[sflag:s0] =	ssyncset.done @!p0 $0x0  }
0x127: {  	[sflag:s0] =	ssyncadd.s32 @!p0 $0xFFFFF000  }
0x128: {  	_ =	swait.ge @!p0 [sflag:s0], $0x1000  }
0x129: {  	[sflag:s0] =	ssyncset.done @!p0 $0x0  }
0x12a: {  	[sflag:s0] =	ssyncadd.s32 @!p0 $0xFFFFF000  }
0x12b: {  	_ =	swait.ge @!p0 [sflag:s0], $0x1000  }
0x12c: {  	[sflag:s0] =	ssyncset.done @!p0 $0x0  }
0x12d: {  	[sflag:s0] =	ssyncadd.s32 @!p0 $0xFFFFF000  }
0x12e: {  	_ =	swait.ge @!p0 [sflag:s0], $0x1000  }
0x12f: {  	[sflag:s0] =	ssyncset.done @!p0 $0x0  }
0x130: {  	[sflag:s0] =	ssyncadd.s32 @!p0 $0xFFFFF000  }
0x131: {  	_ =	swait.ge @!p0 [sflag:s0], $0x1000  }
0x132: {  	[sflag:s0] =	ssyncset.done @!p0 $0x0  }
0x133: {  	[sflag:s0] =	ssyncadd.s32 @!p0 $0xFFFFF000  }
0x134: {  	_ =	swait.ge @!p0 [sflag:s0], $0x1000  }
0x135: {  	[sflag:s0] =	ssyncset.done @!p0 $0x0  }
0x136: {  	[sflag:s0] =	ssyncadd.s32 @!p0 $0xFFFFF000  }
0x137: {  	_ =	swait.ge @!p0 [sflag:s0], $0x1000  }
0x138: {  	s14 =	sand.u32 $0x8000, s25;
	[sflag:s0] =	ssyncset.done @!p0 $0x0  }
0x139: {  	s16 =	sshra.s32 s11, $0x2;
	s11 =	sor.u32 $0xC00, s14;
	[sflag:s0] =	ssyncadd.s32 @!p0 $0xFFFFF000  }
0x13a: {  	[tilespmem:s11], [sflag:$0x1] =	stream.indirect.gather [hbm4b:s22+s31], $0x20, s16, s31, $0xb8;
	[tilespmem:$0x10C00] =	vst v63  }
0x13b: {  	s19 =	sadd.s32 $0x80, s16;
	s8 =	sor.u32 $0x1C00, s14  }
0x13c: {  	[tilespmem:s8], [sflag:$0x1] =	stream.indirect.gather [hbm4b:s22+s31], $0x20, s19, s31, $0xb8;
	[tilespmem:$0x10C00] =	vst v63  }
0x13d: {  	s23 =	sadd.s32 $0x100, s16;
	s7 =	sor.u32 $0x2C00, s14  }
0x13e: {  	[tilespmem:s7], [sflag:$0x1] =	stream.indirect.gather [hbm4b:s22+s31], $0x20, s23, s31, $0xb8;
	[tilespmem:$0x10C00] =	vst v63  }
0x13f: {  	s24 =	sadd.s32 $0x180, s16;
	s6 =	sor.u32 $0x3C00, s14  }
0x140: {  	[tilespmem:s6], [sflag:$0x1] =	stream.indirect.gather [hbm4b:s22+s31], $0x20, s24, s31, $0xb8;
	[tilespmem:$0x10C00] =	vst v63  }
0x141: {  	s25 =	sadd.s32 $0x200, s16;
	s4 =	sor.u32 $0x4C00, s14  }
0x142: {  	[tilespmem:s4], [sflag:$0x1] =	stream.indirect.gather [hbm4b:s22+s31], $0x20, s25, s31, $0xb8;
	[tilespmem:$0x10C00] =	vst v63  }
0x143: {  	s26 =	sadd.s32 $0x280, s16;
	s3 =	sor.u32 $0x5C00, s14  }
0x144: {  	[tilespmem:s3], [sflag:$0x1] =	stream.indirect.gather [hbm4b:s22+s31], $0x20, s26, s31, $0xb8;
	[tilespmem:$0x10C00] =	vst v63  }
0x145: {  	s28 =	sadd.s32 $0x300, s16;
	s2 =	sor.u32 $0x6C00, s14  }
0x146: {  	[tilespmem:s2], [sflag:$0x1] =	stream.indirect.gather [hbm4b:s22+s31], $0x20, s28, s31, $0xb8;
	[tilespmem:$0x10C00] =	vst v63  }
0x147: {  	s12 =	sadd.s32 $0x380, s16;
	s1 =	sor.u32 $0x7C00, s14  }
0x148: {  	[tilespmem:s1], [sflag:$0x1] =	stream.indirect.gather [hbm4b:s22+s31], $0x20, s12, s31, $0xb8;
	[tilespmem:$0x10C00] =	vst v63  }
0x149: {  	_ =	swait.ge [sflag:s20], $0x1000  }
0x14a: {  	[sflag:s20] =	ssyncset.done $0x0  }
0x14b: {  	[sflag:s20] =	ssyncadd.s32 $0xFFFFF000  }
0x14c: {  	_ =	swait.ge [sflag:s20], $0x1000  }
0x14d: {  	[sflag:s20] =	ssyncset.done $0x0  }
0x14e: {  	[sflag:s20] =	ssyncadd.s32 $0xFFFFF000  }
0x14f: {  	_ =	swait.ge [sflag:s20], $0x1000  }
0x150: {  	[sflag:s20] =	ssyncset.done $0x0  }
0x151: {  	[sflag:s20] =	ssyncadd.s32 $0xFFFFF000  }
0x152: {  	_ =	swait.ge [sflag:s20], $0x1000  }
0x153: {  	[sflag:s20] =	ssyncset.done $0x0  }
0x154: {  	[sflag:s20] =	ssyncadd.s32 $0xFFFFF000  }
0x155: {  	_ =	swait.ge [sflag:s20], $0x1000  }
0x156: {  	[sflag:s20] =	ssyncset.done $0x0  }
0x157: {  	[sflag:s20] =	ssyncadd.s32 $0xFFFFF000  }
0x158: {  	s14 =	sadd.s32 $0xFFFFFFF9, s18;
	_ =	swait.ge [sflag:s20], $0x1000  }
0x159: {  	s0 =	sshrl.u32 s14, $0x2;
	[sflag:s20] =	ssyncset.done $0x0  }
0x15a: {  	s16 =	sshll.u32 s14, $0xC;
	s12 =	sadd.s32 $0x2800000, s17;
	[sflag:s20] =	ssyncadd.s32 $0xFFFFF000  }
0x15b: {  	s5 =	sand.u32 $0xFFE00000, s16;
	s12 =	sand.u32 $0x1E0000, s12;
	_ =	swait.ge [sflag:s20], $0x1000  }
0x15c: {  	s0 =	sand.u32 $0x60, s0;
	s5 =	sor.u32 s12, s5;
	[sflag:s20] =	ssyncset.done $0x0  }
0x15d: {  	s0 =	sor.u32 s0, s5;
	[sflag:s20] =	ssyncadd.s32 $0xFFFFF000  }
0x15e: {  	s19 =	sadd.s32 $0xFFFFFFFA, s18;
	s0 =	sadd.s32 $0xFF600000, s0;
	_ =	swait.ge [sflag:s20], $0x1000  }
0x15f: {  	s23 =	sadd.s32 $0x2804000, s17;
	s0 =	sshrl.u32 s0, $0x3;
	[sflag:s20] =	ssyncset.done $0x0  }
0x160: {  	s24 =	sshll.u32 s19, $0xC;
	s0 =	sadd.s32 s15, s0;
	[sflag:s20] =	ssyncadd.s32 $0xFFFFF000  }
0x161: {  	[hbm4b:s0+s21] =	stream.strided.scatter [tilespmem:s11], [sflag:$0x2], $0x1000, s31, s21, $0x38;
	[tilespmem:$0x10C00] =	vst v63  }
0x162: {  	s5 =	sshrl.u32 s19, $0x2;
	s0 =	sand.u32 $0x1E4000, s23;
	s11 =	sand.u32 $0xFFE00000, s24  }
0x163: {  	s5 =	sand.u32 $0x60, s5;
	s0 =	sor.u32 s0, s11  }
0x164: {  	s0 =	sor.u32 s5, s0  }
0x165: {  	s0 =	sadd.s32 $0xFF600000, s0  }
0x166: {  	s25 =	sadd.s32 $0xFFFFFFFB, s18;
	s0 =	sshrl.u32 s0, $0x3  }
0x167: {  	s26 =	sadd.s32 $0x2808000, s17;
	s28 =	sshll.u32 s25, $0xC;
	s0 =	sadd.s32 s15, s0  }
0x168: {  	[hbm4b:s0+s21] =	stream.strided.scatter [tilespmem:s8], [sflag:$0x2], $0x1000, s31, s21, $0x38;
	[tilespmem:$0x10C00] =	vst v63  }
0x169: {  	s5 =	sshrl.u32 s25, $0x2;
	s0 =	sand.u32 $0x1E8000, s26;
	s8 =	sand.u32 $0xFFE00000, s28  }
0x16a: {  	s5 =	sand.u32 $0x60, s5;
	s0 =	sor.u32 s0, s8  }
0x16b: {  	s0 =	sor.u32 s5, s0  }
0x16c: {  	s0 =	sadd.s32 $0xFF600000, s0  }
0x16d: {  	s0 =	sshrl.u32 s0, $0x3  }
0x16e: {  	s0 =	sadd.s32 s15, s0  }
0x16f: {  	[hbm4b:s0+s21] =	stream.strided.scatter [tilespmem:s7], [sflag:$0x2], $0x1000, s31, s21, $0x38;
	[tilespmem:$0x10C00] =	vst v63  }
0x170: {  	s8 =	rddreg [dreg:$0x9];
	s7 =	sadd.s32 $0x280C000, s17  }
0x171: {  	s11 =	rddreg [dreg:$0xd];
	s5 =	sand.u32 $0xFFE00000, s8;
	s0 =	sand.u32 $0x1EC000, s7  }
0x172: {  	s0 =	sor.u32 s0, s5;
	s5 =	sand.u32 $0x60, s11  }
0x173: {  	s0 =	sor.u32 s5, s0  }
0x174: {  	s0 =	sadd.s32 $0xFF600000, s0  }
0x175: {  	s14 =	rddreg [dreg:$0xa];
	s0 =	sshrl.u32 s0, $0x3  }
0x176: {  	s12 =	sadd.s32 $0x2810000, s17;
	s16 =	rddreg [dreg:$0xb];
	s0 =	sadd.s32 s15, s0  }
0x177: {  	[hbm4b:s0+s21] =	stream.strided.scatter [tilespmem:s6], [sflag:$0x2], $0x1000, s31, s21, $0x38;
	[tilespmem:$0x10C00] =	vst v63  }
0x178: {  	s5 =	sshrl.u32 s14, $0x2;
	s0 =	sand.u32 $0x1F0000, s12;
	s6 =	sand.u32 $0xFFE00000, s16  }
0x179: {  	s5 =	sand.u32 $0x60, s5;
	s0 =	sor.u32 s0, s6  }
0x17a: {  	s0 =	sor.u32 s5, s0  }
0x17b: {  	s0 =	sadd.s32 $0xFF600000, s0  }
0x17c: {  	s0 =	sshrl.u32 s0, $0x3  }
0x17d: {  	s18 =	sshll.u32 s13, $0xC;
	s0 =	sadd.s32 s15, s0  }
0x17e: {  	[hbm4b:s0+s21] =	stream.strided.scatter [tilespmem:s4], [sflag:$0x2], $0x1000, s31, s21, $0x38;
	[tilespmem:$0x10C00] =	vst v63  }
0x17f: {  	s19 =	sshrl.u32 s13, $0x2;
	s20 =	sand.u32 $0x1F4000, s9;
	s0 =	sand.u32 $0xFFE00000, s18  }
0x180: {  	s4 =	sand.u32 $0x60, s19;
	s0 =	sor.u32 s20, s0  }
0x181: {  	s0 =	sor.u32 s4, s0  }
0x182: {  	s0 =	sadd.s32 $0xFF600000, s0  }
0x183: {  	s0 =	sshrl.u32 s0, $0x3  }
0x184: {  	s23 =	sadd.s32 $0x2818000, s17;
	s0 =	sadd.s32 s15, s0  }
0x185: {  	[hbm4b:s0+s21] =	stream.strided.scatter [tilespmem:s3], [sflag:$0x2], $0x1000, s31, s21, $0x38;
	[tilespmem:$0x10C00] =	vst v63  }
0x186: {  	s0 =	sand.u32 $0x1F8000, s23  }
0x187: {  	s24 =	sand.u32 $0x60, s30;
	s0 =	sor.u32 s0, s10  }
0x188: {  	s0 =	sor.u32 s24, s0  }
0x189: {  	s0 =	sadd.s32 $0xFF600000, s0  }
0x18a: {  	s0 =	sshrl.u32 s0, $0x3  }
0x18b: {  	s25 =	sadd.s32 $0x281C000, s17;
	s0 =	sadd.s32 s15, s0  }
0x18c: {  	[hbm4b:s0+s21] =	stream.strided.scatter [tilespmem:s2], [sflag:$0x2], $0x1000, s31, s21, $0x38;
	[tilespmem:$0x10C00] =	vst v63  }
0x18d: {  	s26 =	rddreg [dreg:$0xf];
	s0 =	sand.u32 $0x1FC000, s25  }
0x18e: {  	s2 =	sand.u32 $0x60, s26;
	s0 =	sor.u32 s0, s29  }
0x18f: {  	s0 =	sor.u32 s2, s0  }
0x190: {  	s0 =	sadd.s32 $0xFF600000, s0  }
0x191: {  	s0 =	sshrl.u32 s0, $0x3  }
0x192: {  	s28 =	simm.s32 $0x2;
	s0 =	sadd.s32 s15, s0  }
0x193: {  	[hbm4b:s0+s21] =	stream.strided.scatter [tilespmem:s1], [sflag:$0x2], $0x1000, s31, s21, $0x38;
	[tilespmem:$0x10C00] =	vst v63  }
0x194: {  	_ =	swait.ge [sflag:s28], $0x1000  }
0x195: {  	[sflag:s28] =	ssyncset.done $0x0  }
0x196: {  	[sflag:s28] =	ssyncadd.s32 $0xFFFFF000  }
0x197: {  	_ =	swait.ge [sflag:s28], $0x1000  }
0x198: {  	[sflag:s28] =	ssyncset.done $0x0  }
0x199: {  	[sflag:s28] =	ssyncadd.s32 $0xFFFFF000  }
0x19a: {  	_ =	swait.ge [sflag:s28], $0x1000  }
0x19b: {  	[sflag:s28] =	ssyncset.done $0x0  }
0x19c: {  	[sflag:s28] =	ssyncadd.s32 $0xFFFFF000  }
0x19d: {  	_ =	swait.ge [sflag:s28], $0x1000  }
0x19e: {  	[sflag:s28] =	ssyncset.done $0x0  }
0x19f: {  	[sflag:s28] =	ssyncadd.s32 $0xFFFFF000  }
0x1a0: {  	_ =	swait.ge [sflag:s28], $0x1000  }
0x1a1: {  	[sflag:s28] =	ssyncset.done $0x0  }
0x1a2: {  	[sflag:s28] =	ssyncadd.s32 $0xFFFFF000  }
0x1a3: {  	_ =	swait.ge [sflag:s28], $0x1000  }
0x1a4: {  	[sflag:s28] =	ssyncset.done $0x0  }
0x1a5: {  	[sflag:s28] =	ssyncadd.s32 $0xFFFFF000  }
0x1a6: {  	_ =	swait.ge [sflag:s28], $0x1000  }
0x1a7: {  	[sflag:s28] =	ssyncset.done $0x0  }
0x1a8: {  	[sflag:s28] =	ssyncadd.s32 $0xFFFFF000  }
0x1a9: {  	_ =	swait.ge [sflag:s28], $0x1000  }
0x1aa: {  	[sflag:s28] =	ssyncset.done $0x0  }
0x1ab: {  	[sflag:s28] =	ssyncadd.s32 $0xFFFFF000  }
0x1ac: {  	_ =	swait.ge [sflag:s28], $0x1000  }
0x1ad: {  	[sflag:s28] =	ssyncset.done $0x0  }
0x1ae: {  	[sflag:s28] =	ssyncadd.s32 $0xFFFFF000  }
0x1af: {  	_ =	swait.ge [sflag:s28], $0x1000  }
0x1b0: {  	[sflag:s28] =	ssyncset.done $0x0  }
0x1b1: {  	[sflag:s28] =	ssyncadd.s32 $0xFFFFF000  }
0x1b2: {  	_ =	swait.ge [sflag:s28], $0x1000  }
0x1b3: {  	[sflag:s28] =	ssyncset.done $0x0  }
0x1b4: {  	[sflag:s28] =	ssyncadd.s32 $0xFFFFF000  }
0x1b5: {  	_ =	swait.ge [sflag:s28], $0x1000  }
0x1b6: {  	[sflag:s28] =	ssyncset.done $0x0  }
0x1b7: {  	[sflag:s28] =	ssyncadd.s32 $0xFFFFF000  }
0x1b8: {  	_ =	swait.ge [sflag:s28], $0x1000  }
0x1b9: {  	[sflag:s28] =	ssyncset.done $0x0  }
0x1ba: {  	[sflag:s28] =	ssyncadd.s32 $0xFFFFF000  }
0x1bb: {  	_ =	swait.ge [sflag:s28], $0x1000  }
0x1bc: {  	[sflag:s28] =	ssyncset.done $0x0  }
0x1bd: {  	[sflag:s28] =	ssyncadd.s32 $0xFFFFF000  }
0x1be: {  	_ =	swait.ge [sflag:s28], $0x1000  }
0x1bf: {  	[sflag:s28] =	ssyncset.done $0x0  }
0x1c0: {  	[sflag:s28] =	ssyncadd.s32 $0xFFFFF000  }
0x1c1: {  	_ =	swait.ge [sflag:s28], $0x1000  }
0x1c2: {  	s29 =	rddreg [dreg:$0x1a]  }
0x1c3: {  	s30 =	rddreg [dreg:$0x16];
	s2 =	sadd.s32 $0x1, s29  }
0x1c4: {  	p0 =	sne.s32 s2, s30  }
.Ltmp2:
0x1c5: {  	_ = 	snop;
	(pc) =	sbr.rel @p0 .LBB2_1-.Ltmp2, $3  }
0x1c6: {  	_ =	sdelay $0x1  }
0x1c7: {  	[sflag:s28] =	ssyncset.done $0x0  }
0x1c8: {  	s4 =	rddreg [dreg:$0x17];
	[sflag:s28] =	ssyncadd.s32 $0xFFFFF000  }
0x1c9: {  	_ =	sfence.sel $0x180000  }
0x1ca: {  	[bflag:$0x0] =	sbarrier.arrive $0xFFFF  }
0x1cb: {  	_ =	strace $0x9000004A  }
0x1cc: {  	s0 =	stileid.u32;
	[bflag:$0x2] =	sbarrier.arrive $0xFFFF  }
0x1cd: {  	p0 =	sne.s32 s0, $0x0;
	s0 =	rddreg [dreg:$0x2]  }
0x1ce: {  	s0 =	sadd.s32 @!p0 $0x100000, s0  }
0x1cf: {  	[sflag:s0] =	ssyncadd.tile.s32 @!p0 $0x1;
	_ =	shalt  }
.Lfunc_end2:
_tile_overlayer_lowered:
.L_overlay_start_2:
0x1d0: {  	(tag) =	ssettag $0x2  }
0x1d1: {  	s0 =	rddreg [dreg:$0x0];
	s2 =	stileid.u32  }
0x1d2: {  	s1 =	rddreg [dreg:$0x1];
	p0 =	sne.s32 s2, $0x0  }
0x1d3: {  	s3 =	rddreg [dreg:$0x2];
	[bflag:$0x3] =	sbarrier.arrive $0xFFFF;
	s2 =	simm.s32 @!p0 $0x1C03  }
0x1d4: {  	[timem:s3], [sflag:s2] =	dma.local @!p0 [hbm:s0], s1  }
0x1d5: {  	s0 =	simm.s32 @!p0 $0x3  }
0x1d6: {  	_ =	swait.ge @!p0 [sflag:s0], s1  }
0x1d7: {  	s1 =	ssub.s32 @!p0 $0x0, s1;
	[sflag:s0] =	ssyncset.done @!p0 $0x0  }
0x1d8: {  	[sflag:s0] =	ssyncadd.s32 @!p0 s1  }
0x1d9: {  	[bflag:$0x3] =	sbarrier.arrive $0xFFFF  }
0x1da: {  	_ =	shalt  }

// kernel: kernel.7.cloned.1.call-start
scs
__scs_entry_jumppad:
0x0: {  	(pc) =	sbr.rel $0x88, $3  }
0x1: {  	(tag) =	ssettag $0x0;
	lr =	simm.s32 $0x1  }
0x2: {  	[smem:$0x3F9F] =	sst lr;
	_ =	strace $0xD0000000  }
0x3: {  	_ = 	snop  }
0x4: {  	_ = 	snop  }
0x5: {  	_ = 	snop  }
0x6: {  	_ = 	snop  }
0x7: {  	_ = 	snop  }
__scs_overlays_trampoline_lowered:
0x8: {  	[smem:$0x3FAE] =	sst s0  }
0x9: {  	[smem:$0x3FAF] =	sst s1  }
0xa: {  	[smem:$0x3FB0] =	sst s2  }
0xb: {  	[smem:$0x3FB1] =	sst s3  }
0xc: {  	[smem:$0x3FB2] =	sst s4  }
0xd: {  	[smem:$0x3FB3] =	sst s5  }
0xe: {  	[smem:$0x3FB4] =	sst s6  }
0xf: {  	[smem:$0x3FB5] =	sst s7  }
0x10: {  	[smem:$0x3FB6] =	sst s8  }
0x11: {  	[smem:$0x3FB7] =	sst s9;
	s0 =	simm.s32 @!p0 $0x0  }
0x12: {  	s1 =	sld [smem:$0x3F9D];
	s0 =	simm.s32 @p0 $0x1  }
0x13: {  	[smem:$0x3FB8] =	sst s0;
	s0 =	simm.s32 @!p1 $0x0  }
0x14: {  	s2 =	sld [smem:$0x3F9C];
	s0 =	simm.s32 @p1 $0x1  }
0x15: {  	[smem:$0x3FB9] =	sst s0;
	s0 =	simm.s32 @!p2 $0x0  }
0x16: {  	s3 =	sld [smem:$0x3FDB];
	s0 =	simm.s32 @p2 $0x1  }
0x17: {  	s4 =	simm.s32 $0x1BF5;
	[smem:$0x3FBB] =	sst s0  }
0x18: {  	s0 =	sld [smem:$0x3F9E];
	_ =	swait.ge [sflag:s4], $0x0  }
0x19: {  	s7 =	sld [smem:$0x3F9F]  }
0x1a: {  	s8 =	sadd.s32 $0xFFFFE003, lr  }
0x1b: {  	s9 =	sadd.s32 $0xFFFFFEF7, lr;
	s5 =	simm.s32 $0xFFFFFFFF;
	p2 =	slt.u32 s8, $0xFFFFF086  }
0x1c: {  	p1 =	slt.u32 s9, $0xF7A;
	s5 =	simm.s32 @!p2 $0x0  }
0x1d: {  	s5 =	simm.s32 @p1 $0x1;
	p0 =	seq.s32 s7, s2  }
0x1e: {  	s7 =	smul.u32 @!p0 $0xF7A, s2;
	p2 =	seq.s32 @!p0 s5, $0x0  }
0x1f: {  	s9 =	smul.u32 $0xF7A, s1;
	s8 =	simm.s32 @!p0 $0x1BF5;
	p2 =	por !p2, p0  }
0x20: {  	[sflag:s8] =	ssyncset.s32 @!p0 $0xFFFFF086;
	s6 =	sadd.s32 @!p0 s3, s7;
	s7 =	simm.s32 @!p0 $0x108  }
0x21: {  	s3 =	sadd.s32 s3, s9;
	s6 =	sadd.s32 @!p0 $0x88, s6;
	s7 =	simm.s32 @p2 $0x1082  }
0x22: {  	[simem:s7], [sflag:s8] =	dma.local @!p0 [hbm:s6], $0xF7A  }
0x23: {  	s9 =	sor.u32 $0xD0000000, s2;
	s6 =	simm.s32 $0x108;
	_ =	swait.ge @!p0 [sflag:s8], $0x0  }
0x24: {  	s3 =	sadd.s32 $0x88, s3;
	s6 =	simm.s32 @!p1 $0x1082;
	[sflag:s4] =	ssyncset.s32 $0xFFFFF086  }
0x25: {  	[simem:s6], [sflag:s4] =	dma.local [hbm:s3], $0xF7A  }
0x26: {  	[smem:$0x3F9F] =	sst s1;
	(tag) =	ssettag s2;
	_ =	strace s9  }
0x27: {  	s1 =	sld [smem:$0x3FAF]  }
0x28: {  	s2 =	sld [smem:$0x3FB0]  }
0x29: {  	s4 =	sld [smem:$0x3FB2]  }
0x2a: {  	p0 =	seq.s32 s5, $0x0;
	s5 =	sld [smem:$0x3FB3]  }
0x2b: {  	s6 =	sld [smem:$0x3FB4]  }
0x2c: {  	s7 =	sld [smem:$0x3FB5]  }
0x2d: {  	s3 =	simm.s32 $0x108;
	s8 =	sld [smem:$0x3FB6]  }
0x2e: {  	s3 =	simm.s32 @!p0 $0x1082;
	s9 =	sld [smem:$0x3FB7]  }
0x2f: {  	lr =	sadd.s32 s0, s3;
	s0 =	sld [smem:$0x3FAE]  }
0x30: {  	s3 =	sld [smem:$0x3FB1]  }
0x31: {  	[smem:$0x3FBA] =	sst s10  }
0x32: {  	s10 =	sld [smem:$0x3FB8];
	_ =	sdelay $0x3  }
0x33: {  	p0 =	seq.s32 s10, $0x1;
	s10 =	sld [smem:$0x3FBA];
	_ =	sdelay $0x3  }
0x34: {  	[smem:$0x3FBA] =	sst s10  }
0x35: {  	s10 =	sld [smem:$0x3FB9];
	_ =	sdelay $0x3  }
0x36: {  	p1 =	seq.s32 s10, $0x1;
	s10 =	sld [smem:$0x3FBA];
	_ =	sdelay $0x3  }
0x37: {  	[smem:$0x3FBA] =	sst s10  }
0x38: {  	s10 =	sld [smem:$0x3FBB]  }
0x39: {  	_ = 	snop;
	(pc) =	sbr.ind lr, $3  }
0x3a: {  	_ = 	snop  }
0x3b: {  	_ = 	snop  }
0x3c: {  	p2 =	seq.s32 s10, $0x1;
	s10 =	sld [smem:$0x3FBA]  }
0x3d: {  	_ =	shalt  }
0x3e: {  	_ =	shalt  }
0x3f: {  	_ =	shalt  }
0x40: {  	_ =	shalt  }
0x41: {  	_ =	shalt  }
0x42: {  	_ =	shalt  }
0x43: {  	_ =	shalt  }
0x44: {  	_ =	shalt  }
0x45: {  	_ =	shalt  }
0x46: {  	_ =	shalt  }
0x47: {  	_ =	shalt  }
0x48: {  	_ =	shalt  }
0x49: {  	_ =	shalt  }
0x4a: {  	_ =	shalt  }
0x4b: {  	_ =	shalt  }
0x4c: {  	_ =	shalt  }
0x4d: {  	_ =	shalt  }
0x4e: {  	_ =	shalt  }
0x4f: {  	_ =	shalt  }
0x50: {  	_ =	shalt  }
0x51: {  	_ =	shalt  }
0x52: {  	_ =	shalt  }
0x53: {  	_ =	shalt  }
0x54: {  	_ =	shalt  }
0x55: {  	_ =	shalt  }
0x56: {  	_ =	shalt  }
0x57: {  	_ =	shalt  }
0x58: {  	_ =	shalt  }
0x59: {  	_ =	shalt  }
0x5a: {  	_ =	shalt  }
0x5b: {  	_ =	shalt  }
0x5c: {  	_ =	shalt  }
0x5d: {  	_ =	shalt  }
0x5e: {  	_ =	shalt  }
0x5f: {  	_ =	shalt  }
0x60: {  	_ =	shalt  }
0x61: {  	_ =	shalt  }
0x62: {  	_ =	shalt  }
0x63: {  	_ =	shalt  }
0x64: {  	_ =	shalt  }
0x65: {  	_ =	shalt  }
0x66: {  	_ =	shalt  }
0x67: {  	_ =	shalt  }
0x68: {  	_ =	shalt  }
0x69: {  	_ =	shalt  }
0x6a: {  	_ =	shalt  }
0x6b: {  	_ =	shalt  }
0x6c: {  	_ =	shalt  }
0x6d: {  	_ =	shalt  }
0x6e: {  	_ =	shalt  }
0x6f: {  	_ =	shalt  }
0x70: {  	_ =	shalt  }
0x71: {  	_ =	shalt  }
0x72: {  	_ =	shalt  }
0x73: {  	_ =	shalt  }
0x74: {  	_ =	shalt  }
0x75: {  	_ =	shalt  }
0x76: {  	_ =	shalt  }
0x77: {  	_ =	shalt  }
0x78: {  	_ =	shalt  }
0x79: {  	_ =	shalt  }
0x7a: {  	_ =	shalt  }
0x7b: {  	_ =	shalt  }
0x7c: {  	_ =	shalt  }
0x7d: {  	_ =	shalt  }
0x7e: {  	_ =	shalt  }
0x7f: {  	_ =	shalt  }
0x80: {  	_ =	shalt  }
0x81: {  	_ =	shalt  }
0x82: {  	_ =	shalt  }
0x83: {  	_ =	shalt  }
0x84: {  	_ =	shalt  }
0x85: {  	_ =	shalt  }
0x86: {  	_ =	shalt  }
0x87: {  	_ =	shalt  }
.Lfunc_end0:
.L_simem_size_0:
called_computation_lowered:
.L_overlay_start_0:
0x88: {  	s2 =	sld [smem:$0x3FD9]  }
0x89: {  	s3 =	sld [smem:$0x3FFE];
	_ =	sdelay $0x1  }
0x8a: {  	s1 =	srdreg.scid  }
0x8b: {  	s0 =	sand.u32 $0x1, s1  }
0x8c: {  	s16 =	sshll.u32 s0, $0xA;
	s2 =	sadd.s32 s3, s2  }
0x8d: {  	s2 =	sadd.s32 s2, s16  }
0x8e: {  	[smem:$0x3FC6] =	sst s2  }
0x8f: {  	_ = 	snop  }
0x90: {  	(tm) =	ssettm $0x1  }
0x91: {  	s17 =	sld [smem:$0x3FFB];
	_ =	sdelay $0x3  }
0x92: {  	_ =	strace s17  }
0x93: {  	s2 =	sld [smem:$0x3FFC];
	_ =	sdelay $0x3  }
0x94: {  	_ =	strace s2  }
0x95: {  	s2 =	sld [smem:$0x3FFD];
	_ =	sdelay $0x3  }
0x96: {  	_ =	strace s2  }
0x97: {  	_ =	strace $0x8FFFFFFF  }
0x98: {  	s18 =	sld [smem:$0x3FDB];
	_ =	sdelay $0x1  }
0x99: {  	s19 =	simm.s32 $_scs_section_size  }
0x9a: {  	s4 =	simm.s32 $_size__tile_overlayer_lowered;
	s5 =	simm.s32 $_tile_overlayer_lowered  }
0x9b: {  	s22 =	simm.s32 $0x1BFF;
	s21 =	sshll.u32 s5, $0x1;
	s2 =	sadd.s32 s19, s18  }
0x9c: {  	s6 =	simm.s32 $0x0;
	s20 =	sshll.u32 s4, $0x1;
	s4 =	sadd.s32 s21, s2  }
0x9d: {  	[timem:s6], [sflag:s22] =	dma.local [hbm:s4], s20  }
0x9e: {  	_ =	swait.ge [sflag:s22], s20  }
0x9f: {  	s3 =	ssub.s32 $0x0, s20;
	[sflag:s22] =	ssyncset.done $0x0  }
0xa0: {  	[sflag:s22] =	ssyncadd.s32 s3;
	_ =	sdelay $0x1  }
0xa1: {  	s23 =	simm.s32 $0x1B8B  }
0xa2: {  	_ =	swait.ge [sflag:s23], $0x1  }
0xa3: {  	[sflag:s23] =	ssyncset.done $0x0  }
0xa4: {  	s25 =	simm.s32 $0x1B8E;
	s24 =	sld [smem:$0x3FFE];
	[sflag:s23] =	ssyncadd.s32 $0xFFFFFFFF  }
0xa5: {  	s26 =	simm.s32 $execute0_lowered;
	[smem:$0x3FD2] =	sst s25  }
0xa6: {  	s4 =	sshll.u32 s26, $0x1;
	_ =	strace $0x80000046;
	[dreg:$0x1] =	wrdreg $0xFFFFFFFF  }
0xa7: {  	s28 =	simm.s32 $_size_execute0_lowered;
	s2 =	sadd.s32 s2, s4;
	[dreg:$0x0] =	wrdreg $0x0  }
0xa8: {  	s4 =	sshll.u32 s28, $0x1;
	[dreg:$0x2] =	wrdreg s2  }
0xa9: {  	[dreg:$0x3] =	wrdreg s4  }
0xaa: {  	[dreg:$0x4] =	wrdreg $0xC0  }
0xab: {  	_ =	task [dreg:s6], $0x5FFFF  }
0xac: {  	[dreg:$0x1] =	wrdreg $0xFFFFFFFF  }
0xad: {  	[dreg:$0x0] =	wrdreg $0x60  }
0xae: {  	[dreg:$0x2] =	wrdreg s24  }
0xaf: {  	[dreg:$0x3] =	wrdreg $0x9  }
0xb0: {  	_ =	task.clear_ibuf [dreg:s6], $0x4FFFF;
	_ =	strace $0x90000046  }
0xb1: {  	s29 =	simm.s32 $0x9;
	_ =	strace $0x80000048  }
0xb2: {  	_ =	swait.ge [sflag:s29], $0x1  }
0xb3: {  	[sflag:s29] =	ssyncadd.s32 $0xFFFFFFFF  }
0xb4: {  	_ =	strace $0x90000048  }
0xb5: {  	_ =	sfence  }
0xb6: {  	s30 =	sld [smem:$0x0];
	_ =	sdelay $0x2  }
0xb7: {  	s31 =	sshll.u32 s1, $0xD;
	s1 =	sshrl.u32 s1, $0x2  }
0xb8: {  	s3 =	sand.u32 $0x4000, s31;
	s1 =	sadd.s32 s1, s30  }
0xb9: {  	s0 =	sor.u32 s3, s0;
	s1 =	sshll.u32 s1, $0x11  }
0xba: {  	s0 =	sor.u32 s1, s0  }
0xbb: {  	s0 =	sadd.s32 $0x8F2B, s0  }
0xbc: {  	[sflag:s0] =	ssyncadd.remote.s32 $0x1  }
0xbd: {  	_ =	sfence.sel $0xFFFF  }
0xbe: {  	[dreg:$0x0] =	wrdreg $0xFFFFFFFF;
	(pc) =	sbr.abs _section_cstart, $3  }
0xbf: {  	[dreg:$0x1] =	wrdreg $0xFFFFFFFF  }
0xc0: {  	_ =	task.clear_ibuf [dreg:s6], $0x2FFFF;
	_ =	strace $0x9FFFFFFF  }
0xc1: {  	(tm) =	ssettm $0x7FFFFFFF  }
tec
execute0_lowered:
.L_overlay_start_1:
0x0: {  	(tag) =	ssettag $0x1  }
0x1: {  	s8 =	stileid.u32  }
0x2: {  	s0 =	srdreg.scid;
	s6 =	smul.u32 $0xA0000, s8  }
0x3: {  	s0 =	sand.u32 $0x1, s0;
	s28 =	smul.u32 $0x280000, s8  }
0x4: {  	s2 =	rddreg [dreg:$0x0];
	s3 =	simm.s32 $0x0;
	s4 =	smul.u32 $0x50, s0  }
0x5: {  	s1 =	sshll.u32 s8, $0x1;
	[smem:$0x7FF] =	sst s3;
	s7 =	smul.u32 $0x50000, s0  }
0x6: {  	s1 =	sor.u32 s0, s1;
	s5 =	ssub.s32 $0x2, s0;
	s0 =	smul.u32 $0x140000, s0  }
0x7: {  	s25 =	smul.u32 $0xA0, s8;
	_ =	strace $0x80000047;
	s30 =	sadd.s32 s7, s6  }
0x8: {  	s1 =	smul.u32 $0x500, s1;
	s0 =	sadd.s32 s0, s28;
	[dreg:$0x2] =	wrdreg s30  }
0x9: {  	s9 =	sadd.s32 $0xC00, s2;
	s4 =	sadd.s32 s4, s25;
	[dreg:$0x1d] =	wrdreg s0  }
0xa: {  	s1 =	sadd.s32 s1, s2;
	s2 =	sadd.s32 $0x7CDC00, s2;
	[dreg:$0x19] =	wrdreg s4  }
0xb: {  	s26 =	sshrl.u32 s5, $0x1;
	s31 =	sshrl.u32 s4, $0x2;
	[dreg:$0x5] =	wrdreg s2  }
0xc: {  	s2 =	ssub.s32 s5, s26;
	s1 =	sadd.s32 $0x7C0C00, s1;
	[dreg:$0x1e] =	wrdreg s31  }
0xd: {  	s29 =	sor.u32 $0x4, s4;
	[dreg:$0x1a] =	wrdreg s1;
	s2 =	smax.u32 s2, $0x1  }
0xe: {  	s13 =	simm.s32 $0x80;
	s1 =	sshrl.u32 s29, $0x2;
	[dreg:$0x1b] =	wrdreg s2  }
0xf: {  	s18 =	simm.s32 $0x1;
	[dreg:$0x1c] =	wrdreg s1;
	s2 =	simm.s32 $0x0  }
.LBB2_1:
0x10: {  	[dreg:$0x1f] =	wrdreg s2  }
0x11: {  	s0 =	simm.s32 $0x0;
	s1 =	rddreg [dreg:$0x1a];
	s30 =	simm.s32 $0x3  }
0x12: {  	[tilespmem:s0], [sflag:$0x3] =	stream.linear.gather [hbm4b:s1+s0], $0x2800, $0x38;
	[tilespmem:$0x12800] =	vst v63  }
0x13: {  	_ =	swait.ge [sflag:s30], $0x2800  }
0x14: {  	[sflag:s30] =	ssyncset.done $0x0  }
0x15: {  	s0 =	simm.s32 $0x40;
	[sflag:s30] =	ssyncadd.s32 $0xFFFFD800  }
0x16: {  	v0 =	vld [tilespmem:s0+$0xFFFFFFC0]  }
0x17: {  	s31 =	sadd.s32 $0x0, s4;
	v1 =	vld [tilespmem:s0+$0xFFFFFFF0]  }
0x18: {  	s1 =	sshrl.u32 s31, $0x7  }
0x19: {  	s2 =	smul.u32 $0x186A0, s1;
	v2 =	vld [tilespmem:s0+$0xFFFFFFD0]  }
0x1a: {  	v5 =	vld [tilespmem:s0+$0xFFFFFFE0]  }
0x1b: {  	v3 =	vadd.s32 s2, v0  }
0x1c: {  	v6 =	vld [tilespmem:s0+$0x0];
	v0 =	vadd.s32 s2, v1;
	v4 =	vshll.u32 v3, $0x2  }
0x1d: {  	v8 =	vld [tilespmem:s0+$0x10];
	v1 =	vand.u32 $0xFFFF0000, v3;
	v3 =	vshrl.u32 v3, $0xE;
	v4 =	vand.u32 $0xFFFC, v4  }
0x1e: {  	v3 =	vand.u32 $0x3, v3;
	v1 =	vor.u32 v1, v4;
	v4 =	vadd.s32 s2, v2  }
0x1f: {  	v5 =	vadd.s32 s2, v5;
	v2 =	vor.u32 v3, v1;
	v3 =	vshll.u32 v4, $0x2  }
0x20: {  	v7 =	vand.u32 $0xFFFF0000, v4;
	v4 =	vshrl.u32 v4, $0xE;
	v3 =	vand.u32 $0xFFFC, v3  }
0x21: {  	v9 =	vadd.s32 s2, v6;
	v4 =	vand.u32 $0x3, v4;
	v3 =	vor.u32 v7, v3  }
0x22: {  	v8 =	vadd.s32 s2, v8;
	v7 =	vshll.u32 v5, $0x2;
	v3 =	vor.u32 v4, v3  }
0x23: {  	v4 =	vand.u32 $0xFFFF0000, v5;
	v5 =	vshrl.u32 v5, $0xE;
	v7 =	vand.u32 $0xFFFC, v7  }
0x24: {  	v6 =	vand.u32 $0x3, v5;
	v7 =	vor.u32 v4, v7;
	v4 =	vshll.u32 v9, $0x2;
	v5 =	vld [tilespmem:s0+$0x20]  }
0x25: {  	v10 =	vand.u32 $0xFFFF0000, v9;
	v9 =	vshrl.u32 v9, $0xE;
	v4 =	vand.u32 $0xFFFC, v4  }
0x26: {  	s3 =	simm.s32 $0x1;
	s1 =	simm.s32 $0x40;
	v1 =	vshll.u32 v0, $0x2;
	v9 =	vand.u32 $0x3, v9;
	v10 =	vor.u32 v10, v4;
	v4 =	vld [tilespmem:s0+$0x30]  }
.LBB2_2:
0x27: {  	p0 =	sne.s32 s3, $0x4F;
	v6 =	vor.u32 v6, v7;
	v7 =	vor.u32 v9, v10;
	v9 =	vshll.u32 v8, $0x2  }
0x28: {  	v10 =	vand.u32 $0xFFFF0000, v8;
	v8 =	vshrl.u32 v8, $0xE;
	v9 =	vand.u32 $0xFFFC, v9  }
0x29: {  	v8 =	vand.u32 $0x3, v8;
	v9 =	vor.u32 v10, v9;
	v5 =	vadd.s32 s2, v5  }
0x2a: {  	[tilespmem:s0+$0xFFFFFFC0] =	vst v2;
	v2 =	vor.u32 v8, v9;
	v8 =	vand.u32 $0xFFFF0000, v5;
	v9 =	vshll.u32 v5, $0x2  }
0x2b: {  	s0 =	sadd.s32 $0x80, s0;
	[tilespmem:s1+$0xFFFFFFD0] =	vst v3;
	v3 =	vshrl.u32 v5, $0xE;
	v5 =	vand.u32 $0xFFFC, v9;
	v4 =	vadd.s32 s2, v4  }
0x2c: {  	v9 =	vld [tilespmem:s0+$0xFFFFFFC0];
	[tilespmem:s1+$0xFFFFFFE0] =	vst v6;
	v3 =	vand.u32 $0x3, v3;
	v5 =	vor.u32 v8, v5;
	v6 =	vshll.u32 v4, $0x2  }
0x2d: {  	s2 =	sadd.s32 s3, s4;
	v8 =	vld [tilespmem:s0+$0xFFFFFFF0];
	[tilespmem:s1+$0x0] =	vst v7;
	v7 =	vand.u32 $0xFFFF0000, v4;
	v4 =	vshrl.u32 v4, $0xE;
	v6 =	vand.u32 $0xFFFC, v6  }
0x2e: {  	s2 =	sshrl.u32 s2, $0x7;
	[tilespmem:s1+$0x10] =	vst v2;
	v2 =	vor.u32 v3, v5;
	v3 =	vand.u32 $0x3, v4;
	v4 =	vor.u32 v7, v6  }
0x2f: {  	v1 =	vand.u32 $0xFFFC, v1;
	s2 =	smul.u32 $0x186A0, s2;
	v6 =	vand.u32 $0xFFFF0000, v0;
	v5 =	vld [tilespmem:s0+$0xFFFFFFD0];
	[tilespmem:s1+$0x20] =	vst v2;
	v2 =	vor.u32 v3, v4  }
0x30: {  	v0 =	vshrl.u32 v0, $0xE;
	v1 =	vor.u32 v6, v1;
	[tilespmem:s1+$0x30] =	vst v2  }
0x31: {  	v3 =	vand.u32 $0x3, v0;
	v2 =	vadd.s32 s2, v9  }
0x32: {  	v1 =	vor.u32 v3, v1;
	v4 =	vshll.u32 v2, $0x2;
	v6 =	vld [tilespmem:s0+$0xFFFFFFE0];
	v0 =	vadd.s32 s2, v8  }
0x33: {  	v3 =	vand.u32 $0xFFFF0000, v2;
	v2 =	vshrl.u32 v2, $0xE;
	v4 =	vand.u32 $0xFFFC, v4;
	[tilespmem:s1+$0xFFFFFFF0] =	vst v1;
	s1 =	smov.u32 s0  }
0x34: {  	v1 =	vand.u32 $0x3, v2;
	v2 =	vor.u32 v3, v4;
	v3 =	vadd.s32 s2, v5;
	v4 =	vld [tilespmem:s0+$0x0]  }
0x35: {  	v2 =	vor.u32 v1, v2;
	v5 =	vshll.u32 v3, $0x2;
	v1 =	vshll.u32 v0, $0x2  }
0x36: {  	v7 =	vand.u32 $0xFFFF0000, v3;
	v3 =	vshrl.u32 v3, $0xE;
	v5 =	vand.u32 $0xFFFC, v5  }
0x37: {  	v3 =	vand.u32 $0x3, v3;
	v5 =	vor.u32 v7, v5;
	v6 =	vadd.s32 s2, v6;
	v8 =	vld [tilespmem:s0+$0x10]  }
.Ltmp0:
0x38: {  	v3 =	vor.u32 v3, v5;
	v5 =	vand.u32 $0xFFFF0000, v6;
	v7 =	vshll.u32 v6, $0x2;
	(pc) =	sbr.rel @p0 .LBB2_2-.Ltmp0, $4  }
0x39: {  	v6 =	vshrl.u32 v6, $0xE;
	v7 =	vand.u32 $0xFFFC, v7;
	v4 =	vadd.s32 s2, v4  }
0x3a: {  	v6 =	vand.u32 $0x3, v6;
	v7 =	vor.u32 v5, v7;
	v9 =	vshll.u32 v4, $0x2;
	v5 =	vld [tilespmem:s0+$0x20]  }
0x3b: {  	v10 =	vand.u32 $0xFFFF0000, v4;
	v4 =	vshrl.u32 v4, $0xE;
	v11 =	vand.u32 $0xFFFC, v9  }
0x3c: {  	s3 =	sadd.s32 $0x1, s3;
	v9 =	vand.u32 $0x3, v4;
	v10 =	vor.u32 v10, v11;
	v8 =	vadd.s32 s2, v8;
	v4 =	vld [tilespmem:s0+$0x30]  }
0x3d: {  	v6 =	vor.u32 v6, v7;
	v48 =	vor.u32 v9, v10;
	v49 =	vshll.u32 v8, $0x2  }
0x3e: {  	v50 =	vand.u32 $0xFFFF0000, v8;
	v51 =	vshrl.u32 v8, $0xE;
	v61 =	vand.u32 $0xFFFF0000, v0  }
0x3f: {  	v1 =	vand.u32 $0xFFFC, v1;
	v62 =	vshrl.u32 v0, $0xE;
	v9 =	vand.u32 $0xFFFC, v49  }
0x40: {  	v8 =	vand.u32 $0x3, v51;
	v1 =	vor.u32 v61, v1;
	v0 =	vand.u32 $0x3, v62  }
0x41: {  	[tilespmem:s0+$0xFFFFFFC0] =	vst v2;
	v9 =	vor.u32 v50, v9;
	v5 =	vadd.s32 s2, v5;
	v0 =	vor.u32 v0, v1  }
0x42: {  	[tilespmem:s1+$0xFFFFFFD0] =	vst v3;
	v8 =	vor.u32 v8, v9;
	v52 =	vand.u32 $0xFFFF0000, v5;
	v53 =	vshll.u32 v5, $0x2  }
0x43: {  	[tilespmem:s1+$0xFFFFFFE0] =	vst v6;
	v54 =	vshrl.u32 v5, $0xE;
	v55 =	vand.u32 $0xFFFC, v53;
	v4 =	vadd.s32 s2, v4  }
0x44: {  	[tilespmem:s1+$0x0] =	vst v48;
	v2 =	vand.u32 $0x3, v54;
	v56 =	vor.u32 v52, v55;
	v57 =	vshll.u32 v4, $0x2  }
0x45: {  	[tilespmem:s1+$0xFFFFFFF0] =	vst v0;
	v58 =	vand.u32 $0xFFFF0000, v4;
	v4 =	vshrl.u32 v4, $0xE;
	v5 =	vand.u32 $0xFFFC, v57  }
0x46: {  	[tilespmem:s1+$0x10] =	vst v8;
	v2 =	vor.u32 v2, v56;
	v59 =	vand.u32 $0x3, v4;
	v60 =	vor.u32 v58, v5  }
0x47: {  	p1 =	por $0x1, $0x1;
	[tilespmem:s1+$0x20] =	vst v2;
	v63 =	vor.u32 v59, v60  }
0x48: {  	s25 =	simm.s32 @!p1 $0x2;
	[tilespmem:s1+$0x30] =	vst v63  }
0x49: {  	_ =	swait.ge @!p1 [sflag:s25], $0x1000  }
0x4a: {  	s23 =	simm.s32 $0x0;
	s26 =	simm.s32 $0x8000;
	[sflag:s25] =	ssyncset.done @!p1 $0x0  }
0x4b: {  	s30 =	simm.s32 $0x400;
	s11 =	simm.s32 $0x0;
	[sflag:s25] =	ssyncadd.s32 @!p1 $0xFFFFF000  }
0x4c: {  	s3 =	simm.s32 $0x0;
	s7 =	sand.u32 $0x8000, s23;
	_ =	swait.ge @!p1 [sflag:s25], $0x1000  }
0x4d: {  	s5 =	sor.u32 $0x2800, s7;
	s28 =	sor.u32 $0x5800, s7;
	s17 =	rddreg [dreg:$0x1d]  }
0x4e: {  	s15 =	sor.u32 $0x6800, s7;
	[sflag:s25] =	ssyncset.done @!p1 $0x0;
	s22 =	sadd.s32 $0xC000, s17  }
0x4f: {  	[sflag:s25] =	ssyncadd.s32 @!p1 $0xFFFFF000;
	s24 =	sadd.s32 $0x14000, s17;
	[dreg:$0xa] =	wrdreg s22  }
0x50: {  	s20 =	sor.u32 $0x3800, s7;
	_ =	swait.ge @!p1 [sflag:s25], $0x1000;
	[dreg:$0x3] =	wrdreg s24  }
0x51: {  	s31 =	sadd.s32 $0x10000, s17;
	[sflag:s25] =	ssyncset.done @!p1 $0x0;
	s16 =	rddreg [dreg:$0x1c]  }
0x52: {  	[dreg:$0x4] =	wrdreg s31;
	[sflag:s25] =	ssyncadd.s32 @!p1 $0xFFFFF000;
	s19 =	sadd.s32 $0x2, s16  }
0x53: {  	s8 =	smov.u32 s16;
	s24 =	smov.u32 s16;
	_ =	swait.ge @!p1 [sflag:s25], $0x1000  }
0x54: {  	s0 =	smov.u32 s16;
	s29 =	smov.u32 s16;
	s21 =	rddreg [dreg:$0x1e]  }
0x55: {  	[dreg:$0x8] =	wrdreg s3;
	[sflag:s25] =	ssyncset.done @!p1 $0x0;
	s10 =	smov.u32 s21  }
0x56: {  	s1 =	smov.u32 s21;
	s2 =	smov.u32 s21;
	s6 =	smov.u32 s21  }
0x57: {  	s12 =	smov.u32 s21;
	s14 =	smov.u32 s21;
	[dreg:$0x7] =	wrdreg s21  }
.LBB2_4:
0x58: {  	[dreg:$0x10] =	wrdreg s15  }
0x59: {  	[dreg:$0xf] =	wrdreg s0;
	s3 =	smov.u32 s26  }
0x5a: {  	[sflag:s25] =	ssyncadd.s32 @!p1 $0xFFFFF000;
	[dreg:$0x9] =	wrdreg s3  }
0x5b: {  	s0 =	sor.u32 $0x4800, s7;
	_ =	swait.ge @!p1 [sflag:s25], $0x1000  }
0x5c: {  	s4 =	smov.u32 s19;
	[dreg:$0xe] =	wrdreg s0;
	[sflag:s25] =	ssyncset.done @!p1 $0x0  }
0x5d: {  	[dreg:$0x6] =	wrdreg s4;
	[sflag:s25] =	ssyncadd.s32 @!p1 $0xFFFFF000  }
0x5e: {  	_ =	swait.ge @!p1 [sflag:s25], $0x1000  }
0x5f: {  	[sflag:s25] =	ssyncset.done @!p1 $0x0  }
0x60: {  	[sflag:s25] =	ssyncadd.s32 @!p1 $0xFFFFF000  }
0x61: {  	s22 =	sor.u32 $0x7800, s7;
	_ =	swait.ge @!p1 [sflag:s25], $0x1000  }
0x62: {  	s31 =	sadd.s32 $0x8800, s7;
	[dreg:$0xd] =	wrdreg s22;
	[sflag:s25] =	ssyncset.done @!p1 $0x0  }
0x63: {  	[dreg:$0xc] =	wrdreg s31;
	[sflag:s25] =	ssyncadd.s32 @!p1 $0xFFFFF000  }
0x64: {  	_ =	swait.ge @!p1 [sflag:s25], $0x1000  }
0x65: {  	[sflag:s25] =	ssyncset.done @!p1 $0x0  }
0x66: {  	[sflag:s25] =	ssyncadd.s32 @!p1 $0xFFFFF000  }
0x67: {  	[tilespmem:s5], [sflag:$0x1] =	stream.indirect.gather [hbm4b:s9+s13], $0x20, s23, s13, $0xb8;
	[tilespmem:$0x12800] =	vst v63  }
0x68: {  	s4 =	sadd.s32 $0x9800, s7;
	s7 =	sadd.s32 $0x80, s23  }
0x69: {  	[tilespmem:s20], [sflag:$0x1] =	stream.indirect.gather [hbm4b:s9+s13], $0x20, s7, s13, $0xb8;
	[tilespmem:$0x12800] =	vst v63  }
0x6a: {  	s25 =	sadd.s32 $0x100, s23  }
0x6b: {  	[tilespmem:s0], [sflag:$0x1] =	stream.indirect.gather [hbm4b:s9+s13], $0x20, s25, s13, $0xb8;
	[tilespmem:$0x12800] =	vst v63  }
0x6c: {  	s0 =	sadd.s32 $0x180, s23  }
0x6d: {  	[tilespmem:s28], [sflag:$0x1] =	stream.indirect.gather [hbm4b:s9+s13], $0x20, s0, s13, $0xb8;
	[tilespmem:$0x12800] =	vst v63  }
0x6e: {  	s7 =	sadd.s32 $0x200, s23  }
0x6f: {  	[tilespmem:s15], [sflag:$0x1] =	stream.indirect.gather [hbm4b:s9+s13], $0x20, s7, s13, $0xb8;
	[tilespmem:$0x12800] =	vst v63  }
0x70: {  	s15 =	sadd.s32 $0x280, s23  }
0x71: {  	[tilespmem:s22], [sflag:$0x1] =	stream.indirect.gather [hbm4b:s9+s13], $0x20, s15, s13, $0xb8;
	[tilespmem:$0x12800] =	vst v63  }
0x72: {  	s25 =	sadd.s32 $0x300, s23  }
0x73: {  	[tilespmem:s31], [sflag:$0x1] =	stream.indirect.gather [hbm4b:s9+s13], $0x20, s25, s13, $0xb8;
	[tilespmem:$0x12800] =	vst v63  }
0x74: {  	[dreg:$0xb] =	wrdreg s4;
	s0 =	sadd.s32 $0x380, s23  }
0x75: {  	[tilespmem:s4], [sflag:$0x1] =	stream.indirect.gather [hbm4b:s9+s13], $0x20, s0, s13, $0xb8;
	[tilespmem:$0x12800] =	vst v63  }
0x76: {  	_ =	swait.ge [sflag:s18], $0x1000  }
0x77: {  	s3 =	sand.u32 $0x1E0000, s17;
	[sflag:s18] =	ssyncset.done $0x0  }
0x78: {  	[dreg:$0x15] =	wrdreg s3;
	[sflag:s18] =	ssyncadd.s32 $0xFFFFF000  }
0x79: {  	s4 =	sadd.s32 $0x4000, s17;
	_ =	swait.ge [sflag:s18], $0x1000  }
0x7a: {  	s7 =	sand.u32 $0x1E4000, s4;
	[sflag:s18] =	ssyncset.done $0x0  }
0x7b: {  	[dreg:$0x17] =	wrdreg s7;
	[sflag:s18] =	ssyncadd.s32 $0xFFFFF000  }
0x7c: {  	_ =	swait.ge [sflag:s18], $0x1000  }
0x7d: {  	[sflag:s18] =	ssyncset.done $0x0  }
0x7e: {  	[sflag:s18] =	ssyncadd.s32 $0xFFFFF000  }
0x7f: {  	_ =	swait.ge [sflag:s18], $0x1000  }
0x80: {  	[sflag:s18] =	ssyncset.done $0x0  }
0x81: {  	[sflag:s18] =	ssyncadd.s32 $0xFFFFF000  }
0x82: {  	s26 =	sadd.s32 $0x8000, s26;
	s10 =	sadd.s32 $0x2, s10;
	_ =	swait.ge [sflag:s18], $0x1000  }
0x83: {  	s8 =	sadd.s32 $0x2, s8;
	s1 =	sadd.s32 $0x2, s1;
	[sflag:s18] =	ssyncset.done $0x0  }
0x84: {  	s2 =	sadd.s32 $0x2, s2;
	s6 =	sadd.s32 $0x2, s6;
	[sflag:s18] =	ssyncadd.s32 $0xFFFFF000  }
0x85: {  	s11 =	sadd.s32 $0x1, s11;
	s15 =	sand.u32 $0x60, s24;
	_ =	swait.ge [sflag:s18], $0x1000  }
0x86: {  	s24 =	sadd.s32 $0x18000, s17;
	s13 =	sadd.s32 $0x8000, s17;
	s22 =	rddreg [dreg:$0xf]  }
0x87: {  	[dreg:$0x18] =	wrdreg s15;
	[sflag:s18] =	ssyncset.done $0x0;
	s0 =	sand.u32 $0x60, s22  }
0x88: {  	s3 =	sand.u32 $0x1E8000, s13;
	[sflag:s18] =	ssyncadd.s32 $0xFFFFF000;
	[dreg:$0x12] =	wrdreg s0  }
0x89: {  	s13 =	sand.u32 $0x60, s29;
	_ =	swait.ge [sflag:s18], $0x1000;
	[dreg:$0x13] =	wrdreg s24  }
0x8a: {  	s7 =	sadd.s32 $0x1C000, s17;
	[dreg:$0x11] =	wrdreg s13;
	[sflag:s18] =	ssyncset.done $0x0  }
0x8b: {  	s22 =	sand.u32 $0x60, s16;
	s25 =	rddreg [dreg:$0x3];
	[sflag:s18] =	ssyncadd.s32 $0xFFFFF000  }
0x8c: {  	s7 =	sand.u32 $0x1FC000, s7;
	_ =	swait.ge [sflag:s18], $0x1000;
	[dreg:$0x16] =	wrdreg s22  }
0x8d: {  	s21 =	sand.u32 $0x60, s21;
	s19 =	sadd.s32 $0x2, s19;
	[dreg:$0x14] =	wrdreg s7  }
0x8e: {  	p0 =	sne.s32 s26, $0x50000;
	s24 =	sand.u32 $0x60, s14;
	s14 =	rddreg [dreg:$0x4]  }
0x8f: {  	p1 =	slt.u32 s11, $0x2;
	s4 =	sand.u32 $0x60, s12;
	s13 =	rddreg [dreg:$0xa]  }
0x90: {  	s17 =	sadd.s32 $0x20000, s17;
	s15 =	smov.u32 s28;
	s22 =	rddreg [dreg:$0x7]  }
0x91: {  	s25 =	sand.u32 $0x1F4000, s25;
	s7 =	smov.u32 s9;
	s28 =	rddreg [dreg:$0x15]  }
0x92: {  	[sflag:s18] =	ssyncset.done $0x0;
	s12 =	sand.u32 $0x1F0000, s14;
	s14 =	rddreg [dreg:$0x2]  }
0x93: {  	s9 =	sand.u32 $0x1EC000, s13;
	s31 =	sand.u32 $0x60, s22;
	s13 =	rddreg [dreg:$0x8]  }
0x94: {  	[sflag:s18] =	ssyncadd.s32 $0xFFFFF000;
	s22 =	simm.s32 $0x80;
	s14 =	sadd.s32 s13, s14  }
0x95: {  	s18 =	sand.u32 $0x7FE00000, s14;
	s13 =	sadd.s32 $0x1000, s14;
	s0 =	sadd.s32 $0x2000, s14  }
0x96: {  	s18 =	sor.u32 s28, s18;
	s13 =	sand.u32 $0x7FE00000, s13;
	s0 =	sand.u32 $0x7FE00000, s0  }
0x97: {  	s28 =	smov.u32 s20;
	s18 =	sor.u32 s21, s18;
	s21 =	rddreg [dreg:$0x17]  }
0x98: {  	s20 =	rddreg [dreg:$0x5];
	s0 =	sor.u32 s3, s0;
	s13 =	sor.u32 s21, s13  }
0x99: {  	s18 =	sshrl.u32 s18, $0x3;
	s21 =	sadd.s32 $0x3000, s14;
	s0 =	sor.u32 s24, s0  }
0x9a: {  	s13 =	sor.u32 s31, s13;
	s31 =	simm.s32 $0x20;
	s3 =	sadd.s32 s20, s18  }
0x9b: {  	s18 =	sand.u32 $0x7FE00000, s21;
	s21 =	sadd.s32 $0xC000, s17;
	s0 =	sshrl.u32 s0, $0x3  }
0x9c: {  	[hbm4b:s3+s31] =	stream.strided.scatter [tilespmem:s5], [sflag:$0x2], $0x1000, s22, s31, $0x38;
	[tilespmem:$0x12800] =	vst v63  }
0x9d: {  	s13 =	sshrl.u32 s13, $0x3;
	[dreg:$0xa] =	wrdreg s21;
	s24 =	sor.u32 s9, s18  }
0x9e: {  	s5 =	sadd.s32 $0x4000, s14;
	s0 =	sadd.s32 s20, s0;
	s21 =	rddreg [dreg:$0x18]  }
0x9f: {  	s13 =	sadd.s32 s20, s13;
	s3 =	sor.u32 s4, s24;
	s9 =	sand.u32 $0x7FE00000, s5  }
0xa0: {  	[hbm4b:s13+s31] =	stream.strided.scatter [tilespmem:s28], [sflag:$0x2], $0x1000, s22, s31, $0x38;
	[tilespmem:$0x12800] =	vst v63  }
0xa1: {  	s24 =	rddreg [dreg:$0xe];
	s5 =	sadd.s32 $0x14000, s17;
	s13 =	simm.s32 $0x80  }
0xa2: {  	s3 =	sshrl.u32 s3, $0x3;
	s4 =	sor.u32 s12, s9;
	s12 =	sadd.s32 $0x5000, s14  }
0xa3: {  	s22 =	sadd.s32 $0x6000, s14;
	[dreg:$0x3] =	wrdreg s5;
	s4 =	sor.u32 s21, s4  }
0xa4: {  	s9 =	sand.u32 $0x7FE00000, s12;
	s12 =	sand.u32 $0x7FE00000, s22;
	s21 =	rddreg [dreg:$0x12]  }
0xa5: {  	[hbm4b:s0+s31] =	stream.strided.scatter [tilespmem:s24], [sflag:$0x2], $0x1000, s13, s31, $0x38;
	[tilespmem:$0x12800] =	vst v63  }
0xa6: {  	s22 =	rddreg [dreg:$0x13];
	s3 =	sadd.s32 s20, s3;
	s9 =	sor.u32 s25, s9  }
0xa7: {  	s4 =	sshrl.u32 s4, $0x3;
	s5 =	sand.u32 $0x1F8000, s22;
	s25 =	rddreg [dreg:$0x16]  }
0xa8: {  	s22 =	sadd.s32 $0x10000, s17;
	s0 =	sor.u32 s21, s9;
	s21 =	rddreg [dreg:$0x10]  }
0xa9: {  	s24 =	sadd.s32 $0x7000, s14;
	s5 =	sor.u32 s5, s12;
	[dreg:$0x4] =	wrdreg s22  }
0xaa: {  	s9 =	smov.u32 s7;
	s7 =	sand.u32 $0x7FE00000, s24;
	s24 =	rddreg [dreg:$0x11]  }
0xab: {  	[hbm4b:s3+s31] =	stream.strided.scatter [tilespmem:s15], [sflag:$0x2], $0x1000, s13, s31, $0x38;
	[tilespmem:$0x12800] =	vst v63  }
0xac: {  	s12 =	sadd.s32 s20, s4;
	s5 =	sor.u32 s25, s5;
	s15 =	rddreg [dreg:$0x14]  }
0xad: {  	s0 =	sshrl.u32 s0, $0x3;
	s14 =	sshrl.u32 s5, $0x3;
	s5 =	sor.u32 s15, s7  }
0xae: {  	[hbm4b:s12+s31] =	stream.strided.scatter [tilespmem:s21], [sflag:$0x2], $0x1000, s13, s31, $0x38;
	[tilespmem:$0x12800] =	vst v63  }
0xaf: {  	s25 =	rddreg [dreg:$0xd];
	s0 =	sadd.s32 s20, s0;
	s3 =	sor.u32 s24, s5  }
0xb0: {  	[hbm4b:s0+s31] =	stream.strided.scatter [tilespmem:s25], [sflag:$0x2], $0x1000, s13, s31, $0x38;
	[tilespmem:$0x12800] =	vst v63  }
0xb1: {  	s7 =	rddreg [dreg:$0xc];
	s5 =	sadd.s32 s20, s14;
	s3 =	sshrl.u32 s3, $0x3  }
0xb2: {  	[hbm4b:s5+s31] =	stream.strided.scatter [tilespmem:s7], [sflag:$0x2], $0x1000, s13, s31, $0x38;
	[tilespmem:$0x12800] =	vst v63  }
0xb3: {  	s15 =	rddreg [dreg:$0xb];
	s25 =	simm.s32 @!p1 $0x2;
	s14 =	sadd.s32 s20, s3  }
0xb4: {  	[hbm4b:s14+s31] =	stream.strided.scatter [tilespmem:s15], [sflag:$0x2], $0x1000, s13, s31, $0x38;
	[tilespmem:$0x12800] =	vst v63  }
0xb5: {  	s23 =	smov.u32 s30;
	s12 =	rddreg [dreg:$0x9];
	_ =	swait.ge @!p1 [sflag:s25], $0x1000  }
0xb6: {  	s30 =	sadd.s32 $0x400, s30;
	s20 =	smov.u32 s12;
	[sflag:s25] =	ssyncset.done @!p1 $0x0  }
0xb7: {  	s29 =	sadd.s32 $0x2, s29;
	[dreg:$0x8] =	wrdreg s20;
	[sflag:s25] =	ssyncadd.s32 @!p1 $0xFFFFF000  }
0xb8: {  	s16 =	sadd.s32 $0x2, s16;
	s18 =	simm.s32 $0x1;
	_ =	swait.ge @!p1 [sflag:s25], $0x1000  }
0xb9: {  	s24 =	smov.u32 s8;
	s21 =	smov.u32 s2;
	[sflag:s25] =	ssyncset.done @!p1 $0x0  }
0xba: {  	s7 =	sand.u32 $0x8000, s12;
	[dreg:$0x7] =	wrdreg s21;
	[sflag:s25] =	ssyncadd.s32 @!p1 $0xFFFFF000  }
.Ltmp1:
0xbb: {  	s22 =	rddreg [dreg:$0x6];
	_ =	swait.ge @!p1 [sflag:s25], $0x1000;
	(pc) =	sbr.rel @p0 .LBB2_4-.Ltmp1, $4  }
0xbc: {  	s12 =	smov.u32 s1;
	s5 =	sor.u32 $0x2800, s7;
	[sflag:s25] =	ssyncset.done @!p1 $0x0  }
0xbd: {  	s28 =	sor.u32 $0x5800, s7;
	s15 =	sor.u32 $0x6800, s7;
	[sflag:s25] =	ssyncadd.s32 @!p1 $0xFFFFF000  }
0xbe: {  	s14 =	smov.u32 s10;
	s20 =	sor.u32 $0x3800, s7;
	_ =	swait.ge @!p1 [sflag:s25], $0x1000  }
0xbf: {  	s21 =	smov.u32 s6;
	s0 =	smov.u32 s22;
	[sflag:s25] =	ssyncset.done @!p1 $0x0  }
0xc0: {  	[sflag:s25] =	ssyncadd.s32 @!p1 $0xFFFFF000  }
0xc1: {  	_ =	swait.ge @!p1 [sflag:s25], $0x1000  }
0xc2: {  	[sflag:s25] =	ssyncset.done @!p1 $0x0  }
0xc3: {  	[sflag:s25] =	ssyncadd.s32 @!p1 $0xFFFFF000  }
0xc4: {  	_ =	swait.ge @!p1 [sflag:s25], $0x1000  }
0xc5: {  	[sflag:s25] =	ssyncset.done @!p1 $0x0  }
0xc6: {  	[sflag:s25] =	ssyncadd.s32 @!p1 $0xFFFFF000  }
0xc7: {  	_ =	swait.ge @!p1 [sflag:s25], $0x1000  }
0xc8: {  	[sflag:s25] =	ssyncset.done @!p1 $0x0  }
0xc9: {  	[sflag:s25] =	ssyncadd.s32 @!p1 $0xFFFFF000  }
0xca: {  	_ =	swait.ge @!p1 [sflag:s25], $0x1000  }
0xcb: {  	[sflag:s25] =	ssyncset.done @!p1 $0x0  }
0xcc: {  	[sflag:s25] =	ssyncadd.s32 @!p1 $0xFFFFF000  }
0xcd: {  	[tilespmem:s5], [sflag:$0x1] =	stream.indirect.gather [hbm4b:s9+s13], $0x20, s23, s13, $0xb8;
	[tilespmem:$0x12800] =	vst v63  }
0xce: {  	s1 =	sadd.s32 $0x80, s23  }
0xcf: {  	[tilespmem:s20], [sflag:$0x1] =	stream.indirect.gather [hbm4b:s9+s13], $0x20, s1, s13, $0xb8;
	[tilespmem:$0x12800] =	vst v63  }
0xd0: {  	s6 =	sor.u32 $0x4800, s7;
	s8 =	sadd.s32 $0x100, s23  }
0xd1: {  	[tilespmem:s6], [sflag:$0x1] =	stream.indirect.gather [hbm4b:s9+s13], $0x20, s8, s13, $0xb8;
	[tilespmem:$0x12800] =	vst v63  }
0xd2: {  	s10 =	sadd.s32 $0x180, s23  }
0xd3: {  	[tilespmem:s28], [sflag:$0x1] =	stream.indirect.gather [hbm4b:s9+s13], $0x20, s10, s13, $0xb8;
	[tilespmem:$0x12800] =	vst v63  }
0xd4: {  	s11 =	sadd.s32 $0x200, s23  }
0xd5: {  	[tilespmem:s15], [sflag:$0x1] =	stream.indirect.gather [hbm4b:s9+s13], $0x20, s11, s13, $0xb8;
	[tilespmem:$0x12800] =	vst v63  }
0xd6: {  	s3 =	sor.u32 $0x7800, s7;
	s19 =	sadd.s32 $0x280, s23  }
0xd7: {  	[tilespmem:s3], [sflag:$0x1] =	stream.indirect.gather [hbm4b:s9+s13], $0x20, s19, s13, $0xb8;
	[tilespmem:$0x12800] =	vst v63  }
0xd8: {  	s2 =	sadd.s32 $0x8800, s7;
	s22 =	sadd.s32 $0x300, s23  }
0xd9: {  	[tilespmem:s2], [sflag:$0x1] =	stream.indirect.gather [hbm4b:s9+s13], $0x20, s22, s13, $0xb8;
	[tilespmem:$0x12800] =	vst v63  }
0xda: {  	s4 =	sadd.s32 $0x380, s23;
	s1 =	sadd.s32 $0x9800, s7  }
0xdb: {  	[tilespmem:s1], [sflag:$0x1] =	stream.indirect.gather [hbm4b:s9+s13], $0x20, s4, s13, $0xb8;
	[tilespmem:$0x12800] =	vst v63  }
0xdc: {  	_ =	swait.ge [sflag:s18], $0x1000  }
0xdd: {  	[sflag:s18] =	ssyncset.done $0x0  }
0xde: {  	[sflag:s18] =	ssyncadd.s32 $0xFFFFF000  }
0xdf: {  	_ =	swait.ge [sflag:s18], $0x1000  }
0xe0: {  	[sflag:s18] =	ssyncset.done $0x0  }
0xe1: {  	[sflag:s18] =	ssyncadd.s32 $0xFFFFF000  }
0xe2: {  	_ =	swait.ge [sflag:s18], $0x1000  }
0xe3: {  	[sflag:s18] =	ssyncset.done $0x0  }
0xe4: {  	[sflag:s18] =	ssyncadd.s32 $0xFFFFF000  }
0xe5: {  	_ =	swait.ge [sflag:s18], $0x1000  }
0xe6: {  	[sflag:s18] =	ssyncset.done $0x0  }
0xe7: {  	[sflag:s18] =	ssyncadd.s32 $0xFFFFF000  }
0xe8: {  	_ =	swait.ge [sflag:s18], $0x1000  }
0xe9: {  	[sflag:s18] =	ssyncset.done $0x0  }
0xea: {  	[sflag:s18] =	ssyncadd.s32 $0xFFFFF000  }
0xeb: {  	_ =	swait.ge [sflag:s18], $0x1000  }
0xec: {  	[sflag:s18] =	ssyncset.done $0x0  }
0xed: {  	[sflag:s18] =	ssyncadd.s32 $0xFFFFF000  }
0xee: {  	_ =	swait.ge [sflag:s18], $0x1000  }
0xef: {  	[sflag:s18] =	ssyncset.done $0x0  }
0xf0: {  	[sflag:s18] =	ssyncadd.s32 $0xFFFFF000  }
0xf1: {  	_ =	swait.ge [sflag:s18], $0x1000  }
0xf2: {  	s25 =	rddreg [dreg:$0x2]  }
0xf3: {  	s26 =	rddreg [dreg:$0x8]  }
0xf4: {  	s7 =	sadd.s32 s26, s25  }
0xf5: {  	s30 =	sand.u32 $0x1E0000, s17;
	s8 =	sand.u32 $0x7FE00000, s7  }
0xf6: {  	s10 =	sand.u32 $0x60, s21;
	s4 =	sor.u32 s30, s8  }
0xf7: {  	s11 =	sadd.s32 $0x4000, s17;
	s4 =	sor.u32 s10, s4  }
0xf8: {  	[sflag:s18] =	ssyncset.done $0x0;
	s10 =	rddreg [dreg:$0x5];
	s4 =	sshrl.u32 s4, $0x3  }
0xf9: {  	[sflag:s18] =	ssyncadd.s32 $0xFFFFF000;
	s19 =	sadd.s32 $0x1000, s7;
	s4 =	sadd.s32 s10, s4  }
0xfa: {  	[hbm4b:s4+s31] =	stream.strided.scatter [tilespmem:s5], [sflag:$0x2], $0x1000, s13, s31, $0x38;
	[tilespmem:$0x12800] =	vst v63  }
0xfb: {  	s21 =	rddreg [dreg:$0x7];
	s8 =	sand.u32 $0x7FE00000, s19;
	s4 =	sand.u32 $0x1E4000, s11  }
0xfc: {  	s22 =	sand.u32 $0x60, s21;
	s4 =	sor.u32 s4, s8  }
0xfd: {  	s4 =	sor.u32 s22, s4  }
0xfe: {  	s4 =	sshrl.u32 s4, $0x3  }
0xff: {  	s23 =	sadd.s32 $0x8000, s17;
	s25 =	sadd.s32 $0x2000, s7;
	s4 =	sadd.s32 s10, s4  }
0x100: {  	[hbm4b:s4+s31] =	stream.strided.scatter [tilespmem:s20], [sflag:$0x2], $0x1000, s13, s31, $0x38;
	[tilespmem:$0x12800] =	vst v63  }
0x101: {  	s8 =	sand.u32 $0x7FE00000, s25;
	s4 =	sand.u32 $0x1E8000, s23  }
0x102: {  	s26 =	sand.u32 $0x60, s14;
	s4 =	sor.u32 s4, s8  }
0x103: {  	s4 =	sor.u32 s26, s4  }
0x104: {  	s4 =	sshrl.u32 s4, $0x3  }
0x105: {  	s4 =	sadd.s32 s10, s4  }
0x106: {  	[hbm4b:s4+s31] =	stream.strided.scatter [tilespmem:s6], [sflag:$0x2], $0x1000, s13, s31, $0x38;
	[tilespmem:$0x12800] =	vst v63  }
0x107: {  	s30 =	sadd.s32 $0x3000, s7;
	s6 =	rddreg [dreg:$0xa]  }
0x108: {  	s4 =	sand.u32 $0x7FE00000, s30;
	s8 =	sand.u32 $0x1EC000, s6  }
0x109: {  	s11 =	sand.u32 $0x60, s12;
	s4 =	sor.u32 s8, s4  }
0x10a: {  	s4 =	sor.u32 s11, s4  }
0x10b: {  	s4 =	sshrl.u32 s4, $0x3  }
0x10c: {  	s14 =	rddreg [dreg:$0x4];
	s12 =	sadd.s32 $0x4000, s7;
	s4 =	sadd.s32 s10, s4  }
0x10d: {  	[hbm4b:s4+s31] =	stream.strided.scatter [tilespmem:s28], [sflag:$0x2], $0x1000, s13, s31, $0x38;
	[tilespmem:$0x12800] =	vst v63  }
0x10e: {  	s5 =	sand.u32 $0x1F0000, s14;
	s4 =	sand.u32 $0x7FE00000, s12  }
0x10f: {  	s19 =	sand.u32 $0x60, s24;
	s4 =	sor.u32 s5, s4  }
0x110: {  	s4 =	sor.u32 s19, s4  }
0x111: {  	s4 =	sshrl.u32 s4, $0x3  }
0x112: {  	s21 =	rddreg [dreg:$0x3];
	s20 =	sadd.s32 $0x5000, s7;
	s4 =	sadd.s32 s10, s4  }
0x113: {  	[hbm4b:s4+s31] =	stream.strided.scatter [tilespmem:s15], [sflag:$0x2], $0x1000, s13, s31, $0x38;
	[tilespmem:$0x12800] =	vst v63  }
0x114: {  	s5 =	sand.u32 $0x1F4000, s21;
	s4 =	sand.u32 $0x7FE00000, s20  }
0x115: {  	s0 =	sand.u32 $0x60, s0;
	s4 =	sor.u32 s5, s4  }
0x116: {  	s0 =	sor.u32 s0, s4  }
0x117: {  	s0 =	sshrl.u32 s0, $0x3  }
0x118: {  	s22 =	sadd.s32 $0x18000, s17;
	s23 =	sadd.s32 $0x6000, s7;
	s0 =	sadd.s32 s10, s0  }
0x119: {  	[hbm4b:s0+s31] =	stream.strided.scatter [tilespmem:s3], [sflag:$0x2], $0x1000, s13, s31, $0x38;
	[tilespmem:$0x12800] =	vst v63  }
0x11a: {  	s3 =	sand.u32 $0x7FE00000, s23;
	s0 =	sand.u32 $0x1F8000, s22  }
0x11b: {  	s24 =	sand.u32 $0x60, s16;
	s0 =	sor.u32 s0, s3  }
0x11c: {  	s0 =	sor.u32 s24, s0  }
0x11d: {  	s0 =	sshrl.u32 s0, $0x3  }
0x11e: {  	s25 =	sadd.s32 $0x1C000, s17;
	s26 =	sadd.s32 $0x7000, s7;
	s0 =	sadd.s32 s10, s0  }
0x11f: {  	[hbm4b:s0+s31] =	stream.strided.scatter [tilespmem:s2], [sflag:$0x2], $0x1000, s13, s31, $0x38;
	[tilespmem:$0x12800] =	vst v63  }
0x120: {  	s0 =	sand.u32 $0x1FC000, s25;
	s2 =	sand.u32 $0x7FE00000, s26  }
0x121: {  	s28 =	sand.u32 $0x60, s29;
	s0 =	sor.u32 s0, s2  }
0x122: {  	s0 =	sor.u32 s28, s0  }
0x123: {  	s0 =	sshrl.u32 s0, $0x3  }
0x124: {  	s29 =	simm.s32 $0x2;
	s0 =	sadd.s32 s10, s0  }
0x125: {  	[hbm4b:s0+s31] =	stream.strided.scatter [tilespmem:s1], [sflag:$0x2], $0x1000, s13, s31, $0x38;
	[tilespmem:$0x12800] =	vst v63  }
0x126: {  	_ =	swait.ge [sflag:s29], $0x1000  }
0x127: {  	[sflag:s29] =	ssyncset.done $0x0  }
0x128: {  	[sflag:s29] =	ssyncadd.s32 $0xFFFFF000  }
0x129: {  	_ =	swait.ge [sflag:s29], $0x1000  }
0x12a: {  	[sflag:s29] =	ssyncset.done $0x0  }
0x12b: {  	[sflag:s29] =	ssyncadd.s32 $0xFFFFF000  }
0x12c: {  	_ =	swait.ge [sflag:s29], $0x1000  }
0x12d: {  	[sflag:s29] =	ssyncset.done $0x0  }
0x12e: {  	[sflag:s29] =	ssyncadd.s32 $0xFFFFF000  }
0x12f: {  	_ =	swait.ge [sflag:s29], $0x1000  }
0x130: {  	[sflag:s29] =	ssyncset.done $0x0  }
0x131: {  	[sflag:s29] =	ssyncadd.s32 $0xFFFFF000  }
0x132: {  	_ =	swait.ge [sflag:s29], $0x1000  }
0x133: {  	[sflag:s29] =	ssyncset.done $0x0  }
0x134: {  	[sflag:s29] =	ssyncadd.s32 $0xFFFFF000  }
0x135: {  	_ =	swait.ge [sflag:s29], $0x1000  }
0x136: {  	[sflag:s29] =	ssyncset.done $0x0  }
0x137: {  	[sflag:s29] =	ssyncadd.s32 $0xFFFFF000  }
0x138: {  	_ =	swait.ge [sflag:s29], $0x1000  }
0x139: {  	[sflag:s29] =	ssyncset.done $0x0  }
0x13a: {  	[sflag:s29] =	ssyncadd.s32 $0xFFFFF000  }
0x13b: {  	_ =	swait.ge [sflag:s29], $0x1000  }
0x13c: {  	[sflag:s29] =	ssyncset.done $0x0  }
0x13d: {  	[sflag:s29] =	ssyncadd.s32 $0xFFFFF000  }
0x13e: {  	_ =	swait.ge [sflag:s29], $0x1000  }
0x13f: {  	[sflag:s29] =	ssyncset.done $0x0  }
0x140: {  	[sflag:s29] =	ssyncadd.s32 $0xFFFFF000  }
0x141: {  	_ =	swait.ge [sflag:s29], $0x1000  }
0x142: {  	[sflag:s29] =	ssyncset.done $0x0  }
0x143: {  	[sflag:s29] =	ssyncadd.s32 $0xFFFFF000  }
0x144: {  	_ =	swait.ge [sflag:s29], $0x1000  }
0x145: {  	[sflag:s29] =	ssyncset.done $0x0  }
0x146: {  	[sflag:s29] =	ssyncadd.s32 $0xFFFFF000  }
0x147: {  	_ =	swait.ge [sflag:s29], $0x1000  }
0x148: {  	[sflag:s29] =	ssyncset.done $0x0  }
0x149: {  	[sflag:s29] =	ssyncadd.s32 $0xFFFFF000  }
0x14a: {  	_ =	swait.ge [sflag:s29], $0x1000  }
0x14b: {  	[sflag:s29] =	ssyncset.done $0x0  }
0x14c: {  	[sflag:s29] =	ssyncadd.s32 $0xFFFFF000  }
0x14d: {  	_ =	swait.ge [sflag:s29], $0x1000  }
0x14e: {  	[sflag:s29] =	ssyncset.done $0x0  }
0x14f: {  	[sflag:s29] =	ssyncadd.s32 $0xFFFFF000  }
0x150: {  	_ =	swait.ge [sflag:s29], $0x1000  }
0x151: {  	[sflag:s29] =	ssyncset.done $0x0  }
0x152: {  	[sflag:s29] =	ssyncadd.s32 $0xFFFFF000  }
0x153: {  	_ =	swait.ge [sflag:s29], $0x1000  }
0x154: {  	s30 =	rddreg [dreg:$0x1f]  }
0x155: {  	s31 =	rddreg [dreg:$0x1b];
	s2 =	sadd.s32 $0x1, s30  }
0x156: {  	p0 =	sne.s32 s2, s31  }
.Ltmp2:
0x157: {  	_ = 	snop;
	(pc) =	sbr.rel @p0 .LBB2_1-.Ltmp2, $3  }
0x158: {  	_ =	sdelay $0x1  }
0x159: {  	[sflag:s29] =	ssyncset.done $0x0  }
0x15a: {  	s4 =	rddreg [dreg:$0x19];
	[sflag:s29] =	ssyncadd.s32 $0xFFFFF000  }
0x15b: {  	_ =	sfence.sel $0x180000  }
0x15c: {  	[bflag:$0x0] =	sbarrier.arrive $0xFFFF  }
0x15d: {  	_ =	strace $0x90000047  }
0x15e: {  	s0 =	stileid.u32;
	[bflag:$0x2] =	sbarrier.arrive $0xFFFF  }
0x15f: {  	p0 =	sne.s32 s0, $0x0;
	s0 =	rddreg [dreg:$0x1]  }
0x160: {  	s0 =	sadd.s32 @!p0 $0x100000, s0  }
0x161: {  	[sflag:s0] =	ssyncadd.tile.s32 @!p0 $0x1;
	_ =	shalt  }
.Lfunc_end2:
_tile_overlayer_lowered:
.L_overlay_start_2:
0x162: {  	(tag) =	ssettag $0x2  }
0x163: {  	s0 =	rddreg [dreg:$0x0];
	s2 =	stileid.u32  }
0x164: {  	s1 =	rddreg [dreg:$0x1];
	p0 =	sne.s32 s2, $0x0  }
0x165: {  	s3 =	rddreg [dreg:$0x2];
	[bflag:$0x3] =	sbarrier.arrive $0xFFFF;
	s2 =	simm.s32 @!p0 $0x1C03  }
0x166: {  	[timem:s3], [sflag:s2] =	dma.local @!p0 [hbm:s0], s1  }
0x167: {  	s0 =	simm.s32 @!p0 $0x3  }
0x168: {  	_ =	swait.ge @!p0 [sflag:s0], s1  }
0x169: {  	s1 =	ssub.s32 @!p0 $0x0, s1;
	[sflag:s0] =	ssyncset.done @!p0 $0x0  }
0x16a: {  	[sflag:s0] =	ssyncadd.s32 @!p0 s1  }
0x16b: {  	[bflag:$0x3] =	sbarrier.arrive $0xFFFF  }
0x16c: {  	_ =	shalt  }

</sc_bundles>
